<compile_context>
chip_gen: v7x
topology: tpu7x:2x2x1
jax: 0.10.2.dev20260603
libtpu: 0.0.44.dev20260713+nightly
codegen_flags: <defaults>
</compile_context>

<pallas_src>
import functools

import jax
import jax.numpy as jnp
from jax import lax
from jax.experimental import pallas as pl
from jax.experimental.pallas import tpu as pltpu
from jax.experimental.pallas import tpu_sc as plsc

N = 10000
E = 320000
D_IN = 128
D_EDGE = 16
C = 128
NEG_SLOPE = 0.2

NP = 10240
NTILES = 32
EPT = E // NTILES
VPT = EPT // 16
NODE_CHUNK = NP // 16
DCH = 640

_EBLK = 16000
_GRID_E = E // _EBLK


def _proj_body(x_ref, w_ref, asv_ref, adv_ref, h_ref, as_ref, ad_ref):
    h = lax.dot_general(x_ref[...], w_ref[...], (((1,), (1,)), ((), ())),
                        preferred_element_type=jnp.float32)
    h_ref[...] = h
    as_ref[...] = lax.dot_general(asv_ref[...], h, (((1,), (1,)), ((), ())),
                                  preferred_element_type=jnp.float32)
    ad_ref[...] = lax.dot_general(adv_ref[...], h, (((1,), (1,)), ((), ())),
                                  preferred_element_type=jnp.float32)


_proj = pl.pallas_call(
    _proj_body,
    out_shape=[
        jax.ShapeDtypeStruct((N, C), jnp.float32),
        jax.ShapeDtypeStruct((1, N), jnp.float32),
        jax.ShapeDtypeStruct((1, N), jnp.float32),
    ],
)


def _aedge_body(eat_ref, we_ref, aev_ref, out_ref):
    v = lax.dot_general(aev_ref[...], we_ref[...], (((1,), (0,)), ((), ())),
                        preferred_element_type=jnp.float32)
    ae = lax.dot_general(v, eat_ref[...], (((1,), (0,)), ((), ())),
                         preferred_element_type=jnp.float32)
    out_ref[...] = ae.reshape(1, 1, _EBLK)


_aedge = pl.pallas_call(
    _aedge_body,
    grid=(_GRID_E,),
    in_specs=[
        pl.BlockSpec((D_EDGE, _EBLK), lambda i: (0, i)),
        pl.BlockSpec((C, D_EDGE), lambda i: (0, 0)),
        pl.BlockSpec((1, C), lambda i: (0, 0)),
    ],
    out_specs=pl.BlockSpec((1, 1, _EBLK), lambda i: (i, 0, 0)),
    out_shape=jax.ShapeDtypeStruct((_GRID_E, 1, _EBLK), jnp.float32),
)


_sc_mesh = plsc.VectorSubcoreMesh(core_axis_name="c", subcore_axis_name="s")


@functools.partial(
    pl.kernel,
    mesh=_sc_mesh,
    out_type=[
        jax.ShapeDtypeStruct((E,), jnp.float32),
        jax.ShapeDtypeStruct((2 * NP,), jnp.float32),
    ],
    compiler_params=pltpu.CompilerParams(needs_layout_passes=False),
    scratch_types=[
        pltpu.VMEM((EPT,), jnp.int32),
        pltpu.VMEM((EPT,), jnp.int32),
        pltpu.VMEM((EPT,), jnp.float32),
        pltpu.VMEM((EPT,), jnp.float32),
        pltpu.VMEM((N,), jnp.float32),
        pltpu.VMEM((N,), jnp.float32),
        pltpu.VMEM((NP,), jnp.float32),
        pltpu.VMEM((16, NODE_CHUNK), jnp.float32),
        pltpu.VMEM((NODE_CHUNK,), jnp.float32),
        pltpu.VMEM_SHARED((16, NP), jnp.float32),
    ],
)
def _attn(asrc_hbm, adst_hbm, ae_hbm, ei_hbm,
          ex_hbm, den_hbm,
          src_v, dst_v, ae_v, ex_v, asrc_v, adst_v, den_v,
          colbuf, red_v, den_sh):
    c = lax.axis_index("c")
    s = lax.axis_index("s")
    wid = s * 2 + c
    base = wid * EPT
    pltpu.sync_copy(ei_hbm.at[pl.ds(base, EPT)], src_v)
    pltpu.sync_copy(ei_hbm.at[pl.ds(E + base, EPT)], dst_v)
    pltpu.sync_copy(ae_hbm.at[pl.ds(base, EPT)], ae_v)
    pltpu.sync_copy(asrc_hbm, asrc_v)
    pltpu.sync_copy(adst_hbm, adst_v)

    zeros = jnp.zeros((16,), jnp.float32)

    def zbody(i, _):
        den_v[pl.ds(i * 16, 16)] = zeros
        return 0

    lax.fori_loop(0, NP // 16, zbody, 0)

    def body(i, _):
        sl = pl.ds(i * 16, 16)
        sv = src_v[sl]
        dv = dst_v[sl]
        a = plsc.load_gather(asrc_v, [sv]) + plsc.load_gather(adst_v, [dv]) + ae_v[sl]
        a = jnp.where(a >= 0, a, NEG_SLOPE * a)
        ev = jnp.exp(a)
        ex_v[sl] = ev
        plsc.addupdate_scatter(den_v, [dv], ev)
        return 0

    lax.fori_loop(0, VPT, body, 0)
    pltpu.sync_copy(ex_v, ex_hbm.at[pl.ds(base, EPT)])

    pltpu.sync_copy(den_v, den_sh.at[s])
    plsc.subcore_barrier()
    pltpu.sync_copy(den_sh.at[:, pl.ds(s * NODE_CHUNK, NODE_CHUNK)], colbuf)

    def rbody(j, _):
        sl = pl.ds(j * 16, 16)
        acc = colbuf[0, sl]
        for r in range(1, 16):
            acc = acc + colbuf[r, sl]
        red_v[sl] = acc
        return 0

    lax.fori_loop(0, NODE_CHUNK // 16, rbody, 0)
    pltpu.sync_copy(red_v, den_hbm.at[pl.ds(c * NP + s * NODE_CHUNK, NODE_CHUNK)])


@functools.partial(
    pl.kernel,
    mesh=_sc_mesh,
    out_type=jax.ShapeDtypeStruct((E,), jnp.float32),
    compiler_params=pltpu.CompilerParams(needs_layout_passes=False),
    scratch_types=[
        pltpu.VMEM((NP,), jnp.float32),
        pltpu.VMEM((DCH,), jnp.float32),
        pltpu.VMEM((EPT,), jnp.float32),
        pltpu.VMEM((EPT,), jnp.int32),
    ],
)
def _coef(den_hbm, ex_hbm, ei_hbm,
          coef_hbm,
          den_v, chk_v, ex_v, dst_v):
    c = lax.axis_index("c")
    s = lax.axis_index("s")
    wid = s * 2 + c
    base = wid * EPT
    pltpu.sync_copy(den_hbm.at[pl.ds(0, NP)], den_v)
    pltpu.sync_copy(ex_hbm.at[pl.ds(base, EPT)], ex_v)
    pltpu.sync_copy(ei_hbm.at[pl.ds(E + base, EPT)], dst_v)
    for k in range(NP // DCH):
        pltpu.sync_copy(den_hbm.at[pl.ds(NP + k * DCH, DCH)], chk_v)

        def abody(i, _, k=k):
            sl16 = pl.ds(i * 16, 16)
            den_v[pl.ds(k * DCH + i * 16, 16)] = (
                den_v[pl.ds(k * DCH + i * 16, 16)] + chk_v[sl16])
            return 0

        lax.fori_loop(0, DCH // 16, abody, 0)

    def cbody(i, _):
        sl = pl.ds(i * 16, 16)
        dg = plsc.load_gather(den_v, [dst_v[sl]])
        ex_v[sl] = ex_v[sl] / (dg + 1e-16)
        return 0

    lax.fori_loop(0, VPT, cbody, 0)
    pltpu.sync_copy(ex_v, coef_hbm.at[pl.ds(base, EPT)])


@functools.partial(
    pl.kernel,
    mesh=_sc_mesh,
    out_type=jax.ShapeDtypeStruct((2, NP, C), jnp.float32),
    compiler_params=pltpu.CompilerParams(needs_layout_passes=False),
    scratch_types=[
        pltpu.VMEM((EPT,), jnp.float32),
        pltpu.VMEM((EPT,), jnp.int32),
        pltpu.VMEM((EPT,), jnp.int32),
        [pltpu.VMEM((16, C), jnp.float32)] * 5,
        [pltpu.SemaphoreType.DMA] * 5,
        pltpu.VMEM_SHARED((NP, C), jnp.float32),
    ],
)
def _agg(coef_hbm, eflat_hbm, h_hbm,
         outp_hbm,
         coef_v, src_v, dst_v, bufs, sems, out_sh):
    c = lax.axis_index("c")
    s = lax.axis_index("s")
    wid = s * 2 + c
    base = wid * EPT

    pltpu.sync_copy(coef_hbm.at[pl.ds(base, EPT)], coef_v)
    pltpu.sync_copy(eflat_hbm.at[pl.ds(base, EPT)], src_v)
    pltpu.sync_copy(eflat_hbm.at[pl.ds(E + base, EPT)], dst_v)

    zeros = jnp.zeros((16,), jnp.float32)

    def zbody(i, _):
        r = i // (C // 16)
        q = i % (C // 16)
        bufs[0][r, pl.ds(q * 16, 16)] = zeros
        return 0

    lax.fori_loop(0, 16 * (C // 16), zbody, 0)
    for t in range(NODE_CHUNK // 16):
        pltpu.sync_copy(bufs[0],
                        out_sh.at[pl.ds(s * NODE_CHUNK + t * 16, 16), :])
    plsc.subcore_barrier()

    NMB = EPT // 16
    for k in range(5):
        pltpu.async_copy(h_hbm.at[src_v[pl.ds(k * 16, 16)]], bufs[k], sems[k])

    def mbody(g, _):
        m0 = g * 5
        for k in range(5):
            m = m0 + k
            sl = pl.ds(m * 16, 16)
            pltpu.make_async_copy(h_hbm.at[src_v[sl]], bufs[k], sems[k]).wait()

            def ebody(e, _, k=k, m=m):
                cvec = plsc.load_gather(
                    coef_v, [jnp.full((16,), m * 16 + e, jnp.int32)])
                for j in range(C // 16):
                    cl = pl.ds(j * 16, 16)
                    bufs[k][e, cl] = bufs[k][e, cl] * cvec
                return 0

            lax.fori_loop(0, 16, ebody, 0)
            pltpu.sync_copy(bufs[k], out_sh.at[dst_v[sl]], add=True)

            @pl.when(m + 5 < NMB)
            def _(k=k, m=m):
                nsl = pl.ds((m + 5) * 16, 16)
                pltpu.async_copy(h_hbm.at[src_v[nsl]], bufs[k], sems[k])
        return 0

    lax.fori_loop(0, NMB // 5, mbody, 0)
    plsc.subcore_barrier()
    pltpu.sync_copy(out_sh.at[pl.ds(s * NODE_CHUNK, NODE_CHUNK), :],
                    outp_hbm.at[c, pl.ds(s * NODE_CHUNK, NODE_CHUNK), :])


def _combine_body(p_ref, b_ref, o_ref):
    o_ref[...] = p_ref[0] + p_ref[1] + b_ref[...]


_combine = pl.pallas_call(
    _combine_body,
    grid=(10,),
    in_specs=[
        pl.BlockSpec((2, 1000, C), lambda i: (0, i, 0)),
        pl.BlockSpec((1, C), lambda i: (0, 0)),
    ],
    out_specs=pl.BlockSpec((1000, C), lambda i: (i, 0)),
    out_shape=jax.ShapeDtypeStruct((N, C), jnp.float32),
)


def kernel(x, edge_index, edge_attr, W, W_edge, att_src, att_dst, att_edge, bias):
    asv = att_src.reshape(1, C)
    adv = att_dst.reshape(1, C)
    aev = att_edge.reshape(1, C)
    h, a_src2, a_dst2 = _proj(x, W, asv, adv)
    a_edge = _aedge(edge_attr.T, W_edge, aev).reshape(E)
    eflat = edge_index.reshape(2 * E)
    ex, den = _attn(a_src2.reshape(N), a_dst2.reshape(N), a_edge, eflat)
    coef = _coef(den, ex, eflat)
    outp = _agg(coef, eflat, h)
    return _combine(outp, bias.reshape(1, C))

# --- scband reference (transcript-rebuilt; emitter-appended) ---
"""Pipeline reference for scband-gatedge-conv-gnnb-3092376453271 (READ-ONLY COPY).

The authoritative reference and input builder live on the scoring server;
editing this copy changes nothing except your own understanding.
"""

import jax, jax.numpy as jnp
import numpy as np

N = 10000
E = 320000
D_IN = 128
D_EDGE = 16
H = 1
C = 128
NEG_SLOPE = 0.2

def setup_inputs(seed: int = 0):
    key = jax.random.key(seed)
    ks = jax.random.split(key, 9)
    x = jax.random.normal(ks[0], (N, D_IN), dtype=jnp.float32)
    edge_index = jax.random.randint(ks[1], (2, E), 0, N, dtype=jnp.int32)
    edge_attr = jax.random.normal(ks[2], (E, D_EDGE), dtype=jnp.float32)
    s_in = 1.0 / np.sqrt(D_IN)
    s_ed = 1.0 / np.sqrt(D_EDGE)
    W = jax.random.uniform(ks[3], (H * C, D_IN), dtype=jnp.float32, minval=-s_in, maxval=s_in)
    W_edge = jax.random.uniform(ks[4], (H * C, D_EDGE), dtype=jnp.float32, minval=-s_ed, maxval=s_ed)
    att_src = jax.random.normal(ks[5], (1, H, C), dtype=jnp.float32) * 0.1
    att_dst = jax.random.normal(ks[6], (1, H, C), dtype=jnp.float32) * 0.1
    att_edge = jax.random.normal(ks[7], (1, H, C), dtype=jnp.float32) * 0.1
    bias = jnp.zeros((H * C,), dtype=jnp.float32)
    return {"x": x, "edge_index": edge_index, "edge_attr": edge_attr, "W": W, "W_edge": W_edge, "att_src": att_src, "att_dst": att_dst, "att_edge": att_edge, "bias": bias}

def reference(x, edge_index, edge_attr, W, W_edge, att_src, att_dst, att_edge, bias):
    src = edge_index[0]
    dst = edge_index[1]
    # linear projections (PyG GATConv: lin_src == lin_dst when x is a single tensor)
    h = (x @ W.T).reshape(N, H, C)
    a_src = jnp.sum(h * att_src, axis=-1)  # [N, H]
    a_dst = jnp.sum(h * att_dst, axis=-1)  # [N, H]
    e = (edge_attr @ W_edge.T).reshape(E, H, C)
    a_edge = jnp.sum(e * att_edge, axis=-1)  # [E, H]
    # per-edge attention logits
    alpha = a_src[src] + a_dst[dst] + a_edge  # [E, H]
    alpha = jnp.where(alpha >= 0, alpha, NEG_SLOPE * alpha)  # leaky_relu
    # segment softmax over incoming edges of each dst node
    amax = jax.ops.segment_max(alpha, dst, num_segments=N)
    amax = jnp.where(jnp.isfinite(amax), amax, 0.0)
    ex = jnp.exp(alpha - amax[dst])
    denom = jax.ops.segment_sum(ex, dst, num_segments=N)
    coef = ex / (denom[dst] + 1e-16)  # [E, H]
    # message passing: gather source features, weight, scatter-add to dst
    msg = h[src] * coef[:, :, None]  # [E, H, C]
    out = jax.ops.segment_sum(msg, dst, num_segments=N)  # [N, H, C]
    out = out.reshape(N, H * C) + bias  # concat=True, heads=1
    return out

if __name__ == "__main__":
    import jax
    _d = setup_inputs()
    print(jax.jit(kernel)(*tuple(_d.values())))

</pallas_src>

<mosaic_0001>
#map = affine_map<(d0, d1) -> (0)>
#map1 = affine_map<(d0, d1) -> (0, 0)>
#map2 = affine_map<(d0, d1) -> (0, 0, 0)>
module attributes {stable_mosaic.version = 14 : i64} {
  func.func @_agg(%arg0: i32, %arg1: i32, %arg2: memref<320000xf32, #tpu.memory_space<hbm>>, %arg3: memref<640000xi32, #tpu.memory_space<hbm>>, %arg4: memref<10000x128xf32, #tpu.memory_space<hbm>>, %arg5: memref<2x10240x128xf32, #tpu.memory_space<hbm>>, %arg6: memref<10000xf32, #tpu.memory_space<vmem>>, %arg7: memref<10000xi32, #tpu.memory_space<vmem>>, %arg8: memref<10000xi32, #tpu.memory_space<vmem>>, %arg9: memref<16x128xf32, #tpu.memory_space<vmem>>, %arg10: memref<16x128xf32, #tpu.memory_space<vmem>>, %arg11: memref<16x128xf32, #tpu.memory_space<vmem>>, %arg12: memref<16x128xf32, #tpu.memory_space<vmem>>, %arg13: memref<16x128xf32, #tpu.memory_space<vmem>>, %arg14: memref<!tpu.dma_semaphore, #tpu.memory_space<semaphore_mem>>, %arg15: memref<!tpu.dma_semaphore, #tpu.memory_space<semaphore_mem>>, %arg16: memref<!tpu.dma_semaphore, #tpu.memory_space<semaphore_mem>>, %arg17: memref<!tpu.dma_semaphore, #tpu.memory_space<semaphore_mem>>, %arg18: memref<!tpu.dma_semaphore, #tpu.memory_space<semaphore_mem>>, %arg19: memref<10240x128xf32, #tpu.memory_space<vmem_shared>>) attributes {dimension_semantics = [#tpu.dimension_semantics<core_parallel>, #tpu.dimension_semantics<subcore_parallel>], iteration_bounds = array<i64: 2, 16>, scalar_prefetch = 0 : i64, scratch_operands = 14 : i64, tpu.core_type = #tpu.core_type<sc_vector_subcore>, window_params = [{transform_indices = #map}, {transform_indices = #map}, {transform_indices = #map1}, {transform_indices = #map2}]} {
    %mul3A = arith.constant 2 : i32
    %mul3A_0 = arith.muli %arg1, %mul3A : i32
    %add3A = arith.addi %mul3A_0, %arg0 : i32
    %mul3A_1 = arith.constant 10000 : i32
    %mul3A_2 = arith.muli %add3A, %mul3A_1 : i32
    "tpu.region"() ({
      %run_scoped3A = tpu.sem_alloc : memref<!tpu.dma_semaphore, #tpu.memory_space<semaphore_mem>>
      %dma_start3A_207 = tpu.memref_slice %arg2[%mul3A_2] : memref<320000xf32, #tpu.memory_space<hbm>> -> memref<10000xf32, #tpu.memory_space<hbm>>
      %dma_start3A_208 = tpu.memref_slice %arg2[%mul3A_2] : memref<320000xf32, #tpu.memory_space<hbm>> -> memref<10000xf32, #tpu.memory_space<hbm>>
      tpu.enqueue_dma source(%dma_start3A_208 : memref<10000xf32, #tpu.memory_space<hbm>>) target(%arg6 : memref<10000xf32, #tpu.memory_space<vmem>>) target_semaphore(%run_scoped3A : memref<!tpu.dma_semaphore, #tpu.memory_space<semaphore_mem>>)
      %dma_wait3A = tpu.memref_slice %arg2[%mul3A_2] : memref<320000xf32, #tpu.memory_space<hbm>> -> memref<10000xf32, #tpu.memory_space<hbm>>
      %dma_wait3A_209 = tpu.memref_slice %arg2[%mul3A_2] : memref<320000xf32, #tpu.memory_space<hbm>> -> memref<10000xf32, #tpu.memory_space<hbm>>
      tpu.wait_dma2 semaphore(%run_scoped3A : memref<!tpu.dma_semaphore, #tpu.memory_space<semaphore_mem>>) src(%dma_wait3A_209 : memref<10000xf32, #tpu.memory_space<hbm>>) dst(%arg6 : memref<10000xf32, #tpu.memory_space<vmem>>)
      tpu.yield
    }) : () -> ()
    "tpu.region"() ({
      %run_scoped3A = tpu.sem_alloc : memref<!tpu.dma_semaphore, #tpu.memory_space<semaphore_mem>>
      %dma_start3A_207 = tpu.memref_slice %arg3[%mul3A_2] : memref<640000xi32, #tpu.memory_space<hbm>> -> memref<10000xi32, #tpu.memory_space<hbm>>
      %dma_start3A_208 = tpu.memref_slice %arg3[%mul3A_2] : memref<640000xi32, #tpu.memory_space<hbm>> -> memref<10000xi32, #tpu.memory_space<hbm>>
      tpu.enqueue_dma source(%dma_start3A_208 : memref<10000xi32, #tpu.memory_space<hbm>>) target(%arg7 : memref<10000xi32, #tpu.memory_space<vmem>>) target_semaphore(%run_scoped3A : memref<!tpu.dma_semaphore, #tpu.memory_space<semaphore_mem>>)
      %dma_wait3A = tpu.memref_slice %arg3[%mul3A_2] : memref<640000xi32, #tpu.memory_space<hbm>> -> memref<10000xi32, #tpu.memory_space<hbm>>
      %dma_wait3A_209 = tpu.memref_slice %arg3[%mul3A_2] : memref<640000xi32, #tpu.memory_space<hbm>> -> memref<10000xi32, #tpu.memory_space<hbm>>
      tpu.wait_dma2 semaphore(%run_scoped3A : memref<!tpu.dma_semaphore, #tpu.memory_space<semaphore_mem>>) src(%dma_wait3A_209 : memref<10000xi32, #tpu.memory_space<hbm>>) dst(%arg7 : memref<10000xi32, #tpu.memory_space<vmem>>)
      tpu.yield
    }) : () -> ()
    %add3A_3 = arith.constant 320000 : i32
    %add3A_4 = arith.addi %add3A_3, %mul3A_2 : i32
    "tpu.region"() ({
      %run_scoped3A = tpu.sem_alloc : memref<!tpu.dma_semaphore, #tpu.memory_space<semaphore_mem>>
      %dma_start3A_207 = tpu.memref_slice %arg3[%add3A_4] : memref<640000xi32, #tpu.memory_space<hbm>> -> memref<10000xi32, #tpu.memory_space<hbm>>
      %dma_start3A_208 = tpu.memref_slice %arg3[%add3A_4] : memref<640000xi32, #tpu.memory_space<hbm>> -> memref<10000xi32, #tpu.memory_space<hbm>>
      tpu.enqueue_dma source(%dma_start3A_208 : memref<10000xi32, #tpu.memory_space<hbm>>) target(%arg8 : memref<10000xi32, #tpu.memory_space<vmem>>) target_semaphore(%run_scoped3A : memref<!tpu.dma_semaphore, #tpu.memory_space<semaphore_mem>>)
      %dma_wait3A = tpu.memref_slice %arg3[%add3A_4] : memref<640000xi32, #tpu.memory_space<hbm>> -> memref<10000xi32, #tpu.memory_space<hbm>>
      %dma_wait3A_209 = tpu.memref_slice %arg3[%add3A_4] : memref<640000xi32, #tpu.memory_space<hbm>> -> memref<10000xi32, #tpu.memory_space<hbm>>
      tpu.wait_dma2 semaphore(%run_scoped3A : memref<!tpu.dma_semaphore, #tpu.memory_space<semaphore_mem>>) src(%dma_wait3A_209 : memref<10000xi32, #tpu.memory_space<hbm>>) dst(%arg8 : memref<10000xi32, #tpu.memory_space<vmem>>)
      tpu.yield
    }) : () -> ()
    %broadcast_in_dim3A = arith.constant 0.000000e+00 : f32
    %broadcast_in_dim3A_5 = vector.broadcast %broadcast_in_dim3A : f32 to vector<16xf32>
    %scan3A = arith.constant 0 : i32
    %scan3A_6 = arith.constant 0 : i32
    %scan3A_7 = arith.constant 128 : i32
    %scan3A_8 = arith.addi %scan3A_6, %scan3A_7 : i32
    %scan3A_9 = arith.constant 1 : i32
    %scan3A_10 = scf.for %scan3A_207 = %scan3A_6 to %scan3A_8 step %scan3A_9 iter_args(%scan3A_208 = %scan3A) -> (i32)  : i32 {
      %jit3A = arith.constant 8 : i32
      %div3A = arith.divsi %scan3A_207, %jit3A : i32
      %sign3A = arith.constant 0 : i32
      %sign3A_209 = arith.cmpi sgt, %scan3A_207, %sign3A : i32
      %sign3A_210 = arith.extui %sign3A_209 : i1 to i32
      %sign3A_211 = arith.constant 0 : i32
      %sign3A_212 = arith.cmpi slt, %scan3A_207, %sign3A_211 : i32
      %sign3A_213 = arith.extui %sign3A_212 : i1 to i32
      %sign3A_214 = arith.subi %sign3A_210, %sign3A_213 : i32
      %sign3A_215 = arith.constant 0 : i32
      %sign3A_216 = arith.cmpi sgt, %jit3A, %sign3A_215 : i32
      %sign3A_217 = arith.extui %sign3A_216 : i1 to i32
      %sign3A_218 = arith.constant 0 : i32
      %sign3A_219 = arith.cmpi slt, %jit3A, %sign3A_218 : i32
      %sign3A_220 = arith.extui %sign3A_219 : i1 to i32
      %sign3A_221 = arith.subi %sign3A_217, %sign3A_220 : i32
      %ne3A = arith.cmpi ne, %sign3A_214, %sign3A_221 : i32
      %rem3A = arith.remsi %scan3A_207, %jit3A : i32
      %ne3A_222 = arith.constant 0 : i32
      %ne3A_223 = arith.cmpi ne, %rem3A, %ne3A_222 : i32
      %and3A = arith.andi %ne3A, %ne3A_223 : i1
      %sub3A = arith.constant 1 : i32
      %sub3A_224 = arith.subi %div3A, %sub3A : i32
      %select_n3A = arith.select %and3A, %sub3A_224, %div3A : i32
      %jit3A_225 = arith.constant 8 : i32
      %eq3A = arith.constant 0 : i32
      %eq3A_226 = arith.cmpi eq, %jit3A_225, %eq3A : i32
      %jit3A_227 = arith.constant 1 : i32
      %select_n3A_228 = arith.select %eq3A_226, %jit3A_227, %jit3A_225 : i32
      %rem3A_229 = arith.remsi %scan3A_207, %select_n3A_228 : i32
      %ne3A_230 = arith.constant 0 : i32
      %ne3A_231 = arith.cmpi ne, %rem3A_229, %ne3A_230 : i32
      %lt3A = arith.constant 0 : i32
      %lt3A_232 = arith.cmpi slt, %rem3A_229, %lt3A : i32
      %lt3A_233 = arith.constant 0 : i32
      %lt3A_234 = arith.cmpi slt, %select_n3A_228, %lt3A_233 : i32
      %ne3A_235 = arith.xori %lt3A_232, %lt3A_234 : i1
      %and3A_236 = arith.andi %ne3A_235, %ne3A_231 : i1
      %add3A_237 = arith.addi %rem3A_229, %select_n3A_228 : i32
      %select_n3A_238 = arith.select %and3A_236, %add3A_237, %rem3A_229 : i32
      %mul3A_239 = arith.constant 16 : i32
      %mul3A_240 = arith.muli %select_n3A_238, %mul3A_239 : i32
      %swap3A = arith.index_cast %select_n3A : i32 to index
      %swap3A_241 = arith.index_cast %mul3A_240 : i32 to index
      %swap3A_242 = tpu.vector_load %arg9[%swap3A, %swap3A_241] {strides = array<i32>} : memref<16x128xf32, #tpu.memory_space<vmem>>, vector<16xf32>,
      tpu.vector_store %arg9[%swap3A, %swap3A_241], %broadcast_in_dim3A_5 {strides = array<i32>} : memref<16x128xf32, #tpu.memory_space<vmem>>, vector<16xf32>,
      %scan3A_243 = arith.constant 0 : i32
      scf.yield %scan3A_243 : i32
    }
    %scan3A_11 = arith.constant 128 : i32
    %mul3A_12 = arith.constant 640 : i32
    %mul3A_13 = arith.muli %arg1, %mul3A_12 : i32
    %add3A_14 = arith.constant 0 : i32
    %add3A_15 = arith.addi %mul3A_13, %add3A_14 : i32
    "tpu.region"() ({
      %run_scoped3A = tpu.sem_alloc : memref<!tpu.dma_semaphore, #tpu.memory_space<semaphore_mem>>
      %dma_start3A_207 = arith.constant 0 : i32
      %dma_start3A_208 = tpu.memref_slice %arg19[%add3A_15, %dma_start3A_207] : memref<10240x128xf32, #tpu.memory_space<vmem_shared>> -> memref<16x128xf32, #tpu.memory_space<vmem_shared>>
      %dma_start3A_209 = arith.constant 0 : i32
      %dma_start3A_210 = tpu.memref_slice %arg19[%add3A_15, %dma_start3A_209] : memref<10240x128xf32, #tpu.memory_space<vmem_shared>> -> memref<16x128xf32, #tpu.memory_space<vmem_shared>>
      tpu.enqueue_dma source(%arg9 : memref<16x128xf32, #tpu.memory_space<vmem>>) target(%dma_start3A_210 : memref<16x128xf32, #tpu.memory_space<vmem_shared>>) target_semaphore(%run_scoped3A : memref<!tpu.dma_semaphore, #tpu.memory_space<semaphore_mem>>)
      %dma_wait3A = arith.constant 0 : i32
      %dma_wait3A_211 = tpu.memref_slice %arg19[%add3A_15, %dma_wait3A] : memref<10240x128xf32, #tpu.memory_space<vmem_shared>> -> memref<16x128xf32, #tpu.memory_space<vmem_shared>>
      %dma_wait3A_212 = arith.constant 0 : i32
      %dma_wait3A_213 = tpu.memref_slice %arg19[%add3A_15, %dma_wait3A_212] : memref<10240x128xf32, #tpu.memory_space<vmem_shared>> -> memref<16x128xf32, #tpu.memory_space<vmem_shared>>
      tpu.wait_dma2 semaphore(%run_scoped3A : memref<!tpu.dma_semaphore, #tpu.memory_space<semaphore_mem>>) src(%arg9 : memref<16x128xf32, #tpu.memory_space<vmem>>) dst(%dma_wait3A_213 : memref<16x128xf32, #tpu.memory_space<vmem_shared>>)
      tpu.yield
    }) : () -> ()
    %mul3A_16 = arith.constant 640 : i32
    %mul3A_17 = arith.muli %arg1, %mul3A_16 : i32
    %add3A_18 = arith.constant 16 : i32
    %add3A_19 = arith.addi %mul3A_17, %add3A_18 : i32
    "tpu.region"() ({
      %run_scoped3A = tpu.sem_alloc : memref<!tpu.dma_semaphore, #tpu.memory_space<semaphore_mem>>
      %dma_start3A_207 = arith.constant 0 : i32
      %dma_start3A_208 = tpu.memref_slice %arg19[%add3A_19, %dma_start3A_207] : memref<10240x128xf32, #tpu.memory_space<vmem_shared>> -> memref<16x128xf32, #tpu.memory_space<vmem_shared>>
      %dma_start3A_209 = arith.constant 0 : i32
      %dma_start3A_210 = tpu.memref_slice %arg19[%add3A_19, %dma_start3A_209] : memref<10240x128xf32, #tpu.memory_space<vmem_shared>> -> memref<16x128xf32, #tpu.memory_space<vmem_shared>>
      tpu.enqueue_dma source(%arg9 : memref<16x128xf32, #tpu.memory_space<vmem>>) target(%dma_start3A_210 : memref<16x128xf32, #tpu.memory_space<vmem_shared>>) target_semaphore(%run_scoped3A : memref<!tpu.dma_semaphore, #tpu.memory_space<semaphore_mem>>)
      %dma_wait3A = arith.constant 0 : i32
      %dma_wait3A_211 = tpu.memref_slice %arg19[%add3A_19, %dma_wait3A] : memref<10240x128xf32, #tpu.memory_space<vmem_shared>> -> memref<16x128xf32, #tpu.memory_space<vmem_shared>>
      %dma_wait3A_212 = arith.constant 0 : i32
      %dma_wait3A_213 = tpu.memref_slice %arg19[%add3A_19, %dma_wait3A_212] : memref<10240x128xf32, #tpu.memory_space<vmem_shared>> -> memref<16x128xf32, #tpu.memory_space<vmem_shared>>
      tpu.wait_dma2 semaphore(%run_scoped3A : memref<!tpu.dma_semaphore, #tpu.memory_space<semaphore_mem>>) src(%arg9 : memref<16x128xf32, #tpu.memory_space<vmem>>) dst(%dma_wait3A_213 : memref<16x128xf32, #tpu.memory_space<vmem_shared>>)
      tpu.yield
    }) : () -> ()
    %mul3A_20 = arith.constant 640 : i32
    %mul3A_21 = arith.muli %arg1, %mul3A_20 : i32
    %add3A_22 = arith.constant 32 : i32
    %add3A_23 = arith.addi %mul3A_21, %add3A_22 : i32
    "tpu.region"() ({
      %run_scoped3A = tpu.sem_alloc : memref<!tpu.dma_semaphore, #tpu.memory_space<semaphore_mem>>
      %dma_start3A_207 = arith.constant 0 : i32
      %dma_start3A_208 = tpu.memref_slice %arg19[%add3A_23, %dma_start3A_207] : memref<10240x128xf32, #tpu.memory_space<vmem_shared>> -> memref<16x128xf32, #tpu.memory_space<vmem_shared>>
      %dma_start3A_209 = arith.constant 0 : i32
      %dma_start3A_210 = tpu.memref_slice %arg19[%add3A_23, %dma_start3A_209] : memref<10240x128xf32, #tpu.memory_space<vmem_shared>> -> memref<16x128xf32, #tpu.memory_space<vmem_shared>>
      tpu.enqueue_dma source(%arg9 : memref<16x128xf32, #tpu.memory_space<vmem>>) target(%dma_start3A_210 : memref<16x128xf32, #tpu.memory_space<vmem_shared>>) target_semaphore(%run_scoped3A : memref<!tpu.dma_semaphore, #tpu.memory_space<semaphore_mem>>)
      %dma_wait3A = arith.constant 0 : i32
      %dma_wait3A_211 = tpu.memref_slice %arg19[%add3A_23, %dma_wait3A] : memref<10240x128xf32, #tpu.memory_space<vmem_shared>> -> memref<16x128xf32, #tpu.memory_space<vmem_shared>>
      %dma_wait3A_212 = arith.constant 0 : i32
      %dma_wait3A_213 = tpu.memref_slice %arg19[%add3A_23, %dma_wait3A_212] : memref<10240x128xf32, #tpu.memory_space<vmem_shared>> -> memref<16x128xf32, #tpu.memory_space<vmem_shared>>
      tpu.wait_dma2 semaphore(%run_scoped3A : memref<!tpu.dma_semaphore, #tpu.memory_space<semaphore_mem>>) src(%arg9 : memref<16x128xf32, #tpu.memory_space<vmem>>) dst(%dma_wait3A_213 : memref<16x128xf32, #tpu.memory_space<vmem_shared>>)
      tpu.yield
    }) : () -> ()
    %mul3A_24 = arith.constant 640 : i32
    %mul3A_25 = arith.muli %arg1, %mul3A_24 : i32
    %add3A_26 = arith.constant 48 : i32
    %add3A_27 = arith.addi %mul3A_25, %add3A_26 : i32
    "tpu.region"() ({
      %run_scoped3A = tpu.sem_alloc : memref<!tpu.dma_semaphore, #tpu.memory_space<semaphore_mem>>
      %dma_start3A_207 = arith.constant 0 : i32
      %dma_start3A_208 = tpu.memref_slice %arg19[%add3A_27, %dma_start3A_207] : memref<10240x128xf32, #tpu.memory_space<vmem_shared>> -> memref<16x128xf32, #tpu.memory_space<vmem_shared>>
      %dma_start3A_209 = arith.constant 0 : i32
      %dma_start3A_210 = tpu.memref_slice %arg19[%add3A_27, %dma_start3A_209] : memref<10240x128xf32, #tpu.memory_space<vmem_shared>> -> memref<16x128xf32, #tpu.memory_space<vmem_shared>>
      tpu.enqueue_dma source(%arg9 : memref<16x128xf32, #tpu.memory_space<vmem>>) target(%dma_start3A_210 : memref<16x128xf32, #tpu.memory_space<vmem_shared>>) target_semaphore(%run_scoped3A : memref<!tpu.dma_semaphore, #tpu.memory_space<semaphore_mem>>)
      %dma_wait3A = arith.constant 0 : i32
      %dma_wait3A_211 = tpu.memref_slice %arg19[%add3A_27, %dma_wait3A] : memref<10240x128xf32, #tpu.memory_space<vmem_shared>> -> memref<16x128xf32, #tpu.memory_space<vmem_shared>>
      %dma_wait3A_212 = arith.constant 0 : i32
      %dma_wait3A_213 = tpu.memref_slice %arg19[%add3A_27, %dma_wait3A_212] : memref<10240x128xf32, #tpu.memory_space<vmem_shared>> -> memref<16x128xf32, #tpu.memory_space<vmem_shared>>
      tpu.wait_dma2 semaphore(%run_scoped3A : memref<!tpu.dma_semaphore, #tpu.memory_space<semaphore_mem>>) src(%arg9 : memref<16x128xf32, #tpu.memory_space<vmem>>) dst(%dma_wait3A_213 : memref<16x128xf32, #tpu.memory_space<vmem_shared>>)
      tpu.yield
    }) : () -> ()
    %mul3A_28 = arith.constant 640 : i32
    %mul3A_29 = arith.muli %arg1, %mul3A_28 : i32
    %add3A_30 = arith.constant 64 : i32
    %add3A_31 = arith.addi %mul3A_29, %add3A_30 : i32
    "tpu.region"() ({
      %run_scoped3A = tpu.sem_alloc : memref<!tpu.dma_semaphore, #tpu.memory_space<semaphore_mem>>
      %dma_start3A_207 = arith.constant 0 : i32
      %dma_start3A_208 = tpu.memref_slice %arg19[%add3A_31, %dma_start3A_207] : memref<10240x128xf32, #tpu.memory_space<vmem_shared>> -> memref<16x128xf32, #tpu.memory_space<vmem_shared>>
      %dma_start3A_209 = arith.constant 0 : i32
      %dma_start3A_210 = tpu.memref_slice %arg19[%add3A_31, %dma_start3A_209] : memref<10240x128xf32, #tpu.memory_space<vmem_shared>> -> memref<16x128xf32, #tpu.memory_space<vmem_shared>>
      tpu.enqueue_dma source(%arg9 : memref<16x128xf32, #tpu.memory_space<vmem>>) target(%dma_start3A_210 : memref<16x128xf32, #tpu.memory_space<vmem_shared>>) target_semaphore(%run_scoped3A : memref<!tpu.dma_semaphore, #tpu.memory_space<semaphore_mem>>)
      %dma_wait3A = arith.constant 0 : i32
      %dma_wait3A_211 = tpu.memref_slice %arg19[%add3A_31, %dma_wait3A] : memref<10240x128xf32, #tpu.memory_space<vmem_shared>> -> memref<16x128xf32, #tpu.memory_space<vmem_shared>>
      %dma_wait3A_212 = arith.constant 0 : i32
      %dma_wait3A_213 = tpu.memref_slice %arg19[%add3A_31, %dma_wait3A_212] : memref<10240x128xf32, #tpu.memory_space<vmem_shared>> -> memref<16x128xf32, #tpu.memory_space<vmem_shared>>
      tpu.wait_dma2 semaphore(%run_scoped3A : memref<!tpu.dma_semaphore, #tpu.memory_space<semaphore_mem>>) src(%arg9 : memref<16x128xf32, #tpu.memory_space<vmem>>) dst(%dma_wait3A_213 : memref<16x128xf32, #tpu.memory_space<vmem_shared>>)
      tpu.yield
    }) : () -> ()
    %mul3A_32 = arith.constant 640 : i32
    %mul3A_33 = arith.muli %arg1, %mul3A_32 : i32
    %add3A_34 = arith.constant 80 : i32
    %add3A_35 = arith.addi %mul3A_33, %add3A_34 : i32
    "tpu.region"() ({
      %run_scoped3A = tpu.sem_alloc : memref<!tpu.dma_semaphore, #tpu.memory_space<semaphore_mem>>
      %dma_start3A_207 = arith.constant 0 : i32
      %dma_start3A_208 = tpu.memref_slice %arg19[%add3A_35, %dma_start3A_207] : memref<10240x128xf32, #tpu.memory_space<vmem_shared>> -> memref<16x128xf32, #tpu.memory_space<vmem_shared>>
      %dma_start3A_209 = arith.constant 0 : i32
      %dma_start3A_210 = tpu.memref_slice %arg19[%add3A_35, %dma_start3A_209] : memref<10240x128xf32, #tpu.memory_space<vmem_shared>> -> memref<16x128xf32, #tpu.memory_space<vmem_shared>>
      tpu.enqueue_dma source(%arg9 : memref<16x128xf32, #tpu.memory_space<vmem>>) target(%dma_start3A_210 : memref<16x128xf32, #tpu.memory_space<vmem_shared>>) target_semaphore(%run_scoped3A : memref<!tpu.dma_semaphore, #tpu.memory_space<semaphore_mem>>)
      %dma_wait3A = arith.constant 0 : i32
      %dma_wait3A_211 = tpu.memref_slice %arg19[%add3A_35, %dma_wait3A] : memref<10240x128xf32, #tpu.memory_space<vmem_shared>> -> memref<16x128xf32, #tpu.memory_space<vmem_shared>>
      %dma_wait3A_212 = arith.constant 0 : i32
      %dma_wait3A_213 = tpu.memref_slice %arg19[%add3A_35, %dma_wait3A_212] : memref<10240x128xf32, #tpu.memory_space<vmem_shared>> -> memref<16x128xf32, #tpu.memory_space<vmem_shared>>
      tpu.wait_dma2 semaphore(%run_scoped3A : memref<!tpu.dma_semaphore, #tpu.memory_space<semaphore_mem>>) src(%arg9 : memref<16x128xf32, #tpu.memory_space<vmem>>) dst(%dma_wait3A_213 : memref<16x128xf32, #tpu.memory_space<vmem_shared>>)
      tpu.yield
    }) : () -> ()
    %mul3A_36 = arith.constant 640 : i32
    %mul3A_37 = arith.muli %arg1, %mul3A_36 : i32
    %add3A_38 = arith.constant 96 : i32
    %add3A_39 = arith.addi %mul3A_37, %add3A_38 : i32
    "tpu.region"() ({
      %run_scoped3A = tpu.sem_alloc : memref<!tpu.dma_semaphore, #tpu.memory_space<semaphore_mem>>
      %dma_start3A_207 = arith.constant 0 : i32
      %dma_start3A_208 = tpu.memref_slice %arg19[%add3A_39, %dma_start3A_207] : memref<10240x128xf32, #tpu.memory_space<vmem_shared>> -> memref<16x128xf32, #tpu.memory_space<vmem_shared>>
      %dma_start3A_209 = arith.constant 0 : i32
      %dma_start3A_210 = tpu.memref_slice %arg19[%add3A_39, %dma_start3A_209] : memref<10240x128xf32, #tpu.memory_space<vmem_shared>> -> memref<16x128xf32, #tpu.memory_space<vmem_shared>>
      tpu.enqueue_dma source(%arg9 : memref<16x128xf32, #tpu.memory_space<vmem>>) target(%dma_start3A_210 : memref<16x128xf32, #tpu.memory_space<vmem_shared>>) target_semaphore(%run_scoped3A : memref<!tpu.dma_semaphore, #tpu.memory_space<semaphore_mem>>)
      %dma_wait3A = arith.constant 0 : i32
      %dma_wait3A_211 = tpu.memref_slice %arg19[%add3A_39, %dma_wait3A] : memref<10240x128xf32, #tpu.memory_space<vmem_shared>> -> memref<16x128xf32, #tpu.memory_space<vmem_shared>>
      %dma_wait3A_212 = arith.constant 0 : i32
      %dma_wait3A_213 = tpu.memref_slice %arg19[%add3A_39, %dma_wait3A_212] : memref<10240x128xf32, #tpu.memory_space<vmem_shared>> -> memref<16x128xf32, #tpu.memory_space<vmem_shared>>
      tpu.wait_dma2 semaphore(%run_scoped3A : memref<!tpu.dma_semaphore, #tpu.memory_space<semaphore_mem>>) src(%arg9 : memref<16x128xf32, #tpu.memory_space<vmem>>) dst(%dma_wait3A_213 : memref<16x128xf32, #tpu.memory_space<vmem_shared>>)
      tpu.yield
    }) : () -> ()
    %mul3A_40 = arith.constant 640 : i32
    %mul3A_41 = arith.muli %arg1, %mul3A_40 : i32
    %add3A_42 = arith.constant 112 : i32
    %add3A_43 = arith.addi %mul3A_41, %add3A_42 : i32
    "tpu.region"() ({
      %run_scoped3A = tpu.sem_alloc : memref<!tpu.dma_semaphore, #tpu.memory_space<semaphore_mem>>
      %dma_start3A_207 = arith.constant 0 : i32
      %dma_start3A_208 = tpu.memref_slice %arg19[%add3A_43, %dma_start3A_207] : memref<10240x128xf32, #tpu.memory_space<vmem_shared>> -> memref<16x128xf32, #tpu.memory_space<vmem_shared>>
      %dma_start3A_209 = arith.constant 0 : i32
      %dma_start3A_210 = tpu.memref_slice %arg19[%add3A_43, %dma_start3A_209] : memref<10240x128xf32, #tpu.memory_space<vmem_shared>> -> memref<16x128xf32, #tpu.memory_space<vmem_shared>>
      tpu.enqueue_dma source(%arg9 : memref<16x128xf32, #tpu.memory_space<vmem>>) target(%dma_start3A_210 : memref<16x128xf32, #tpu.memory_space<vmem_shared>>) target_semaphore(%run_scoped3A : memref<!tpu.dma_semaphore, #tpu.memory_space<semaphore_mem>>)
      %dma_wait3A = arith.constant 0 : i32
      %dma_wait3A_211 = tpu.memref_slice %arg19[%add3A_43, %dma_wait3A] : memref<10240x128xf32, #tpu.memory_space<vmem_shared>> -> memref<16x128xf32, #tpu.memory_space<vmem_shared>>
      %dma_wait3A_212 = arith.constant 0 : i32
      %dma_wait3A_213 = tpu.memref_slice %arg19[%add3A_43, %dma_wait3A_212] : memref<10240x128xf32, #tpu.memory_space<vmem_shared>> -> memref<16x128xf32, #tpu.memory_space<vmem_shared>>
      tpu.wait_dma2 semaphore(%run_scoped3A : memref<!tpu.dma_semaphore, #tpu.memory_space<semaphore_mem>>) src(%arg9 : memref<16x128xf32, #tpu.memory_space<vmem>>) dst(%dma_wait3A_213 : memref<16x128xf32, #tpu.memory_space<vmem_shared>>)
      tpu.yield
    }) : () -> ()
    %mul3A_44 = arith.constant 640 : i32
    %mul3A_45 = arith.muli %arg1, %mul3A_44 : i32
    %add3A_46 = arith.constant 128 : i32
    %add3A_47 = arith.addi %mul3A_45, %add3A_46 : i32
    "tpu.region"() ({
      %run_scoped3A = tpu.sem_alloc : memref<!tpu.dma_semaphore, #tpu.memory_space<semaphore_mem>>
      %dma_start3A_207 = arith.constant 0 : i32
      %dma_start3A_208 = tpu.memref_slice %arg19[%add3A_47, %dma_start3A_207] : memref<10240x128xf32, #tpu.memory_space<vmem_shared>> -> memref<16x128xf32, #tpu.memory_space<vmem_shared>>
      %dma_start3A_209 = arith.constant 0 : i32
      %dma_start3A_210 = tpu.memref_slice %arg19[%add3A_47, %dma_start3A_209] : memref<10240x128xf32, #tpu.memory_space<vmem_shared>> -> memref<16x128xf32, #tpu.memory_space<vmem_shared>>
      tpu.enqueue_dma source(%arg9 : memref<16x128xf32, #tpu.memory_space<vmem>>) target(%dma_start3A_210 : memref<16x128xf32, #tpu.memory_space<vmem_shared>>) target_semaphore(%run_scoped3A : memref<!tpu.dma_semaphore, #tpu.memory_space<semaphore_mem>>)
      %dma_wait3A = arith.constant 0 : i32
      %dma_wait3A_211 = tpu.memref_slice %arg19[%add3A_47, %dma_wait3A] : memref<10240x128xf32, #tpu.memory_space<vmem_shared>> -> memref<16x128xf32, #tpu.memory_space<vmem_shared>>
      %dma_wait3A_212 = arith.constant 0 : i32
      %dma_wait3A_213 = tpu.memref_slice %arg19[%add3A_47, %dma_wait3A_212] : memref<10240x128xf32, #tpu.memory_space<vmem_shared>> -> memref<16x128xf32, #tpu.memory_space<vmem_shared>>
      tpu.wait_dma2 semaphore(%run_scoped3A : memref<!tpu.dma_semaphore, #tpu.memory_space<semaphore_mem>>) src(%arg9 : memref<16x128xf32, #tpu.memory_space<vmem>>) dst(%dma_wait3A_213 : memref<16x128xf32, #tpu.memory_space<vmem_shared>>)
      tpu.yield
    }) : () -> ()
    %mul3A_48 = arith.constant 640 : i32
    %mul3A_49 = arith.muli %arg1, %mul3A_48 : i32
    %add3A_50 = arith.constant 144 : i32
    %add3A_51 = arith.addi %mul3A_49, %add3A_50 : i32
    "tpu.region"() ({
      %run_scoped3A = tpu.sem_alloc : memref<!tpu.dma_semaphore, #tpu.memory_space<semaphore_mem>>
      %dma_start3A_207 = arith.constant 0 : i32
      %dma_start3A_208 = tpu.memref_slice %arg19[%add3A_51, %dma_start3A_207] : memref<10240x128xf32, #tpu.memory_space<vmem_shared>> -> memref<16x128xf32, #tpu.memory_space<vmem_shared>>
      %dma_start3A_209 = arith.constant 0 : i32
      %dma_start3A_210 = tpu.memref_slice %arg19[%add3A_51, %dma_start3A_209] : memref<10240x128xf32, #tpu.memory_space<vmem_shared>> -> memref<16x128xf32, #tpu.memory_space<vmem_shared>>
      tpu.enqueue_dma source(%arg9 : memref<16x128xf32, #tpu.memory_space<vmem>>) target(%dma_start3A_210 : memref<16x128xf32, #tpu.memory_space<vmem_shared>>) target_semaphore(%run_scoped3A : memref<!tpu.dma_semaphore, #tpu.memory_space<semaphore_mem>>)
      %dma_wait3A = arith.constant 0 : i32
      %dma_wait3A_211 = tpu.memref_slice %arg19[%add3A_51, %dma_wait3A] : memref<10240x128xf32, #tpu.memory_space<vmem_shared>> -> memref<16x128xf32, #tpu.memory_space<vmem_shared>>
      %dma_wait3A_212 = arith.constant 0 : i32
      %dma_wait3A_213 = tpu.memref_slice %arg19[%add3A_51, %dma_wait3A_212] : memref<10240x128xf32, #tpu.memory_space<vmem_shared>> -> memref<16x128xf32, #tpu.memory_space<vmem_shared>>
      tpu.wait_dma2 semaphore(%run_scoped3A : memref<!tpu.dma_semaphore, #tpu.memory_space<semaphore_mem>>) src(%arg9 : memref<16x128xf32, #tpu.memory_space<vmem>>) dst(%dma_wait3A_213 : memref<16x128xf32, #tpu.memory_space<vmem_shared>>)
      tpu.yield
    }) : () -> ()
    %mul3A_52 = arith.constant 640 : i32
    %mul3A_53 = arith.muli %arg1, %mul3A_52 : i32
    %add3A_54 = arith.constant 160 : i32
    %add3A_55 = arith.addi %mul3A_53, %add3A_54 : i32
    "tpu.region"() ({
      %run_scoped3A = tpu.sem_alloc : memref<!tpu.dma_semaphore, #tpu.memory_space<semaphore_mem>>
      %dma_start3A_207 = arith.constant 0 : i32
      %dma_start3A_208 = tpu.memref_slice %arg19[%add3A_55, %dma_start3A_207] : memref<10240x128xf32, #tpu.memory_space<vmem_shared>> -> memref<16x128xf32, #tpu.memory_space<vmem_shared>>
      %dma_start3A_209 = arith.constant 0 : i32
      %dma_start3A_210 = tpu.memref_slice %arg19[%add3A_55, %dma_start3A_209] : memref<10240x128xf32, #tpu.memory_space<vmem_shared>> -> memref<16x128xf32, #tpu.memory_space<vmem_shared>>
      tpu.enqueue_dma source(%arg9 : memref<16x128xf32, #tpu.memory_space<vmem>>) target(%dma_start3A_210 : memref<16x128xf32, #tpu.memory_space<vmem_shared>>) target_semaphore(%run_scoped3A : memref<!tpu.dma_semaphore, #tpu.memory_space<semaphore_mem>>)
      %dma_wait3A = arith.constant 0 : i32
      %dma_wait3A_211 = tpu.memref_slice %arg19[%add3A_55, %dma_wait3A] : memref<10240x128xf32, #tpu.memory_space<vmem_shared>> -> memref<16x128xf32, #tpu.memory_space<vmem_shared>>
      %dma_wait3A_212 = arith.constant 0 : i32
      %dma_wait3A_213 = tpu.memref_slice %arg19[%add3A_55, %dma_wait3A_212] : memref<10240x128xf32, #tpu.memory_space<vmem_shared>> -> memref<16x128xf32, #tpu.memory_space<vmem_shared>>
      tpu.wait_dma2 semaphore(%run_scoped3A : memref<!tpu.dma_semaphore, #tpu.memory_space<semaphore_mem>>) src(%arg9 : memref<16x128xf32, #tpu.memory_space<vmem>>) dst(%dma_wait3A_213 : memref<16x128xf32, #tpu.memory_space<vmem_shared>>)
      tpu.yield
    }) : () -> ()
    %mul3A_56 = arith.constant 640 : i32
    %mul3A_57 = arith.muli %arg1, %mul3A_56 : i32
    %add3A_58 = arith.constant 176 : i32
    %add3A_59 = arith.addi %mul3A_57, %add3A_58 : i32
    "tpu.region"() ({
      %run_scoped3A = tpu.sem_alloc : memref<!tpu.dma_semaphore, #tpu.memory_space<semaphore_mem>>
      %dma_start3A_207 = arith.constant 0 : i32
      %dma_start3A_208 = tpu.memref_slice %arg19[%add3A_59, %dma_start3A_207] : memref<10240x128xf32, #tpu.memory_space<vmem_shared>> -> memref<16x128xf32, #tpu.memory_space<vmem_shared>>
      %dma_start3A_209 = arith.constant 0 : i32
      %dma_start3A_210 = tpu.memref_slice %arg19[%add3A_59, %dma_start3A_209] : memref<10240x128xf32, #tpu.memory_space<vmem_shared>> -> memref<16x128xf32, #tpu.memory_space<vmem_shared>>
      tpu.enqueue_dma source(%arg9 : memref<16x128xf32, #tpu.memory_space<vmem>>) target(%dma_start3A_210 : memref<16x128xf32, #tpu.memory_space<vmem_shared>>) target_semaphore(%run_scoped3A : memref<!tpu.dma_semaphore, #tpu.memory_space<semaphore_mem>>)
      %dma_wait3A = arith.constant 0 : i32
      %dma_wait3A_211 = tpu.memref_slice %arg19[%add3A_59, %dma_wait3A] : memref<10240x128xf32, #tpu.memory_space<vmem_shared>> -> memref<16x128xf32, #tpu.memory_space<vmem_shared>>
      %dma_wait3A_212 = arith.constant 0 : i32
      %dma_wait3A_213 = tpu.memref_slice %arg19[%add3A_59, %dma_wait3A_212] : memref<10240x128xf32, #tpu.memory_space<vmem_shared>> -> memref<16x128xf32, #tpu.memory_space<vmem_shared>>
      tpu.wait_dma2 semaphore(%run_scoped3A : memref<!tpu.dma_semaphore, #tpu.memory_space<semaphore_mem>>) src(%arg9 : memref<16x128xf32, #tpu.memory_space<vmem>>) dst(%dma_wait3A_213 : memref<16x128xf32, #tpu.memory_space<vmem_shared>>)
      tpu.yield
    }) : () -> ()
    %mul3A_60 = arith.constant 640 : i32
    %mul3A_61 = arith.muli %arg1, %mul3A_60 : i32
    %add3A_62 = arith.constant 192 : i32
    %add3A_63 = arith.addi %mul3A_61, %add3A_62 : i32
    "tpu.region"() ({
      %run_scoped3A = tpu.sem_alloc : memref<!tpu.dma_semaphore, #tpu.memory_space<semaphore_mem>>
      %dma_start3A_207 = arith.constant 0 : i32
      %dma_start3A_208 = tpu.memref_slice %arg19[%add3A_63, %dma_start3A_207] : memref<10240x128xf32, #tpu.memory_space<vmem_shared>> -> memref<16x128xf32, #tpu.memory_space<vmem_shared>>
      %dma_start3A_209 = arith.constant 0 : i32
      %dma_start3A_210 = tpu.memref_slice %arg19[%add3A_63, %dma_start3A_209] : memref<10240x128xf32, #tpu.memory_space<vmem_shared>> -> memref<16x128xf32, #tpu.memory_space<vmem_shared>>
      tpu.enqueue_dma source(%arg9 : memref<16x128xf32, #tpu.memory_space<vmem>>) target(%dma_start3A_210 : memref<16x128xf32, #tpu.memory_space<vmem_shared>>) target_semaphore(%run_scoped3A : memref<!tpu.dma_semaphore, #tpu.memory_space<semaphore_mem>>)
      %dma_wait3A = arith.constant 0 : i32
      %dma_wait3A_211 = tpu.memref_slice %arg19[%add3A_63, %dma_wait3A] : memref<10240x128xf32, #tpu.memory_space<vmem_shared>> -> memref<16x128xf32, #tpu.memory_space<vmem_shared>>
      %dma_wait3A_212 = arith.constant 0 : i32
      %dma_wait3A_213 = tpu.memref_slice %arg19[%add3A_63, %dma_wait3A_212] : memref<10240x128xf32, #tpu.memory_space<vmem_shared>> -> memref<16x128xf32, #tpu.memory_space<vmem_shared>>
      tpu.wait_dma2 semaphore(%run_scoped3A : memref<!tpu.dma_semaphore, #tpu.memory_space<semaphore_mem>>) src(%arg9 : memref<16x128xf32, #tpu.memory_space<vmem>>) dst(%dma_wait3A_213 : memref<16x128xf32, #tpu.memory_space<vmem_shared>>)
      tpu.yield
    }) : () -> ()
    %mul3A_64 = arith.constant 640 : i32
    %mul3A_65 = arith.muli %arg1, %mul3A_64 : i32
    %add3A_66 = arith.constant 208 : i32
    %add3A_67 = arith.addi %mul3A_65, %add3A_66 : i32
    "tpu.region"() ({
      %run_scoped3A = tpu.sem_alloc : memref<!tpu.dma_semaphore, #tpu.memory_space<semaphore_mem>>
      %dma_start3A_207 = arith.constant 0 : i32
      %dma_start3A_208 = tpu.memref_slice %arg19[%add3A_67, %dma_start3A_207] : memref<10240x128xf32, #tpu.memory_space<vmem_shared>> -> memref<16x128xf32, #tpu.memory_space<vmem_shared>>
      %dma_start3A_209 = arith.constant 0 : i32
      %dma_start3A_210 = tpu.memref_slice %arg19[%add3A_67, %dma_start3A_209] : memref<10240x128xf32, #tpu.memory_space<vmem_shared>> -> memref<16x128xf32, #tpu.memory_space<vmem_shared>>
      tpu.enqueue_dma source(%arg9 : memref<16x128xf32, #tpu.memory_space<vmem>>) target(%dma_start3A_210 : memref<16x128xf32, #tpu.memory_space<vmem_shared>>) target_semaphore(%run_scoped3A : memref<!tpu.dma_semaphore, #tpu.memory_space<semaphore_mem>>)
      %dma_wait3A = arith.constant 0 : i32
      %dma_wait3A_211 = tpu.memref_slice %arg19[%add3A_67, %dma_wait3A] : memref<10240x128xf32, #tpu.memory_space<vmem_shared>> -> memref<16x128xf32, #tpu.memory_space<vmem_shared>>
      %dma_wait3A_212 = arith.constant 0 : i32
      %dma_wait3A_213 = tpu.memref_slice %arg19[%add3A_67, %dma_wait3A_212] : memref<10240x128xf32, #tpu.memory_space<vmem_shared>> -> memref<16x128xf32, #tpu.memory_space<vmem_shared>>
      tpu.wait_dma2 semaphore(%run_scoped3A : memref<!tpu.dma_semaphore, #tpu.memory_space<semaphore_mem>>) src(%arg9 : memref<16x128xf32, #tpu.memory_space<vmem>>) dst(%dma_wait3A_213 : memref<16x128xf32, #tpu.memory_space<vmem_shared>>)
      tpu.yield
    }) : () -> ()
    %mul3A_68 = arith.constant 640 : i32
    %mul3A_69 = arith.muli %arg1, %mul3A_68 : i32
    %add3A_70 = arith.constant 224 : i32
    %add3A_71 = arith.addi %mul3A_69, %add3A_70 : i32
    "tpu.region"() ({
      %run_scoped3A = tpu.sem_alloc : memref<!tpu.dma_semaphore, #tpu.memory_space<semaphore_mem>>
      %dma_start3A_207 = arith.constant 0 : i32
      %dma_start3A_208 = tpu.memref_slice %arg19[%add3A_71, %dma_start3A_207] : memref<10240x128xf32, #tpu.memory_space<vmem_shared>> -> memref<16x128xf32, #tpu.memory_space<vmem_shared>>
      %dma_start3A_209 = arith.constant 0 : i32
      %dma_start3A_210 = tpu.memref_slice %arg19[%add3A_71, %dma_start3A_209] : memref<10240x128xf32, #tpu.memory_space<vmem_shared>> -> memref<16x128xf32, #tpu.memory_space<vmem_shared>>
      tpu.enqueue_dma source(%arg9 : memref<16x128xf32, #tpu.memory_space<vmem>>) target(%dma_start3A_210 : memref<16x128xf32, #tpu.memory_space<vmem_shared>>) target_semaphore(%run_scoped3A : memref<!tpu.dma_semaphore, #tpu.memory_space<semaphore_mem>>)
      %dma_wait3A = arith.constant 0 : i32
      %dma_wait3A_211 = tpu.memref_slice %arg19[%add3A_71, %dma_wait3A] : memref<10240x128xf32, #tpu.memory_space<vmem_shared>> -> memref<16x128xf32, #tpu.memory_space<vmem_shared>>
      %dma_wait3A_212 = arith.constant 0 : i32
      %dma_wait3A_213 = tpu.memref_slice %arg19[%add3A_71, %dma_wait3A_212] : memref<10240x128xf32, #tpu.memory_space<vmem_shared>> -> memref<16x128xf32, #tpu.memory_space<vmem_shared>>
      tpu.wait_dma2 semaphore(%run_scoped3A : memref<!tpu.dma_semaphore, #tpu.memory_space<semaphore_mem>>) src(%arg9 : memref<16x128xf32, #tpu.memory_space<vmem>>) dst(%dma_wait3A_213 : memref<16x128xf32, #tpu.memory_space<vmem_shared>>)
      tpu.yield
    }) : () -> ()
    %mul3A_72 = arith.constant 640 : i32
    %mul3A_73 = arith.muli %arg1, %mul3A_72 : i32
    %add3A_74 = arith.constant 240 : i32
    %add3A_75 = arith.addi %mul3A_73, %add3A_74 : i32
    "tpu.region"() ({
      %run_scoped3A = tpu.sem_alloc : memref<!tpu.dma_semaphore, #tpu.memory_space<semaphore_mem>>
      %dma_start3A_207 = arith.constant 0 : i32
      %dma_start3A_208 = tpu.memref_slice %arg19[%add3A_75, %dma_start3A_207] : memref<10240x128xf32, #tpu.memory_space<vmem_shared>> -> memref<16x128xf32, #tpu.memory_space<vmem_shared>>
      %dma_start3A_209 = arith.constant 0 : i32
      %dma_start3A_210 = tpu.memref_slice %arg19[%add3A_75, %dma_start3A_209] : memref<10240x128xf32, #tpu.memory_space<vmem_shared>> -> memref<16x128xf32, #tpu.memory_space<vmem_shared>>
      tpu.enqueue_dma source(%arg9 : memref<16x128xf32, #tpu.memory_space<vmem>>) target(%dma_start3A_210 : memref<16x128xf32, #tpu.memory_space<vmem_shared>>) target_semaphore(%run_scoped3A : memref<!tpu.dma_semaphore, #tpu.memory_space<semaphore_mem>>)
      %dma_wait3A = arith.constant 0 : i32
      %dma_wait3A_211 = tpu.memref_slice %arg19[%add3A_75, %dma_wait3A] : memref<10240x128xf32, #tpu.memory_space<vmem_shared>> -> memref<16x128xf32, #tpu.memory_space<vmem_shared>>
      %dma_wait3A_212 = arith.constant 0 : i32
      %dma_wait3A_213 = tpu.memref_slice %arg19[%add3A_75, %dma_wait3A_212] : memref<10240x128xf32, #tpu.memory_space<vmem_shared>> -> memref<16x128xf32, #tpu.memory_space<vmem_shared>>
      tpu.wait_dma2 semaphore(%run_scoped3A : memref<!tpu.dma_semaphore, #tpu.memory_space<semaphore_mem>>) src(%arg9 : memref<16x128xf32, #tpu.memory_space<vmem>>) dst(%dma_wait3A_213 : memref<16x128xf32, #tpu.memory_space<vmem_shared>>)
      tpu.yield
    }) : () -> ()
    %mul3A_76 = arith.constant 640 : i32
    %mul3A_77 = arith.muli %arg1, %mul3A_76 : i32
    %add3A_78 = arith.constant 256 : i32
    %add3A_79 = arith.addi %mul3A_77, %add3A_78 : i32
    "tpu.region"() ({
      %run_scoped3A = tpu.sem_alloc : memref<!tpu.dma_semaphore, #tpu.memory_space<semaphore_mem>>
      %dma_start3A_207 = arith.constant 0 : i32
      %dma_start3A_208 = tpu.memref_slice %arg19[%add3A_79, %dma_start3A_207] : memref<10240x128xf32, #tpu.memory_space<vmem_shared>> -> memref<16x128xf32, #tpu.memory_space<vmem_shared>>
      %dma_start3A_209 = arith.constant 0 : i32
      %dma_start3A_210 = tpu.memref_slice %arg19[%add3A_79, %dma_start3A_209] : memref<10240x128xf32, #tpu.memory_space<vmem_shared>> -> memref<16x128xf32, #tpu.memory_space<vmem_shared>>
      tpu.enqueue_dma source(%arg9 : memref<16x128xf32, #tpu.memory_space<vmem>>) target(%dma_start3A_210 : memref<16x128xf32, #tpu.memory_space<vmem_shared>>) target_semaphore(%run_scoped3A : memref<!tpu.dma_semaphore, #tpu.memory_space<semaphore_mem>>)
      %dma_wait3A = arith.constant 0 : i32
      %dma_wait3A_211 = tpu.memref_slice %arg19[%add3A_79, %dma_wait3A] : memref<10240x128xf32, #tpu.memory_space<vmem_shared>> -> memref<16x128xf32, #tpu.memory_space<vmem_shared>>
      %dma_wait3A_212 = arith.constant 0 : i32
      %dma_wait3A_213 = tpu.memref_slice %arg19[%add3A_79, %dma_wait3A_212] : memref<10240x128xf32, #tpu.memory_space<vmem_shared>> -> memref<16x128xf32, #tpu.memory_space<vmem_shared>>
      tpu.wait_dma2 semaphore(%run_scoped3A : memref<!tpu.dma_semaphore, #tpu.memory_space<semaphore_mem>>) src(%arg9 : memref<16x128xf32, #tpu.memory_space<vmem>>) dst(%dma_wait3A_213 : memref<16x128xf32, #tpu.memory_space<vmem_shared>>)
      tpu.yield
    }) : () -> ()
    %mul3A_80 = arith.constant 640 : i32
    %mul3A_81 = arith.muli %arg1, %mul3A_80 : i32
    %add3A_82 = arith.constant 272 : i32
    %add3A_83 = arith.addi %mul3A_81, %add3A_82 : i32
    "tpu.region"() ({
      %run_scoped3A = tpu.sem_alloc : memref<!tpu.dma_semaphore, #tpu.memory_space<semaphore_mem>>
      %dma_start3A_207 = arith.constant 0 : i32
      %dma_start3A_208 = tpu.memref_slice %arg19[%add3A_83, %dma_start3A_207] : memref<10240x128xf32, #tpu.memory_space<vmem_shared>> -> memref<16x128xf32, #tpu.memory_space<vmem_shared>>
      %dma_start3A_209 = arith.constant 0 : i32
      %dma_start3A_210 = tpu.memref_slice %arg19[%add3A_83, %dma_start3A_209] : memref<10240x128xf32, #tpu.memory_space<vmem_shared>> -> memref<16x128xf32, #tpu.memory_space<vmem_shared>>
      tpu.enqueue_dma source(%arg9 : memref<16x128xf32, #tpu.memory_space<vmem>>) target(%dma_start3A_210 : memref<16x128xf32, #tpu.memory_space<vmem_shared>>) target_semaphore(%run_scoped3A : memref<!tpu.dma_semaphore, #tpu.memory_space<semaphore_mem>>)
      %dma_wait3A = arith.constant 0 : i32
      %dma_wait3A_211 = tpu.memref_slice %arg19[%add3A_83, %dma_wait3A] : memref<10240x128xf32, #tpu.memory_space<vmem_shared>> -> memref<16x128xf32, #tpu.memory_space<vmem_shared>>
      %dma_wait3A_212 = arith.constant 0 : i32
      %dma_wait3A_213 = tpu.memref_slice %arg19[%add3A_83, %dma_wait3A_212] : memref<10240x128xf32, #tpu.memory_space<vmem_shared>> -> memref<16x128xf32, #tpu.memory_space<vmem_shared>>
      tpu.wait_dma2 semaphore(%run_scoped3A : memref<!tpu.dma_semaphore, #tpu.memory_space<semaphore_mem>>) src(%arg9 : memref<16x128xf32, #tpu.memory_space<vmem>>) dst(%dma_wait3A_213 : memref<16x128xf32, #tpu.memory_space<vmem_shared>>)
      tpu.yield
    }) : () -> ()
    %mul3A_84 = arith.constant 640 : i32
    %mul3A_85 = arith.muli %arg1, %mul3A_84 : i32
    %add3A_86 = arith.constant 288 : i32
    %add3A_87 = arith.addi %mul3A_85, %add3A_86 : i32
    "tpu.region"() ({
      %run_scoped3A = tpu.sem_alloc : memref<!tpu.dma_semaphore, #tpu.memory_space<semaphore_mem>>
      %dma_start3A_207 = arith.constant 0 : i32
      %dma_start3A_208 = tpu.memref_slice %arg19[%add3A_87, %dma_start3A_207] : memref<10240x128xf32, #tpu.memory_space<vmem_shared>> -> memref<16x128xf32, #tpu.memory_space<vmem_shared>>
      %dma_start3A_209 = arith.constant 0 : i32
      %dma_start3A_210 = tpu.memref_slice %arg19[%add3A_87, %dma_start3A_209] : memref<10240x128xf32, #tpu.memory_space<vmem_shared>> -> memref<16x128xf32, #tpu.memory_space<vmem_shared>>
      tpu.enqueue_dma source(%arg9 : memref<16x128xf32, #tpu.memory_space<vmem>>) target(%dma_start3A_210 : memref<16x128xf32, #tpu.memory_space<vmem_shared>>) target_semaphore(%run_scoped3A : memref<!tpu.dma_semaphore, #tpu.memory_space<semaphore_mem>>)
      %dma_wait3A = arith.constant 0 : i32
      %dma_wait3A_211 = tpu.memref_slice %arg19[%add3A_87, %dma_wait3A] : memref<10240x128xf32, #tpu.memory_space<vmem_shared>> -> memref<16x128xf32, #tpu.memory_space<vmem_shared>>
      %dma_wait3A_212 = arith.constant 0 : i32
      %dma_wait3A_213 = tpu.memref_slice %arg19[%add3A_87, %dma_wait3A_212] : memref<10240x128xf32, #tpu.memory_space<vmem_shared>> -> memref<16x128xf32, #tpu.memory_space<vmem_shared>>
      tpu.wait_dma2 semaphore(%run_scoped3A : memref<!tpu.dma_semaphore, #tpu.memory_space<semaphore_mem>>) src(%arg9 : memref<16x128xf32, #tpu.memory_space<vmem>>) dst(%dma_wait3A_213 : memref<16x128xf32, #tpu.memory_space<vmem_shared>>)
      tpu.yield
    }) : () -> ()
    %mul3A_88 = arith.constant 640 : i32
    %mul3A_89 = arith.muli %arg1, %mul3A_88 : i32
    %add3A_90 = arith.constant 304 : i32
    %add3A_91 = arith.addi %mul3A_89, %add3A_90 : i32
    "tpu.region"() ({
      %run_scoped3A = tpu.sem_alloc : memref<!tpu.dma_semaphore, #tpu.memory_space<semaphore_mem>>
      %dma_start3A_207 = arith.constant 0 : i32
      %dma_start3A_208 = tpu.memref_slice %arg19[%add3A_91, %dma_start3A_207] : memref<10240x128xf32, #tpu.memory_space<vmem_shared>> -> memref<16x128xf32, #tpu.memory_space<vmem_shared>>
      %dma_start3A_209 = arith.constant 0 : i32
      %dma_start3A_210 = tpu.memref_slice %arg19[%add3A_91, %dma_start3A_209] : memref<10240x128xf32, #tpu.memory_space<vmem_shared>> -> memref<16x128xf32, #tpu.memory_space<vmem_shared>>
      tpu.enqueue_dma source(%arg9 : memref<16x128xf32, #tpu.memory_space<vmem>>) target(%dma_start3A_210 : memref<16x128xf32, #tpu.memory_space<vmem_shared>>) target_semaphore(%run_scoped3A : memref<!tpu.dma_semaphore, #tpu.memory_space<semaphore_mem>>)
      %dma_wait3A = arith.constant 0 : i32
      %dma_wait3A_211 = tpu.memref_slice %arg19[%add3A_91, %dma_wait3A] : memref<10240x128xf32, #tpu.memory_space<vmem_shared>> -> memref<16x128xf32, #tpu.memory_space<vmem_shared>>
      %dma_wait3A_212 = arith.constant 0 : i32
      %dma_wait3A_213 = tpu.memref_slice %arg19[%add3A_91, %dma_wait3A_212] : memref<10240x128xf32, #tpu.memory_space<vmem_shared>> -> memref<16x128xf32, #tpu.memory_space<vmem_shared>>
      tpu.wait_dma2 semaphore(%run_scoped3A : memref<!tpu.dma_semaphore, #tpu.memory_space<semaphore_mem>>) src(%arg9 : memref<16x128xf32, #tpu.memory_space<vmem>>) dst(%dma_wait3A_213 : memref<16x128xf32, #tpu.memory_space<vmem_shared>>)
      tpu.yield
    }) : () -> ()
    %mul3A_92 = arith.constant 640 : i32
    %mul3A_93 = arith.muli %arg1, %mul3A_92 : i32
    %add3A_94 = arith.constant 320 : i32
    %add3A_95 = arith.addi %mul3A_93, %add3A_94 : i32
    "tpu.region"() ({
      %run_scoped3A = tpu.sem_alloc : memref<!tpu.dma_semaphore, #tpu.memory_space<semaphore_mem>>
      %dma_start3A_207 = arith.constant 0 : i32
      %dma_start3A_208 = tpu.memref_slice %arg19[%add3A_95, %dma_start3A_207] : memref<10240x128xf32, #tpu.memory_space<vmem_shared>> -> memref<16x128xf32, #tpu.memory_space<vmem_shared>>
      %dma_start3A_209 = arith.constant 0 : i32
      %dma_start3A_210 = tpu.memref_slice %arg19[%add3A_95, %dma_start3A_209] : memref<10240x128xf32, #tpu.memory_space<vmem_shared>> -> memref<16x128xf32, #tpu.memory_space<vmem_shared>>
      tpu.enqueue_dma source(%arg9 : memref<16x128xf32, #tpu.memory_space<vmem>>) target(%dma_start3A_210 : memref<16x128xf32, #tpu.memory_space<vmem_shared>>) target_semaphore(%run_scoped3A : memref<!tpu.dma_semaphore, #tpu.memory_space<semaphore_mem>>)
      %dma_wait3A = arith.constant 0 : i32
      %dma_wait3A_211 = tpu.memref_slice %arg19[%add3A_95, %dma_wait3A] : memref<10240x128xf32, #tpu.memory_space<vmem_shared>> -> memref<16x128xf32, #tpu.memory_space<vmem_shared>>
      %dma_wait3A_212 = arith.constant 0 : i32
      %dma_wait3A_213 = tpu.memref_slice %arg19[%add3A_95, %dma_wait3A_212] : memref<10240x128xf32, #tpu.memory_space<vmem_shared>> -> memref<16x128xf32, #tpu.memory_space<vmem_shared>>
      tpu.wait_dma2 semaphore(%run_scoped3A : memref<!tpu.dma_semaphore, #tpu.memory_space<semaphore_mem>>) src(%arg9 : memref<16x128xf32, #tpu.memory_space<vmem>>) dst(%dma_wait3A_213 : memref<16x128xf32, #tpu.memory_space<vmem_shared>>)
      tpu.yield
    }) : () -> ()
    %mul3A_96 = arith.constant 640 : i32
    %mul3A_97 = arith.muli %arg1, %mul3A_96 : i32
    %add3A_98 = arith.constant 336 : i32
    %add3A_99 = arith.addi %mul3A_97, %add3A_98 : i32
    "tpu.region"() ({
      %run_scoped3A = tpu.sem_alloc : memref<!tpu.dma_semaphore, #tpu.memory_space<semaphore_mem>>
      %dma_start3A_207 = arith.constant 0 : i32
      %dma_start3A_208 = tpu.memref_slice %arg19[%add3A_99, %dma_start3A_207] : memref<10240x128xf32, #tpu.memory_space<vmem_shared>> -> memref<16x128xf32, #tpu.memory_space<vmem_shared>>
      %dma_start3A_209 = arith.constant 0 : i32
      %dma_start3A_210 = tpu.memref_slice %arg19[%add3A_99, %dma_start3A_209] : memref<10240x128xf32, #tpu.memory_space<vmem_shared>> -> memref<16x128xf32, #tpu.memory_space<vmem_shared>>
      tpu.enqueue_dma source(%arg9 : memref<16x128xf32, #tpu.memory_space<vmem>>) target(%dma_start3A_210 : memref<16x128xf32, #tpu.memory_space<vmem_shared>>) target_semaphore(%run_scoped3A : memref<!tpu.dma_semaphore, #tpu.memory_space<semaphore_mem>>)
      %dma_wait3A = arith.constant 0 : i32
      %dma_wait3A_211 = tpu.memref_slice %arg19[%add3A_99, %dma_wait3A] : memref<10240x128xf32, #tpu.memory_space<vmem_shared>> -> memref<16x128xf32, #tpu.memory_space<vmem_shared>>
      %dma_wait3A_212 = arith.constant 0 : i32
      %dma_wait3A_213 = tpu.memref_slice %arg19[%add3A_99, %dma_wait3A_212] : memref<10240x128xf32, #tpu.memory_space<vmem_shared>> -> memref<16x128xf32, #tpu.memory_space<vmem_shared>>
      tpu.wait_dma2 semaphore(%run_scoped3A : memref<!tpu.dma_semaphore, #tpu.memory_space<semaphore_mem>>) src(%arg9 : memref<16x128xf32, #tpu.memory_space<vmem>>) dst(%dma_wait3A_213 : memref<16x128xf32, #tpu.memory_space<vmem_shared>>)
      tpu.yield
    }) : () -> ()
    %mul3A_100 = arith.constant 640 : i32
    %mul3A_101 = arith.muli %arg1, %mul3A_100 : i32
    %add3A_102 = arith.constant 352 : i32
    %add3A_103 = arith.addi %mul3A_101, %add3A_102 : i32
    "tpu.region"() ({
      %run_scoped3A = tpu.sem_alloc : memref<!tpu.dma_semaphore, #tpu.memory_space<semaphore_mem>>
      %dma_start3A_207 = arith.constant 0 : i32
      %dma_start3A_208 = tpu.memref_slice %arg19[%add3A_103, %dma_start3A_207] : memref<10240x128xf32, #tpu.memory_space<vmem_shared>> -> memref<16x128xf32, #tpu.memory_space<vmem_shared>>
      %dma_start3A_209 = arith.constant 0 : i32
      %dma_start3A_210 = tpu.memref_slice %arg19[%add3A_103, %dma_start3A_209] : memref<10240x128xf32, #tpu.memory_space<vmem_shared>> -> memref<16x128xf32, #tpu.memory_space<vmem_shared>>
      tpu.enqueue_dma source(%arg9 : memref<16x128xf32, #tpu.memory_space<vmem>>) target(%dma_start3A_210 : memref<16x128xf32, #tpu.memory_space<vmem_shared>>) target_semaphore(%run_scoped3A : memref<!tpu.dma_semaphore, #tpu.memory_space<semaphore_mem>>)
      %dma_wait3A = arith.constant 0 : i32
      %dma_wait3A_211 = tpu.memref_slice %arg19[%add3A_103, %dma_wait3A] : memref<10240x128xf32, #tpu.memory_space<vmem_shared>> -> memref<16x128xf32, #tpu.memory_space<vmem_shared>>
      %dma_wait3A_212 = arith.constant 0 : i32
      %dma_wait3A_213 = tpu.memref_slice %arg19[%add3A_103, %dma_wait3A_212] : memref<10240x128xf32, #tpu.memory_space<vmem_shared>> -> memref<16x128xf32, #tpu.memory_space<vmem_shared>>
      tpu.wait_dma2 semaphore(%run_scoped3A : memref<!tpu.dma_semaphore, #tpu.memory_space<semaphore_mem>>) src(%arg9 : memref<16x128xf32, #tpu.memory_space<vmem>>) dst(%dma_wait3A_213 : memref<16x128xf32, #tpu.memory_space<vmem_shared>>)
      tpu.yield
    }) : () -> ()
    %mul3A_104 = arith.constant 640 : i32
    %mul3A_105 = arith.muli %arg1, %mul3A_104 : i32
    %add3A_106 = arith.constant 368 : i32
    %add3A_107 = arith.addi %mul3A_105, %add3A_106 : i32
    "tpu.region"() ({
      %run_scoped3A = tpu.sem_alloc : memref<!tpu.dma_semaphore, #tpu.memory_space<semaphore_mem>>
      %dma_start3A_207 = arith.constant 0 : i32
      %dma_start3A_208 = tpu.memref_slice %arg19[%add3A_107, %dma_start3A_207] : memref<10240x128xf32, #tpu.memory_space<vmem_shared>> -> memref<16x128xf32, #tpu.memory_space<vmem_shared>>
      %dma_start3A_209 = arith.constant 0 : i32
      %dma_start3A_210 = tpu.memref_slice %arg19[%add3A_107, %dma_start3A_209] : memref<10240x128xf32, #tpu.memory_space<vmem_shared>> -> memref<16x128xf32, #tpu.memory_space<vmem_shared>>
      tpu.enqueue_dma source(%arg9 : memref<16x128xf32, #tpu.memory_space<vmem>>) target(%dma_start3A_210 : memref<16x128xf32, #tpu.memory_space<vmem_shared>>) target_semaphore(%run_scoped3A : memref<!tpu.dma_semaphore, #tpu.memory_space<semaphore_mem>>)
      %dma_wait3A = arith.constant 0 : i32
      %dma_wait3A_211 = tpu.memref_slice %arg19[%add3A_107, %dma_wait3A] : memref<10240x128xf32, #tpu.memory_space<vmem_shared>> -> memref<16x128xf32, #tpu.memory_space<vmem_shared>>
      %dma_wait3A_212 = arith.constant 0 : i32
      %dma_wait3A_213 = tpu.memref_slice %arg19[%add3A_107, %dma_wait3A_212] : memref<10240x128xf32, #tpu.memory_space<vmem_shared>> -> memref<16x128xf32, #tpu.memory_space<vmem_shared>>
      tpu.wait_dma2 semaphore(%run_scoped3A : memref<!tpu.dma_semaphore, #tpu.memory_space<semaphore_mem>>) src(%arg9 : memref<16x128xf32, #tpu.memory_space<vmem>>) dst(%dma_wait3A_213 : memref<16x128xf32, #tpu.memory_space<vmem_shared>>)
      tpu.yield
    }) : () -> ()
    %mul3A_108 = arith.constant 640 : i32
    %mul3A_109 = arith.muli %arg1, %mul3A_108 : i32
    %add3A_110 = arith.constant 384 : i32
    %add3A_111 = arith.addi %mul3A_109, %add3A_110 : i32
    "tpu.region"() ({
      %run_scoped3A = tpu.sem_alloc : memref<!tpu.dma_semaphore, #tpu.memory_space<semaphore_mem>>
      %dma_start3A_207 = arith.constant 0 : i32
      %dma_start3A_208 = tpu.memref_slice %arg19[%add3A_111, %dma_start3A_207] : memref<10240x128xf32, #tpu.memory_space<vmem_shared>> -> memref<16x128xf32, #tpu.memory_space<vmem_shared>>
      %dma_start3A_209 = arith.constant 0 : i32
      %dma_start3A_210 = tpu.memref_slice %arg19[%add3A_111, %dma_start3A_209] : memref<10240x128xf32, #tpu.memory_space<vmem_shared>> -> memref<16x128xf32, #tpu.memory_space<vmem_shared>>
      tpu.enqueue_dma source(%arg9 : memref<16x128xf32, #tpu.memory_space<vmem>>) target(%dma_start3A_210 : memref<16x128xf32, #tpu.memory_space<vmem_shared>>) target_semaphore(%run_scoped3A : memref<!tpu.dma_semaphore, #tpu.memory_space<semaphore_mem>>)
      %dma_wait3A = arith.constant 0 : i32
      %dma_wait3A_211 = tpu.memref_slice %arg19[%add3A_111, %dma_wait3A] : memref<10240x128xf32, #tpu.memory_space<vmem_shared>> -> memref<16x128xf32, #tpu.memory_space<vmem_shared>>
      %dma_wait3A_212 = arith.constant 0 : i32
      %dma_wait3A_213 = tpu.memref_slice %arg19[%add3A_111, %dma_wait3A_212] : memref<10240x128xf32, #tpu.memory_space<vmem_shared>> -> memref<16x128xf32, #tpu.memory_space<vmem_shared>>
      tpu.wait_dma2 semaphore(%run_scoped3A : memref<!tpu.dma_semaphore, #tpu.memory_space<semaphore_mem>>) src(%arg9 : memref<16x128xf32, #tpu.memory_space<vmem>>) dst(%dma_wait3A_213 : memref<16x128xf32, #tpu.memory_space<vmem_shared>>)
      tpu.yield
    }) : () -> ()
    %mul3A_112 = arith.constant 640 : i32
    %mul3A_113 = arith.muli %arg1, %mul3A_112 : i32
    %add3A_114 = arith.constant 400 : i32
    %add3A_115 = arith.addi %mul3A_113, %add3A_114 : i32
    "tpu.region"() ({
      %run_scoped3A = tpu.sem_alloc : memref<!tpu.dma_semaphore, #tpu.memory_space<semaphore_mem>>
      %dma_start3A_207 = arith.constant 0 : i32
      %dma_start3A_208 = tpu.memref_slice %arg19[%add3A_115, %dma_start3A_207] : memref<10240x128xf32, #tpu.memory_space<vmem_shared>> -> memref<16x128xf32, #tpu.memory_space<vmem_shared>>
      %dma_start3A_209 = arith.constant 0 : i32
      %dma_start3A_210 = tpu.memref_slice %arg19[%add3A_115, %dma_start3A_209] : memref<10240x128xf32, #tpu.memory_space<vmem_shared>> -> memref<16x128xf32, #tpu.memory_space<vmem_shared>>
      tpu.enqueue_dma source(%arg9 : memref<16x128xf32, #tpu.memory_space<vmem>>) target(%dma_start3A_210 : memref<16x128xf32, #tpu.memory_space<vmem_shared>>) target_semaphore(%run_scoped3A : memref<!tpu.dma_semaphore, #tpu.memory_space<semaphore_mem>>)
      %dma_wait3A = arith.constant 0 : i32
      %dma_wait3A_211 = tpu.memref_slice %arg19[%add3A_115, %dma_wait3A] : memref<10240x128xf32, #tpu.memory_space<vmem_shared>> -> memref<16x128xf32, #tpu.memory_space<vmem_shared>>
      %dma_wait3A_212 = arith.constant 0 : i32
      %dma_wait3A_213 = tpu.memref_slice %arg19[%add3A_115, %dma_wait3A_212] : memref<10240x128xf32, #tpu.memory_space<vmem_shared>> -> memref<16x128xf32, #tpu.memory_space<vmem_shared>>
      tpu.wait_dma2 semaphore(%run_scoped3A : memref<!tpu.dma_semaphore, #tpu.memory_space<semaphore_mem>>) src(%arg9 : memref<16x128xf32, #tpu.memory_space<vmem>>) dst(%dma_wait3A_213 : memref<16x128xf32, #tpu.memory_space<vmem_shared>>)
      tpu.yield
    }) : () -> ()
    %mul3A_116 = arith.constant 640 : i32
    %mul3A_117 = arith.muli %arg1, %mul3A_116 : i32
    %add3A_118 = arith.constant 416 : i32
    %add3A_119 = arith.addi %mul3A_117, %add3A_118 : i32
    "tpu.region"() ({
      %run_scoped3A = tpu.sem_alloc : memref<!tpu.dma_semaphore, #tpu.memory_space<semaphore_mem>>
      %dma_start3A_207 = arith.constant 0 : i32
      %dma_start3A_208 = tpu.memref_slice %arg19[%add3A_119, %dma_start3A_207] : memref<10240x128xf32, #tpu.memory_space<vmem_shared>> -> memref<16x128xf32, #tpu.memory_space<vmem_shared>>
      %dma_start3A_209 = arith.constant 0 : i32
      %dma_start3A_210 = tpu.memref_slice %arg19[%add3A_119, %dma_start3A_209] : memref<10240x128xf32, #tpu.memory_space<vmem_shared>> -> memref<16x128xf32, #tpu.memory_space<vmem_shared>>
      tpu.enqueue_dma source(%arg9 : memref<16x128xf32, #tpu.memory_space<vmem>>) target(%dma_start3A_210 : memref<16x128xf32, #tpu.memory_space<vmem_shared>>) target_semaphore(%run_scoped3A : memref<!tpu.dma_semaphore, #tpu.memory_space<semaphore_mem>>)
      %dma_wait3A = arith.constant 0 : i32
      %dma_wait3A_211 = tpu.memref_slice %arg19[%add3A_119, %dma_wait3A] : memref<10240x128xf32, #tpu.memory_space<vmem_shared>> -> memref<16x128xf32, #tpu.memory_space<vmem_shared>>
      %dma_wait3A_212 = arith.constant 0 : i32
      %dma_wait3A_213 = tpu.memref_slice %arg19[%add3A_119, %dma_wait3A_212] : memref<10240x128xf32, #tpu.memory_space<vmem_shared>> -> memref<16x128xf32, #tpu.memory_space<vmem_shared>>
      tpu.wait_dma2 semaphore(%run_scoped3A : memref<!tpu.dma_semaphore, #tpu.memory_space<semaphore_mem>>) src(%arg9 : memref<16x128xf32, #tpu.memory_space<vmem>>) dst(%dma_wait3A_213 : memref<16x128xf32, #tpu.memory_space<vmem_shared>>)
      tpu.yield
    }) : () -> ()
    %mul3A_120 = arith.constant 640 : i32
    %mul3A_121 = arith.muli %arg1, %mul3A_120 : i32
    %add3A_122 = arith.constant 432 : i32
    %add3A_123 = arith.addi %mul3A_121, %add3A_122 : i32
    "tpu.region"() ({
      %run_scoped3A = tpu.sem_alloc : memref<!tpu.dma_semaphore, #tpu.memory_space<semaphore_mem>>
      %dma_start3A_207 = arith.constant 0 : i32
      %dma_start3A_208 = tpu.memref_slice %arg19[%add3A_123, %dma_start3A_207] : memref<10240x128xf32, #tpu.memory_space<vmem_shared>> -> memref<16x128xf32, #tpu.memory_space<vmem_shared>>
      %dma_start3A_209 = arith.constant 0 : i32
      %dma_start3A_210 = tpu.memref_slice %arg19[%add3A_123, %dma_start3A_209] : memref<10240x128xf32, #tpu.memory_space<vmem_shared>> -> memref<16x128xf32, #tpu.memory_space<vmem_shared>>
      tpu.enqueue_dma source(%arg9 : memref<16x128xf32, #tpu.memory_space<vmem>>) target(%dma_start3A_210 : memref<16x128xf32, #tpu.memory_space<vmem_shared>>) target_semaphore(%run_scoped3A : memref<!tpu.dma_semaphore, #tpu.memory_space<semaphore_mem>>)
      %dma_wait3A = arith.constant 0 : i32
      %dma_wait3A_211 = tpu.memref_slice %arg19[%add3A_123, %dma_wait3A] : memref<10240x128xf32, #tpu.memory_space<vmem_shared>> -> memref<16x128xf32, #tpu.memory_space<vmem_shared>>
      %dma_wait3A_212 = arith.constant 0 : i32
      %dma_wait3A_213 = tpu.memref_slice %arg19[%add3A_123, %dma_wait3A_212] : memref<10240x128xf32, #tpu.memory_space<vmem_shared>> -> memref<16x128xf32, #tpu.memory_space<vmem_shared>>
      tpu.wait_dma2 semaphore(%run_scoped3A : memref<!tpu.dma_semaphore, #tpu.memory_space<semaphore_mem>>) src(%arg9 : memref<16x128xf32, #tpu.memory_space<vmem>>) dst(%dma_wait3A_213 : memref<16x128xf32, #tpu.memory_space<vmem_shared>>)
      tpu.yield
    }) : () -> ()
    %mul3A_124 = arith.constant 640 : i32
    %mul3A_125 = arith.muli %arg1, %mul3A_124 : i32
    %add3A_126 = arith.constant 448 : i32
    %add3A_127 = arith.addi %mul3A_125, %add3A_126 : i32
    "tpu.region"() ({
      %run_scoped3A = tpu.sem_alloc : memref<!tpu.dma_semaphore, #tpu.memory_space<semaphore_mem>>
      %dma_start3A_207 = arith.constant 0 : i32
      %dma_start3A_208 = tpu.memref_slice %arg19[%add3A_127, %dma_start3A_207] : memref<10240x128xf32, #tpu.memory_space<vmem_shared>> -> memref<16x128xf32, #tpu.memory_space<vmem_shared>>
      %dma_start3A_209 = arith.constant 0 : i32
      %dma_start3A_210 = tpu.memref_slice %arg19[%add3A_127, %dma_start3A_209] : memref<10240x128xf32, #tpu.memory_space<vmem_shared>> -> memref<16x128xf32, #tpu.memory_space<vmem_shared>>
      tpu.enqueue_dma source(%arg9 : memref<16x128xf32, #tpu.memory_space<vmem>>) target(%dma_start3A_210 : memref<16x128xf32, #tpu.memory_space<vmem_shared>>) target_semaphore(%run_scoped3A : memref<!tpu.dma_semaphore, #tpu.memory_space<semaphore_mem>>)
      %dma_wait3A = arith.constant 0 : i32
      %dma_wait3A_211 = tpu.memref_slice %arg19[%add3A_127, %dma_wait3A] : memref<10240x128xf32, #tpu.memory_space<vmem_shared>> -> memref<16x128xf32, #tpu.memory_space<vmem_shared>>
      %dma_wait3A_212 = arith.constant 0 : i32
      %dma_wait3A_213 = tpu.memref_slice %arg19[%add3A_127, %dma_wait3A_212] : memref<10240x128xf32, #tpu.memory_space<vmem_shared>> -> memref<16x128xf32, #tpu.memory_space<vmem_shared>>
      tpu.wait_dma2 semaphore(%run_scoped3A : memref<!tpu.dma_semaphore, #tpu.memory_space<semaphore_mem>>) src(%arg9 : memref<16x128xf32, #tpu.memory_space<vmem>>) dst(%dma_wait3A_213 : memref<16x128xf32, #tpu.memory_space<vmem_shared>>)
      tpu.yield
    }) : () -> ()
    %mul3A_128 = arith.constant 640 : i32
    %mul3A_129 = arith.muli %arg1, %mul3A_128 : i32
    %add3A_130 = arith.constant 464 : i32
    %add3A_131 = arith.addi %mul3A_129, %add3A_130 : i32
    "tpu.region"() ({
      %run_scoped3A = tpu.sem_alloc : memref<!tpu.dma_semaphore, #tpu.memory_space<semaphore_mem>>
      %dma_start3A_207 = arith.constant 0 : i32
      %dma_start3A_208 = tpu.memref_slice %arg19[%add3A_131, %dma_start3A_207] : memref<10240x128xf32, #tpu.memory_space<vmem_shared>> -> memref<16x128xf32, #tpu.memory_space<vmem_shared>>
      %dma_start3A_209 = arith.constant 0 : i32
      %dma_start3A_210 = tpu.memref_slice %arg19[%add3A_131, %dma_start3A_209] : memref<10240x128xf32, #tpu.memory_space<vmem_shared>> -> memref<16x128xf32, #tpu.memory_space<vmem_shared>>
      tpu.enqueue_dma source(%arg9 : memref<16x128xf32, #tpu.memory_space<vmem>>) target(%dma_start3A_210 : memref<16x128xf32, #tpu.memory_space<vmem_shared>>) target_semaphore(%run_scoped3A : memref<!tpu.dma_semaphore, #tpu.memory_space<semaphore_mem>>)
      %dma_wait3A = arith.constant 0 : i32
      %dma_wait3A_211 = tpu.memref_slice %arg19[%add3A_131, %dma_wait3A] : memref<10240x128xf32, #tpu.memory_space<vmem_shared>> -> memref<16x128xf32, #tpu.memory_space<vmem_shared>>
      %dma_wait3A_212 = arith.constant 0 : i32
      %dma_wait3A_213 = tpu.memref_slice %arg19[%add3A_131, %dma_wait3A_212] : memref<10240x128xf32, #tpu.memory_space<vmem_shared>> -> memref<16x128xf32, #tpu.memory_space<vmem_shared>>
      tpu.wait_dma2 semaphore(%run_scoped3A : memref<!tpu.dma_semaphore, #tpu.memory_space<semaphore_mem>>) src(%arg9 : memref<16x128xf32, #tpu.memory_space<vmem>>) dst(%dma_wait3A_213 : memref<16x128xf32, #tpu.memory_space<vmem_shared>>)
      tpu.yield
    }) : () -> ()
    %mul3A_132 = arith.constant 640 : i32
    %mul3A_133 = arith.muli %arg1, %mul3A_132 : i32
    %add3A_134 = arith.constant 480 : i32
    %add3A_135 = arith.addi %mul3A_133, %add3A_134 : i32
    "tpu.region"() ({
      %run_scoped3A = tpu.sem_alloc : memref<!tpu.dma_semaphore, #tpu.memory_space<semaphore_mem>>
      %dma_start3A_207 = arith.constant 0 : i32
      %dma_start3A_208 = tpu.memref_slice %arg19[%add3A_135, %dma_start3A_207] : memref<10240x128xf32, #tpu.memory_space<vmem_shared>> -> memref<16x128xf32, #tpu.memory_space<vmem_shared>>
      %dma_start3A_209 = arith.constant 0 : i32
      %dma_start3A_210 = tpu.memref_slice %arg19[%add3A_135, %dma_start3A_209] : memref<10240x128xf32, #tpu.memory_space<vmem_shared>> -> memref<16x128xf32, #tpu.memory_space<vmem_shared>>
      tpu.enqueue_dma source(%arg9 : memref<16x128xf32, #tpu.memory_space<vmem>>) target(%dma_start3A_210 : memref<16x128xf32, #tpu.memory_space<vmem_shared>>) target_semaphore(%run_scoped3A : memref<!tpu.dma_semaphore, #tpu.memory_space<semaphore_mem>>)
      %dma_wait3A = arith.constant 0 : i32
      %dma_wait3A_211 = tpu.memref_slice %arg19[%add3A_135, %dma_wait3A] : memref<10240x128xf32, #tpu.memory_space<vmem_shared>> -> memref<16x128xf32, #tpu.memory_space<vmem_shared>>
      %dma_wait3A_212 = arith.constant 0 : i32
      %dma_wait3A_213 = tpu.memref_slice %arg19[%add3A_135, %dma_wait3A_212] : memref<10240x128xf32, #tpu.memory_space<vmem_shared>> -> memref<16x128xf32, #tpu.memory_space<vmem_shared>>
      tpu.wait_dma2 semaphore(%run_scoped3A : memref<!tpu.dma_semaphore, #tpu.memory_space<semaphore_mem>>) src(%arg9 : memref<16x128xf32, #tpu.memory_space<vmem>>) dst(%dma_wait3A_213 : memref<16x128xf32, #tpu.memory_space<vmem_shared>>)
      tpu.yield
    }) : () -> ()
    %mul3A_136 = arith.constant 640 : i32
    %mul3A_137 = arith.muli %arg1, %mul3A_136 : i32
    %add3A_138 = arith.constant 496 : i32
    %add3A_139 = arith.addi %mul3A_137, %add3A_138 : i32
    "tpu.region"() ({
      %run_scoped3A = tpu.sem_alloc : memref<!tpu.dma_semaphore, #tpu.memory_space<semaphore_mem>>
      %dma_start3A_207 = arith.constant 0 : i32
      %dma_start3A_208 = tpu.memref_slice %arg19[%add3A_139, %dma_start3A_207] : memref<10240x128xf32, #tpu.memory_space<vmem_shared>> -> memref<16x128xf32, #tpu.memory_space<vmem_shared>>
      %dma_start3A_209 = arith.constant 0 : i32
      %dma_start3A_210 = tpu.memref_slice %arg19[%add3A_139, %dma_start3A_209] : memref<10240x128xf32, #tpu.memory_space<vmem_shared>> -> memref<16x128xf32, #tpu.memory_space<vmem_shared>>
      tpu.enqueue_dma source(%arg9 : memref<16x128xf32, #tpu.memory_space<vmem>>) target(%dma_start3A_210 : memref<16x128xf32, #tpu.memory_space<vmem_shared>>) target_semaphore(%run_scoped3A : memref<!tpu.dma_semaphore, #tpu.memory_space<semaphore_mem>>)
      %dma_wait3A = arith.constant 0 : i32
      %dma_wait3A_211 = tpu.memref_slice %arg19[%add3A_139, %dma_wait3A] : memref<10240x128xf32, #tpu.memory_space<vmem_shared>> -> memref<16x128xf32, #tpu.memory_space<vmem_shared>>
      %dma_wait3A_212 = arith.constant 0 : i32
      %dma_wait3A_213 = tpu.memref_slice %arg19[%add3A_139, %dma_wait3A_212] : memref<10240x128xf32, #tpu.memory_space<vmem_shared>> -> memref<16x128xf32, #tpu.memory_space<vmem_shared>>
      tpu.wait_dma2 semaphore(%run_scoped3A : memref<!tpu.dma_semaphore, #tpu.memory_space<semaphore_mem>>) src(%arg9 : memref<16x128xf32, #tpu.memory_space<vmem>>) dst(%dma_wait3A_213 : memref<16x128xf32, #tpu.memory_space<vmem_shared>>)
      tpu.yield
    }) : () -> ()
    %mul3A_140 = arith.constant 640 : i32
    %mul3A_141 = arith.muli %arg1, %mul3A_140 : i32
    %add3A_142 = arith.constant 512 : i32
    %add3A_143 = arith.addi %mul3A_141, %add3A_142 : i32
    "tpu.region"() ({
      %run_scoped3A = tpu.sem_alloc : memref<!tpu.dma_semaphore, #tpu.memory_space<semaphore_mem>>
      %dma_start3A_207 = arith.constant 0 : i32
      %dma_start3A_208 = tpu.memref_slice %arg19[%add3A_143, %dma_start3A_207] : memref<10240x128xf32, #tpu.memory_space<vmem_shared>> -> memref<16x128xf32, #tpu.memory_space<vmem_shared>>
      %dma_start3A_209 = arith.constant 0 : i32
      %dma_start3A_210 = tpu.memref_slice %arg19[%add3A_143, %dma_start3A_209] : memref<10240x128xf32, #tpu.memory_space<vmem_shared>> -> memref<16x128xf32, #tpu.memory_space<vmem_shared>>
      tpu.enqueue_dma source(%arg9 : memref<16x128xf32, #tpu.memory_space<vmem>>) target(%dma_start3A_210 : memref<16x128xf32, #tpu.memory_space<vmem_shared>>) target_semaphore(%run_scoped3A : memref<!tpu.dma_semaphore, #tpu.memory_space<semaphore_mem>>)
      %dma_wait3A = arith.constant 0 : i32
      %dma_wait3A_211 = tpu.memref_slice %arg19[%add3A_143, %dma_wait3A] : memref<10240x128xf32, #tpu.memory_space<vmem_shared>> -> memref<16x128xf32, #tpu.memory_space<vmem_shared>>
      %dma_wait3A_212 = arith.constant 0 : i32
      %dma_wait3A_213 = tpu.memref_slice %arg19[%add3A_143, %dma_wait3A_212] : memref<10240x128xf32, #tpu.memory_space<vmem_shared>> -> memref<16x128xf32, #tpu.memory_space<vmem_shared>>
      tpu.wait_dma2 semaphore(%run_scoped3A : memref<!tpu.dma_semaphore, #tpu.memory_space<semaphore_mem>>) src(%arg9 : memref<16x128xf32, #tpu.memory_space<vmem>>) dst(%dma_wait3A_213 : memref<16x128xf32, #tpu.memory_space<vmem_shared>>)
      tpu.yield
    }) : () -> ()
    %mul3A_144 = arith.constant 640 : i32
    %mul3A_145 = arith.muli %arg1, %mul3A_144 : i32
    %add3A_146 = arith.constant 528 : i32
    %add3A_147 = arith.addi %mul3A_145, %add3A_146 : i32
    "tpu.region"() ({
      %run_scoped3A = tpu.sem_alloc : memref<!tpu.dma_semaphore, #tpu.memory_space<semaphore_mem>>
      %dma_start3A_207 = arith.constant 0 : i32
      %dma_start3A_208 = tpu.memref_slice %arg19[%add3A_147, %dma_start3A_207] : memref<10240x128xf32, #tpu.memory_space<vmem_shared>> -> memref<16x128xf32, #tpu.memory_space<vmem_shared>>
      %dma_start3A_209 = arith.constant 0 : i32
      %dma_start3A_210 = tpu.memref_slice %arg19[%add3A_147, %dma_start3A_209] : memref<10240x128xf32, #tpu.memory_space<vmem_shared>> -> memref<16x128xf32, #tpu.memory_space<vmem_shared>>
      tpu.enqueue_dma source(%arg9 : memref<16x128xf32, #tpu.memory_space<vmem>>) target(%dma_start3A_210 : memref<16x128xf32, #tpu.memory_space<vmem_shared>>) target_semaphore(%run_scoped3A : memref<!tpu.dma_semaphore, #tpu.memory_space<semaphore_mem>>)
      %dma_wait3A = arith.constant 0 : i32
      %dma_wait3A_211 = tpu.memref_slice %arg19[%add3A_147, %dma_wait3A] : memref<10240x128xf32, #tpu.memory_space<vmem_shared>> -> memref<16x128xf32, #tpu.memory_space<vmem_shared>>
      %dma_wait3A_212 = arith.constant 0 : i32
      %dma_wait3A_213 = tpu.memref_slice %arg19[%add3A_147, %dma_wait3A_212] : memref<10240x128xf32, #tpu.memory_space<vmem_shared>> -> memref<16x128xf32, #tpu.memory_space<vmem_shared>>
      tpu.wait_dma2 semaphore(%run_scoped3A : memref<!tpu.dma_semaphore, #tpu.memory_space<semaphore_mem>>) src(%arg9 : memref<16x128xf32, #tpu.memory_space<vmem>>) dst(%dma_wait3A_213 : memref<16x128xf32, #tpu.memory_space<vmem_shared>>)
      tpu.yield
    }) : () -> ()
    %mul3A_148 = arith.constant 640 : i32
    %mul3A_149 = arith.muli %arg1, %mul3A_148 : i32
    %add3A_150 = arith.constant 544 : i32
    %add3A_151 = arith.addi %mul3A_149, %add3A_150 : i32
    "tpu.region"() ({
      %run_scoped3A = tpu.sem_alloc : memref<!tpu.dma_semaphore, #tpu.memory_space<semaphore_mem>>
      %dma_start3A_207 = arith.constant 0 : i32
      %dma_start3A_208 = tpu.memref_slice %arg19[%add3A_151, %dma_start3A_207] : memref<10240x128xf32, #tpu.memory_space<vmem_shared>> -> memref<16x128xf32, #tpu.memory_space<vmem_shared>>
      %dma_start3A_209 = arith.constant 0 : i32
      %dma_start3A_210 = tpu.memref_slice %arg19[%add3A_151, %dma_start3A_209] : memref<10240x128xf32, #tpu.memory_space<vmem_shared>> -> memref<16x128xf32, #tpu.memory_space<vmem_shared>>
      tpu.enqueue_dma source(%arg9 : memref<16x128xf32, #tpu.memory_space<vmem>>) target(%dma_start3A_210 : memref<16x128xf32, #tpu.memory_space<vmem_shared>>) target_semaphore(%run_scoped3A : memref<!tpu.dma_semaphore, #tpu.memory_space<semaphore_mem>>)
      %dma_wait3A = arith.constant 0 : i32
      %dma_wait3A_211 = tpu.memref_slice %arg19[%add3A_151, %dma_wait3A] : memref<10240x128xf32, #tpu.memory_space<vmem_shared>> -> memref<16x128xf32, #tpu.memory_space<vmem_shared>>
      %dma_wait3A_212 = arith.constant 0 : i32
      %dma_wait3A_213 = tpu.memref_slice %arg19[%add3A_151, %dma_wait3A_212] : memref<10240x128xf32, #tpu.memory_space<vmem_shared>> -> memref<16x128xf32, #tpu.memory_space<vmem_shared>>
      tpu.wait_dma2 semaphore(%run_scoped3A : memref<!tpu.dma_semaphore, #tpu.memory_space<semaphore_mem>>) src(%arg9 : memref<16x128xf32, #tpu.memory_space<vmem>>) dst(%dma_wait3A_213 : memref<16x128xf32, #tpu.memory_space<vmem_shared>>)
      tpu.yield
    }) : () -> ()
    %mul3A_152 = arith.constant 640 : i32
    %mul3A_153 = arith.muli %arg1, %mul3A_152 : i32
    %add3A_154 = arith.constant 560 : i32
    %add3A_155 = arith.addi %mul3A_153, %add3A_154 : i32
    "tpu.region"() ({
      %run_scoped3A = tpu.sem_alloc : memref<!tpu.dma_semaphore, #tpu.memory_space<semaphore_mem>>
      %dma_start3A_207 = arith.constant 0 : i32
      %dma_start3A_208 = tpu.memref_slice %arg19[%add3A_155, %dma_start3A_207] : memref<10240x128xf32, #tpu.memory_space<vmem_shared>> -> memref<16x128xf32, #tpu.memory_space<vmem_shared>>
      %dma_start3A_209 = arith.constant 0 : i32
      %dma_start3A_210 = tpu.memref_slice %arg19[%add3A_155, %dma_start3A_209] : memref<10240x128xf32, #tpu.memory_space<vmem_shared>> -> memref<16x128xf32, #tpu.memory_space<vmem_shared>>
      tpu.enqueue_dma source(%arg9 : memref<16x128xf32, #tpu.memory_space<vmem>>) target(%dma_start3A_210 : memref<16x128xf32, #tpu.memory_space<vmem_shared>>) target_semaphore(%run_scoped3A : memref<!tpu.dma_semaphore, #tpu.memory_space<semaphore_mem>>)
      %dma_wait3A = arith.constant 0 : i32
      %dma_wait3A_211 = tpu.memref_slice %arg19[%add3A_155, %dma_wait3A] : memref<10240x128xf32, #tpu.memory_space<vmem_shared>> -> memref<16x128xf32, #tpu.memory_space<vmem_shared>>
      %dma_wait3A_212 = arith.constant 0 : i32
      %dma_wait3A_213 = tpu.memref_slice %arg19[%add3A_155, %dma_wait3A_212] : memref<10240x128xf32, #tpu.memory_space<vmem_shared>> -> memref<16x128xf32, #tpu.memory_space<vmem_shared>>
      tpu.wait_dma2 semaphore(%run_scoped3A : memref<!tpu.dma_semaphore, #tpu.memory_space<semaphore_mem>>) src(%arg9 : memref<16x128xf32, #tpu.memory_space<vmem>>) dst(%dma_wait3A_213 : memref<16x128xf32, #tpu.memory_space<vmem_shared>>)
      tpu.yield
    }) : () -> ()
    %mul3A_156 = arith.constant 640 : i32
    %mul3A_157 = arith.muli %arg1, %mul3A_156 : i32
    %add3A_158 = arith.constant 576 : i32
    %add3A_159 = arith.addi %mul3A_157, %add3A_158 : i32
    "tpu.region"() ({
      %run_scoped3A = tpu.sem_alloc : memref<!tpu.dma_semaphore, #tpu.memory_space<semaphore_mem>>
      %dma_start3A_207 = arith.constant 0 : i32
      %dma_start3A_208 = tpu.memref_slice %arg19[%add3A_159, %dma_start3A_207] : memref<10240x128xf32, #tpu.memory_space<vmem_shared>> -> memref<16x128xf32, #tpu.memory_space<vmem_shared>>
      %dma_start3A_209 = arith.constant 0 : i32
      %dma_start3A_210 = tpu.memref_slice %arg19[%add3A_159, %dma_start3A_209] : memref<10240x128xf32, #tpu.memory_space<vmem_shared>> -> memref<16x128xf32, #tpu.memory_space<vmem_shared>>
      tpu.enqueue_dma source(%arg9 : memref<16x128xf32, #tpu.memory_space<vmem>>) target(%dma_start3A_210 : memref<16x128xf32, #tpu.memory_space<vmem_shared>>) target_semaphore(%run_scoped3A : memref<!tpu.dma_semaphore, #tpu.memory_space<semaphore_mem>>)
      %dma_wait3A = arith.constant 0 : i32
      %dma_wait3A_211 = tpu.memref_slice %arg19[%add3A_159, %dma_wait3A] : memref<10240x128xf32, #tpu.memory_space<vmem_shared>> -> memref<16x128xf32, #tpu.memory_space<vmem_shared>>
      %dma_wait3A_212 = arith.constant 0 : i32
      %dma_wait3A_213 = tpu.memref_slice %arg19[%add3A_159, %dma_wait3A_212] : memref<10240x128xf32, #tpu.memory_space<vmem_shared>> -> memref<16x128xf32, #tpu.memory_space<vmem_shared>>
      tpu.wait_dma2 semaphore(%run_scoped3A : memref<!tpu.dma_semaphore, #tpu.memory_space<semaphore_mem>>) src(%arg9 : memref<16x128xf32, #tpu.memory_space<vmem>>) dst(%dma_wait3A_213 : memref<16x128xf32, #tpu.memory_space<vmem_shared>>)
      tpu.yield
    }) : () -> ()
    %mul3A_160 = arith.constant 640 : i32
    %mul3A_161 = arith.muli %arg1, %mul3A_160 : i32
    %add3A_162 = arith.constant 592 : i32
    %add3A_163 = arith.addi %mul3A_161, %add3A_162 : i32
    "tpu.region"() ({
      %run_scoped3A = tpu.sem_alloc : memref<!tpu.dma_semaphore, #tpu.memory_space<semaphore_mem>>
      %dma_start3A_207 = arith.constant 0 : i32
      %dma_start3A_208 = tpu.memref_slice %arg19[%add3A_163, %dma_start3A_207] : memref<10240x128xf32, #tpu.memory_space<vmem_shared>> -> memref<16x128xf32, #tpu.memory_space<vmem_shared>>
      %dma_start3A_209 = arith.constant 0 : i32
      %dma_start3A_210 = tpu.memref_slice %arg19[%add3A_163, %dma_start3A_209] : memref<10240x128xf32, #tpu.memory_space<vmem_shared>> -> memref<16x128xf32, #tpu.memory_space<vmem_shared>>
      tpu.enqueue_dma source(%arg9 : memref<16x128xf32, #tpu.memory_space<vmem>>) target(%dma_start3A_210 : memref<16x128xf32, #tpu.memory_space<vmem_shared>>) target_semaphore(%run_scoped3A : memref<!tpu.dma_semaphore, #tpu.memory_space<semaphore_mem>>)
      %dma_wait3A = arith.constant 0 : i32
      %dma_wait3A_211 = tpu.memref_slice %arg19[%add3A_163, %dma_wait3A] : memref<10240x128xf32, #tpu.memory_space<vmem_shared>> -> memref<16x128xf32, #tpu.memory_space<vmem_shared>>
      %dma_wait3A_212 = arith.constant 0 : i32
      %dma_wait3A_213 = tpu.memref_slice %arg19[%add3A_163, %dma_wait3A_212] : memref<10240x128xf32, #tpu.memory_space<vmem_shared>> -> memref<16x128xf32, #tpu.memory_space<vmem_shared>>
      tpu.wait_dma2 semaphore(%run_scoped3A : memref<!tpu.dma_semaphore, #tpu.memory_space<semaphore_mem>>) src(%arg9 : memref<16x128xf32, #tpu.memory_space<vmem>>) dst(%dma_wait3A_213 : memref<16x128xf32, #tpu.memory_space<vmem_shared>>)
      tpu.yield
    }) : () -> ()
    %mul3A_164 = arith.constant 640 : i32
    %mul3A_165 = arith.muli %arg1, %mul3A_164 : i32
    %add3A_166 = arith.constant 608 : i32
    %add3A_167 = arith.addi %mul3A_165, %add3A_166 : i32
    "tpu.region"() ({
      %run_scoped3A = tpu.sem_alloc : memref<!tpu.dma_semaphore, #tpu.memory_space<semaphore_mem>>
      %dma_start3A_207 = arith.constant 0 : i32
      %dma_start3A_208 = tpu.memref_slice %arg19[%add3A_167, %dma_start3A_207] : memref<10240x128xf32, #tpu.memory_space<vmem_shared>> -> memref<16x128xf32, #tpu.memory_space<vmem_shared>>
      %dma_start3A_209 = arith.constant 0 : i32
      %dma_start3A_210 = tpu.memref_slice %arg19[%add3A_167, %dma_start3A_209] : memref<10240x128xf32, #tpu.memory_space<vmem_shared>> -> memref<16x128xf32, #tpu.memory_space<vmem_shared>>
      tpu.enqueue_dma source(%arg9 : memref<16x128xf32, #tpu.memory_space<vmem>>) target(%dma_start3A_210 : memref<16x128xf32, #tpu.memory_space<vmem_shared>>) target_semaphore(%run_scoped3A : memref<!tpu.dma_semaphore, #tpu.memory_space<semaphore_mem>>)
      %dma_wait3A = arith.constant 0 : i32
      %dma_wait3A_211 = tpu.memref_slice %arg19[%add3A_167, %dma_wait3A] : memref<10240x128xf32, #tpu.memory_space<vmem_shared>> -> memref<16x128xf32, #tpu.memory_space<vmem_shared>>
      %dma_wait3A_212 = arith.constant 0 : i32
      %dma_wait3A_213 = tpu.memref_slice %arg19[%add3A_167, %dma_wait3A_212] : memref<10240x128xf32, #tpu.memory_space<vmem_shared>> -> memref<16x128xf32, #tpu.memory_space<vmem_shared>>
      tpu.wait_dma2 semaphore(%run_scoped3A : memref<!tpu.dma_semaphore, #tpu.memory_space<semaphore_mem>>) src(%arg9 : memref<16x128xf32, #tpu.memory_space<vmem>>) dst(%dma_wait3A_213 : memref<16x128xf32, #tpu.memory_space<vmem_shared>>)
      tpu.yield
    }) : () -> ()
    %mul3A_168 = arith.constant 640 : i32
    %mul3A_169 = arith.muli %arg1, %mul3A_168 : i32
    %add3A_170 = arith.constant 624 : i32
    %add3A_171 = arith.addi %mul3A_169, %add3A_170 : i32
    "tpu.region"() ({
      %run_scoped3A = tpu.sem_alloc : memref<!tpu.dma_semaphore, #tpu.memory_space<semaphore_mem>>
      %dma_start3A_207 = arith.constant 0 : i32
      %dma_start3A_208 = tpu.memref_slice %arg19[%add3A_171, %dma_start3A_207] : memref<10240x128xf32, #tpu.memory_space<vmem_shared>> -> memref<16x128xf32, #tpu.memory_space<vmem_shared>>
      %dma_start3A_209 = arith.constant 0 : i32
      %dma_start3A_210 = tpu.memref_slice %arg19[%add3A_171, %dma_start3A_209] : memref<10240x128xf32, #tpu.memory_space<vmem_shared>> -> memref<16x128xf32, #tpu.memory_space<vmem_shared>>
      tpu.enqueue_dma source(%arg9 : memref<16x128xf32, #tpu.memory_space<vmem>>) target(%dma_start3A_210 : memref<16x128xf32, #tpu.memory_space<vmem_shared>>) target_semaphore(%run_scoped3A : memref<!tpu.dma_semaphore, #tpu.memory_space<semaphore_mem>>)
      %dma_wait3A = arith.constant 0 : i32
      %dma_wait3A_211 = tpu.memref_slice %arg19[%add3A_171, %dma_wait3A] : memref<10240x128xf32, #tpu.memory_space<vmem_shared>> -> memref<16x128xf32, #tpu.memory_space<vmem_shared>>
      %dma_wait3A_212 = arith.constant 0 : i32
      %dma_wait3A_213 = tpu.memref_slice %arg19[%add3A_171, %dma_wait3A_212] : memref<10240x128xf32, #tpu.memory_space<vmem_shared>> -> memref<16x128xf32, #tpu.memory_space<vmem_shared>>
      tpu.wait_dma2 semaphore(%run_scoped3A : memref<!tpu.dma_semaphore, #tpu.memory_space<semaphore_mem>>) src(%arg9 : memref<16x128xf32, #tpu.memory_space<vmem>>) dst(%dma_wait3A_213 : memref<16x128xf32, #tpu.memory_space<vmem_shared>>)
      tpu.yield
    }) : () -> ()
    %barrier3A = arith.constant 0 : index
    tpu.barrier barrier_id(%barrier3A)
    %get3A = arith.constant 0 : index
    %get3A_172 = tpu.vector_load %arg7[%get3A] {strides = array<i32>} : memref<10000xi32, #tpu.memory_space<vmem>>, vector<16xi32>,
    %dma_start3A = arith.constant 0 : i32
    %dma_start3A_173 = arith.constant 0 : i32
    %dma_start3A_174 = tpu.memref_slice %arg4[%dma_start3A, %dma_start3A_173] : memref<10000x128xf32, #tpu.memory_space<hbm>> -> memref<10000x128xf32, #tpu.memory_space<hbm>>
    tpu.enqueue_indirect_dma source(%dma_start3A_174 : memref<10000x128xf32, #tpu.memory_space<hbm>>) target(%arg9 : memref<16x128xf32, #tpu.memory_space<vmem>>) offsets(%get3A_172 : vector<16xi32>) semaphore(%arg14 : memref<!tpu.dma_semaphore, #tpu.memory_space<semaphore_mem>>)
    %get3A_175 = arith.constant 16 : index
    %get3A_176 = tpu.vector_load %arg7[%get3A_175] {strides = array<i32>} : memref<10000xi32, #tpu.memory_space<vmem>>, vector<16xi32>,
    %dma_start3A_177 = arith.constant 0 : i32
    %dma_start3A_178 = arith.constant 0 : i32
    %dma_start3A_179 = tpu.memref_slice %arg4[%dma_start3A_177, %dma_start3A_178] : memref<10000x128xf32, #tpu.memory_space<hbm>> -> memref<10000x128xf32, #tpu.memory_space<hbm>>
    tpu.enqueue_indirect_dma source(%dma_start3A_179 : memref<10000x128xf32, #tpu.memory_space<hbm>>) target(%arg10 : memref<16x128xf32, #tpu.memory_space<vmem>>) offsets(%get3A_176 : vector<16xi32>) semaphore(%arg15 : memref<!tpu.dma_semaphore, #tpu.memory_space<semaphore_mem>>)
    %get3A_180 = arith.constant 32 : index
    %get3A_181 = tpu.vector_load %arg7[%get3A_180] {strides = array<i32>} : memref<10000xi32, #tpu.memory_space<vmem>>, vector<16xi32>,
    %dma_start3A_182 = arith.constant 0 : i32
    %dma_start3A_183 = arith.constant 0 : i32
    %dma_start3A_184 = tpu.memref_slice %arg4[%dma_start3A_182, %dma_start3A_183] : memref<10000x128xf32, #tpu.memory_space<hbm>> -> memref<10000x128xf32, #tpu.memory_space<hbm>>
    tpu.enqueue_indirect_dma source(%dma_start3A_184 : memref<10000x128xf32, #tpu.memory_space<hbm>>) target(%arg11 : memref<16x128xf32, #tpu.memory_space<vmem>>) offsets(%get3A_181 : vector<16xi32>) semaphore(%arg16 : memref<!tpu.dma_semaphore, #tpu.memory_space<semaphore_mem>>)
    %get3A_185 = arith.constant 48 : index
    %get3A_186 = tpu.vector_load %arg7[%get3A_185] {strides = array<i32>} : memref<10000xi32, #tpu.memory_space<vmem>>, vector<16xi32>,
    %dma_start3A_187 = arith.constant 0 : i32
    %dma_start3A_188 = arith.constant 0 : i32
    %dma_start3A_189 = tpu.memref_slice %arg4[%dma_start3A_187, %dma_start3A_188] : memref<10000x128xf32, #tpu.memory_space<hbm>> -> memref<10000x128xf32, #tpu.memory_space<hbm>>
    tpu.enqueue_indirect_dma source(%dma_start3A_189 : memref<10000x128xf32, #tpu.memory_space<hbm>>) target(%arg12 : memref<16x128xf32, #tpu.memory_space<vmem>>) offsets(%get3A_186 : vector<16xi32>) semaphore(%arg17 : memref<!tpu.dma_semaphore, #tpu.memory_space<semaphore_mem>>)
    %get3A_190 = arith.constant 64 : index
    %get3A_191 = tpu.vector_load %arg7[%get3A_190] {strides = array<i32>} : memref<10000xi32, #tpu.memory_space<vmem>>, vector<16xi32>,
    %dma_start3A_192 = arith.constant 0 : i32
    %dma_start3A_193 = arith.constant 0 : i32
    %dma_start3A_194 = tpu.memref_slice %arg4[%dma_start3A_192, %dma_start3A_193] : memref<10000x128xf32, #tpu.memory_space<hbm>> -> memref<10000x128xf32, #tpu.memory_space<hbm>>
    tpu.enqueue_indirect_dma source(%dma_start3A_194 : memref<10000x128xf32, #tpu.memory_space<hbm>>) target(%arg13 : memref<16x128xf32, #tpu.memory_space<vmem>>) offsets(%get3A_191 : vector<16xi32>) semaphore(%arg18 : memref<!tpu.dma_semaphore, #tpu.memory_space<semaphore_mem>>)
    %scan3A_195 = arith.constant 0 : i32
    %scan3A_196 = arith.constant 0 : i32
    %scan3A_197 = arith.constant 125 : i32
    %scan3A_198 = arith.addi %scan3A_196, %scan3A_197 : i32
    %scan3A_199 = arith.constant 1 : i32
    %scan3A_200 = scf.for %scan3A_207 = %scan3A_196 to %scan3A_198 step %scan3A_199 iter_args(%scan3A_208 = %scan3A_195) -> (i32)  : i32 {
      %mul3A_209 = arith.constant 5 : i32
      %mul3A_210 = arith.muli %scan3A_207, %mul3A_209 : i32
      %add3A_211 = arith.constant 0 : i32
      %add3A_212 = arith.addi %mul3A_210, %add3A_211 : i32
      %mul3A_213 = arith.constant 16 : i32
      %mul3A_214 = arith.muli %add3A_212, %mul3A_213 : i32
      %get3A_215 = arith.index_cast %mul3A_214 : i32 to index
      %get3A_216 = tpu.vector_load %arg7[%get3A_215] {strides = array<i32>} : memref<10000xi32, #tpu.memory_space<vmem>>, vector<16xi32>,
      %dma_wait3A = arith.constant 0 : i32
      %dma_wait3A_217 = arith.constant 0 : i32
      %dma_wait3A_218 = tpu.memref_slice %arg4[%dma_wait3A, %dma_wait3A_217] : memref<10000x128xf32, #tpu.memory_space<hbm>> -> memref<10000x128xf32, #tpu.memory_space<hbm>>
      tpu.wait_indirect_dma semaphore(%arg14 : memref<!tpu.dma_semaphore, #tpu.memory_space<semaphore_mem>>) src(%dma_wait3A_218 : memref<10000x128xf32, #tpu.memory_space<hbm>>) dst(%arg9 : memref<16x128xf32, #tpu.memory_space<vmem>>)
      %scan3A_219 = arith.constant 0 : i32
      %scan3A_220 = arith.constant 0 : i32
      %scan3A_221 = arith.constant 16 : i32
      %scan3A_222 = arith.addi %scan3A_220, %scan3A_221 : i32
      %scan3A_223 = arith.constant 1 : i32
      %scan3A_224 = scf.for %scan3A_333 = %scan3A_220 to %scan3A_222 step %scan3A_223 iter_args(%scan3A_334 = %scan3A_219) -> (i32)  : i32 {
        %mul3A_335 = arith.constant 16 : i32
        %mul3A_336 = arith.muli %add3A_212, %mul3A_335 : i32
        %add3A_337 = arith.addi %mul3A_336, %scan3A_333 : i32
        %broadcast_in_dim3A_338 = vector.broadcast %add3A_337 : i32 to vector<16xi32>
        %gather3A = tpu.vector_load_idx %arg6[%broadcast_in_dim3A_338] : memref<10000xf32, #tpu.memory_space<vmem>>[vector<16xi32>], vector<16xf32>,
        %get3A_339 = arith.index_cast %scan3A_333 : i32 to index
        %get3A_340 = arith.constant 0 : index
        %get3A_341 = tpu.vector_load %arg9[%get3A_339, %get3A_340] {strides = array<i32>} : memref<16x128xf32, #tpu.memory_space<vmem>>, vector<16xf32>,
        %mul3A_342 = arith.mulf %get3A_341, %gather3A : vector<16xf32>
        %swap3A = arith.index_cast %scan3A_333 : i32 to index
        %swap3A_343 = arith.constant 0 : index
        %swap3A_344 = tpu.vector_load %arg9[%swap3A, %swap3A_343] {strides = array<i32>} : memref<16x128xf32, #tpu.memory_space<vmem>>, vector<16xf32>,
        tpu.vector_store %arg9[%swap3A, %swap3A_343], %mul3A_342 {strides = array<i32>} : memref<16x128xf32, #tpu.memory_space<vmem>>, vector<16xf32>,
        %get3A_345 = arith.index_cast %scan3A_333 : i32 to index
        %get3A_346 = arith.constant 16 : index
        %get3A_347 = tpu.vector_load %arg9[%get3A_345, %get3A_346] {strides = array<i32>} : memref<16x128xf32, #tpu.memory_space<vmem>>, vector<16xf32>,
        %mul3A_348 = arith.mulf %get3A_347, %gather3A : vector<16xf32>
        %swap3A_349 = arith.index_cast %scan3A_333 : i32 to index
        %swap3A_350 = arith.constant 16 : index
        %swap3A_351 = tpu.vector_load %arg9[%swap3A_349, %swap3A_350] {strides = array<i32>} : memref<16x128xf32, #tpu.memory_space<vmem>>, vector<16xf32>,
        tpu.vector_store %arg9[%swap3A_349, %swap3A_350], %mul3A_348 {strides = array<i32>} : memref<16x128xf32, #tpu.memory_space<vmem>>, vector<16xf32>,
        %get3A_352 = arith.index_cast %scan3A_333 : i32 to index
        %get3A_353 = arith.constant 32 : index
        %get3A_354 = tpu.vector_load %arg9[%get3A_352, %get3A_353] {strides = array<i32>} : memref<16x128xf32, #tpu.memory_space<vmem>>, vector<16xf32>,
        %mul3A_355 = arith.mulf %get3A_354, %gather3A : vector<16xf32>
        %swap3A_356 = arith.index_cast %scan3A_333 : i32 to index
        %swap3A_357 = arith.constant 32 : index
        %swap3A_358 = tpu.vector_load %arg9[%swap3A_356, %swap3A_357] {strides = array<i32>} : memref<16x128xf32, #tpu.memory_space<vmem>>, vector<16xf32>,
        tpu.vector_store %arg9[%swap3A_356, %swap3A_357], %mul3A_355 {strides = array<i32>} : memref<16x128xf32, #tpu.memory_space<vmem>>, vector<16xf32>,
        %get3A_359 = arith.index_cast %scan3A_333 : i32 to index
        %get3A_360 = arith.constant 48 : index
        %get3A_361 = tpu.vector_load %arg9[%get3A_359, %get3A_360] {strides = array<i32>} : memref<16x128xf32, #tpu.memory_space<vmem>>, vector<16xf32>,
        %mul3A_362 = arith.mulf %get3A_361, %gather3A : vector<16xf32>
        %swap3A_363 = arith.index_cast %scan3A_333 : i32 to index
        %swap3A_364 = arith.constant 48 : index
        %swap3A_365 = tpu.vector_load %arg9[%swap3A_363, %swap3A_364] {strides = array<i32>} : memref<16x128xf32, #tpu.memory_space<vmem>>, vector<16xf32>,
        tpu.vector_store %arg9[%swap3A_363, %swap3A_364], %mul3A_362 {strides = array<i32>} : memref<16x128xf32, #tpu.memory_space<vmem>>, vector<16xf32>,
        %get3A_366 = arith.index_cast %scan3A_333 : i32 to index
        %get3A_367 = arith.constant 64 : index
        %get3A_368 = tpu.vector_load %arg9[%get3A_366, %get3A_367] {strides = array<i32>} : memref<16x128xf32, #tpu.memory_space<vmem>>, vector<16xf32>,
        %mul3A_369 = arith.mulf %get3A_368, %gather3A : vector<16xf32>
        %swap3A_370 = arith.index_cast %scan3A_333 : i32 to index
        %swap3A_371 = arith.constant 64 : index
        %swap3A_372 = tpu.vector_load %arg9[%swap3A_370, %swap3A_371] {strides = array<i32>} : memref<16x128xf32, #tpu.memory_space<vmem>>, vector<16xf32>,
        tpu.vector_store %arg9[%swap3A_370, %swap3A_371], %mul3A_369 {strides = array<i32>} : memref<16x128xf32, #tpu.memory_space<vmem>>, vector<16xf32>,
        %get3A_373 = arith.index_cast %scan3A_333 : i32 to index
        %get3A_374 = arith.constant 80 : index
        %get3A_375 = tpu.vector_load %arg9[%get3A_373, %get3A_374] {strides = array<i32>} : memref<16x128xf32, #tpu.memory_space<vmem>>, vector<16xf32>,
        %mul3A_376 = arith.mulf %get3A_375, %gather3A : vector<16xf32>
        %swap3A_377 = arith.index_cast %scan3A_333 : i32 to index
        %swap3A_378 = arith.constant 80 : index
        %swap3A_379 = tpu.vector_load %arg9[%swap3A_377, %swap3A_378] {strides = array<i32>} : memref<16x128xf32, #tpu.memory_space<vmem>>, vector<16xf32>,
        tpu.vector_store %arg9[%swap3A_377, %swap3A_378], %mul3A_376 {strides = array<i32>} : memref<16x128xf32, #tpu.memory_space<vmem>>, vector<16xf32>,
        %get3A_380 = arith.index_cast %scan3A_333 : i32 to index
        %get3A_381 = arith.constant 96 : index
        %get3A_382 = tpu.vector_load %arg9[%get3A_380, %get3A_381] {strides = array<i32>} : memref<16x128xf32, #tpu.memory_space<vmem>>, vector<16xf32>,
        %mul3A_383 = arith.mulf %get3A_382, %gather3A : vector<16xf32>
        %swap3A_384 = arith.index_cast %scan3A_333 : i32 to index
        %swap3A_385 = arith.constant 96 : index
        %swap3A_386 = tpu.vector_load %arg9[%swap3A_384, %swap3A_385] {strides = array<i32>} : memref<16x128xf32, #tpu.memory_space<vmem>>, vector<16xf32>,
        tpu.vector_store %arg9[%swap3A_384, %swap3A_385], %mul3A_383 {strides = array<i32>} : memref<16x128xf32, #tpu.memory_space<vmem>>, vector<16xf32>,
        %get3A_387 = arith.index_cast %scan3A_333 : i32 to index
        %get3A_388 = arith.constant 112 : index
        %get3A_389 = tpu.vector_load %arg9[%get3A_387, %get3A_388] {strides = array<i32>} : memref<16x128xf32, #tpu.memory_space<vmem>>, vector<16xf32>,
        %mul3A_390 = arith.mulf %get3A_389, %gather3A : vector<16xf32>
        %swap3A_391 = arith.index_cast %scan3A_333 : i32 to index
        %swap3A_392 = arith.constant 112 : index
        %swap3A_393 = tpu.vector_load %arg9[%swap3A_391, %swap3A_392] {strides = array<i32>} : memref<16x128xf32, #tpu.memory_space<vmem>>, vector<16xf32>,
        tpu.vector_store %arg9[%swap3A_391, %swap3A_392], %mul3A_390 {strides = array<i32>} : memref<16x128xf32, #tpu.memory_space<vmem>>, vector<16xf32>,
        %scan3A_394 = arith.constant 0 : i32
        scf.yield %scan3A_394 : i32
      }
      %scan3A_225 = arith.constant 16 : i32
      %get3A_226 = arith.index_cast %mul3A_214 : i32 to index
      %get3A_227 = tpu.vector_load %arg8[%get3A_226] {strides = array<i32>} : memref<10000xi32, #tpu.memory_space<vmem>>, vector<16xi32>,
      "tpu.region"() ({
        %run_scoped3A = tpu.sem_alloc : memref<!tpu.dma_semaphore, #tpu.memory_space<semaphore_mem>>
        %dma_start3A_333 = arith.constant 0 : i32
        %dma_start3A_334 = arith.constant 0 : i32
        %dma_start3A_335 = tpu.memref_slice %arg19[%dma_start3A_333, %dma_start3A_334] : memref<10240x128xf32, #tpu.memory_space<vmem_shared>> -> memref<10240x128xf32, #tpu.memory_space<vmem_shared>>
        tpu.enqueue_indirect_dma source(%arg9 : memref<16x128xf32, #tpu.memory_space<vmem>>) target(%dma_start3A_335 : memref<10240x128xf32, #tpu.memory_space<vmem_shared>>) offsets(%get3A_227 : vector<16xi32>) semaphore(%run_scoped3A : memref<!tpu.dma_semaphore, #tpu.memory_space<semaphore_mem>>) {add = true}
        %dma_wait3A_336 = arith.constant 0 : i32
        %dma_wait3A_337 = arith.constant 0 : i32
        %dma_wait3A_338 = tpu.memref_slice %arg19[%dma_wait3A_336, %dma_wait3A_337] : memref<10240x128xf32, #tpu.memory_space<vmem_shared>> -> memref<10240x128xf32, #tpu.memory_space<vmem_shared>>
        tpu.wait_indirect_dma semaphore(%run_scoped3A : memref<!tpu.dma_semaphore, #tpu.memory_space<semaphore_mem>>) src(%arg9 : memref<16x128xf32, #tpu.memory_space<vmem>>) dst(%dma_wait3A_338 : memref<10240x128xf32, #tpu.memory_space<vmem_shared>>)
        tpu.yield
      }) : () -> ()
      %add3A_228 = arith.constant 5 : i32
      %add3A_229 = arith.addi %add3A_212, %add3A_228 : i32
      %lt3A = arith.constant 625 : i32
      %lt3A_230 = arith.cmpi slt, %add3A_229, %lt3A : i32
      %convert_element_type3A = arith.extui %lt3A_230 : i1 to i32
      %cond3A = arith.constant 0 : i32
      %cond3A_231 = arith.cmpi ne, %convert_element_type3A, %cond3A : i32
      scf.if %cond3A_231 {
        %add3A_333 = arith.constant 5 : i32
        %add3A_334 = arith.addi %add3A_212, %add3A_333 : i32
        %mul3A_335 = arith.constant 16 : i32
        %mul3A_336 = arith.muli %add3A_334, %mul3A_335 : i32
        %get3A_337 = arith.index_cast %mul3A_336 : i32 to index
        %get3A_338 = tpu.vector_load %arg7[%get3A_337] {strides = array<i32>} : memref<10000xi32, #tpu.memory_space<vmem>>, vector<16xi32>,
        %dma_start3A_339 = arith.constant 0 : i32
        %dma_start3A_340 = arith.constant 0 : i32
        %dma_start3A_341 = tpu.memref_slice %arg4[%dma_start3A_339, %dma_start3A_340] : memref<10000x128xf32, #tpu.memory_space<hbm>> -> memref<10000x128xf32, #tpu.memory_space<hbm>>
        tpu.enqueue_indirect_dma source(%dma_start3A_341 : memref<10000x128xf32, #tpu.memory_space<hbm>>) target(%arg9 : memref<16x128xf32, #tpu.memory_space<vmem>>) offsets(%get3A_338 : vector<16xi32>) semaphore(%arg14 : memref<!tpu.dma_semaphore, #tpu.memory_space<semaphore_mem>>)
      } else {
      }
      %add3A_232 = arith.constant 1 : i32
      %add3A_233 = arith.addi %mul3A_210, %add3A_232 : i32
      %mul3A_234 = arith.constant 16 : i32
      %mul3A_235 = arith.muli %add3A_233, %mul3A_234 : i32
      %get3A_236 = arith.index_cast %mul3A_235 : i32 to index
      %get3A_237 = tpu.vector_load %arg7[%get3A_236] {strides = array<i32>} : memref<10000xi32, #tpu.memory_space<vmem>>, vector<16xi32>,
      %dma_wait3A_238 = arith.constant 0 : i32
      %dma_wait3A_239 = arith.constant 0 : i32
      %dma_wait3A_240 = tpu.memref_slice %arg4[%dma_wait3A_238, %dma_wait3A_239] : memref<10000x128xf32, #tpu.memory_space<hbm>> -> memref<10000x128xf32, #tpu.memory_space<hbm>>
      tpu.wait_indirect_dma semaphore(%arg15 : memref<!tpu.dma_semaphore, #tpu.memory_space<semaphore_mem>>) src(%dma_wait3A_240 : memref<10000x128xf32, #tpu.memory_space<hbm>>) dst(%arg10 : memref<16x128xf32, #tpu.memory_space<vmem>>)
      %scan3A_241 = arith.constant 0 : i32
      %scan3A_242 = arith.constant 0 : i32
      %scan3A_243 = arith.constant 16 : i32
      %scan3A_244 = arith.addi %scan3A_242, %scan3A_243 : i32
      %scan3A_245 = arith.constant 1 : i32
      %scan3A_246 = scf.for %scan3A_333 = %scan3A_242 to %scan3A_244 step %scan3A_245 iter_args(%scan3A_334 = %scan3A_241) -> (i32)  : i32 {
        %mul3A_335 = arith.constant 16 : i32
        %mul3A_336 = arith.muli %add3A_233, %mul3A_335 : i32
        %add3A_337 = arith.addi %mul3A_336, %scan3A_333 : i32
        %broadcast_in_dim3A_338 = vector.broadcast %add3A_337 : i32 to vector<16xi32>
        %gather3A = tpu.vector_load_idx %arg6[%broadcast_in_dim3A_338] : memref<10000xf32, #tpu.memory_space<vmem>>[vector<16xi32>], vector<16xf32>,
        %get3A_339 = arith.index_cast %scan3A_333 : i32 to index
        %get3A_340 = arith.constant 0 : index
        %get3A_341 = tpu.vector_load %arg10[%get3A_339, %get3A_340] {strides = array<i32>} : memref<16x128xf32, #tpu.memory_space<vmem>>, vector<16xf32>,
        %mul3A_342 = arith.mulf %get3A_341, %gather3A : vector<16xf32>
        %swap3A = arith.index_cast %scan3A_333 : i32 to index
        %swap3A_343 = arith.constant 0 : index
        %swap3A_344 = tpu.vector_load %arg10[%swap3A, %swap3A_343] {strides = array<i32>} : memref<16x128xf32, #tpu.memory_space<vmem>>, vector<16xf32>,
        tpu.vector_store %arg10[%swap3A, %swap3A_343], %mul3A_342 {strides = array<i32>} : memref<16x128xf32, #tpu.memory_space<vmem>>, vector<16xf32>,
        %get3A_345 = arith.index_cast %scan3A_333 : i32 to index
        %get3A_346 = arith.constant 16 : index
        %get3A_347 = tpu.vector_load %arg10[%get3A_345, %get3A_346] {strides = array<i32>} : memref<16x128xf32, #tpu.memory_space<vmem>>, vector<16xf32>,
        %mul3A_348 = arith.mulf %get3A_347, %gather3A : vector<16xf32>
        %swap3A_349 = arith.index_cast %scan3A_333 : i32 to index
        %swap3A_350 = arith.constant 16 : index
        %swap3A_351 = tpu.vector_load %arg10[%swap3A_349, %swap3A_350] {strides = array<i32>} : memref<16x128xf32, #tpu.memory_space<vmem>>, vector<16xf32>,
        tpu.vector_store %arg10[%swap3A_349, %swap3A_350], %mul3A_348 {strides = array<i32>} : memref<16x128xf32, #tpu.memory_space<vmem>>, vector<16xf32>,
        %get3A_352 = arith.index_cast %scan3A_333 : i32 to index
        %get3A_353 = arith.constant 32 : index
        %get3A_354 = tpu.vector_load %arg10[%get3A_352, %get3A_353] {strides = array<i32>} : memref<16x128xf32, #tpu.memory_space<vmem>>, vector<16xf32>,
        %mul3A_355 = arith.mulf %get3A_354, %gather3A : vector<16xf32>
        %swap3A_356 = arith.index_cast %scan3A_333 : i32 to index
        %swap3A_357 = arith.constant 32 : index
        %swap3A_358 = tpu.vector_load %arg10[%swap3A_356, %swap3A_357] {strides = array<i32>} : memref<16x128xf32, #tpu.memory_space<vmem>>, vector<16xf32>,
        tpu.vector_store %arg10[%swap3A_356, %swap3A_357], %mul3A_355 {strides = array<i32>} : memref<16x128xf32, #tpu.memory_space<vmem>>, vector<16xf32>,
        %get3A_359 = arith.index_cast %scan3A_333 : i32 to index
        %get3A_360 = arith.constant 48 : index
        %get3A_361 = tpu.vector_load %arg10[%get3A_359, %get3A_360] {strides = array<i32>} : memref<16x128xf32, #tpu.memory_space<vmem>>, vector<16xf32>,
        %mul3A_362 = arith.mulf %get3A_361, %gather3A : vector<16xf32>
        %swap3A_363 = arith.index_cast %scan3A_333 : i32 to index
        %swap3A_364 = arith.constant 48 : index
        %swap3A_365 = tpu.vector_load %arg10[%swap3A_363, %swap3A_364] {strides = array<i32>} : memref<16x128xf32, #tpu.memory_space<vmem>>, vector<16xf32>,
        tpu.vector_store %arg10[%swap3A_363, %swap3A_364], %mul3A_362 {strides = array<i32>} : memref<16x128xf32, #tpu.memory_space<vmem>>, vector<16xf32>,
        %get3A_366 = arith.index_cast %scan3A_333 : i32 to index
        %get3A_367 = arith.constant 64 : index
        %get3A_368 = tpu.vector_load %arg10[%get3A_366, %get3A_367] {strides = array<i32>} : memref<16x128xf32, #tpu.memory_space<vmem>>, vector<16xf32>,
        %mul3A_369 = arith.mulf %get3A_368, %gather3A : vector<16xf32>
        %swap3A_370 = arith.index_cast %scan3A_333 : i32 to index
        %swap3A_371 = arith.constant 64 : index
        %swap3A_372 = tpu.vector_load %arg10[%swap3A_370, %swap3A_371] {strides = array<i32>} : memref<16x128xf32, #tpu.memory_space<vmem>>, vector<16xf32>,
        tpu.vector_store %arg10[%swap3A_370, %swap3A_371], %mul3A_369 {strides = array<i32>} : memref<16x128xf32, #tpu.memory_space<vmem>>, vector<16xf32>,
        %get3A_373 = arith.index_cast %scan3A_333 : i32 to index
        %get3A_374 = arith.constant 80 : index
        %get3A_375 = tpu.vector_load %arg10[%get3A_373, %get3A_374] {strides = array<i32>} : memref<16x128xf32, #tpu.memory_space<vmem>>, vector<16xf32>,
        %mul3A_376 = arith.mulf %get3A_375, %gather3A : vector<16xf32>
        %swap3A_377 = arith.index_cast %scan3A_333 : i32 to index
        %swap3A_378 = arith.constant 80 : index
        %swap3A_379 = tpu.vector_load %arg10[%swap3A_377, %swap3A_378] {strides = array<i32>} : memref<16x128xf32, #tpu.memory_space<vmem>>, vector<16xf32>,
        tpu.vector_store %arg10[%swap3A_377, %swap3A_378], %mul3A_376 {strides = array<i32>} : memref<16x128xf32, #tpu.memory_space<vmem>>, vector<16xf32>,
        %get3A_380 = arith.index_cast %scan3A_333 : i32 to index
        %get3A_381 = arith.constant 96 : index
        %get3A_382 = tpu.vector_load %arg10[%get3A_380, %get3A_381] {strides = array<i32>} : memref<16x128xf32, #tpu.memory_space<vmem>>, vector<16xf32>,
        %mul3A_383 = arith.mulf %get3A_382, %gather3A : vector<16xf32>
        %swap3A_384 = arith.index_cast %scan3A_333 : i32 to index
        %swap3A_385 = arith.constant 96 : index
        %swap3A_386 = tpu.vector_load %arg10[%swap3A_384, %swap3A_385] {strides = array<i32>} : memref<16x128xf32, #tpu.memory_space<vmem>>, vector<16xf32>,
        tpu.vector_store %arg10[%swap3A_384, %swap3A_385], %mul3A_383 {strides = array<i32>} : memref<16x128xf32, #tpu.memory_space<vmem>>, vector<16xf32>,
        %get3A_387 = arith.index_cast %scan3A_333 : i32 to index
        %get3A_388 = arith.constant 112 : index
        %get3A_389 = tpu.vector_load %arg10[%get3A_387, %get3A_388] {strides = array<i32>} : memref<16x128xf32, #tpu.memory_space<vmem>>, vector<16xf32>,
        %mul3A_390 = arith.mulf %get3A_389, %gather3A : vector<16xf32>
        %swap3A_391 = arith.index_cast %scan3A_333 : i32 to index
        %swap3A_392 = arith.constant 112 : index
        %swap3A_393 = tpu.vector_load %arg10[%swap3A_391, %swap3A_392] {strides = array<i32>} : memref<16x128xf32, #tpu.memory_space<vmem>>, vector<16xf32>,
        tpu.vector_store %arg10[%swap3A_391, %swap3A_392], %mul3A_390 {strides = array<i32>} : memref<16x128xf32, #tpu.memory_space<vmem>>, vector<16xf32>,
        %scan3A_394 = arith.constant 0 : i32
        scf.yield %scan3A_394 : i32
      }
      %scan3A_247 = arith.constant 16 : i32
      %get3A_248 = arith.index_cast %mul3A_235 : i32 to index
      %get3A_249 = tpu.vector_load %arg8[%get3A_248] {strides = array<i32>} : memref<10000xi32, #tpu.memory_space<vmem>>, vector<16xi32>,
      "tpu.region"() ({
        %run_scoped3A = tpu.sem_alloc : memref<!tpu.dma_semaphore, #tpu.memory_space<semaphore_mem>>
        %dma_start3A_333 = arith.constant 0 : i32
        %dma_start3A_334 = arith.constant 0 : i32
        %dma_start3A_335 = tpu.memref_slice %arg19[%dma_start3A_333, %dma_start3A_334] : memref<10240x128xf32, #tpu.memory_space<vmem_shared>> -> memref<10240x128xf32, #tpu.memory_space<vmem_shared>>
        tpu.enqueue_indirect_dma source(%arg10 : memref<16x128xf32, #tpu.memory_space<vmem>>) target(%dma_start3A_335 : memref<10240x128xf32, #tpu.memory_space<vmem_shared>>) offsets(%get3A_249 : vector<16xi32>) semaphore(%run_scoped3A : memref<!tpu.dma_semaphore, #tpu.memory_space<semaphore_mem>>) {add = true}
        %dma_wait3A_336 = arith.constant 0 : i32
        %dma_wait3A_337 = arith.constant 0 : i32
        %dma_wait3A_338 = tpu.memref_slice %arg19[%dma_wait3A_336, %dma_wait3A_337] : memref<10240x128xf32, #tpu.memory_space<vmem_shared>> -> memref<10240x128xf32, #tpu.memory_space<vmem_shared>>
        tpu.wait_indirect_dma semaphore(%run_scoped3A : memref<!tpu.dma_semaphore, #tpu.memory_space<semaphore_mem>>) src(%arg10 : memref<16x128xf32, #tpu.memory_space<vmem>>) dst(%dma_wait3A_338 : memref<10240x128xf32, #tpu.memory_space<vmem_shared>>)
        tpu.yield
      }) : () -> ()
      %add3A_250 = arith.constant 5 : i32
      %add3A_251 = arith.addi %add3A_233, %add3A_250 : i32
      %lt3A_252 = arith.constant 625 : i32
      %lt3A_253 = arith.cmpi slt, %add3A_251, %lt3A_252 : i32
      %convert_element_type3A_254 = arith.extui %lt3A_253 : i1 to i32
      %cond3A_255 = arith.constant 0 : i32
      %cond3A_256 = arith.cmpi ne, %convert_element_type3A_254, %cond3A_255 : i32
      scf.if %cond3A_256 {
        %add3A_333 = arith.constant 5 : i32
        %add3A_334 = arith.addi %add3A_233, %add3A_333 : i32
        %mul3A_335 = arith.constant 16 : i32
        %mul3A_336 = arith.muli %add3A_334, %mul3A_335 : i32
        %get3A_337 = arith.index_cast %mul3A_336 : i32 to index
        %get3A_338 = tpu.vector_load %arg7[%get3A_337] {strides = array<i32>} : memref<10000xi32, #tpu.memory_space<vmem>>, vector<16xi32>,
        %dma_start3A_339 = arith.constant 0 : i32
        %dma_start3A_340 = arith.constant 0 : i32
        %dma_start3A_341 = tpu.memref_slice %arg4[%dma_start3A_339, %dma_start3A_340] : memref<10000x128xf32, #tpu.memory_space<hbm>> -> memref<10000x128xf32, #tpu.memory_space<hbm>>
        tpu.enqueue_indirect_dma source(%dma_start3A_341 : memref<10000x128xf32, #tpu.memory_space<hbm>>) target(%arg10 : memref<16x128xf32, #tpu.memory_space<vmem>>) offsets(%get3A_338 : vector<16xi32>) semaphore(%arg15 : memref<!tpu.dma_semaphore, #tpu.memory_space<semaphore_mem>>)
      } else {
      }
      %add3A_257 = arith.constant 2 : i32
      %add3A_258 = arith.addi %mul3A_210, %add3A_257 : i32
      %mul3A_259 = arith.constant 16 : i32
      %mul3A_260 = arith.muli %add3A_258, %mul3A_259 : i32
      %get3A_261 = arith.index_cast %mul3A_260 : i32 to index
      %get3A_262 = tpu.vector_load %arg7[%get3A_261] {strides = array<i32>} : memref<10000xi32, #tpu.memory_space<vmem>>, vector<16xi32>,
      %dma_wait3A_263 = arith.constant 0 : i32
      %dma_wait3A_264 = arith.constant 0 : i32
      %dma_wait3A_265 = tpu.memref_slice %arg4[%dma_wait3A_263, %dma_wait3A_264] : memref<10000x128xf32, #tpu.memory_space<hbm>> -> memref<10000x128xf32, #tpu.memory_space<hbm>>
      tpu.wait_indirect_dma semaphore(%arg16 : memref<!tpu.dma_semaphore, #tpu.memory_space<semaphore_mem>>) src(%dma_wait3A_265 : memref<10000x128xf32, #tpu.memory_space<hbm>>) dst(%arg11 : memref<16x128xf32, #tpu.memory_space<vmem>>)
      %scan3A_266 = arith.constant 0 : i32
      %scan3A_267 = arith.constant 0 : i32
      %scan3A_268 = arith.constant 16 : i32
      %scan3A_269 = arith.addi %scan3A_267, %scan3A_268 : i32
      %scan3A_270 = arith.constant 1 : i32
      %scan3A_271 = scf.for %scan3A_333 = %scan3A_267 to %scan3A_269 step %scan3A_270 iter_args(%scan3A_334 = %scan3A_266) -> (i32)  : i32 {
        %mul3A_335 = arith.constant 16 : i32
        %mul3A_336 = arith.muli %add3A_258, %mul3A_335 : i32
        %add3A_337 = arith.addi %mul3A_336, %scan3A_333 : i32
        %broadcast_in_dim3A_338 = vector.broadcast %add3A_337 : i32 to vector<16xi32>
        %gather3A = tpu.vector_load_idx %arg6[%broadcast_in_dim3A_338] : memref<10000xf32, #tpu.memory_space<vmem>>[vector<16xi32>], vector<16xf32>,
        %get3A_339 = arith.index_cast %scan3A_333 : i32 to index
        %get3A_340 = arith.constant 0 : index
        %get3A_341 = tpu.vector_load %arg11[%get3A_339, %get3A_340] {strides = array<i32>} : memref<16x128xf32, #tpu.memory_space<vmem>>, vector<16xf32>,
        %mul3A_342 = arith.mulf %get3A_341, %gather3A : vector<16xf32>
        %swap3A = arith.index_cast %scan3A_333 : i32 to index
        %swap3A_343 = arith.constant 0 : index
        %swap3A_344 = tpu.vector_load %arg11[%swap3A, %swap3A_343] {strides = array<i32>} : memref<16x128xf32, #tpu.memory_space<vmem>>, vector<16xf32>,
        tpu.vector_store %arg11[%swap3A, %swap3A_343], %mul3A_342 {strides = array<i32>} : memref<16x128xf32, #tpu.memory_space<vmem>>, vector<16xf32>,
        %get3A_345 = arith.index_cast %scan3A_333 : i32 to index
        %get3A_346 = arith.constant 16 : index
        %get3A_347 = tpu.vector_load %arg11[%get3A_345, %get3A_346] {strides = array<i32>} : memref<16x128xf32, #tpu.memory_space<vmem>>, vector<16xf32>,
        %mul3A_348 = arith.mulf %get3A_347, %gather3A : vector<16xf32>
        %swap3A_349 = arith.index_cast %scan3A_333 : i32 to index
        %swap3A_350 = arith.constant 16 : index
        %swap3A_351 = tpu.vector_load %arg11[%swap3A_349, %swap3A_350] {strides = array<i32>} : memref<16x128xf32, #tpu.memory_space<vmem>>, vector<16xf32>,
        tpu.vector_store %arg11[%swap3A_349, %swap3A_350], %mul3A_348 {strides = array<i32>} : memref<16x128xf32, #tpu.memory_space<vmem>>, vector<16xf32>,
        %get3A_352 = arith.index_cast %scan3A_333 : i32 to index
        %get3A_353 = arith.constant 32 : index
        %get3A_354 = tpu.vector_load %arg11[%get3A_352, %get3A_353] {strides = array<i32>} : memref<16x128xf32, #tpu.memory_space<vmem>>, vector<16xf32>,
        %mul3A_355 = arith.mulf %get3A_354, %gather3A : vector<16xf32>
        %swap3A_356 = arith.index_cast %scan3A_333 : i32 to index
        %swap3A_357 = arith.constant 32 : index
        %swap3A_358 = tpu.vector_load %arg11[%swap3A_356, %swap3A_357] {strides = array<i32>} : memref<16x128xf32, #tpu.memory_space<vmem>>, vector<16xf32>,
        tpu.vector_store %arg11[%swap3A_356, %swap3A_357], %mul3A_355 {strides = array<i32>} : memref<16x128xf32, #tpu.memory_space<vmem>>, vector<16xf32>,
        %get3A_359 = arith.index_cast %scan3A_333 : i32 to index
        %get3A_360 = arith.constant 48 : index
        %get3A_361 = tpu.vector_load %arg11[%get3A_359, %get3A_360] {strides = array<i32>} : memref<16x128xf32, #tpu.memory_space<vmem>>, vector<16xf32>,
        %mul3A_362 = arith.mulf %get3A_361, %gather3A : vector<16xf32>
        %swap3A_363 = arith.index_cast %scan3A_333 : i32 to index
        %swap3A_364 = arith.constant 48 : index
        %swap3A_365 = tpu.vector_load %arg11[%swap3A_363, %swap3A_364] {strides = array<i32>} : memref<16x128xf32, #tpu.memory_space<vmem>>, vector<16xf32>,
        tpu.vector_store %arg11[%swap3A_363, %swap3A_364], %mul3A_362 {strides = array<i32>} : memref<16x128xf32, #tpu.memory_space<vmem>>, vector<16xf32>,
        %get3A_366 = arith.index_cast %scan3A_333 : i32 to index
        %get3A_367 = arith.constant 64 : index
        %get3A_368 = tpu.vector_load %arg11[%get3A_366, %get3A_367] {strides = array<i32>} : memref<16x128xf32, #tpu.memory_space<vmem>>, vector<16xf32>,
        %mul3A_369 = arith.mulf %get3A_368, %gather3A : vector<16xf32>
        %swap3A_370 = arith.index_cast %scan3A_333 : i32 to index
        %swap3A_371 = arith.constant 64 : index
        %swap3A_372 = tpu.vector_load %arg11[%swap3A_370, %swap3A_371] {strides = array<i32>} : memref<16x128xf32, #tpu.memory_space<vmem>>, vector<16xf32>,
        tpu.vector_store %arg11[%swap3A_370, %swap3A_371], %mul3A_369 {strides = array<i32>} : memref<16x128xf32, #tpu.memory_space<vmem>>, vector<16xf32>,
        %get3A_373 = arith.index_cast %scan3A_333 : i32 to index
        %get3A_374 = arith.constant 80 : index
        %get3A_375 = tpu.vector_load %arg11[%get3A_373, %get3A_374] {strides = array<i32>} : memref<16x128xf32, #tpu.memory_space<vmem>>, vector<16xf32>,
        %mul3A_376 = arith.mulf %get3A_375, %gather3A : vector<16xf32>
        %swap3A_377 = arith.index_cast %scan3A_333 : i32 to index
        %swap3A_378 = arith.constant 80 : index
        %swap3A_379 = tpu.vector_load %arg11[%swap3A_377, %swap3A_378] {strides = array<i32>} : memref<16x128xf32, #tpu.memory_space<vmem>>, vector<16xf32>,
        tpu.vector_store %arg11[%swap3A_377, %swap3A_378], %mul3A_376 {strides = array<i32>} : memref<16x128xf32, #tpu.memory_space<vmem>>, vector<16xf32>,
        %get3A_380 = arith.index_cast %scan3A_333 : i32 to index
        %get3A_381 = arith.constant 96 : index
        %get3A_382 = tpu.vector_load %arg11[%get3A_380, %get3A_381] {strides = array<i32>} : memref<16x128xf32, #tpu.memory_space<vmem>>, vector<16xf32>,
        %mul3A_383 = arith.mulf %get3A_382, %gather3A : vector<16xf32>
        %swap3A_384 = arith.index_cast %scan3A_333 : i32 to index
        %swap3A_385 = arith.constant 96 : index
        %swap3A_386 = tpu.vector_load %arg11[%swap3A_384, %swap3A_385] {strides = array<i32>} : memref<16x128xf32, #tpu.memory_space<vmem>>, vector<16xf32>,
        tpu.vector_store %arg11[%swap3A_384, %swap3A_385], %mul3A_383 {strides = array<i32>} : memref<16x128xf32, #tpu.memory_space<vmem>>, vector<16xf32>,
        %get3A_387 = arith.index_cast %scan3A_333 : i32 to index
        %get3A_388 = arith.constant 112 : index
        %get3A_389 = tpu.vector_load %arg11[%get3A_387, %get3A_388] {strides = array<i32>} : memref<16x128xf32, #tpu.memory_space<vmem>>, vector<16xf32>,
        %mul3A_390 = arith.mulf %get3A_389, %gather3A : vector<16xf32>
        %swap3A_391 = arith.index_cast %scan3A_333 : i32 to index
        %swap3A_392 = arith.constant 112 : index
        %swap3A_393 = tpu.vector_load %arg11[%swap3A_391, %swap3A_392] {strides = array<i32>} : memref<16x128xf32, #tpu.memory_space<vmem>>, vector<16xf32>,
        tpu.vector_store %arg11[%swap3A_391, %swap3A_392], %mul3A_390 {strides = array<i32>} : memref<16x128xf32, #tpu.memory_space<vmem>>, vector<16xf32>,
        %scan3A_394 = arith.constant 0 : i32
        scf.yield %scan3A_394 : i32
      }
      %scan3A_272 = arith.constant 16 : i32
      %get3A_273 = arith.index_cast %mul3A_260 : i32 to index
      %get3A_274 = tpu.vector_load %arg8[%get3A_273] {strides = array<i32>} : memref<10000xi32, #tpu.memory_space<vmem>>, vector<16xi32>,
      "tpu.region"() ({
        %run_scoped3A = tpu.sem_alloc : memref<!tpu.dma_semaphore, #tpu.memory_space<semaphore_mem>>
        %dma_start3A_333 = arith.constant 0 : i32
        %dma_start3A_334 = arith.constant 0 : i32
        %dma_start3A_335 = tpu.memref_slice %arg19[%dma_start3A_333, %dma_start3A_334] : memref<10240x128xf32, #tpu.memory_space<vmem_shared>> -> memref<10240x128xf32, #tpu.memory_space<vmem_shared>>
        tpu.enqueue_indirect_dma source(%arg11 : memref<16x128xf32, #tpu.memory_space<vmem>>) target(%dma_start3A_335 : memref<10240x128xf32, #tpu.memory_space<vmem_shared>>) offsets(%get3A_274 : vector<16xi32>) semaphore(%run_scoped3A : memref<!tpu.dma_semaphore, #tpu.memory_space<semaphore_mem>>) {add = true}
        %dma_wait3A_336 = arith.constant 0 : i32
        %dma_wait3A_337 = arith.constant 0 : i32
        %dma_wait3A_338 = tpu.memref_slice %arg19[%dma_wait3A_336, %dma_wait3A_337] : memref<10240x128xf32, #tpu.memory_space<vmem_shared>> -> memref<10240x128xf32, #tpu.memory_space<vmem_shared>>
        tpu.wait_indirect_dma semaphore(%run_scoped3A : memref<!tpu.dma_semaphore, #tpu.memory_space<semaphore_mem>>) src(%arg11 : memref<16x128xf32, #tpu.memory_space<vmem>>) dst(%dma_wait3A_338 : memref<10240x128xf32, #tpu.memory_space<vmem_shared>>)
        tpu.yield
      }) : () -> ()
      %add3A_275 = arith.constant 5 : i32
      %add3A_276 = arith.addi %add3A_258, %add3A_275 : i32
      %lt3A_277 = arith.constant 625 : i32
      %lt3A_278 = arith.cmpi slt, %add3A_276, %lt3A_277 : i32
      %convert_element_type3A_279 = arith.extui %lt3A_278 : i1 to i32
      %cond3A_280 = arith.constant 0 : i32
      %cond3A_281 = arith.cmpi ne, %convert_element_type3A_279, %cond3A_280 : i32
      scf.if %cond3A_281 {
        %add3A_333 = arith.constant 5 : i32
        %add3A_334 = arith.addi %add3A_258, %add3A_333 : i32
        %mul3A_335 = arith.constant 16 : i32
        %mul3A_336 = arith.muli %add3A_334, %mul3A_335 : i32
        %get3A_337 = arith.index_cast %mul3A_336 : i32 to index
        %get3A_338 = tpu.vector_load %arg7[%get3A_337] {strides = array<i32>} : memref<10000xi32, #tpu.memory_space<vmem>>, vector<16xi32>,
        %dma_start3A_339 = arith.constant 0 : i32
        %dma_start3A_340 = arith.constant 0 : i32
        %dma_start3A_341 = tpu.memref_slice %arg4[%dma_start3A_339, %dma_start3A_340] : memref<10000x128xf32, #tpu.memory_space<hbm>> -> memref<10000x128xf32, #tpu.memory_space<hbm>>
        tpu.enqueue_indirect_dma source(%dma_start3A_341 : memref<10000x128xf32, #tpu.memory_space<hbm>>) target(%arg11 : memref<16x128xf32, #tpu.memory_space<vmem>>) offsets(%get3A_338 : vector<16xi32>) semaphore(%arg16 : memref<!tpu.dma_semaphore, #tpu.memory_space<semaphore_mem>>)
      } else {
      }
      %add3A_282 = arith.constant 3 : i32
      %add3A_283 = arith.addi %mul3A_210, %add3A_282 : i32
      %mul3A_284 = arith.constant 16 : i32
      %mul3A_285 = arith.muli %add3A_283, %mul3A_284 : i32
      %get3A_286 = arith.index_cast %mul3A_285 : i32 to index
      %get3A_287 = tpu.vector_load %arg7[%get3A_286] {strides = array<i32>} : memref<10000xi32, #tpu.memory_space<vmem>>, vector<16xi32>,
      %dma_wait3A_288 = arith.constant 0 : i32
      %dma_wait3A_289 = arith.constant 0 : i32
      %dma_wait3A_290 = tpu.memref_slice %arg4[%dma_wait3A_288, %dma_wait3A_289] : memref<10000x128xf32, #tpu.memory_space<hbm>> -> memref<10000x128xf32, #tpu.memory_space<hbm>>
      tpu.wait_indirect_dma semaphore(%arg17 : memref<!tpu.dma_semaphore, #tpu.memory_space<semaphore_mem>>) src(%dma_wait3A_290 : memref<10000x128xf32, #tpu.memory_space<hbm>>) dst(%arg12 : memref<16x128xf32, #tpu.memory_space<vmem>>)
      %scan3A_291 = arith.constant 0 : i32
      %scan3A_292 = arith.constant 0 : i32
      %scan3A_293 = arith.constant 16 : i32
      %scan3A_294 = arith.addi %scan3A_292, %scan3A_293 : i32
      %scan3A_295 = arith.constant 1 : i32
      %scan3A_296 = scf.for %scan3A_333 = %scan3A_292 to %scan3A_294 step %scan3A_295 iter_args(%scan3A_334 = %scan3A_291) -> (i32)  : i32 {
        %mul3A_335 = arith.constant 16 : i32
        %mul3A_336 = arith.muli %add3A_283, %mul3A_335 : i32
        %add3A_337 = arith.addi %mul3A_336, %scan3A_333 : i32
        %broadcast_in_dim3A_338 = vector.broadcast %add3A_337 : i32 to vector<16xi32>
        %gather3A = tpu.vector_load_idx %arg6[%broadcast_in_dim3A_338] : memref<10000xf32, #tpu.memory_space<vmem>>[vector<16xi32>], vector<16xf32>,
        %get3A_339 = arith.index_cast %scan3A_333 : i32 to index
        %get3A_340 = arith.constant 0 : index
        %get3A_341 = tpu.vector_load %arg12[%get3A_339, %get3A_340] {strides = array<i32>} : memref<16x128xf32, #tpu.memory_space<vmem>>, vector<16xf32>,
        %mul3A_342 = arith.mulf %get3A_341, %gather3A : vector<16xf32>
        %swap3A = arith.index_cast %scan3A_333 : i32 to index
        %swap3A_343 = arith.constant 0 : index
        %swap3A_344 = tpu.vector_load %arg12[%swap3A, %swap3A_343] {strides = array<i32>} : memref<16x128xf32, #tpu.memory_space<vmem>>, vector<16xf32>,
        tpu.vector_store %arg12[%swap3A, %swap3A_343], %mul3A_342 {strides = array<i32>} : memref<16x128xf32, #tpu.memory_space<vmem>>, vector<16xf32>,
        %get3A_345 = arith.index_cast %scan3A_333 : i32 to index
        %get3A_346 = arith.constant 16 : index
        %get3A_347 = tpu.vector_load %arg12[%get3A_345, %get3A_346] {strides = array<i32>} : memref<16x128xf32, #tpu.memory_space<vmem>>, vector<16xf32>,
        %mul3A_348 = arith.mulf %get3A_347, %gather3A : vector<16xf32>
        %swap3A_349 = arith.index_cast %scan3A_333 : i32 to index
        %swap3A_350 = arith.constant 16 : index
        %swap3A_351 = tpu.vector_load %arg12[%swap3A_349, %swap3A_350] {strides = array<i32>} : memref<16x128xf32, #tpu.memory_space<vmem>>, vector<16xf32>,
        tpu.vector_store %arg12[%swap3A_349, %swap3A_350], %mul3A_348 {strides = array<i32>} : memref<16x128xf32, #tpu.memory_space<vmem>>, vector<16xf32>,
        %get3A_352 = arith.index_cast %scan3A_333 : i32 to index
        %get3A_353 = arith.constant 32 : index
        %get3A_354 = tpu.vector_load %arg12[%get3A_352, %get3A_353] {strides = array<i32>} : memref<16x128xf32, #tpu.memory_space<vmem>>, vector<16xf32>,
        %mul3A_355 = arith.mulf %get3A_354, %gather3A : vector<16xf32>
        %swap3A_356 = arith.index_cast %scan3A_333 : i32 to index
        %swap3A_357 = arith.constant 32 : index
        %swap3A_358 = tpu.vector_load %arg12[%swap3A_356, %swap3A_357] {strides = array<i32>} : memref<16x128xf32, #tpu.memory_space<vmem>>, vector<16xf32>,
        tpu.vector_store %arg12[%swap3A_356, %swap3A_357], %mul3A_355 {strides = array<i32>} : memref<16x128xf32, #tpu.memory_space<vmem>>, vector<16xf32>,
        %get3A_359 = arith.index_cast %scan3A_333 : i32 to index
        %get3A_360 = arith.constant 48 : index
        %get3A_361 = tpu.vector_load %arg12[%get3A_359, %get3A_360] {strides = array<i32>} : memref<16x128xf32, #tpu.memory_space<vmem>>, vector<16xf32>,
        %mul3A_362 = arith.mulf %get3A_361, %gather3A : vector<16xf32>
        %swap3A_363 = arith.index_cast %scan3A_333 : i32 to index
        %swap3A_364 = arith.constant 48 : index
        %swap3A_365 = tpu.vector_load %arg12[%swap3A_363, %swap3A_364] {strides = array<i32>} : memref<16x128xf32, #tpu.memory_space<vmem>>, vector<16xf32>,
        tpu.vector_store %arg12[%swap3A_363, %swap3A_364], %mul3A_362 {strides = array<i32>} : memref<16x128xf32, #tpu.memory_space<vmem>>, vector<16xf32>,
        %get3A_366 = arith.index_cast %scan3A_333 : i32 to index
        %get3A_367 = arith.constant 64 : index
        %get3A_368 = tpu.vector_load %arg12[%get3A_366, %get3A_367] {strides = array<i32>} : memref<16x128xf32, #tpu.memory_space<vmem>>, vector<16xf32>,
        %mul3A_369 = arith.mulf %get3A_368, %gather3A : vector<16xf32>
        %swap3A_370 = arith.index_cast %scan3A_333 : i32 to index
        %swap3A_371 = arith.constant 64 : index
        %swap3A_372 = tpu.vector_load %arg12[%swap3A_370, %swap3A_371] {strides = array<i32>} : memref<16x128xf32, #tpu.memory_space<vmem>>, vector<16xf32>,
        tpu.vector_store %arg12[%swap3A_370, %swap3A_371], %mul3A_369 {strides = array<i32>} : memref<16x128xf32, #tpu.memory_space<vmem>>, vector<16xf32>,
        %get3A_373 = arith.index_cast %scan3A_333 : i32 to index
        %get3A_374 = arith.constant 80 : index
        %get3A_375 = tpu.vector_load %arg12[%get3A_373, %get3A_374] {strides = array<i32>} : memref<16x128xf32, #tpu.memory_space<vmem>>, vector<16xf32>,
        %mul3A_376 = arith.mulf %get3A_375, %gather3A : vector<16xf32>
        %swap3A_377 = arith.index_cast %scan3A_333 : i32 to index
        %swap3A_378 = arith.constant 80 : index
        %swap3A_379 = tpu.vector_load %arg12[%swap3A_377, %swap3A_378] {strides = array<i32>} : memref<16x128xf32, #tpu.memory_space<vmem>>, vector<16xf32>,
        tpu.vector_store %arg12[%swap3A_377, %swap3A_378], %mul3A_376 {strides = array<i32>} : memref<16x128xf32, #tpu.memory_space<vmem>>, vector<16xf32>,
        %get3A_380 = arith.index_cast %scan3A_333 : i32 to index
        %get3A_381 = arith.constant 96 : index
        %get3A_382 = tpu.vector_load %arg12[%get3A_380, %get3A_381] {strides = array<i32>} : memref<16x128xf32, #tpu.memory_space<vmem>>, vector<16xf32>,
        %mul3A_383 = arith.mulf %get3A_382, %gather3A : vector<16xf32>
        %swap3A_384 = arith.index_cast %scan3A_333 : i32 to index
        %swap3A_385 = arith.constant 96 : index
        %swap3A_386 = tpu.vector_load %arg12[%swap3A_384, %swap3A_385] {strides = array<i32>} : memref<16x128xf32, #tpu.memory_space<vmem>>, vector<16xf32>,
        tpu.vector_store %arg12[%swap3A_384, %swap3A_385], %mul3A_383 {strides = array<i32>} : memref<16x128xf32, #tpu.memory_space<vmem>>, vector<16xf32>,
        %get3A_387 = arith.index_cast %scan3A_333 : i32 to index
        %get3A_388 = arith.constant 112 : index
        %get3A_389 = tpu.vector_load %arg12[%get3A_387, %get3A_388] {strides = array<i32>} : memref<16x128xf32, #tpu.memory_space<vmem>>, vector<16xf32>,
        %mul3A_390 = arith.mulf %get3A_389, %gather3A : vector<16xf32>
        %swap3A_391 = arith.index_cast %scan3A_333 : i32 to index
        %swap3A_392 = arith.constant 112 : index
        %swap3A_393 = tpu.vector_load %arg12[%swap3A_391, %swap3A_392] {strides = array<i32>} : memref<16x128xf32, #tpu.memory_space<vmem>>, vector<16xf32>,
        tpu.vector_store %arg12[%swap3A_391, %swap3A_392], %mul3A_390 {strides = array<i32>} : memref<16x128xf32, #tpu.memory_space<vmem>>, vector<16xf32>,
        %scan3A_394 = arith.constant 0 : i32
        scf.yield %scan3A_394 : i32
      }
      %scan3A_297 = arith.constant 16 : i32
      %get3A_298 = arith.index_cast %mul3A_285 : i32 to index
      %get3A_299 = tpu.vector_load %arg8[%get3A_298] {strides = array<i32>} : memref<10000xi32, #tpu.memory_space<vmem>>, vector<16xi32>,
      "tpu.region"() ({
        %run_scoped3A = tpu.sem_alloc : memref<!tpu.dma_semaphore, #tpu.memory_space<semaphore_mem>>
        %dma_start3A_333 = arith.constant 0 : i32
        %dma_start3A_334 = arith.constant 0 : i32
        %dma_start3A_335 = tpu.memref_slice %arg19[%dma_start3A_333, %dma_start3A_334] : memref<10240x128xf32, #tpu.memory_space<vmem_shared>> -> memref<10240x128xf32, #tpu.memory_space<vmem_shared>>
        tpu.enqueue_indirect_dma source(%arg12 : memref<16x128xf32, #tpu.memory_space<vmem>>) target(%dma_start3A_335 : memref<10240x128xf32, #tpu.memory_space<vmem_shared>>) offsets(%get3A_299 : vector<16xi32>) semaphore(%run_scoped3A : memref<!tpu.dma_semaphore, #tpu.memory_space<semaphore_mem>>) {add = true}
        %dma_wait3A_336 = arith.constant 0 : i32
        %dma_wait3A_337 = arith.constant 0 : i32
        %dma_wait3A_338 = tpu.memref_slice %arg19[%dma_wait3A_336, %dma_wait3A_337] : memref<10240x128xf32, #tpu.memory_space<vmem_shared>> -> memref<10240x128xf32, #tpu.memory_space<vmem_shared>>
        tpu.wait_indirect_dma semaphore(%run_scoped3A : memref<!tpu.dma_semaphore, #tpu.memory_space<semaphore_mem>>) src(%arg12 : memref<16x128xf32, #tpu.memory_space<vmem>>) dst(%dma_wait3A_338 : memref<10240x128xf32, #tpu.memory_space<vmem_shared>>)
        tpu.yield
      }) : () -> ()
      %add3A_300 = arith.constant 5 : i32
      %add3A_301 = arith.addi %add3A_283, %add3A_300 : i32
      %lt3A_302 = arith.constant 625 : i32
      %lt3A_303 = arith.cmpi slt, %add3A_301, %lt3A_302 : i32
      %convert_element_type3A_304 = arith.extui %lt3A_303 : i1 to i32
      %cond3A_305 = arith.constant 0 : i32
      %cond3A_306 = arith.cmpi ne, %convert_element_type3A_304, %cond3A_305 : i32
      scf.if %cond3A_306 {
        %add3A_333 = arith.constant 5 : i32
        %add3A_334 = arith.addi %add3A_283, %add3A_333 : i32
        %mul3A_335 = arith.constant 16 : i32
        %mul3A_336 = arith.muli %add3A_334, %mul3A_335 : i32
        %get3A_337 = arith.index_cast %mul3A_336 : i32 to index
        %get3A_338 = tpu.vector_load %arg7[%get3A_337] {strides = array<i32>} : memref<10000xi32, #tpu.memory_space<vmem>>, vector<16xi32>,
        %dma_start3A_339 = arith.constant 0 : i32
        %dma_start3A_340 = arith.constant 0 : i32
        %dma_start3A_341 = tpu.memref_slice %arg4[%dma_start3A_339, %dma_start3A_340] : memref<10000x128xf32, #tpu.memory_space<hbm>> -> memref<10000x128xf32, #tpu.memory_space<hbm>>
        tpu.enqueue_indirect_dma source(%dma_start3A_341 : memref<10000x128xf32, #tpu.memory_space<hbm>>) target(%arg12 : memref<16x128xf32, #tpu.memory_space<vmem>>) offsets(%get3A_338 : vector<16xi32>) semaphore(%arg17 : memref<!tpu.dma_semaphore, #tpu.memory_space<semaphore_mem>>)
      } else {
      }
      %add3A_307 = arith.constant 4 : i32
      %add3A_308 = arith.addi %mul3A_210, %add3A_307 : i32
      %mul3A_309 = arith.constant 16 : i32
      %mul3A_310 = arith.muli %add3A_308, %mul3A_309 : i32
      %get3A_311 = arith.index_cast %mul3A_310 : i32 to index
      %get3A_312 = tpu.vector_load %arg7[%get3A_311] {strides = array<i32>} : memref<10000xi32, #tpu.memory_space<vmem>>, vector<16xi32>,
      %dma_wait3A_313 = arith.constant 0 : i32
      %dma_wait3A_314 = arith.constant 0 : i32
      %dma_wait3A_315 = tpu.memref_slice %arg4[%dma_wait3A_313, %dma_wait3A_314] : memref<10000x128xf32, #tpu.memory_space<hbm>> -> memref<10000x128xf32, #tpu.memory_space<hbm>>
      tpu.wait_indirect_dma semaphore(%arg18 : memref<!tpu.dma_semaphore, #tpu.memory_space<semaphore_mem>>) src(%dma_wait3A_315 : memref<10000x128xf32, #tpu.memory_space<hbm>>) dst(%arg13 : memref<16x128xf32, #tpu.memory_space<vmem>>)
      %scan3A_316 = arith.constant 0 : i32
      %scan3A_317 = arith.constant 0 : i32
      %scan3A_318 = arith.constant 16 : i32
      %scan3A_319 = arith.addi %scan3A_317, %scan3A_318 : i32
      %scan3A_320 = arith.constant 1 : i32
      %scan3A_321 = scf.for %scan3A_333 = %scan3A_317 to %scan3A_319 step %scan3A_320 iter_args(%scan3A_334 = %scan3A_316) -> (i32)  : i32 {
        %mul3A_335 = arith.constant 16 : i32
        %mul3A_336 = arith.muli %add3A_308, %mul3A_335 : i32
        %add3A_337 = arith.addi %mul3A_336, %scan3A_333 : i32
        %broadcast_in_dim3A_338 = vector.broadcast %add3A_337 : i32 to vector<16xi32>
        %gather3A = tpu.vector_load_idx %arg6[%broadcast_in_dim3A_338] : memref<10000xf32, #tpu.memory_space<vmem>>[vector<16xi32>], vector<16xf32>,
        %get3A_339 = arith.index_cast %scan3A_333 : i32 to index
        %get3A_340 = arith.constant 0 : index
        %get3A_341 = tpu.vector_load %arg13[%get3A_339, %get3A_340] {strides = array<i32>} : memref<16x128xf32, #tpu.memory_space<vmem>>, vector<16xf32>,
        %mul3A_342 = arith.mulf %get3A_341, %gather3A : vector<16xf32>
        %swap3A = arith.index_cast %scan3A_333 : i32 to index
        %swap3A_343 = arith.constant 0 : index
        %swap3A_344 = tpu.vector_load %arg13[%swap3A, %swap3A_343] {strides = array<i32>} : memref<16x128xf32, #tpu.memory_space<vmem>>, vector<16xf32>,
        tpu.vector_store %arg13[%swap3A, %swap3A_343], %mul3A_342 {strides = array<i32>} : memref<16x128xf32, #tpu.memory_space<vmem>>, vector<16xf32>,
        %get3A_345 = arith.index_cast %scan3A_333 : i32 to index
        %get3A_346 = arith.constant 16 : index
        %get3A_347 = tpu.vector_load %arg13[%get3A_345, %get3A_346] {strides = array<i32>} : memref<16x128xf32, #tpu.memory_space<vmem>>, vector<16xf32>,
        %mul3A_348 = arith.mulf %get3A_347, %gather3A : vector<16xf32>
        %swap3A_349 = arith.index_cast %scan3A_333 : i32 to index
        %swap3A_350 = arith.constant 16 : index
        %swap3A_351 = tpu.vector_load %arg13[%swap3A_349, %swap3A_350] {strides = array<i32>} : memref<16x128xf32, #tpu.memory_space<vmem>>, vector<16xf32>,
        tpu.vector_store %arg13[%swap3A_349, %swap3A_350], %mul3A_348 {strides = array<i32>} : memref<16x128xf32, #tpu.memory_space<vmem>>, vector<16xf32>,
        %get3A_352 = arith.index_cast %scan3A_333 : i32 to index
        %get3A_353 = arith.constant 32 : index
        %get3A_354 = tpu.vector_load %arg13[%get3A_352, %get3A_353] {strides = array<i32>} : memref<16x128xf32, #tpu.memory_space<vmem>>, vector<16xf32>,
        %mul3A_355 = arith.mulf %get3A_354, %gather3A : vector<16xf32>
        %swap3A_356 = arith.index_cast %scan3A_333 : i32 to index
        %swap3A_357 = arith.constant 32 : index
        %swap3A_358 = tpu.vector_load %arg13[%swap3A_356, %swap3A_357] {strides = array<i32>} : memref<16x128xf32, #tpu.memory_space<vmem>>, vector<16xf32>,
        tpu.vector_store %arg13[%swap3A_356, %swap3A_357], %mul3A_355 {strides = array<i32>} : memref<16x128xf32, #tpu.memory_space<vmem>>, vector<16xf32>,
        %get3A_359 = arith.index_cast %scan3A_333 : i32 to index
        %get3A_360 = arith.constant 48 : index
        %get3A_361 = tpu.vector_load %arg13[%get3A_359, %get3A_360] {strides = array<i32>} : memref<16x128xf32, #tpu.memory_space<vmem>>, vector<16xf32>,
        %mul3A_362 = arith.mulf %get3A_361, %gather3A : vector<16xf32>
        %swap3A_363 = arith.index_cast %scan3A_333 : i32 to index
        %swap3A_364 = arith.constant 48 : index
        %swap3A_365 = tpu.vector_load %arg13[%swap3A_363, %swap3A_364] {strides = array<i32>} : memref<16x128xf32, #tpu.memory_space<vmem>>, vector<16xf32>,
        tpu.vector_store %arg13[%swap3A_363, %swap3A_364], %mul3A_362 {strides = array<i32>} : memref<16x128xf32, #tpu.memory_space<vmem>>, vector<16xf32>,
        %get3A_366 = arith.index_cast %scan3A_333 : i32 to index
        %get3A_367 = arith.constant 64 : index
        %get3A_368 = tpu.vector_load %arg13[%get3A_366, %get3A_367] {strides = array<i32>} : memref<16x128xf32, #tpu.memory_space<vmem>>, vector<16xf32>,
        %mul3A_369 = arith.mulf %get3A_368, %gather3A : vector<16xf32>
        %swap3A_370 = arith.index_cast %scan3A_333 : i32 to index
        %swap3A_371 = arith.constant 64 : index
        %swap3A_372 = tpu.vector_load %arg13[%swap3A_370, %swap3A_371] {strides = array<i32>} : memref<16x128xf32, #tpu.memory_space<vmem>>, vector<16xf32>,
        tpu.vector_store %arg13[%swap3A_370, %swap3A_371], %mul3A_369 {strides = array<i32>} : memref<16x128xf32, #tpu.memory_space<vmem>>, vector<16xf32>,
        %get3A_373 = arith.index_cast %scan3A_333 : i32 to index
        %get3A_374 = arith.constant 80 : index
        %get3A_375 = tpu.vector_load %arg13[%get3A_373, %get3A_374] {strides = array<i32>} : memref<16x128xf32, #tpu.memory_space<vmem>>, vector<16xf32>,
        %mul3A_376 = arith.mulf %get3A_375, %gather3A : vector<16xf32>
        %swap3A_377 = arith.index_cast %scan3A_333 : i32 to index
        %swap3A_378 = arith.constant 80 : index
        %swap3A_379 = tpu.vector_load %arg13[%swap3A_377, %swap3A_378] {strides = array<i32>} : memref<16x128xf32, #tpu.memory_space<vmem>>, vector<16xf32>,
        tpu.vector_store %arg13[%swap3A_377, %swap3A_378], %mul3A_376 {strides = array<i32>} : memref<16x128xf32, #tpu.memory_space<vmem>>, vector<16xf32>,
        %get3A_380 = arith.index_cast %scan3A_333 : i32 to index
        %get3A_381 = arith.constant 96 : index
        %get3A_382 = tpu.vector_load %arg13[%get3A_380, %get3A_381] {strides = array<i32>} : memref<16x128xf32, #tpu.memory_space<vmem>>, vector<16xf32>,
        %mul3A_383 = arith.mulf %get3A_382, %gather3A : vector<16xf32>
        %swap3A_384 = arith.index_cast %scan3A_333 : i32 to index
        %swap3A_385 = arith.constant 96 : index
        %swap3A_386 = tpu.vector_load %arg13[%swap3A_384, %swap3A_385] {strides = array<i32>} : memref<16x128xf32, #tpu.memory_space<vmem>>, vector<16xf32>,
        tpu.vector_store %arg13[%swap3A_384, %swap3A_385], %mul3A_383 {strides = array<i32>} : memref<16x128xf32, #tpu.memory_space<vmem>>, vector<16xf32>,
        %get3A_387 = arith.index_cast %scan3A_333 : i32 to index
        %get3A_388 = arith.constant 112 : index
        %get3A_389 = tpu.vector_load %arg13[%get3A_387, %get3A_388] {strides = array<i32>} : memref<16x128xf32, #tpu.memory_space<vmem>>, vector<16xf32>,
        %mul3A_390 = arith.mulf %get3A_389, %gather3A : vector<16xf32>
        %swap3A_391 = arith.index_cast %scan3A_333 : i32 to index
        %swap3A_392 = arith.constant 112 : index
        %swap3A_393 = tpu.vector_load %arg13[%swap3A_391, %swap3A_392] {strides = array<i32>} : memref<16x128xf32, #tpu.memory_space<vmem>>, vector<16xf32>,
        tpu.vector_store %arg13[%swap3A_391, %swap3A_392], %mul3A_390 {strides = array<i32>} : memref<16x128xf32, #tpu.memory_space<vmem>>, vector<16xf32>,
        %scan3A_394 = arith.constant 0 : i32
        scf.yield %scan3A_394 : i32
      }
      %scan3A_322 = arith.constant 16 : i32
      %get3A_323 = arith.index_cast %mul3A_310 : i32 to index
      %get3A_324 = tpu.vector_load %arg8[%get3A_323] {strides = array<i32>} : memref<10000xi32, #tpu.memory_space<vmem>>, vector<16xi32>,
      "tpu.region"() ({
        %run_scoped3A = tpu.sem_alloc : memref<!tpu.dma_semaphore, #tpu.memory_space<semaphore_mem>>
        %dma_start3A_333 = arith.constant 0 : i32
        %dma_start3A_334 = arith.constant 0 : i32
        %dma_start3A_335 = tpu.memref_slice %arg19[%dma_start3A_333, %dma_start3A_334] : memref<10240x128xf32, #tpu.memory_space<vmem_shared>> -> memref<10240x128xf32, #tpu.memory_space<vmem_shared>>
        tpu.enqueue_indirect_dma source(%arg13 : memref<16x128xf32, #tpu.memory_space<vmem>>) target(%dma_start3A_335 : memref<10240x128xf32, #tpu.memory_space<vmem_shared>>) offsets(%get3A_324 : vector<16xi32>) semaphore(%run_scoped3A : memref<!tpu.dma_semaphore, #tpu.memory_space<semaphore_mem>>) {add = true}
        %dma_wait3A_336 = arith.constant 0 : i32
        %dma_wait3A_337 = arith.constant 0 : i32
        %dma_wait3A_338 = tpu.memref_slice %arg19[%dma_wait3A_336, %dma_wait3A_337] : memref<10240x128xf32, #tpu.memory_space<vmem_shared>> -> memref<10240x128xf32, #tpu.memory_space<vmem_shared>>
        tpu.wait_indirect_dma semaphore(%run_scoped3A : memref<!tpu.dma_semaphore, #tpu.memory_space<semaphore_mem>>) src(%arg13 : memref<16x128xf32, #tpu.memory_space<vmem>>) dst(%dma_wait3A_338 : memref<10240x128xf32, #tpu.memory_space<vmem_shared>>)
        tpu.yield
      }) : () -> ()
      %add3A_325 = arith.constant 5 : i32
      %add3A_326 = arith.addi %add3A_308, %add3A_325 : i32
      %lt3A_327 = arith.constant 625 : i32
      %lt3A_328 = arith.cmpi slt, %add3A_326, %lt3A_327 : i32
      %convert_element_type3A_329 = arith.extui %lt3A_328 : i1 to i32
      %cond3A_330 = arith.constant 0 : i32
      %cond3A_331 = arith.cmpi ne, %convert_element_type3A_329, %cond3A_330 : i32
      scf.if %cond3A_331 {
        %add3A_333 = arith.constant 5 : i32
        %add3A_334 = arith.addi %add3A_308, %add3A_333 : i32
        %mul3A_335 = arith.constant 16 : i32
        %mul3A_336 = arith.muli %add3A_334, %mul3A_335 : i32
        %get3A_337 = arith.index_cast %mul3A_336 : i32 to index
        %get3A_338 = tpu.vector_load %arg7[%get3A_337] {strides = array<i32>} : memref<10000xi32, #tpu.memory_space<vmem>>, vector<16xi32>,
        %dma_start3A_339 = arith.constant 0 : i32
        %dma_start3A_340 = arith.constant 0 : i32
        %dma_start3A_341 = tpu.memref_slice %arg4[%dma_start3A_339, %dma_start3A_340] : memref<10000x128xf32, #tpu.memory_space<hbm>> -> memref<10000x128xf32, #tpu.memory_space<hbm>>
        tpu.enqueue_indirect_dma source(%dma_start3A_341 : memref<10000x128xf32, #tpu.memory_space<hbm>>) target(%arg13 : memref<16x128xf32, #tpu.memory_space<vmem>>) offsets(%get3A_338 : vector<16xi32>) semaphore(%arg18 : memref<!tpu.dma_semaphore, #tpu.memory_space<semaphore_mem>>)
      } else {
      }
      %scan3A_332 = arith.constant 0 : i32
      scf.yield %scan3A_332 : i32
    }
    %scan3A_201 = arith.constant 125 : i32
    %barrier3A_202 = arith.constant 0 : index
    tpu.barrier barrier_id(%barrier3A_202)
    %mul3A_203 = arith.constant 640 : i32
    %mul3A_204 = arith.muli %arg1, %mul3A_203 : i32
    %mul3A_205 = arith.constant 640 : i32
    %mul3A_206 = arith.muli %arg1, %mul3A_205 : i32
    "tpu.region"() ({
      %run_scoped3A = tpu.sem_alloc : memref<!tpu.dma_semaphore, #tpu.memory_space<semaphore_mem>>
      %dma_start3A_207 = arith.constant 0 : i32
      %dma_start3A_208 = tpu.memref_slice %arg5[%arg0, %mul3A_206, %dma_start3A_207] : memref<2x10240x128xf32, #tpu.memory_space<hbm>> -> memref<1x640x128xf32, #tpu.memory_space<hbm>>
      %dma_start3A_209 = tpu.memref_squeeze %dma_start3A_208 : memref<1x640x128xf32, #tpu.memory_space<hbm>> -> memref<640x128xf32, #tpu.memory_space<hbm>>
      %dma_start3A_210 = arith.constant 0 : i32
      %dma_start3A_211 = tpu.memref_slice %arg19[%mul3A_204, %dma_start3A_210] : memref<10240x128xf32, #tpu.memory_space<vmem_shared>> -> memref<640x128xf32, #tpu.memory_space<vmem_shared>>
      tpu.enqueue_dma source(%dma_start3A_211 : memref<640x128xf32, #tpu.memory_space<vmem_shared>>) target(%dma_start3A_209 : memref<640x128xf32, #tpu.memory_space<hbm>>) target_semaphore(%run_scoped3A : memref<!tpu.dma_semaphore, #tpu.memory_space<semaphore_mem>>)
      %dma_wait3A = arith.constant 0 : i32
      %dma_wait3A_212 = tpu.memref_slice %arg5[%arg0, %mul3A_206, %dma_wait3A] : memref<2x10240x128xf32, #tpu.memory_space<hbm>> -> memref<1x640x128xf32, #tpu.memory_space<hbm>>
      %dma_wait3A_213 = tpu.memref_squeeze %dma_wait3A_212 : memref<1x640x128xf32, #tpu.memory_space<hbm>> -> memref<640x128xf32, #tpu.memory_space<hbm>>
      %dma_wait3A_214 = arith.constant 0 : i32
      %dma_wait3A_215 = tpu.memref_slice %arg19[%mul3A_204, %dma_wait3A_214] : memref<10240x128xf32, #tpu.memory_space<vmem_shared>> -> memref<640x128xf32, #tpu.memory_space<vmem_shared>>
      tpu.wait_dma2 semaphore(%run_scoped3A : memref<!tpu.dma_semaphore, #tpu.memory_space<semaphore_mem>>) src(%dma_wait3A_215 : memref<640x128xf32, #tpu.memory_space<vmem_shared>>) dst(%dma_wait3A_213 : memref<640x128xf32, #tpu.memory_space<hbm>>)
      tpu.yield
    }) : () -> ()
    return
  }
}

#map = affine_map<(d0, d1) -> (0)>
module attributes {stable_mosaic.version = 14 : i64} {
  func.func @_attn(%arg0: i32, %arg1: i32, %arg2: memref<10000xf32, #tpu.memory_space<hbm>>, %arg3: memref<10000xf32, #tpu.memory_space<hbm>>, %arg4: memref<320000xf32, #tpu.memory_space<hbm>>, %arg5: memref<640000xi32, #tpu.memory_space<hbm>>, %arg6: memref<320000xf32, #tpu.memory_space<hbm>>, %arg7: memref<20480xf32, #tpu.memory_space<hbm>>, %arg8: memref<10000xi32, #tpu.memory_space<vmem>>, %arg9: memref<10000xi32, #tpu.memory_space<vmem>>, %arg10: memref<10000xf32, #tpu.memory_space<vmem>>, %arg11: memref<10000xf32, #tpu.memory_space<vmem>>, %arg12: memref<10000xf32, #tpu.memory_space<vmem>>, %arg13: memref<10000xf32, #tpu.memory_space<vmem>>, %arg14: memref<10240xf32, #tpu.memory_space<vmem>>, %arg15: memref<16x640xf32, #tpu.memory_space<vmem>>, %arg16: memref<640xf32, #tpu.memory_space<vmem>>, %arg17: memref<16x10240xf32, #tpu.memory_space<vmem_shared>>) attributes {dimension_semantics = [#tpu.dimension_semantics<core_parallel>, #tpu.dimension_semantics<subcore_parallel>], iteration_bounds = array<i64: 2, 16>, scalar_prefetch = 0 : i64, scratch_operands = 10 : i64, tpu.core_type = #tpu.core_type<sc_vector_subcore>, window_params = [{transform_indices = #map}, {transform_indices = #map}, {transform_indices = #map}, {transform_indices = #map}, {transform_indices = #map}, {transform_indices = #map}]} {
    %mul3A = arith.constant 2 : i32
    %mul3A_0 = arith.muli %arg1, %mul3A : i32
    %add3A = arith.addi %mul3A_0, %arg0 : i32
    %mul3A_1 = arith.constant 10000 : i32
    %mul3A_2 = arith.muli %add3A, %mul3A_1 : i32
    "tpu.region"() ({
      %run_scoped3A = tpu.sem_alloc : memref<!tpu.dma_semaphore, #tpu.memory_space<semaphore_mem>>
      %dma_start3A = tpu.memref_slice %arg5[%mul3A_2] : memref<640000xi32, #tpu.memory_space<hbm>> -> memref<10000xi32, #tpu.memory_space<hbm>>
      %dma_start3A_33 = tpu.memref_slice %arg5[%mul3A_2] : memref<640000xi32, #tpu.memory_space<hbm>> -> memref<10000xi32, #tpu.memory_space<hbm>>
      tpu.enqueue_dma source(%dma_start3A_33 : memref<10000xi32, #tpu.memory_space<hbm>>) target(%arg8 : memref<10000xi32, #tpu.memory_space<vmem>>) target_semaphore(%run_scoped3A : memref<!tpu.dma_semaphore, #tpu.memory_space<semaphore_mem>>)
      %dma_wait3A = tpu.memref_slice %arg5[%mul3A_2] : memref<640000xi32, #tpu.memory_space<hbm>> -> memref<10000xi32, #tpu.memory_space<hbm>>
      %dma_wait3A_34 = tpu.memref_slice %arg5[%mul3A_2] : memref<640000xi32, #tpu.memory_space<hbm>> -> memref<10000xi32, #tpu.memory_space<hbm>>
      tpu.wait_dma2 semaphore(%run_scoped3A : memref<!tpu.dma_semaphore, #tpu.memory_space<semaphore_mem>>) src(%dma_wait3A_34 : memref<10000xi32, #tpu.memory_space<hbm>>) dst(%arg8 : memref<10000xi32, #tpu.memory_space<vmem>>)
      tpu.yield
    }) : () -> ()
    %add3A_3 = arith.constant 320000 : i32
    %add3A_4 = arith.addi %add3A_3, %mul3A_2 : i32
    "tpu.region"() ({
      %run_scoped3A = tpu.sem_alloc : memref<!tpu.dma_semaphore, #tpu.memory_space<semaphore_mem>>
      %dma_start3A = tpu.memref_slice %arg5[%add3A_4] : memref<640000xi32, #tpu.memory_space<hbm>> -> memref<10000xi32, #tpu.memory_space<hbm>>
      %dma_start3A_33 = tpu.memref_slice %arg5[%add3A_4] : memref<640000xi32, #tpu.memory_space<hbm>> -> memref<10000xi32, #tpu.memory_space<hbm>>
      tpu.enqueue_dma source(%dma_start3A_33 : memref<10000xi32, #tpu.memory_space<hbm>>) target(%arg9 : memref<10000xi32, #tpu.memory_space<vmem>>) target_semaphore(%run_scoped3A : memref<!tpu.dma_semaphore, #tpu.memory_space<semaphore_mem>>)
      %dma_wait3A = tpu.memref_slice %arg5[%add3A_4] : memref<640000xi32, #tpu.memory_space<hbm>> -> memref<10000xi32, #tpu.memory_space<hbm>>
      %dma_wait3A_34 = tpu.memref_slice %arg5[%add3A_4] : memref<640000xi32, #tpu.memory_space<hbm>> -> memref<10000xi32, #tpu.memory_space<hbm>>
      tpu.wait_dma2 semaphore(%run_scoped3A : memref<!tpu.dma_semaphore, #tpu.memory_space<semaphore_mem>>) src(%dma_wait3A_34 : memref<10000xi32, #tpu.memory_space<hbm>>) dst(%arg9 : memref<10000xi32, #tpu.memory_space<vmem>>)
      tpu.yield
    }) : () -> ()
    "tpu.region"() ({
      %run_scoped3A = tpu.sem_alloc : memref<!tpu.dma_semaphore, #tpu.memory_space<semaphore_mem>>
      %dma_start3A = tpu.memref_slice %arg4[%mul3A_2] : memref<320000xf32, #tpu.memory_space<hbm>> -> memref<10000xf32, #tpu.memory_space<hbm>>
      %dma_start3A_33 = tpu.memref_slice %arg4[%mul3A_2] : memref<320000xf32, #tpu.memory_space<hbm>> -> memref<10000xf32, #tpu.memory_space<hbm>>
      tpu.enqueue_dma source(%dma_start3A_33 : memref<10000xf32, #tpu.memory_space<hbm>>) target(%arg10 : memref<10000xf32, #tpu.memory_space<vmem>>) target_semaphore(%run_scoped3A : memref<!tpu.dma_semaphore, #tpu.memory_space<semaphore_mem>>)
      %dma_wait3A = tpu.memref_slice %arg4[%mul3A_2] : memref<320000xf32, #tpu.memory_space<hbm>> -> memref<10000xf32, #tpu.memory_space<hbm>>
      %dma_wait3A_34 = tpu.memref_slice %arg4[%mul3A_2] : memref<320000xf32, #tpu.memory_space<hbm>> -> memref<10000xf32, #tpu.memory_space<hbm>>
      tpu.wait_dma2 semaphore(%run_scoped3A : memref<!tpu.dma_semaphore, #tpu.memory_space<semaphore_mem>>) src(%dma_wait3A_34 : memref<10000xf32, #tpu.memory_space<hbm>>) dst(%arg10 : memref<10000xf32, #tpu.memory_space<vmem>>)
      tpu.yield
    }) : () -> ()
    "tpu.region"() ({
      %run_scoped3A = tpu.sem_alloc : memref<!tpu.dma_semaphore, #tpu.memory_space<semaphore_mem>>
      tpu.enqueue_dma source(%arg2 : memref<10000xf32, #tpu.memory_space<hbm>>) target(%arg12 : memref<10000xf32, #tpu.memory_space<vmem>>) target_semaphore(%run_scoped3A : memref<!tpu.dma_semaphore, #tpu.memory_space<semaphore_mem>>)
      tpu.wait_dma2 semaphore(%run_scoped3A : memref<!tpu.dma_semaphore, #tpu.memory_space<semaphore_mem>>) src(%arg2 : memref<10000xf32, #tpu.memory_space<hbm>>) dst(%arg12 : memref<10000xf32, #tpu.memory_space<vmem>>)
      tpu.yield
    }) : () -> ()
    "tpu.region"() ({
      %run_scoped3A = tpu.sem_alloc : memref<!tpu.dma_semaphore, #tpu.memory_space<semaphore_mem>>
      tpu.enqueue_dma source(%arg3 : memref<10000xf32, #tpu.memory_space<hbm>>) target(%arg13 : memref<10000xf32, #tpu.memory_space<vmem>>) target_semaphore(%run_scoped3A : memref<!tpu.dma_semaphore, #tpu.memory_space<semaphore_mem>>)
      tpu.wait_dma2 semaphore(%run_scoped3A : memref<!tpu.dma_semaphore, #tpu.memory_space<semaphore_mem>>) src(%arg3 : memref<10000xf32, #tpu.memory_space<hbm>>) dst(%arg13 : memref<10000xf32, #tpu.memory_space<vmem>>)
      tpu.yield
    }) : () -> ()
    %broadcast_in_dim3A = arith.constant 0.000000e+00 : f32
    %broadcast_in_dim3A_5 = vector.broadcast %broadcast_in_dim3A : f32 to vector<16xf32>
    %scan3A = arith.constant 0 : i32
    %scan3A_6 = arith.constant 0 : i32
    %scan3A_7 = arith.constant 640 : i32
    %scan3A_8 = arith.addi %scan3A_6, %scan3A_7 : i32
    %scan3A_9 = arith.constant 1 : i32
    %scan3A_10 = scf.for %scan3A_33 = %scan3A_6 to %scan3A_8 step %scan3A_9 iter_args(%scan3A_34 = %scan3A) -> (i32)  : i32 {
      %mul3A_35 = arith.constant 16 : i32
      %mul3A_36 = arith.muli %scan3A_33, %mul3A_35 : i32
      %swap3A = arith.index_cast %mul3A_36 : i32 to index
      %swap3A_37 = tpu.vector_load %arg14[%swap3A] {strides = array<i32>} : memref<10240xf32, #tpu.memory_space<vmem>>, vector<16xf32>,
      tpu.vector_store %arg14[%swap3A], %broadcast_in_dim3A_5 {strides = array<i32>} : memref<10240xf32, #tpu.memory_space<vmem>>, vector<16xf32>,
      %scan3A_38 = arith.constant 0 : i32
      scf.yield %scan3A_38 : i32
    }
    %scan3A_11 = arith.constant 640 : i32
    %scan3A_12 = arith.constant 0 : i32
    %scan3A_13 = arith.constant 0 : i32
    %scan3A_14 = arith.constant 625 : i32
    %scan3A_15 = arith.addi %scan3A_13, %scan3A_14 : i32
    %scan3A_16 = arith.constant 1 : i32
    %scan3A_17 = scf.for %scan3A_33 = %scan3A_13 to %scan3A_15 step %scan3A_16 iter_args(%scan3A_34 = %scan3A_12) -> (i32)  : i32 {
      %mul3A_35 = arith.constant 16 : i32
      %mul3A_36 = arith.muli %scan3A_33, %mul3A_35 : i32
      %get3A = arith.index_cast %mul3A_36 : i32 to index
      %get3A_37 = tpu.vector_load %arg8[%get3A] {strides = array<i32>} : memref<10000xi32, #tpu.memory_space<vmem>>, vector<16xi32>,
      %get3A_38 = arith.index_cast %mul3A_36 : i32 to index
      %get3A_39 = tpu.vector_load %arg9[%get3A_38] {strides = array<i32>} : memref<10000xi32, #tpu.memory_space<vmem>>, vector<16xi32>,
      %gather3A = tpu.vector_load_idx %arg12[%get3A_37] : memref<10000xf32, #tpu.memory_space<vmem>>[vector<16xi32>], vector<16xf32>,
      %gather3A_40 = tpu.vector_load_idx %arg13[%get3A_39] : memref<10000xf32, #tpu.memory_space<vmem>>[vector<16xi32>], vector<16xf32>,
      %add3A_41 = arith.addf %gather3A, %gather3A_40 : vector<16xf32>
      %get3A_42 = arith.index_cast %mul3A_36 : i32 to index
      %get3A_43 = tpu.vector_load %arg10[%get3A_42] {strides = array<i32>} : memref<10000xf32, #tpu.memory_space<vmem>>, vector<16xf32>,
      %add3A_44 = arith.addf %add3A_41, %get3A_43 : vector<16xf32>
      %ge3A = arith.constant 0.000000e+00 : f32
      %ge3A_45 = vector.broadcast %ge3A : f32 to vector<16xf32>
      %ge3A_46 = arith.cmpf oge, %add3A_44, %ge3A_45 : vector<16xf32>
      %mul3A_47 = arith.constant 2.000000e-01 : f32
      %mul3A_48 = vector.broadcast %mul3A_47 : f32 to vector<16xf32>
      %mul3A_49 = arith.mulf %mul3A_48, %add3A_44 : vector<16xf32>
      %select_n3A = arith.select %ge3A_46, %add3A_44, %mul3A_49 : vector<16xi1>, vector<16xf32>
      %exp3A = math.exp %select_n3A : vector<16xf32>
      %swap3A = arith.index_cast %mul3A_36 : i32 to index
      %swap3A_50 = tpu.vector_load %arg11[%swap3A] {strides = array<i32>} : memref<10000xf32, #tpu.memory_space<vmem>>, vector<16xf32>,
      tpu.vector_store %arg11[%swap3A], %exp3A {strides = array<i32>} : memref<10000xf32, #tpu.memory_space<vmem>>, vector<16xf32>,
      tpu.vector_store_idx %arg14[%get3A_39], %exp3A {add = true} : memref<10240xf32, #tpu.memory_space<vmem>>[vector<16xi32>], vector<16xf32>,
      %scan3A_51 = arith.constant 0 : i32
      scf.yield %scan3A_51 : i32
    }
    %scan3A_18 = arith.constant 625 : i32
    "tpu.region"() ({
      %run_scoped3A = tpu.sem_alloc : memref<!tpu.dma_semaphore, #tpu.memory_space<semaphore_mem>>
      %dma_start3A = tpu.memref_slice %arg6[%mul3A_2] : memref<320000xf32, #tpu.memory_space<hbm>> -> memref<10000xf32, #tpu.memory_space<hbm>>
      %dma_start3A_33 = tpu.memref_slice %arg6[%mul3A_2] : memref<320000xf32, #tpu.memory_space<hbm>> -> memref<10000xf32, #tpu.memory_space<hbm>>
      tpu.enqueue_dma source(%arg11 : memref<10000xf32, #tpu.memory_space<vmem>>) target(%dma_start3A_33 : memref<10000xf32, #tpu.memory_space<hbm>>) target_semaphore(%run_scoped3A : memref<!tpu.dma_semaphore, #tpu.memory_space<semaphore_mem>>)
      %dma_wait3A = tpu.memref_slice %arg6[%mul3A_2] : memref<320000xf32, #tpu.memory_space<hbm>> -> memref<10000xf32, #tpu.memory_space<hbm>>
      %dma_wait3A_34 = tpu.memref_slice %arg6[%mul3A_2] : memref<320000xf32, #tpu.memory_space<hbm>> -> memref<10000xf32, #tpu.memory_space<hbm>>
      tpu.wait_dma2 semaphore(%run_scoped3A : memref<!tpu.dma_semaphore, #tpu.memory_space<semaphore_mem>>) src(%arg11 : memref<10000xf32, #tpu.memory_space<vmem>>) dst(%dma_wait3A_34 : memref<10000xf32, #tpu.memory_space<hbm>>)
      tpu.yield
    }) : () -> ()
    "tpu.region"() ({
      %run_scoped3A = tpu.sem_alloc : memref<!tpu.dma_semaphore, #tpu.memory_space<semaphore_mem>>
      %dma_start3A = arith.constant 0 : i32
      %dma_start3A_33 = tpu.memref_slice %arg17[%arg1, %dma_start3A] : memref<16x10240xf32, #tpu.memory_space<vmem_shared>> -> memref<1x10240xf32, #tpu.memory_space<vmem_shared>>
      %dma_start3A_34 = tpu.memref_squeeze %dma_start3A_33 : memref<1x10240xf32, #tpu.memory_space<vmem_shared>> -> memref<10240xf32, #tpu.memory_space<vmem_shared>>
      %dma_start3A_35 = arith.constant 0 : i32
      %dma_start3A_36 = tpu.memref_slice %arg17[%arg1, %dma_start3A_35] : memref<16x10240xf32, #tpu.memory_space<vmem_shared>> -> memref<1x10240xf32, #tpu.memory_space<vmem_shared>>
      %dma_start3A_37 = tpu.memref_squeeze %dma_start3A_36 : memref<1x10240xf32, #tpu.memory_space<vmem_shared>> -> memref<10240xf32, #tpu.memory_space<vmem_shared>>
      tpu.enqueue_dma source(%arg14 : memref<10240xf32, #tpu.memory_space<vmem>>) target(%dma_start3A_37 : memref<10240xf32, #tpu.memory_space<vmem_shared>>) target_semaphore(%run_scoped3A : memref<!tpu.dma_semaphore, #tpu.memory_space<semaphore_mem>>)
      %dma_wait3A = arith.constant 0 : i32
      %dma_wait3A_38 = tpu.memref_slice %arg17[%arg1, %dma_wait3A] : memref<16x10240xf32, #tpu.memory_space<vmem_shared>> -> memref<1x10240xf32, #tpu.memory_space<vmem_shared>>
      %dma_wait3A_39 = tpu.memref_squeeze %dma_wait3A_38 : memref<1x10240xf32, #tpu.memory_space<vmem_shared>> -> memref<10240xf32, #tpu.memory_space<vmem_shared>>
      %dma_wait3A_40 = arith.constant 0 : i32
      %dma_wait3A_41 = tpu.memref_slice %arg17[%arg1, %dma_wait3A_40] : memref<16x10240xf32, #tpu.memory_space<vmem_shared>> -> memref<1x10240xf32, #tpu.memory_space<vmem_shared>>
      %dma_wait3A_42 = tpu.memref_squeeze %dma_wait3A_41 : memref<1x10240xf32, #tpu.memory_space<vmem_shared>> -> memref<10240xf32, #tpu.memory_space<vmem_shared>>
      tpu.wait_dma2 semaphore(%run_scoped3A : memref<!tpu.dma_semaphore, #tpu.memory_space<semaphore_mem>>) src(%arg14 : memref<10240xf32, #tpu.memory_space<vmem>>) dst(%dma_wait3A_42 : memref<10240xf32, #tpu.memory_space<vmem_shared>>)
      tpu.yield
    }) : () -> ()
    %barrier3A = arith.constant 0 : index
    tpu.barrier barrier_id(%barrier3A)
    %mul3A_19 = arith.constant 640 : i32
    %mul3A_20 = arith.muli %arg1, %mul3A_19 : i32
    "tpu.region"() ({
      %run_scoped3A = tpu.sem_alloc : memref<!tpu.dma_semaphore, #tpu.memory_space<semaphore_mem>>
      %dma_start3A = arith.constant 0 : i32
      %dma_start3A_33 = tpu.memref_slice %arg17[%dma_start3A, %mul3A_20] : memref<16x10240xf32, #tpu.memory_space<vmem_shared>> -> memref<16x640xf32, #tpu.memory_space<vmem_shared>>
      %dma_start3A_34 = arith.constant 0 : i32
      %dma_start3A_35 = tpu.memref_slice %arg17[%dma_start3A_34, %mul3A_20] : memref<16x10240xf32, #tpu.memory_space<vmem_shared>> -> memref<16x640xf32, #tpu.memory_space<vmem_shared>>
      tpu.enqueue_dma source(%dma_start3A_35 : memref<16x640xf32, #tpu.memory_space<vmem_shared>>) target(%arg15 : memref<16x640xf32, #tpu.memory_space<vmem>>) target_semaphore(%run_scoped3A : memref<!tpu.dma_semaphore, #tpu.memory_space<semaphore_mem>>)
      %dma_wait3A = arith.constant 0 : i32
      %dma_wait3A_36 = tpu.memref_slice %arg17[%dma_wait3A, %mul3A_20] : memref<16x10240xf32, #tpu.memory_space<vmem_shared>> -> memref<16x640xf32, #tpu.memory_space<vmem_shared>>
      %dma_wait3A_37 = arith.constant 0 : i32
      %dma_wait3A_38 = tpu.memref_slice %arg17[%dma_wait3A_37, %mul3A_20] : memref<16x10240xf32, #tpu.memory_space<vmem_shared>> -> memref<16x640xf32, #tpu.memory_space<vmem_shared>>
      tpu.wait_dma2 semaphore(%run_scoped3A : memref<!tpu.dma_semaphore, #tpu.memory_space<semaphore_mem>>) src(%dma_wait3A_38 : memref<16x640xf32, #tpu.memory_space<vmem_shared>>) dst(%arg15 : memref<16x640xf32, #tpu.memory_space<vmem>>)
      tpu.yield
    }) : () -> ()
    %scan3A_21 = arith.constant 0 : i32
    %scan3A_22 = arith.constant 0 : i32
    %scan3A_23 = arith.constant 40 : i32
    %scan3A_24 = arith.addi %scan3A_22, %scan3A_23 : i32
    %scan3A_25 = arith.constant 1 : i32
    %scan3A_26 = scf.for %scan3A_33 = %scan3A_22 to %scan3A_24 step %scan3A_25 iter_args(%scan3A_34 = %scan3A_21) -> (i32)  : i32 {
      %mul3A_35 = arith.constant 16 : i32
      %mul3A_36 = arith.muli %scan3A_33, %mul3A_35 : i32
      %get3A = arith.constant 0 : i32
      %get3A_37 = arith.index_cast %get3A : i32 to index
      %get3A_38 = arith.index_cast %mul3A_36 : i32 to index
      %get3A_39 = tpu.vector_load %arg15[%get3A_37, %get3A_38] {strides = array<i32>} : memref<16x640xf32, #tpu.memory_space<vmem>>, vector<16xf32>,
      %get3A_40 = arith.constant 1 : i32
      %get3A_41 = arith.index_cast %get3A_40 : i32 to index
      %get3A_42 = arith.index_cast %mul3A_36 : i32 to index
      %get3A_43 = tpu.vector_load %arg15[%get3A_41, %get3A_42] {strides = array<i32>} : memref<16x640xf32, #tpu.memory_space<vmem>>, vector<16xf32>,
      %add3A_44 = arith.addf %get3A_39, %get3A_43 : vector<16xf32>
      %get3A_45 = arith.constant 2 : i32
      %get3A_46 = arith.index_cast %get3A_45 : i32 to index
      %get3A_47 = arith.index_cast %mul3A_36 : i32 to index
      %get3A_48 = tpu.vector_load %arg15[%get3A_46, %get3A_47] {strides = array<i32>} : memref<16x640xf32, #tpu.memory_space<vmem>>, vector<16xf32>,
      %add3A_49 = arith.addf %add3A_44, %get3A_48 : vector<16xf32>
      %get3A_50 = arith.constant 3 : i32
      %get3A_51 = arith.index_cast %get3A_50 : i32 to index
      %get3A_52 = arith.index_cast %mul3A_36 : i32 to index
      %get3A_53 = tpu.vector_load %arg15[%get3A_51, %get3A_52] {strides = array<i32>} : memref<16x640xf32, #tpu.memory_space<vmem>>, vector<16xf32>,
      %add3A_54 = arith.addf %add3A_49, %get3A_53 : vector<16xf32>
      %get3A_55 = arith.constant 4 : i32
      %get3A_56 = arith.index_cast %get3A_55 : i32 to index
      %get3A_57 = arith.index_cast %mul3A_36 : i32 to index
      %get3A_58 = tpu.vector_load %arg15[%get3A_56, %get3A_57] {strides = array<i32>} : memref<16x640xf32, #tpu.memory_space<vmem>>, vector<16xf32>,
      %add3A_59 = arith.addf %add3A_54, %get3A_58 : vector<16xf32>
      %get3A_60 = arith.constant 5 : i32
      %get3A_61 = arith.index_cast %get3A_60 : i32 to index
      %get3A_62 = arith.index_cast %mul3A_36 : i32 to index
      %get3A_63 = tpu.vector_load %arg15[%get3A_61, %get3A_62] {strides = array<i32>} : memref<16x640xf32, #tpu.memory_space<vmem>>, vector<16xf32>,
      %add3A_64 = arith.addf %add3A_59, %get3A_63 : vector<16xf32>
      %get3A_65 = arith.constant 6 : i32
      %get3A_66 = arith.index_cast %get3A_65 : i32 to index
      %get3A_67 = arith.index_cast %mul3A_36 : i32 to index
      %get3A_68 = tpu.vector_load %arg15[%get3A_66, %get3A_67] {strides = array<i32>} : memref<16x640xf32, #tpu.memory_space<vmem>>, vector<16xf32>,
      %add3A_69 = arith.addf %add3A_64, %get3A_68 : vector<16xf32>
      %get3A_70 = arith.constant 7 : i32
      %get3A_71 = arith.index_cast %get3A_70 : i32 to index
      %get3A_72 = arith.index_cast %mul3A_36 : i32 to index
      %get3A_73 = tpu.vector_load %arg15[%get3A_71, %get3A_72] {strides = array<i32>} : memref<16x640xf32, #tpu.memory_space<vmem>>, vector<16xf32>,
      %add3A_74 = arith.addf %add3A_69, %get3A_73 : vector<16xf32>
      %get3A_75 = arith.constant 8 : i32
      %get3A_76 = arith.index_cast %get3A_75 : i32 to index
      %get3A_77 = arith.index_cast %mul3A_36 : i32 to index
      %get3A_78 = tpu.vector_load %arg15[%get3A_76, %get3A_77] {strides = array<i32>} : memref<16x640xf32, #tpu.memory_space<vmem>>, vector<16xf32>,
      %add3A_79 = arith.addf %add3A_74, %get3A_78 : vector<16xf32>
      %get3A_80 = arith.constant 9 : i32
      %get3A_81 = arith.index_cast %get3A_80 : i32 to index
      %get3A_82 = arith.index_cast %mul3A_36 : i32 to index
      %get3A_83 = tpu.vector_load %arg15[%get3A_81, %get3A_82] {strides = array<i32>} : memref<16x640xf32, #tpu.memory_space<vmem>>, vector<16xf32>,
      %add3A_84 = arith.addf %add3A_79, %get3A_83 : vector<16xf32>
      %get3A_85 = arith.constant 10 : i32
      %get3A_86 = arith.index_cast %get3A_85 : i32 to index
      %get3A_87 = arith.index_cast %mul3A_36 : i32 to index
      %get3A_88 = tpu.vector_load %arg15[%get3A_86, %get3A_87] {strides = array<i32>} : memref<16x640xf32, #tpu.memory_space<vmem>>, vector<16xf32>,
      %add3A_89 = arith.addf %add3A_84, %get3A_88 : vector<16xf32>
      %get3A_90 = arith.constant 11 : i32
      %get3A_91 = arith.index_cast %get3A_90 : i32 to index
      %get3A_92 = arith.index_cast %mul3A_36 : i32 to index
      %get3A_93 = tpu.vector_load %arg15[%get3A_91, %get3A_92] {strides = array<i32>} : memref<16x640xf32, #tpu.memory_space<vmem>>, vector<16xf32>,
      %add3A_94 = arith.addf %add3A_89, %get3A_93 : vector<16xf32>
      %get3A_95 = arith.constant 12 : i32
      %get3A_96 = arith.index_cast %get3A_95 : i32 to index
      %get3A_97 = arith.index_cast %mul3A_36 : i32 to index
      %get3A_98 = tpu.vector_load %arg15[%get3A_96, %get3A_97] {strides = array<i32>} : memref<16x640xf32, #tpu.memory_space<vmem>>, vector<16xf32>,
      %add3A_99 = arith.addf %add3A_94, %get3A_98 : vector<16xf32>
      %get3A_100 = arith.constant 13 : i32
      %get3A_101 = arith.index_cast %get3A_100 : i32 to index
      %get3A_102 = arith.index_cast %mul3A_36 : i32 to index
      %get3A_103 = tpu.vector_load %arg15[%get3A_101, %get3A_102] {strides = array<i32>} : memref<16x640xf32, #tpu.memory_space<vmem>>, vector<16xf32>,
      %add3A_104 = arith.addf %add3A_99, %get3A_103 : vector<16xf32>
      %get3A_105 = arith.constant 14 : i32
      %get3A_106 = arith.index_cast %get3A_105 : i32 to index
      %get3A_107 = arith.index_cast %mul3A_36 : i32 to index
      %get3A_108 = tpu.vector_load %arg15[%get3A_106, %get3A_107] {strides = array<i32>} : memref<16x640xf32, #tpu.memory_space<vmem>>, vector<16xf32>,
      %add3A_109 = arith.addf %add3A_104, %get3A_108 : vector<16xf32>
      %get3A_110 = arith.constant 15 : i32
      %get3A_111 = arith.index_cast %get3A_110 : i32 to index
      %get3A_112 = arith.index_cast %mul3A_36 : i32 to index
      %get3A_113 = tpu.vector_load %arg15[%get3A_111, %get3A_112] {strides = array<i32>} : memref<16x640xf32, #tpu.memory_space<vmem>>, vector<16xf32>,
      %add3A_114 = arith.addf %add3A_109, %get3A_113 : vector<16xf32>
      %swap3A = arith.index_cast %mul3A_36 : i32 to index
      %swap3A_115 = tpu.vector_load %arg16[%swap3A] {strides = array<i32>} : memref<640xf32, #tpu.memory_space<vmem>>, vector<16xf32>,
      tpu.vector_store %arg16[%swap3A], %add3A_114 {strides = array<i32>} : memref<640xf32, #tpu.memory_space<vmem>>, vector<16xf32>,
      %scan3A_116 = arith.constant 0 : i32
      scf.yield %scan3A_116 : i32
    }
    %scan3A_27 = arith.constant 40 : i32
    %mul3A_28 = arith.constant 10240 : i32
    %mul3A_29 = arith.muli %arg0, %mul3A_28 : i32
    %mul3A_30 = arith.constant 640 : i32
    %mul3A_31 = arith.muli %arg1, %mul3A_30 : i32
    %add3A_32 = arith.addi %mul3A_29, %mul3A_31 : i32
    "tpu.region"() ({
      %run_scoped3A = tpu.sem_alloc : memref<!tpu.dma_semaphore, #tpu.memory_space<semaphore_mem>>
      %dma_start3A = tpu.memref_slice %arg7[%add3A_32] : memref<20480xf32, #tpu.memory_space<hbm>> -> memref<640xf32, #tpu.memory_space<hbm>>
      %dma_start3A_33 = tpu.memref_slice %arg7[%add3A_32] : memref<20480xf32, #tpu.memory_space<hbm>> -> memref<640xf32, #tpu.memory_space<hbm>>
      tpu.enqueue_dma source(%arg16 : memref<640xf32, #tpu.memory_space<vmem>>) target(%dma_start3A_33 : memref<640xf32, #tpu.memory_space<hbm>>) target_semaphore(%run_scoped3A : memref<!tpu.dma_semaphore, #tpu.memory_space<semaphore_mem>>)
      %dma_wait3A = tpu.memref_slice %arg7[%add3A_32] : memref<20480xf32, #tpu.memory_space<hbm>> -> memref<640xf32, #tpu.memory_space<hbm>>
      %dma_wait3A_34 = tpu.memref_slice %arg7[%add3A_32] : memref<20480xf32, #tpu.memory_space<hbm>> -> memref<640xf32, #tpu.memory_space<hbm>>
      tpu.wait_dma2 semaphore(%run_scoped3A : memref<!tpu.dma_semaphore, #tpu.memory_space<semaphore_mem>>) src(%arg16 : memref<640xf32, #tpu.memory_space<vmem>>) dst(%dma_wait3A_34 : memref<640xf32, #tpu.memory_space<hbm>>)
      tpu.yield
    }) : () -> ()
    return
  }
}

#map = affine_map<(d0, d1) -> (0)>
module attributes {stable_mosaic.version = 14 : i64} {
  func.func @_coef(%arg0: i32, %arg1: i32, %arg2: memref<20480xf32, #tpu.memory_space<hbm>>, %arg3: memref<320000xf32, #tpu.memory_space<hbm>>, %arg4: memref<640000xi32, #tpu.memory_space<hbm>>, %arg5: memref<320000xf32, #tpu.memory_space<hbm>>, %arg6: memref<10240xf32, #tpu.memory_space<vmem>>, %arg7: memref<640xf32, #tpu.memory_space<vmem>>, %arg8: memref<10000xf32, #tpu.memory_space<vmem>>, %arg9: memref<10000xi32, #tpu.memory_space<vmem>>) attributes {dimension_semantics = [#tpu.dimension_semantics<core_parallel>, #tpu.dimension_semantics<subcore_parallel>], iteration_bounds = array<i64: 2, 16>, scalar_prefetch = 0 : i64, scratch_operands = 4 : i64, tpu.core_type = #tpu.core_type<sc_vector_subcore>, window_params = [{transform_indices = #map}, {transform_indices = #map}, {transform_indices = #map}, {transform_indices = #map}]} {
    %mul3A = arith.constant 2 : i32
    %mul3A_0 = arith.muli %arg1, %mul3A : i32
    %add3A = arith.addi %mul3A_0, %arg0 : i32
    %mul3A_1 = arith.constant 10000 : i32
    %mul3A_2 = arith.muli %add3A, %mul3A_1 : i32
    "tpu.region"() ({
      %run_scoped3A = tpu.sem_alloc : memref<!tpu.dma_semaphore, #tpu.memory_space<semaphore_mem>>
      %dma_start3A = arith.constant 0 : i32
      %dma_start3A_123 = tpu.memref_slice %arg2[%dma_start3A] : memref<20480xf32, #tpu.memory_space<hbm>> -> memref<10240xf32, #tpu.memory_space<hbm>>
      %dma_start3A_124 = arith.constant 0 : i32
      %dma_start3A_125 = tpu.memref_slice %arg2[%dma_start3A_124] : memref<20480xf32, #tpu.memory_space<hbm>> -> memref<10240xf32, #tpu.memory_space<hbm>>
      tpu.enqueue_dma source(%dma_start3A_125 : memref<10240xf32, #tpu.memory_space<hbm>>) target(%arg6 : memref<10240xf32, #tpu.memory_space<vmem>>) target_semaphore(%run_scoped3A : memref<!tpu.dma_semaphore, #tpu.memory_space<semaphore_mem>>)
      %dma_wait3A = arith.constant 0 : i32
      %dma_wait3A_126 = tpu.memref_slice %arg2[%dma_wait3A] : memref<20480xf32, #tpu.memory_space<hbm>> -> memref<10240xf32, #tpu.memory_space<hbm>>
      %dma_wait3A_127 = arith.constant 0 : i32
      %dma_wait3A_128 = tpu.memref_slice %arg2[%dma_wait3A_127] : memref<20480xf32, #tpu.memory_space<hbm>> -> memref<10240xf32, #tpu.memory_space<hbm>>
      tpu.wait_dma2 semaphore(%run_scoped3A : memref<!tpu.dma_semaphore, #tpu.memory_space<semaphore_mem>>) src(%dma_wait3A_128 : memref<10240xf32, #tpu.memory_space<hbm>>) dst(%arg6 : memref<10240xf32, #tpu.memory_space<vmem>>)
      tpu.yield
    }) : () -> ()
    "tpu.region"() ({
      %run_scoped3A = tpu.sem_alloc : memref<!tpu.dma_semaphore, #tpu.memory_space<semaphore_mem>>
      %dma_start3A = tpu.memref_slice %arg3[%mul3A_2] : memref<320000xf32, #tpu.memory_space<hbm>> -> memref<10000xf32, #tpu.memory_space<hbm>>
      %dma_start3A_123 = tpu.memref_slice %arg3[%mul3A_2] : memref<320000xf32, #tpu.memory_space<hbm>> -> memref<10000xf32, #tpu.memory_space<hbm>>
      tpu.enqueue_dma source(%dma_start3A_123 : memref<10000xf32, #tpu.memory_space<hbm>>) target(%arg8 : memref<10000xf32, #tpu.memory_space<vmem>>) target_semaphore(%run_scoped3A : memref<!tpu.dma_semaphore, #tpu.memory_space<semaphore_mem>>)
      %dma_wait3A = tpu.memref_slice %arg3[%mul3A_2] : memref<320000xf32, #tpu.memory_space<hbm>> -> memref<10000xf32, #tpu.memory_space<hbm>>
      %dma_wait3A_124 = tpu.memref_slice %arg3[%mul3A_2] : memref<320000xf32, #tpu.memory_space<hbm>> -> memref<10000xf32, #tpu.memory_space<hbm>>
      tpu.wait_dma2 semaphore(%run_scoped3A : memref<!tpu.dma_semaphore, #tpu.memory_space<semaphore_mem>>) src(%dma_wait3A_124 : memref<10000xf32, #tpu.memory_space<hbm>>) dst(%arg8 : memref<10000xf32, #tpu.memory_space<vmem>>)
      tpu.yield
    }) : () -> ()
    %add3A_3 = arith.constant 320000 : i32
    %add3A_4 = arith.addi %add3A_3, %mul3A_2 : i32
    "tpu.region"() ({
      %run_scoped3A = tpu.sem_alloc : memref<!tpu.dma_semaphore, #tpu.memory_space<semaphore_mem>>
      %dma_start3A = tpu.memref_slice %arg4[%add3A_4] : memref<640000xi32, #tpu.memory_space<hbm>> -> memref<10000xi32, #tpu.memory_space<hbm>>
      %dma_start3A_123 = tpu.memref_slice %arg4[%add3A_4] : memref<640000xi32, #tpu.memory_space<hbm>> -> memref<10000xi32, #tpu.memory_space<hbm>>
      tpu.enqueue_dma source(%dma_start3A_123 : memref<10000xi32, #tpu.memory_space<hbm>>) target(%arg9 : memref<10000xi32, #tpu.memory_space<vmem>>) target_semaphore(%run_scoped3A : memref<!tpu.dma_semaphore, #tpu.memory_space<semaphore_mem>>)
      %dma_wait3A = tpu.memref_slice %arg4[%add3A_4] : memref<640000xi32, #tpu.memory_space<hbm>> -> memref<10000xi32, #tpu.memory_space<hbm>>
      %dma_wait3A_124 = tpu.memref_slice %arg4[%add3A_4] : memref<640000xi32, #tpu.memory_space<hbm>> -> memref<10000xi32, #tpu.memory_space<hbm>>
      tpu.wait_dma2 semaphore(%run_scoped3A : memref<!tpu.dma_semaphore, #tpu.memory_space<semaphore_mem>>) src(%dma_wait3A_124 : memref<10000xi32, #tpu.memory_space<hbm>>) dst(%arg9 : memref<10000xi32, #tpu.memory_space<vmem>>)
      tpu.yield
    }) : () -> ()
    "tpu.region"() ({
      %run_scoped3A = tpu.sem_alloc : memref<!tpu.dma_semaphore, #tpu.memory_space<semaphore_mem>>
      %dma_start3A = arith.constant 10240 : i32
      %dma_start3A_123 = tpu.memref_slice %arg2[%dma_start3A] : memref<20480xf32, #tpu.memory_space<hbm>> -> memref<640xf32, #tpu.memory_space<hbm>>
      %dma_start3A_124 = arith.constant 10240 : i32
      %dma_start3A_125 = tpu.memref_slice %arg2[%dma_start3A_124] : memref<20480xf32, #tpu.memory_space<hbm>> -> memref<640xf32, #tpu.memory_space<hbm>>
      tpu.enqueue_dma source(%dma_start3A_125 : memref<640xf32, #tpu.memory_space<hbm>>) target(%arg7 : memref<640xf32, #tpu.memory_space<vmem>>) target_semaphore(%run_scoped3A : memref<!tpu.dma_semaphore, #tpu.memory_space<semaphore_mem>>)
      %dma_wait3A = arith.constant 10240 : i32
      %dma_wait3A_126 = tpu.memref_slice %arg2[%dma_wait3A] : memref<20480xf32, #tpu.memory_space<hbm>> -> memref<640xf32, #tpu.memory_space<hbm>>
      %dma_wait3A_127 = arith.constant 10240 : i32
      %dma_wait3A_128 = tpu.memref_slice %arg2[%dma_wait3A_127] : memref<20480xf32, #tpu.memory_space<hbm>> -> memref<640xf32, #tpu.memory_space<hbm>>
      tpu.wait_dma2 semaphore(%run_scoped3A : memref<!tpu.dma_semaphore, #tpu.memory_space<semaphore_mem>>) src(%dma_wait3A_128 : memref<640xf32, #tpu.memory_space<hbm>>) dst(%arg7 : memref<640xf32, #tpu.memory_space<vmem>>)
      tpu.yield
    }) : () -> ()
    %scan3A = arith.constant 0 : i32
    %scan3A_5 = arith.constant 0 : i32
    %scan3A_6 = arith.constant 40 : i32
    %scan3A_7 = arith.addi %scan3A_5, %scan3A_6 : i32
    %scan3A_8 = arith.constant 1 : i32
    %scan3A_9 = scf.for %scan3A_123 = %scan3A_5 to %scan3A_7 step %scan3A_8 iter_args(%scan3A_124 = %scan3A) -> (i32)  : i32 {
      %mul3A_125 = arith.constant 16 : i32
      %mul3A_126 = arith.muli %scan3A_123, %mul3A_125 : i32
      %mul3A_127 = arith.constant 16 : i32
      %mul3A_128 = arith.muli %scan3A_123, %mul3A_127 : i32
      %add3A_129 = arith.constant 0 : i32
      %add3A_130 = arith.addi %add3A_129, %mul3A_128 : i32
      %get3A = arith.index_cast %add3A_130 : i32 to index
      %get3A_131 = tpu.vector_load %arg6[%get3A] {strides = array<i32>} : memref<10240xf32, #tpu.memory_space<vmem>>, vector<16xf32>,
      %get3A_132 = arith.index_cast %mul3A_126 : i32 to index
      %get3A_133 = tpu.vector_load %arg7[%get3A_132] {strides = array<i32>} : memref<640xf32, #tpu.memory_space<vmem>>, vector<16xf32>,
      %add3A_134 = arith.addf %get3A_131, %get3A_133 : vector<16xf32>
      %mul3A_135 = arith.constant 16 : i32
      %mul3A_136 = arith.muli %scan3A_123, %mul3A_135 : i32
      %add3A_137 = arith.constant 0 : i32
      %add3A_138 = arith.addi %add3A_137, %mul3A_136 : i32
      %swap3A = arith.index_cast %add3A_138 : i32 to index
      %swap3A_139 = tpu.vector_load %arg6[%swap3A] {strides = array<i32>} : memref<10240xf32, #tpu.memory_space<vmem>>, vector<16xf32>,
      tpu.vector_store %arg6[%swap3A], %add3A_134 {strides = array<i32>} : memref<10240xf32, #tpu.memory_space<vmem>>, vector<16xf32>,
      %scan3A_140 = arith.constant 0 : i32
      scf.yield %scan3A_140 : i32
    }
    %scan3A_10 = arith.constant 40 : i32
    "tpu.region"() ({
      %run_scoped3A = tpu.sem_alloc : memref<!tpu.dma_semaphore, #tpu.memory_space<semaphore_mem>>
      %dma_start3A = arith.constant 10880 : i32
      %dma_start3A_123 = tpu.memref_slice %arg2[%dma_start3A] : memref<20480xf32, #tpu.memory_space<hbm>> -> memref<640xf32, #tpu.memory_space<hbm>>
      %dma_start3A_124 = arith.constant 10880 : i32
      %dma_start3A_125 = tpu.memref_slice %arg2[%dma_start3A_124] : memref<20480xf32, #tpu.memory_space<hbm>> -> memref<640xf32, #tpu.memory_space<hbm>>
      tpu.enqueue_dma source(%dma_start3A_125 : memref<640xf32, #tpu.memory_space<hbm>>) target(%arg7 : memref<640xf32, #tpu.memory_space<vmem>>) target_semaphore(%run_scoped3A : memref<!tpu.dma_semaphore, #tpu.memory_space<semaphore_mem>>)
      %dma_wait3A = arith.constant 10880 : i32
      %dma_wait3A_126 = tpu.memref_slice %arg2[%dma_wait3A] : memref<20480xf32, #tpu.memory_space<hbm>> -> memref<640xf32, #tpu.memory_space<hbm>>
      %dma_wait3A_127 = arith.constant 10880 : i32
      %dma_wait3A_128 = tpu.memref_slice %arg2[%dma_wait3A_127] : memref<20480xf32, #tpu.memory_space<hbm>> -> memref<640xf32, #tpu.memory_space<hbm>>
      tpu.wait_dma2 semaphore(%run_scoped3A : memref<!tpu.dma_semaphore, #tpu.memory_space<semaphore_mem>>) src(%dma_wait3A_128 : memref<640xf32, #tpu.memory_space<hbm>>) dst(%arg7 : memref<640xf32, #tpu.memory_space<vmem>>)
      tpu.yield
    }) : () -> ()
    %scan3A_11 = arith.constant 0 : i32
    %scan3A_12 = arith.constant 0 : i32
    %scan3A_13 = arith.constant 40 : i32
    %scan3A_14 = arith.addi %scan3A_12, %scan3A_13 : i32
    %scan3A_15 = arith.constant 1 : i32
    %scan3A_16 = scf.for %scan3A_123 = %scan3A_12 to %scan3A_14 step %scan3A_15 iter_args(%scan3A_124 = %scan3A_11) -> (i32)  : i32 {
      %mul3A_125 = arith.constant 16 : i32
      %mul3A_126 = arith.muli %scan3A_123, %mul3A_125 : i32
      %mul3A_127 = arith.constant 16 : i32
      %mul3A_128 = arith.muli %scan3A_123, %mul3A_127 : i32
      %add3A_129 = arith.constant 640 : i32
      %add3A_130 = arith.addi %add3A_129, %mul3A_128 : i32
      %get3A = arith.index_cast %add3A_130 : i32 to index
      %get3A_131 = tpu.vector_load %arg6[%get3A] {strides = array<i32>} : memref<10240xf32, #tpu.memory_space<vmem>>, vector<16xf32>,
      %get3A_132 = arith.index_cast %mul3A_126 : i32 to index
      %get3A_133 = tpu.vector_load %arg7[%get3A_132] {strides = array<i32>} : memref<640xf32, #tpu.memory_space<vmem>>, vector<16xf32>,
      %add3A_134 = arith.addf %get3A_131, %get3A_133 : vector<16xf32>
      %mul3A_135 = arith.constant 16 : i32
      %mul3A_136 = arith.muli %scan3A_123, %mul3A_135 : i32
      %add3A_137 = arith.constant 640 : i32
      %add3A_138 = arith.addi %add3A_137, %mul3A_136 : i32
      %swap3A = arith.index_cast %add3A_138 : i32 to index
      %swap3A_139 = tpu.vector_load %arg6[%swap3A] {strides = array<i32>} : memref<10240xf32, #tpu.memory_space<vmem>>, vector<16xf32>,
      tpu.vector_store %arg6[%swap3A], %add3A_134 {strides = array<i32>} : memref<10240xf32, #tpu.memory_space<vmem>>, vector<16xf32>,
      %scan3A_140 = arith.constant 0 : i32
      scf.yield %scan3A_140 : i32
    }
    %scan3A_17 = arith.constant 40 : i32
    "tpu.region"() ({
      %run_scoped3A = tpu.sem_alloc : memref<!tpu.dma_semaphore, #tpu.memory_space<semaphore_mem>>
      %dma_start3A = arith.constant 11520 : i32
      %dma_start3A_123 = tpu.memref_slice %arg2[%dma_start3A] : memref<20480xf32, #tpu.memory_space<hbm>> -> memref<640xf32, #tpu.memory_space<hbm>>
      %dma_start3A_124 = arith.constant 11520 : i32
      %dma_start3A_125 = tpu.memref_slice %arg2[%dma_start3A_124] : memref<20480xf32, #tpu.memory_space<hbm>> -> memref<640xf32, #tpu.memory_space<hbm>>
      tpu.enqueue_dma source(%dma_start3A_125 : memref<640xf32, #tpu.memory_space<hbm>>) target(%arg7 : memref<640xf32, #tpu.memory_space<vmem>>) target_semaphore(%run_scoped3A : memref<!tpu.dma_semaphore, #tpu.memory_space<semaphore_mem>>)
      %dma_wait3A = arith.constant 11520 : i32
      %dma_wait3A_126 = tpu.memref_slice %arg2[%dma_wait3A] : memref<20480xf32, #tpu.memory_space<hbm>> -> memref<640xf32, #tpu.memory_space<hbm>>
      %dma_wait3A_127 = arith.constant 11520 : i32
      %dma_wait3A_128 = tpu.memref_slice %arg2[%dma_wait3A_127] : memref<20480xf32, #tpu.memory_space<hbm>> -> memref<640xf32, #tpu.memory_space<hbm>>
      tpu.wait_dma2 semaphore(%run_scoped3A : memref<!tpu.dma_semaphore, #tpu.memory_space<semaphore_mem>>) src(%dma_wait3A_128 : memref<640xf32, #tpu.memory_space<hbm>>) dst(%arg7 : memref<640xf32, #tpu.memory_space<vmem>>)
      tpu.yield
    }) : () -> ()
    %scan3A_18 = arith.constant 0 : i32
    %scan3A_19 = arith.constant 0 : i32
    %scan3A_20 = arith.constant 40 : i32
    %scan3A_21 = arith.addi %scan3A_19, %scan3A_20 : i32
    %scan3A_22 = arith.constant 1 : i32
    %scan3A_23 = scf.for %scan3A_123 = %scan3A_19 to %scan3A_21 step %scan3A_22 iter_args(%scan3A_124 = %scan3A_18) -> (i32)  : i32 {
      %mul3A_125 = arith.constant 16 : i32
      %mul3A_126 = arith.muli %scan3A_123, %mul3A_125 : i32
      %mul3A_127 = arith.constant 16 : i32
      %mul3A_128 = arith.muli %scan3A_123, %mul3A_127 : i32
      %add3A_129 = arith.constant 1280 : i32
      %add3A_130 = arith.addi %add3A_129, %mul3A_128 : i32
      %get3A = arith.index_cast %add3A_130 : i32 to index
      %get3A_131 = tpu.vector_load %arg6[%get3A] {strides = array<i32>} : memref<10240xf32, #tpu.memory_space<vmem>>, vector<16xf32>,
      %get3A_132 = arith.index_cast %mul3A_126 : i32 to index
      %get3A_133 = tpu.vector_load %arg7[%get3A_132] {strides = array<i32>} : memref<640xf32, #tpu.memory_space<vmem>>, vector<16xf32>,
      %add3A_134 = arith.addf %get3A_131, %get3A_133 : vector<16xf32>
      %mul3A_135 = arith.constant 16 : i32
      %mul3A_136 = arith.muli %scan3A_123, %mul3A_135 : i32
      %add3A_137 = arith.constant 1280 : i32
      %add3A_138 = arith.addi %add3A_137, %mul3A_136 : i32
      %swap3A = arith.index_cast %add3A_138 : i32 to index
      %swap3A_139 = tpu.vector_load %arg6[%swap3A] {strides = array<i32>} : memref<10240xf32, #tpu.memory_space<vmem>>, vector<16xf32>,
      tpu.vector_store %arg6[%swap3A], %add3A_134 {strides = array<i32>} : memref<10240xf32, #tpu.memory_space<vmem>>, vector<16xf32>,
      %scan3A_140 = arith.constant 0 : i32
      scf.yield %scan3A_140 : i32
    }
    %scan3A_24 = arith.constant 40 : i32
    "tpu.region"() ({
      %run_scoped3A = tpu.sem_alloc : memref<!tpu.dma_semaphore, #tpu.memory_space<semaphore_mem>>
      %dma_start3A = arith.constant 12160 : i32
      %dma_start3A_123 = tpu.memref_slice %arg2[%dma_start3A] : memref<20480xf32, #tpu.memory_space<hbm>> -> memref<640xf32, #tpu.memory_space<hbm>>
      %dma_start3A_124 = arith.constant 12160 : i32
      %dma_start3A_125 = tpu.memref_slice %arg2[%dma_start3A_124] : memref<20480xf32, #tpu.memory_space<hbm>> -> memref<640xf32, #tpu.memory_space<hbm>>
      tpu.enqueue_dma source(%dma_start3A_125 : memref<640xf32, #tpu.memory_space<hbm>>) target(%arg7 : memref<640xf32, #tpu.memory_space<vmem>>) target_semaphore(%run_scoped3A : memref<!tpu.dma_semaphore, #tpu.memory_space<semaphore_mem>>)
      %dma_wait3A = arith.constant 12160 : i32
      %dma_wait3A_126 = tpu.memref_slice %arg2[%dma_wait3A] : memref<20480xf32, #tpu.memory_space<hbm>> -> memref<640xf32, #tpu.memory_space<hbm>>
      %dma_wait3A_127 = arith.constant 12160 : i32
      %dma_wait3A_128 = tpu.memref_slice %arg2[%dma_wait3A_127] : memref<20480xf32, #tpu.memory_space<hbm>> -> memref<640xf32, #tpu.memory_space<hbm>>
      tpu.wait_dma2 semaphore(%run_scoped3A : memref<!tpu.dma_semaphore, #tpu.memory_space<semaphore_mem>>) src(%dma_wait3A_128 : memref<640xf32, #tpu.memory_space<hbm>>) dst(%arg7 : memref<640xf32, #tpu.memory_space<vmem>>)
      tpu.yield
    }) : () -> ()
    %scan3A_25 = arith.constant 0 : i32
    %scan3A_26 = arith.constant 0 : i32
    %scan3A_27 = arith.constant 40 : i32
    %scan3A_28 = arith.addi %scan3A_26, %scan3A_27 : i32
    %scan3A_29 = arith.constant 1 : i32
    %scan3A_30 = scf.for %scan3A_123 = %scan3A_26 to %scan3A_28 step %scan3A_29 iter_args(%scan3A_124 = %scan3A_25) -> (i32)  : i32 {
      %mul3A_125 = arith.constant 16 : i32
      %mul3A_126 = arith.muli %scan3A_123, %mul3A_125 : i32
      %mul3A_127 = arith.constant 16 : i32
      %mul3A_128 = arith.muli %scan3A_123, %mul3A_127 : i32
      %add3A_129 = arith.constant 1920 : i32
      %add3A_130 = arith.addi %add3A_129, %mul3A_128 : i32
      %get3A = arith.index_cast %add3A_130 : i32 to index
      %get3A_131 = tpu.vector_load %arg6[%get3A] {strides = array<i32>} : memref<10240xf32, #tpu.memory_space<vmem>>, vector<16xf32>,
      %get3A_132 = arith.index_cast %mul3A_126 : i32 to index
      %get3A_133 = tpu.vector_load %arg7[%get3A_132] {strides = array<i32>} : memref<640xf32, #tpu.memory_space<vmem>>, vector<16xf32>,
      %add3A_134 = arith.addf %get3A_131, %get3A_133 : vector<16xf32>
      %mul3A_135 = arith.constant 16 : i32
      %mul3A_136 = arith.muli %scan3A_123, %mul3A_135 : i32
      %add3A_137 = arith.constant 1920 : i32
      %add3A_138 = arith.addi %add3A_137, %mul3A_136 : i32
      %swap3A = arith.index_cast %add3A_138 : i32 to index
      %swap3A_139 = tpu.vector_load %arg6[%swap3A] {strides = array<i32>} : memref<10240xf32, #tpu.memory_space<vmem>>, vector<16xf32>,
      tpu.vector_store %arg6[%swap3A], %add3A_134 {strides = array<i32>} : memref<10240xf32, #tpu.memory_space<vmem>>, vector<16xf32>,
      %scan3A_140 = arith.constant 0 : i32
      scf.yield %scan3A_140 : i32
    }
    %scan3A_31 = arith.constant 40 : i32
    "tpu.region"() ({
      %run_scoped3A = tpu.sem_alloc : memref<!tpu.dma_semaphore, #tpu.memory_space<semaphore_mem>>
      %dma_start3A = arith.constant 12800 : i32
      %dma_start3A_123 = tpu.memref_slice %arg2[%dma_start3A] : memref<20480xf32, #tpu.memory_space<hbm>> -> memref<640xf32, #tpu.memory_space<hbm>>
      %dma_start3A_124 = arith.constant 12800 : i32
      %dma_start3A_125 = tpu.memref_slice %arg2[%dma_start3A_124] : memref<20480xf32, #tpu.memory_space<hbm>> -> memref<640xf32, #tpu.memory_space<hbm>>
      tpu.enqueue_dma source(%dma_start3A_125 : memref<640xf32, #tpu.memory_space<hbm>>) target(%arg7 : memref<640xf32, #tpu.memory_space<vmem>>) target_semaphore(%run_scoped3A : memref<!tpu.dma_semaphore, #tpu.memory_space<semaphore_mem>>)
      %dma_wait3A = arith.constant 12800 : i32
      %dma_wait3A_126 = tpu.memref_slice %arg2[%dma_wait3A] : memref<20480xf32, #tpu.memory_space<hbm>> -> memref<640xf32, #tpu.memory_space<hbm>>
      %dma_wait3A_127 = arith.constant 12800 : i32
      %dma_wait3A_128 = tpu.memref_slice %arg2[%dma_wait3A_127] : memref<20480xf32, #tpu.memory_space<hbm>> -> memref<640xf32, #tpu.memory_space<hbm>>
      tpu.wait_dma2 semaphore(%run_scoped3A : memref<!tpu.dma_semaphore, #tpu.memory_space<semaphore_mem>>) src(%dma_wait3A_128 : memref<640xf32, #tpu.memory_space<hbm>>) dst(%arg7 : memref<640xf32, #tpu.memory_space<vmem>>)
      tpu.yield
    }) : () -> ()
    %scan3A_32 = arith.constant 0 : i32
    %scan3A_33 = arith.constant 0 : i32
    %scan3A_34 = arith.constant 40 : i32
    %scan3A_35 = arith.addi %scan3A_33, %scan3A_34 : i32
    %scan3A_36 = arith.constant 1 : i32
    %scan3A_37 = scf.for %scan3A_123 = %scan3A_33 to %scan3A_35 step %scan3A_36 iter_args(%scan3A_124 = %scan3A_32) -> (i32)  : i32 {
      %mul3A_125 = arith.constant 16 : i32
      %mul3A_126 = arith.muli %scan3A_123, %mul3A_125 : i32
      %mul3A_127 = arith.constant 16 : i32
      %mul3A_128 = arith.muli %scan3A_123, %mul3A_127 : i32
      %add3A_129 = arith.constant 2560 : i32
      %add3A_130 = arith.addi %add3A_129, %mul3A_128 : i32
      %get3A = arith.index_cast %add3A_130 : i32 to index
      %get3A_131 = tpu.vector_load %arg6[%get3A] {strides = array<i32>} : memref<10240xf32, #tpu.memory_space<vmem>>, vector<16xf32>,
      %get3A_132 = arith.index_cast %mul3A_126 : i32 to index
      %get3A_133 = tpu.vector_load %arg7[%get3A_132] {strides = array<i32>} : memref<640xf32, #tpu.memory_space<vmem>>, vector<16xf32>,
      %add3A_134 = arith.addf %get3A_131, %get3A_133 : vector<16xf32>
      %mul3A_135 = arith.constant 16 : i32
      %mul3A_136 = arith.muli %scan3A_123, %mul3A_135 : i32
      %add3A_137 = arith.constant 2560 : i32
      %add3A_138 = arith.addi %add3A_137, %mul3A_136 : i32
      %swap3A = arith.index_cast %add3A_138 : i32 to index
      %swap3A_139 = tpu.vector_load %arg6[%swap3A] {strides = array<i32>} : memref<10240xf32, #tpu.memory_space<vmem>>, vector<16xf32>,
      tpu.vector_store %arg6[%swap3A], %add3A_134 {strides = array<i32>} : memref<10240xf32, #tpu.memory_space<vmem>>, vector<16xf32>,
      %scan3A_140 = arith.constant 0 : i32
      scf.yield %scan3A_140 : i32
    }
    %scan3A_38 = arith.constant 40 : i32
    "tpu.region"() ({
      %run_scoped3A = tpu.sem_alloc : memref<!tpu.dma_semaphore, #tpu.memory_space<semaphore_mem>>
      %dma_start3A = arith.constant 13440 : i32
      %dma_start3A_123 = tpu.memref_slice %arg2[%dma_start3A] : memref<20480xf32, #tpu.memory_space<hbm>> -> memref<640xf32, #tpu.memory_space<hbm>>
      %dma_start3A_124 = arith.constant 13440 : i32
      %dma_start3A_125 = tpu.memref_slice %arg2[%dma_start3A_124] : memref<20480xf32, #tpu.memory_space<hbm>> -> memref<640xf32, #tpu.memory_space<hbm>>
      tpu.enqueue_dma source(%dma_start3A_125 : memref<640xf32, #tpu.memory_space<hbm>>) target(%arg7 : memref<640xf32, #tpu.memory_space<vmem>>) target_semaphore(%run_scoped3A : memref<!tpu.dma_semaphore, #tpu.memory_space<semaphore_mem>>)
      %dma_wait3A = arith.constant 13440 : i32
      %dma_wait3A_126 = tpu.memref_slice %arg2[%dma_wait3A] : memref<20480xf32, #tpu.memory_space<hbm>> -> memref<640xf32, #tpu.memory_space<hbm>>
      %dma_wait3A_127 = arith.constant 13440 : i32
      %dma_wait3A_128 = tpu.memref_slice %arg2[%dma_wait3A_127] : memref<20480xf32, #tpu.memory_space<hbm>> -> memref<640xf32, #tpu.memory_space<hbm>>
      tpu.wait_dma2 semaphore(%run_scoped3A : memref<!tpu.dma_semaphore, #tpu.memory_space<semaphore_mem>>) src(%dma_wait3A_128 : memref<640xf32, #tpu.memory_space<hbm>>) dst(%arg7 : memref<640xf32, #tpu.memory_space<vmem>>)
      tpu.yield
    }) : () -> ()
    %scan3A_39 = arith.constant 0 : i32
    %scan3A_40 = arith.constant 0 : i32
    %scan3A_41 = arith.constant 40 : i32
    %scan3A_42 = arith.addi %scan3A_40, %scan3A_41 : i32
    %scan3A_43 = arith.constant 1 : i32
    %scan3A_44 = scf.for %scan3A_123 = %scan3A_40 to %scan3A_42 step %scan3A_43 iter_args(%scan3A_124 = %scan3A_39) -> (i32)  : i32 {
      %mul3A_125 = arith.constant 16 : i32
      %mul3A_126 = arith.muli %scan3A_123, %mul3A_125 : i32
      %mul3A_127 = arith.constant 16 : i32
      %mul3A_128 = arith.muli %scan3A_123, %mul3A_127 : i32
      %add3A_129 = arith.constant 3200 : i32
      %add3A_130 = arith.addi %add3A_129, %mul3A_128 : i32
      %get3A = arith.index_cast %add3A_130 : i32 to index
      %get3A_131 = tpu.vector_load %arg6[%get3A] {strides = array<i32>} : memref<10240xf32, #tpu.memory_space<vmem>>, vector<16xf32>,
      %get3A_132 = arith.index_cast %mul3A_126 : i32 to index
      %get3A_133 = tpu.vector_load %arg7[%get3A_132] {strides = array<i32>} : memref<640xf32, #tpu.memory_space<vmem>>, vector<16xf32>,
      %add3A_134 = arith.addf %get3A_131, %get3A_133 : vector<16xf32>
      %mul3A_135 = arith.constant 16 : i32
      %mul3A_136 = arith.muli %scan3A_123, %mul3A_135 : i32
      %add3A_137 = arith.constant 3200 : i32
      %add3A_138 = arith.addi %add3A_137, %mul3A_136 : i32
      %swap3A = arith.index_cast %add3A_138 : i32 to index
      %swap3A_139 = tpu.vector_load %arg6[%swap3A] {strides = array<i32>} : memref<10240xf32, #tpu.memory_space<vmem>>, vector<16xf32>,
      tpu.vector_store %arg6[%swap3A], %add3A_134 {strides = array<i32>} : memref<10240xf32, #tpu.memory_space<vmem>>, vector<16xf32>,
      %scan3A_140 = arith.constant 0 : i32
      scf.yield %scan3A_140 : i32
    }
    %scan3A_45 = arith.constant 40 : i32
    "tpu.region"() ({
      %run_scoped3A = tpu.sem_alloc : memref<!tpu.dma_semaphore, #tpu.memory_space<semaphore_mem>>
      %dma_start3A = arith.constant 14080 : i32
      %dma_start3A_123 = tpu.memref_slice %arg2[%dma_start3A] : memref<20480xf32, #tpu.memory_space<hbm>> -> memref<640xf32, #tpu.memory_space<hbm>>
      %dma_start3A_124 = arith.constant 14080 : i32
      %dma_start3A_125 = tpu.memref_slice %arg2[%dma_start3A_124] : memref<20480xf32, #tpu.memory_space<hbm>> -> memref<640xf32, #tpu.memory_space<hbm>>
      tpu.enqueue_dma source(%dma_start3A_125 : memref<640xf32, #tpu.memory_space<hbm>>) target(%arg7 : memref<640xf32, #tpu.memory_space<vmem>>) target_semaphore(%run_scoped3A : memref<!tpu.dma_semaphore, #tpu.memory_space<semaphore_mem>>)
      %dma_wait3A = arith.constant 14080 : i32
      %dma_wait3A_126 = tpu.memref_slice %arg2[%dma_wait3A] : memref<20480xf32, #tpu.memory_space<hbm>> -> memref<640xf32, #tpu.memory_space<hbm>>
      %dma_wait3A_127 = arith.constant 14080 : i32
      %dma_wait3A_128 = tpu.memref_slice %arg2[%dma_wait3A_127] : memref<20480xf32, #tpu.memory_space<hbm>> -> memref<640xf32, #tpu.memory_space<hbm>>
      tpu.wait_dma2 semaphore(%run_scoped3A : memref<!tpu.dma_semaphore, #tpu.memory_space<semaphore_mem>>) src(%dma_wait3A_128 : memref<640xf32, #tpu.memory_space<hbm>>) dst(%arg7 : memref<640xf32, #tpu.memory_space<vmem>>)
      tpu.yield
    }) : () -> ()
    %scan3A_46 = arith.constant 0 : i32
    %scan3A_47 = arith.constant 0 : i32
    %scan3A_48 = arith.constant 40 : i32
    %scan3A_49 = arith.addi %scan3A_47, %scan3A_48 : i32
    %scan3A_50 = arith.constant 1 : i32
    %scan3A_51 = scf.for %scan3A_123 = %scan3A_47 to %scan3A_49 step %scan3A_50 iter_args(%scan3A_124 = %scan3A_46) -> (i32)  : i32 {
      %mul3A_125 = arith.constant 16 : i32
      %mul3A_126 = arith.muli %scan3A_123, %mul3A_125 : i32
      %mul3A_127 = arith.constant 16 : i32
      %mul3A_128 = arith.muli %scan3A_123, %mul3A_127 : i32
      %add3A_129 = arith.constant 3840 : i32
      %add3A_130 = arith.addi %add3A_129, %mul3A_128 : i32
      %get3A = arith.index_cast %add3A_130 : i32 to index
      %get3A_131 = tpu.vector_load %arg6[%get3A] {strides = array<i32>} : memref<10240xf32, #tpu.memory_space<vmem>>, vector<16xf32>,
      %get3A_132 = arith.index_cast %mul3A_126 : i32 to index
      %get3A_133 = tpu.vector_load %arg7[%get3A_132] {strides = array<i32>} : memref<640xf32, #tpu.memory_space<vmem>>, vector<16xf32>,
      %add3A_134 = arith.addf %get3A_131, %get3A_133 : vector<16xf32>
      %mul3A_135 = arith.constant 16 : i32
      %mul3A_136 = arith.muli %scan3A_123, %mul3A_135 : i32
      %add3A_137 = arith.constant 3840 : i32
      %add3A_138 = arith.addi %add3A_137, %mul3A_136 : i32
      %swap3A = arith.index_cast %add3A_138 : i32 to index
      %swap3A_139 = tpu.vector_load %arg6[%swap3A] {strides = array<i32>} : memref<10240xf32, #tpu.memory_space<vmem>>, vector<16xf32>,
      tpu.vector_store %arg6[%swap3A], %add3A_134 {strides = array<i32>} : memref<10240xf32, #tpu.memory_space<vmem>>, vector<16xf32>,
      %scan3A_140 = arith.constant 0 : i32
      scf.yield %scan3A_140 : i32
    }
    %scan3A_52 = arith.constant 40 : i32
    "tpu.region"() ({
      %run_scoped3A = tpu.sem_alloc : memref<!tpu.dma_semaphore, #tpu.memory_space<semaphore_mem>>
      %dma_start3A = arith.constant 14720 : i32
      %dma_start3A_123 = tpu.memref_slice %arg2[%dma_start3A] : memref<20480xf32, #tpu.memory_space<hbm>> -> memref<640xf32, #tpu.memory_space<hbm>>
      %dma_start3A_124 = arith.constant 14720 : i32
      %dma_start3A_125 = tpu.memref_slice %arg2[%dma_start3A_124] : memref<20480xf32, #tpu.memory_space<hbm>> -> memref<640xf32, #tpu.memory_space<hbm>>
      tpu.enqueue_dma source(%dma_start3A_125 : memref<640xf32, #tpu.memory_space<hbm>>) target(%arg7 : memref<640xf32, #tpu.memory_space<vmem>>) target_semaphore(%run_scoped3A : memref<!tpu.dma_semaphore, #tpu.memory_space<semaphore_mem>>)
      %dma_wait3A = arith.constant 14720 : i32
      %dma_wait3A_126 = tpu.memref_slice %arg2[%dma_wait3A] : memref<20480xf32, #tpu.memory_space<hbm>> -> memref<640xf32, #tpu.memory_space<hbm>>
      %dma_wait3A_127 = arith.constant 14720 : i32
      %dma_wait3A_128 = tpu.memref_slice %arg2[%dma_wait3A_127] : memref<20480xf32, #tpu.memory_space<hbm>> -> memref<640xf32, #tpu.memory_space<hbm>>
      tpu.wait_dma2 semaphore(%run_scoped3A : memref<!tpu.dma_semaphore, #tpu.memory_space<semaphore_mem>>) src(%dma_wait3A_128 : memref<640xf32, #tpu.memory_space<hbm>>) dst(%arg7 : memref<640xf32, #tpu.memory_space<vmem>>)
      tpu.yield
    }) : () -> ()
    %scan3A_53 = arith.constant 0 : i32
    %scan3A_54 = arith.constant 0 : i32
    %scan3A_55 = arith.constant 40 : i32
    %scan3A_56 = arith.addi %scan3A_54, %scan3A_55 : i32
    %scan3A_57 = arith.constant 1 : i32
    %scan3A_58 = scf.for %scan3A_123 = %scan3A_54 to %scan3A_56 step %scan3A_57 iter_args(%scan3A_124 = %scan3A_53) -> (i32)  : i32 {
      %mul3A_125 = arith.constant 16 : i32
      %mul3A_126 = arith.muli %scan3A_123, %mul3A_125 : i32
      %mul3A_127 = arith.constant 16 : i32
      %mul3A_128 = arith.muli %scan3A_123, %mul3A_127 : i32
      %add3A_129 = arith.constant 4480 : i32
      %add3A_130 = arith.addi %add3A_129, %mul3A_128 : i32
      %get3A = arith.index_cast %add3A_130 : i32 to index
      %get3A_131 = tpu.vector_load %arg6[%get3A] {strides = array<i32>} : memref<10240xf32, #tpu.memory_space<vmem>>, vector<16xf32>,
      %get3A_132 = arith.index_cast %mul3A_126 : i32 to index
      %get3A_133 = tpu.vector_load %arg7[%get3A_132] {strides = array<i32>} : memref<640xf32, #tpu.memory_space<vmem>>, vector<16xf32>,
      %add3A_134 = arith.addf %get3A_131, %get3A_133 : vector<16xf32>
      %mul3A_135 = arith.constant 16 : i32
      %mul3A_136 = arith.muli %scan3A_123, %mul3A_135 : i32
      %add3A_137 = arith.constant 4480 : i32
      %add3A_138 = arith.addi %add3A_137, %mul3A_136 : i32
      %swap3A = arith.index_cast %add3A_138 : i32 to index
      %swap3A_139 = tpu.vector_load %arg6[%swap3A] {strides = array<i32>} : memref<10240xf32, #tpu.memory_space<vmem>>, vector<16xf32>,
      tpu.vector_store %arg6[%swap3A], %add3A_134 {strides = array<i32>} : memref<10240xf32, #tpu.memory_space<vmem>>, vector<16xf32>,
      %scan3A_140 = arith.constant 0 : i32
      scf.yield %scan3A_140 : i32
    }
    %scan3A_59 = arith.constant 40 : i32
    "tpu.region"() ({
      %run_scoped3A = tpu.sem_alloc : memref<!tpu.dma_semaphore, #tpu.memory_space<semaphore_mem>>
      %dma_start3A = arith.constant 15360 : i32
      %dma_start3A_123 = tpu.memref_slice %arg2[%dma_start3A] : memref<20480xf32, #tpu.memory_space<hbm>> -> memref<640xf32, #tpu.memory_space<hbm>>
      %dma_start3A_124 = arith.constant 15360 : i32
      %dma_start3A_125 = tpu.memref_slice %arg2[%dma_start3A_124] : memref<20480xf32, #tpu.memory_space<hbm>> -> memref<640xf32, #tpu.memory_space<hbm>>
      tpu.enqueue_dma source(%dma_start3A_125 : memref<640xf32, #tpu.memory_space<hbm>>) target(%arg7 : memref<640xf32, #tpu.memory_space<vmem>>) target_semaphore(%run_scoped3A : memref<!tpu.dma_semaphore, #tpu.memory_space<semaphore_mem>>)
      %dma_wait3A = arith.constant 15360 : i32
      %dma_wait3A_126 = tpu.memref_slice %arg2[%dma_wait3A] : memref<20480xf32, #tpu.memory_space<hbm>> -> memref<640xf32, #tpu.memory_space<hbm>>
      %dma_wait3A_127 = arith.constant 15360 : i32
      %dma_wait3A_128 = tpu.memref_slice %arg2[%dma_wait3A_127] : memref<20480xf32, #tpu.memory_space<hbm>> -> memref<640xf32, #tpu.memory_space<hbm>>
      tpu.wait_dma2 semaphore(%run_scoped3A : memref<!tpu.dma_semaphore, #tpu.memory_space<semaphore_mem>>) src(%dma_wait3A_128 : memref<640xf32, #tpu.memory_space<hbm>>) dst(%arg7 : memref<640xf32, #tpu.memory_space<vmem>>)
      tpu.yield
    }) : () -> ()
    %scan3A_60 = arith.constant 0 : i32
    %scan3A_61 = arith.constant 0 : i32
    %scan3A_62 = arith.constant 40 : i32
    %scan3A_63 = arith.addi %scan3A_61, %scan3A_62 : i32
    %scan3A_64 = arith.constant 1 : i32
    %scan3A_65 = scf.for %scan3A_123 = %scan3A_61 to %scan3A_63 step %scan3A_64 iter_args(%scan3A_124 = %scan3A_60) -> (i32)  : i32 {
      %mul3A_125 = arith.constant 16 : i32
      %mul3A_126 = arith.muli %scan3A_123, %mul3A_125 : i32
      %mul3A_127 = arith.constant 16 : i32
      %mul3A_128 = arith.muli %scan3A_123, %mul3A_127 : i32
      %add3A_129 = arith.constant 5120 : i32
      %add3A_130 = arith.addi %add3A_129, %mul3A_128 : i32
      %get3A = arith.index_cast %add3A_130 : i32 to index
      %get3A_131 = tpu.vector_load %arg6[%get3A] {strides = array<i32>} : memref<10240xf32, #tpu.memory_space<vmem>>, vector<16xf32>,
      %get3A_132 = arith.index_cast %mul3A_126 : i32 to index
      %get3A_133 = tpu.vector_load %arg7[%get3A_132] {strides = array<i32>} : memref<640xf32, #tpu.memory_space<vmem>>, vector<16xf32>,
      %add3A_134 = arith.addf %get3A_131, %get3A_133 : vector<16xf32>
      %mul3A_135 = arith.constant 16 : i32
      %mul3A_136 = arith.muli %scan3A_123, %mul3A_135 : i32
      %add3A_137 = arith.constant 5120 : i32
      %add3A_138 = arith.addi %add3A_137, %mul3A_136 : i32
      %swap3A = arith.index_cast %add3A_138 : i32 to index
      %swap3A_139 = tpu.vector_load %arg6[%swap3A] {strides = array<i32>} : memref<10240xf32, #tpu.memory_space<vmem>>, vector<16xf32>,
      tpu.vector_store %arg6[%swap3A], %add3A_134 {strides = array<i32>} : memref<10240xf32, #tpu.memory_space<vmem>>, vector<16xf32>,
      %scan3A_140 = arith.constant 0 : i32
      scf.yield %scan3A_140 : i32
    }
    %scan3A_66 = arith.constant 40 : i32
    "tpu.region"() ({
      %run_scoped3A = tpu.sem_alloc : memref<!tpu.dma_semaphore, #tpu.memory_space<semaphore_mem>>
      %dma_start3A = arith.constant 16000 : i32
      %dma_start3A_123 = tpu.memref_slice %arg2[%dma_start3A] : memref<20480xf32, #tpu.memory_space<hbm>> -> memref<640xf32, #tpu.memory_space<hbm>>
      %dma_start3A_124 = arith.constant 16000 : i32
      %dma_start3A_125 = tpu.memref_slice %arg2[%dma_start3A_124] : memref<20480xf32, #tpu.memory_space<hbm>> -> memref<640xf32, #tpu.memory_space<hbm>>
      tpu.enqueue_dma source(%dma_start3A_125 : memref<640xf32, #tpu.memory_space<hbm>>) target(%arg7 : memref<640xf32, #tpu.memory_space<vmem>>) target_semaphore(%run_scoped3A : memref<!tpu.dma_semaphore, #tpu.memory_space<semaphore_mem>>)
      %dma_wait3A = arith.constant 16000 : i32
      %dma_wait3A_126 = tpu.memref_slice %arg2[%dma_wait3A] : memref<20480xf32, #tpu.memory_space<hbm>> -> memref<640xf32, #tpu.memory_space<hbm>>
      %dma_wait3A_127 = arith.constant 16000 : i32
      %dma_wait3A_128 = tpu.memref_slice %arg2[%dma_wait3A_127] : memref<20480xf32, #tpu.memory_space<hbm>> -> memref<640xf32, #tpu.memory_space<hbm>>
      tpu.wait_dma2 semaphore(%run_scoped3A : memref<!tpu.dma_semaphore, #tpu.memory_space<semaphore_mem>>) src(%dma_wait3A_128 : memref<640xf32, #tpu.memory_space<hbm>>) dst(%arg7 : memref<640xf32, #tpu.memory_space<vmem>>)
      tpu.yield
    }) : () -> ()
    %scan3A_67 = arith.constant 0 : i32
    %scan3A_68 = arith.constant 0 : i32
    %scan3A_69 = arith.constant 40 : i32
    %scan3A_70 = arith.addi %scan3A_68, %scan3A_69 : i32
    %scan3A_71 = arith.constant 1 : i32
    %scan3A_72 = scf.for %scan3A_123 = %scan3A_68 to %scan3A_70 step %scan3A_71 iter_args(%scan3A_124 = %scan3A_67) -> (i32)  : i32 {
      %mul3A_125 = arith.constant 16 : i32
      %mul3A_126 = arith.muli %scan3A_123, %mul3A_125 : i32
      %mul3A_127 = arith.constant 16 : i32
      %mul3A_128 = arith.muli %scan3A_123, %mul3A_127 : i32
      %add3A_129 = arith.constant 5760 : i32
      %add3A_130 = arith.addi %add3A_129, %mul3A_128 : i32
      %get3A = arith.index_cast %add3A_130 : i32 to index
      %get3A_131 = tpu.vector_load %arg6[%get3A] {strides = array<i32>} : memref<10240xf32, #tpu.memory_space<vmem>>, vector<16xf32>,
      %get3A_132 = arith.index_cast %mul3A_126 : i32 to index
      %get3A_133 = tpu.vector_load %arg7[%get3A_132] {strides = array<i32>} : memref<640xf32, #tpu.memory_space<vmem>>, vector<16xf32>,
      %add3A_134 = arith.addf %get3A_131, %get3A_133 : vector<16xf32>
      %mul3A_135 = arith.constant 16 : i32
      %mul3A_136 = arith.muli %scan3A_123, %mul3A_135 : i32
      %add3A_137 = arith.constant 5760 : i32
      %add3A_138 = arith.addi %add3A_137, %mul3A_136 : i32
      %swap3A = arith.index_cast %add3A_138 : i32 to index
      %swap3A_139 = tpu.vector_load %arg6[%swap3A] {strides = array<i32>} : memref<10240xf32, #tpu.memory_space<vmem>>, vector<16xf32>,
      tpu.vector_store %arg6[%swap3A], %add3A_134 {strides = array<i32>} : memref<10240xf32, #tpu.memory_space<vmem>>, vector<16xf32>,
      %scan3A_140 = arith.constant 0 : i32
      scf.yield %scan3A_140 : i32
    }
    %scan3A_73 = arith.constant 40 : i32
    "tpu.region"() ({
      %run_scoped3A = tpu.sem_alloc : memref<!tpu.dma_semaphore, #tpu.memory_space<semaphore_mem>>
      %dma_start3A = arith.constant 16640 : i32
      %dma_start3A_123 = tpu.memref_slice %arg2[%dma_start3A] : memref<20480xf32, #tpu.memory_space<hbm>> -> memref<640xf32, #tpu.memory_space<hbm>>
      %dma_start3A_124 = arith.constant 16640 : i32
      %dma_start3A_125 = tpu.memref_slice %arg2[%dma_start3A_124] : memref<20480xf32, #tpu.memory_space<hbm>> -> memref<640xf32, #tpu.memory_space<hbm>>
      tpu.enqueue_dma source(%dma_start3A_125 : memref<640xf32, #tpu.memory_space<hbm>>) target(%arg7 : memref<640xf32, #tpu.memory_space<vmem>>) target_semaphore(%run_scoped3A : memref<!tpu.dma_semaphore, #tpu.memory_space<semaphore_mem>>)
      %dma_wait3A = arith.constant 16640 : i32
      %dma_wait3A_126 = tpu.memref_slice %arg2[%dma_wait3A] : memref<20480xf32, #tpu.memory_space<hbm>> -> memref<640xf32, #tpu.memory_space<hbm>>
      %dma_wait3A_127 = arith.constant 16640 : i32
      %dma_wait3A_128 = tpu.memref_slice %arg2[%dma_wait3A_127] : memref<20480xf32, #tpu.memory_space<hbm>> -> memref<640xf32, #tpu.memory_space<hbm>>
      tpu.wait_dma2 semaphore(%run_scoped3A : memref<!tpu.dma_semaphore, #tpu.memory_space<semaphore_mem>>) src(%dma_wait3A_128 : memref<640xf32, #tpu.memory_space<hbm>>) dst(%arg7 : memref<640xf32, #tpu.memory_space<vmem>>)
      tpu.yield
    }) : () -> ()
    %scan3A_74 = arith.constant 0 : i32
    %scan3A_75 = arith.constant 0 : i32
    %scan3A_76 = arith.constant 40 : i32
    %scan3A_77 = arith.addi %scan3A_75, %scan3A_76 : i32
    %scan3A_78 = arith.constant 1 : i32
    %scan3A_79 = scf.for %scan3A_123 = %scan3A_75 to %scan3A_77 step %scan3A_78 iter_args(%scan3A_124 = %scan3A_74) -> (i32)  : i32 {
      %mul3A_125 = arith.constant 16 : i32
      %mul3A_126 = arith.muli %scan3A_123, %mul3A_125 : i32
      %mul3A_127 = arith.constant 16 : i32
      %mul3A_128 = arith.muli %scan3A_123, %mul3A_127 : i32
      %add3A_129 = arith.constant 6400 : i32
      %add3A_130 = arith.addi %add3A_129, %mul3A_128 : i32
      %get3A = arith.index_cast %add3A_130 : i32 to index
      %get3A_131 = tpu.vector_load %arg6[%get3A] {strides = array<i32>} : memref<10240xf32, #tpu.memory_space<vmem>>, vector<16xf32>,
      %get3A_132 = arith.index_cast %mul3A_126 : i32 to index
      %get3A_133 = tpu.vector_load %arg7[%get3A_132] {strides = array<i32>} : memref<640xf32, #tpu.memory_space<vmem>>, vector<16xf32>,
      %add3A_134 = arith.addf %get3A_131, %get3A_133 : vector<16xf32>
      %mul3A_135 = arith.constant 16 : i32
      %mul3A_136 = arith.muli %scan3A_123, %mul3A_135 : i32
      %add3A_137 = arith.constant 6400 : i32
      %add3A_138 = arith.addi %add3A_137, %mul3A_136 : i32
      %swap3A = arith.index_cast %add3A_138 : i32 to index
      %swap3A_139 = tpu.vector_load %arg6[%swap3A] {strides = array<i32>} : memref<10240xf32, #tpu.memory_space<vmem>>, vector<16xf32>,
      tpu.vector_store %arg6[%swap3A], %add3A_134 {strides = array<i32>} : memref<10240xf32, #tpu.memory_space<vmem>>, vector<16xf32>,
      %scan3A_140 = arith.constant 0 : i32
      scf.yield %scan3A_140 : i32
    }
    %scan3A_80 = arith.constant 40 : i32
    "tpu.region"() ({
      %run_scoped3A = tpu.sem_alloc : memref<!tpu.dma_semaphore, #tpu.memory_space<semaphore_mem>>
      %dma_start3A = arith.constant 17280 : i32
      %dma_start3A_123 = tpu.memref_slice %arg2[%dma_start3A] : memref<20480xf32, #tpu.memory_space<hbm>> -> memref<640xf32, #tpu.memory_space<hbm>>
      %dma_start3A_124 = arith.constant 17280 : i32
      %dma_start3A_125 = tpu.memref_slice %arg2[%dma_start3A_124] : memref<20480xf32, #tpu.memory_space<hbm>> -> memref<640xf32, #tpu.memory_space<hbm>>
      tpu.enqueue_dma source(%dma_start3A_125 : memref<640xf32, #tpu.memory_space<hbm>>) target(%arg7 : memref<640xf32, #tpu.memory_space<vmem>>) target_semaphore(%run_scoped3A : memref<!tpu.dma_semaphore, #tpu.memory_space<semaphore_mem>>)
      %dma_wait3A = arith.constant 17280 : i32
      %dma_wait3A_126 = tpu.memref_slice %arg2[%dma_wait3A] : memref<20480xf32, #tpu.memory_space<hbm>> -> memref<640xf32, #tpu.memory_space<hbm>>
      %dma_wait3A_127 = arith.constant 17280 : i32
      %dma_wait3A_128 = tpu.memref_slice %arg2[%dma_wait3A_127] : memref<20480xf32, #tpu.memory_space<hbm>> -> memref<640xf32, #tpu.memory_space<hbm>>
      tpu.wait_dma2 semaphore(%run_scoped3A : memref<!tpu.dma_semaphore, #tpu.memory_space<semaphore_mem>>) src(%dma_wait3A_128 : memref<640xf32, #tpu.memory_space<hbm>>) dst(%arg7 : memref<640xf32, #tpu.memory_space<vmem>>)
      tpu.yield
    }) : () -> ()
    %scan3A_81 = arith.constant 0 : i32
    %scan3A_82 = arith.constant 0 : i32
    %scan3A_83 = arith.constant 40 : i32
    %scan3A_84 = arith.addi %scan3A_82, %scan3A_83 : i32
    %scan3A_85 = arith.constant 1 : i32
    %scan3A_86 = scf.for %scan3A_123 = %scan3A_82 to %scan3A_84 step %scan3A_85 iter_args(%scan3A_124 = %scan3A_81) -> (i32)  : i32 {
      %mul3A_125 = arith.constant 16 : i32
      %mul3A_126 = arith.muli %scan3A_123, %mul3A_125 : i32
      %mul3A_127 = arith.constant 16 : i32
      %mul3A_128 = arith.muli %scan3A_123, %mul3A_127 : i32
      %add3A_129 = arith.constant 7040 : i32
      %add3A_130 = arith.addi %add3A_129, %mul3A_128 : i32
      %get3A = arith.index_cast %add3A_130 : i32 to index
      %get3A_131 = tpu.vector_load %arg6[%get3A] {strides = array<i32>} : memref<10240xf32, #tpu.memory_space<vmem>>, vector<16xf32>,
      %get3A_132 = arith.index_cast %mul3A_126 : i32 to index
      %get3A_133 = tpu.vector_load %arg7[%get3A_132] {strides = array<i32>} : memref<640xf32, #tpu.memory_space<vmem>>, vector<16xf32>,
      %add3A_134 = arith.addf %get3A_131, %get3A_133 : vector<16xf32>
      %mul3A_135 = arith.constant 16 : i32
      %mul3A_136 = arith.muli %scan3A_123, %mul3A_135 : i32
      %add3A_137 = arith.constant 7040 : i32
      %add3A_138 = arith.addi %add3A_137, %mul3A_136 : i32
      %swap3A = arith.index_cast %add3A_138 : i32 to index
      %swap3A_139 = tpu.vector_load %arg6[%swap3A] {strides = array<i32>} : memref<10240xf32, #tpu.memory_space<vmem>>, vector<16xf32>,
      tpu.vector_store %arg6[%swap3A], %add3A_134 {strides = array<i32>} : memref<10240xf32, #tpu.memory_space<vmem>>, vector<16xf32>,
      %scan3A_140 = arith.constant 0 : i32
      scf.yield %scan3A_140 : i32
    }
    %scan3A_87 = arith.constant 40 : i32
    "tpu.region"() ({
      %run_scoped3A = tpu.sem_alloc : memref<!tpu.dma_semaphore, #tpu.memory_space<semaphore_mem>>
      %dma_start3A = arith.constant 17920 : i32
      %dma_start3A_123 = tpu.memref_slice %arg2[%dma_start3A] : memref<20480xf32, #tpu.memory_space<hbm>> -> memref<640xf32, #tpu.memory_space<hbm>>
      %dma_start3A_124 = arith.constant 17920 : i32
      %dma_start3A_125 = tpu.memref_slice %arg2[%dma_start3A_124] : memref<20480xf32, #tpu.memory_space<hbm>> -> memref<640xf32, #tpu.memory_space<hbm>>
      tpu.enqueue_dma source(%dma_start3A_125 : memref<640xf32, #tpu.memory_space<hbm>>) target(%arg7 : memref<640xf32, #tpu.memory_space<vmem>>) target_semaphore(%run_scoped3A : memref<!tpu.dma_semaphore, #tpu.memory_space<semaphore_mem>>)
      %dma_wait3A = arith.constant 17920 : i32
      %dma_wait3A_126 = tpu.memref_slice %arg2[%dma_wait3A] : memref<20480xf32, #tpu.memory_space<hbm>> -> memref<640xf32, #tpu.memory_space<hbm>>
      %dma_wait3A_127 = arith.constant 17920 : i32
      %dma_wait3A_128 = tpu.memref_slice %arg2[%dma_wait3A_127] : memref<20480xf32, #tpu.memory_space<hbm>> -> memref<640xf32, #tpu.memory_space<hbm>>
      tpu.wait_dma2 semaphore(%run_scoped3A : memref<!tpu.dma_semaphore, #tpu.memory_space<semaphore_mem>>) src(%dma_wait3A_128 : memref<640xf32, #tpu.memory_space<hbm>>) dst(%arg7 : memref<640xf32, #tpu.memory_space<vmem>>)
      tpu.yield
    }) : () -> ()
    %scan3A_88 = arith.constant 0 : i32
    %scan3A_89 = arith.constant 0 : i32
    %scan3A_90 = arith.constant 40 : i32
    %scan3A_91 = arith.addi %scan3A_89, %scan3A_90 : i32
    %scan3A_92 = arith.constant 1 : i32
    %scan3A_93 = scf.for %scan3A_123 = %scan3A_89 to %scan3A_91 step %scan3A_92 iter_args(%scan3A_124 = %scan3A_88) -> (i32)  : i32 {
      %mul3A_125 = arith.constant 16 : i32
      %mul3A_126 = arith.muli %scan3A_123, %mul3A_125 : i32
      %mul3A_127 = arith.constant 16 : i32
      %mul3A_128 = arith.muli %scan3A_123, %mul3A_127 : i32
      %add3A_129 = arith.constant 7680 : i32
      %add3A_130 = arith.addi %add3A_129, %mul3A_128 : i32
      %get3A = arith.index_cast %add3A_130 : i32 to index
      %get3A_131 = tpu.vector_load %arg6[%get3A] {strides = array<i32>} : memref<10240xf32, #tpu.memory_space<vmem>>, vector<16xf32>,
      %get3A_132 = arith.index_cast %mul3A_126 : i32 to index
      %get3A_133 = tpu.vector_load %arg7[%get3A_132] {strides = array<i32>} : memref<640xf32, #tpu.memory_space<vmem>>, vector<16xf32>,
      %add3A_134 = arith.addf %get3A_131, %get3A_133 : vector<16xf32>
      %mul3A_135 = arith.constant 16 : i32
      %mul3A_136 = arith.muli %scan3A_123, %mul3A_135 : i32
      %add3A_137 = arith.constant 7680 : i32
      %add3A_138 = arith.addi %add3A_137, %mul3A_136 : i32
      %swap3A = arith.index_cast %add3A_138 : i32 to index
      %swap3A_139 = tpu.vector_load %arg6[%swap3A] {strides = array<i32>} : memref<10240xf32, #tpu.memory_space<vmem>>, vector<16xf32>,
      tpu.vector_store %arg6[%swap3A], %add3A_134 {strides = array<i32>} : memref<10240xf32, #tpu.memory_space<vmem>>, vector<16xf32>,
      %scan3A_140 = arith.constant 0 : i32
      scf.yield %scan3A_140 : i32
    }
    %scan3A_94 = arith.constant 40 : i32
    "tpu.region"() ({
      %run_scoped3A = tpu.sem_alloc : memref<!tpu.dma_semaphore, #tpu.memory_space<semaphore_mem>>
      %dma_start3A = arith.constant 18560 : i32
      %dma_start3A_123 = tpu.memref_slice %arg2[%dma_start3A] : memref<20480xf32, #tpu.memory_space<hbm>> -> memref<640xf32, #tpu.memory_space<hbm>>
      %dma_start3A_124 = arith.constant 18560 : i32
      %dma_start3A_125 = tpu.memref_slice %arg2[%dma_start3A_124] : memref<20480xf32, #tpu.memory_space<hbm>> -> memref<640xf32, #tpu.memory_space<hbm>>
      tpu.enqueue_dma source(%dma_start3A_125 : memref<640xf32, #tpu.memory_space<hbm>>) target(%arg7 : memref<640xf32, #tpu.memory_space<vmem>>) target_semaphore(%run_scoped3A : memref<!tpu.dma_semaphore, #tpu.memory_space<semaphore_mem>>)
      %dma_wait3A = arith.constant 18560 : i32
      %dma_wait3A_126 = tpu.memref_slice %arg2[%dma_wait3A] : memref<20480xf32, #tpu.memory_space<hbm>> -> memref<640xf32, #tpu.memory_space<hbm>>
      %dma_wait3A_127 = arith.constant 18560 : i32
      %dma_wait3A_128 = tpu.memref_slice %arg2[%dma_wait3A_127] : memref<20480xf32, #tpu.memory_space<hbm>> -> memref<640xf32, #tpu.memory_space<hbm>>
      tpu.wait_dma2 semaphore(%run_scoped3A : memref<!tpu.dma_semaphore, #tpu.memory_space<semaphore_mem>>) src(%dma_wait3A_128 : memref<640xf32, #tpu.memory_space<hbm>>) dst(%arg7 : memref<640xf32, #tpu.memory_space<vmem>>)
      tpu.yield
    }) : () -> ()
    %scan3A_95 = arith.constant 0 : i32
    %scan3A_96 = arith.constant 0 : i32
    %scan3A_97 = arith.constant 40 : i32
    %scan3A_98 = arith.addi %scan3A_96, %scan3A_97 : i32
    %scan3A_99 = arith.constant 1 : i32
    %scan3A_100 = scf.for %scan3A_123 = %scan3A_96 to %scan3A_98 step %scan3A_99 iter_args(%scan3A_124 = %scan3A_95) -> (i32)  : i32 {
      %mul3A_125 = arith.constant 16 : i32
      %mul3A_126 = arith.muli %scan3A_123, %mul3A_125 : i32
      %mul3A_127 = arith.constant 16 : i32
      %mul3A_128 = arith.muli %scan3A_123, %mul3A_127 : i32
      %add3A_129 = arith.constant 8320 : i32
      %add3A_130 = arith.addi %add3A_129, %mul3A_128 : i32
      %get3A = arith.index_cast %add3A_130 : i32 to index
      %get3A_131 = tpu.vector_load %arg6[%get3A] {strides = array<i32>} : memref<10240xf32, #tpu.memory_space<vmem>>, vector<16xf32>,
      %get3A_132 = arith.index_cast %mul3A_126 : i32 to index
      %get3A_133 = tpu.vector_load %arg7[%get3A_132] {strides = array<i32>} : memref<640xf32, #tpu.memory_space<vmem>>, vector<16xf32>,
      %add3A_134 = arith.addf %get3A_131, %get3A_133 : vector<16xf32>
      %mul3A_135 = arith.constant 16 : i32
      %mul3A_136 = arith.muli %scan3A_123, %mul3A_135 : i32
      %add3A_137 = arith.constant 8320 : i32
      %add3A_138 = arith.addi %add3A_137, %mul3A_136 : i32
      %swap3A = arith.index_cast %add3A_138 : i32 to index
      %swap3A_139 = tpu.vector_load %arg6[%swap3A] {strides = array<i32>} : memref<10240xf32, #tpu.memory_space<vmem>>, vector<16xf32>,
      tpu.vector_store %arg6[%swap3A], %add3A_134 {strides = array<i32>} : memref<10240xf32, #tpu.memory_space<vmem>>, vector<16xf32>,
      %scan3A_140 = arith.constant 0 : i32
      scf.yield %scan3A_140 : i32
    }
    %scan3A_101 = arith.constant 40 : i32
    "tpu.region"() ({
      %run_scoped3A = tpu.sem_alloc : memref<!tpu.dma_semaphore, #tpu.memory_space<semaphore_mem>>
      %dma_start3A = arith.constant 19200 : i32
      %dma_start3A_123 = tpu.memref_slice %arg2[%dma_start3A] : memref<20480xf32, #tpu.memory_space<hbm>> -> memref<640xf32, #tpu.memory_space<hbm>>
      %dma_start3A_124 = arith.constant 19200 : i32
      %dma_start3A_125 = tpu.memref_slice %arg2[%dma_start3A_124] : memref<20480xf32, #tpu.memory_space<hbm>> -> memref<640xf32, #tpu.memory_space<hbm>>
      tpu.enqueue_dma source(%dma_start3A_125 : memref<640xf32, #tpu.memory_space<hbm>>) target(%arg7 : memref<640xf32, #tpu.memory_space<vmem>>) target_semaphore(%run_scoped3A : memref<!tpu.dma_semaphore, #tpu.memory_space<semaphore_mem>>)
      %dma_wait3A = arith.constant 19200 : i32
      %dma_wait3A_126 = tpu.memref_slice %arg2[%dma_wait3A] : memref<20480xf32, #tpu.memory_space<hbm>> -> memref<640xf32, #tpu.memory_space<hbm>>
      %dma_wait3A_127 = arith.constant 19200 : i32
      %dma_wait3A_128 = tpu.memref_slice %arg2[%dma_wait3A_127] : memref<20480xf32, #tpu.memory_space<hbm>> -> memref<640xf32, #tpu.memory_space<hbm>>
      tpu.wait_dma2 semaphore(%run_scoped3A : memref<!tpu.dma_semaphore, #tpu.memory_space<semaphore_mem>>) src(%dma_wait3A_128 : memref<640xf32, #tpu.memory_space<hbm>>) dst(%arg7 : memref<640xf32, #tpu.memory_space<vmem>>)
      tpu.yield
    }) : () -> ()
    %scan3A_102 = arith.constant 0 : i32
    %scan3A_103 = arith.constant 0 : i32
    %scan3A_104 = arith.constant 40 : i32
    %scan3A_105 = arith.addi %scan3A_103, %scan3A_104 : i32
    %scan3A_106 = arith.constant 1 : i32
    %scan3A_107 = scf.for %scan3A_123 = %scan3A_103 to %scan3A_105 step %scan3A_106 iter_args(%scan3A_124 = %scan3A_102) -> (i32)  : i32 {
      %mul3A_125 = arith.constant 16 : i32
      %mul3A_126 = arith.muli %scan3A_123, %mul3A_125 : i32
      %mul3A_127 = arith.constant 16 : i32
      %mul3A_128 = arith.muli %scan3A_123, %mul3A_127 : i32
      %add3A_129 = arith.constant 8960 : i32
      %add3A_130 = arith.addi %add3A_129, %mul3A_128 : i32
      %get3A = arith.index_cast %add3A_130 : i32 to index
      %get3A_131 = tpu.vector_load %arg6[%get3A] {strides = array<i32>} : memref<10240xf32, #tpu.memory_space<vmem>>, vector<16xf32>,
      %get3A_132 = arith.index_cast %mul3A_126 : i32 to index
      %get3A_133 = tpu.vector_load %arg7[%get3A_132] {strides = array<i32>} : memref<640xf32, #tpu.memory_space<vmem>>, vector<16xf32>,
      %add3A_134 = arith.addf %get3A_131, %get3A_133 : vector<16xf32>
      %mul3A_135 = arith.constant 16 : i32
      %mul3A_136 = arith.muli %scan3A_123, %mul3A_135 : i32
      %add3A_137 = arith.constant 8960 : i32
      %add3A_138 = arith.addi %add3A_137, %mul3A_136 : i32
      %swap3A = arith.index_cast %add3A_138 : i32 to index
      %swap3A_139 = tpu.vector_load %arg6[%swap3A] {strides = array<i32>} : memref<10240xf32, #tpu.memory_space<vmem>>, vector<16xf32>,
      tpu.vector_store %arg6[%swap3A], %add3A_134 {strides = array<i32>} : memref<10240xf32, #tpu.memory_space<vmem>>, vector<16xf32>,
      %scan3A_140 = arith.constant 0 : i32
      scf.yield %scan3A_140 : i32
    }
    %scan3A_108 = arith.constant 40 : i32
    "tpu.region"() ({
      %run_scoped3A = tpu.sem_alloc : memref<!tpu.dma_semaphore, #tpu.memory_space<semaphore_mem>>
      %dma_start3A = arith.constant 19840 : i32
      %dma_start3A_123 = tpu.memref_slice %arg2[%dma_start3A] : memref<20480xf32, #tpu.memory_space<hbm>> -> memref<640xf32, #tpu.memory_space<hbm>>
      %dma_start3A_124 = arith.constant 19840 : i32
      %dma_start3A_125 = tpu.memref_slice %arg2[%dma_start3A_124] : memref<20480xf32, #tpu.memory_space<hbm>> -> memref<640xf32, #tpu.memory_space<hbm>>
      tpu.enqueue_dma source(%dma_start3A_125 : memref<640xf32, #tpu.memory_space<hbm>>) target(%arg7 : memref<640xf32, #tpu.memory_space<vmem>>) target_semaphore(%run_scoped3A : memref<!tpu.dma_semaphore, #tpu.memory_space<semaphore_mem>>)
      %dma_wait3A = arith.constant 19840 : i32
      %dma_wait3A_126 = tpu.memref_slice %arg2[%dma_wait3A] : memref<20480xf32, #tpu.memory_space<hbm>> -> memref<640xf32, #tpu.memory_space<hbm>>
      %dma_wait3A_127 = arith.constant 19840 : i32
      %dma_wait3A_128 = tpu.memref_slice %arg2[%dma_wait3A_127] : memref<20480xf32, #tpu.memory_space<hbm>> -> memref<640xf32, #tpu.memory_space<hbm>>
      tpu.wait_dma2 semaphore(%run_scoped3A : memref<!tpu.dma_semaphore, #tpu.memory_space<semaphore_mem>>) src(%dma_wait3A_128 : memref<640xf32, #tpu.memory_space<hbm>>) dst(%arg7 : memref<640xf32, #tpu.memory_space<vmem>>)
      tpu.yield
    }) : () -> ()
    %scan3A_109 = arith.constant 0 : i32
    %scan3A_110 = arith.constant 0 : i32
    %scan3A_111 = arith.constant 40 : i32
    %scan3A_112 = arith.addi %scan3A_110, %scan3A_111 : i32
    %scan3A_113 = arith.constant 1 : i32
    %scan3A_114 = scf.for %scan3A_123 = %scan3A_110 to %scan3A_112 step %scan3A_113 iter_args(%scan3A_124 = %scan3A_109) -> (i32)  : i32 {
      %mul3A_125 = arith.constant 16 : i32
      %mul3A_126 = arith.muli %scan3A_123, %mul3A_125 : i32
      %mul3A_127 = arith.constant 16 : i32
      %mul3A_128 = arith.muli %scan3A_123, %mul3A_127 : i32
      %add3A_129 = arith.constant 9600 : i32
      %add3A_130 = arith.addi %add3A_129, %mul3A_128 : i32
      %get3A = arith.index_cast %add3A_130 : i32 to index
      %get3A_131 = tpu.vector_load %arg6[%get3A] {strides = array<i32>} : memref<10240xf32, #tpu.memory_space<vmem>>, vector<16xf32>,
      %get3A_132 = arith.index_cast %mul3A_126 : i32 to index
      %get3A_133 = tpu.vector_load %arg7[%get3A_132] {strides = array<i32>} : memref<640xf32, #tpu.memory_space<vmem>>, vector<16xf32>,
      %add3A_134 = arith.addf %get3A_131, %get3A_133 : vector<16xf32>
      %mul3A_135 = arith.constant 16 : i32
      %mul3A_136 = arith.muli %scan3A_123, %mul3A_135 : i32
      %add3A_137 = arith.constant 9600 : i32
      %add3A_138 = arith.addi %add3A_137, %mul3A_136 : i32
      %swap3A = arith.index_cast %add3A_138 : i32 to index
      %swap3A_139 = tpu.vector_load %arg6[%swap3A] {strides = array<i32>} : memref<10240xf32, #tpu.memory_space<vmem>>, vector<16xf32>,
      tpu.vector_store %arg6[%swap3A], %add3A_134 {strides = array<i32>} : memref<10240xf32, #tpu.memory_space<vmem>>, vector<16xf32>,
      %scan3A_140 = arith.constant 0 : i32
      scf.yield %scan3A_140 : i32
    }
    %scan3A_115 = arith.constant 40 : i32
    %scan3A_116 = arith.constant 0 : i32
    %scan3A_117 = arith.constant 0 : i32
    %scan3A_118 = arith.constant 625 : i32
    %scan3A_119 = arith.addi %scan3A_117, %scan3A_118 : i32
    %scan3A_120 = arith.constant 1 : i32
    %scan3A_121 = scf.for %scan3A_123 = %scan3A_117 to %scan3A_119 step %scan3A_120 iter_args(%scan3A_124 = %scan3A_116) -> (i32)  : i32 {
      %mul3A_125 = arith.constant 16 : i32
      %mul3A_126 = arith.muli %scan3A_123, %mul3A_125 : i32
      %get3A = arith.index_cast %mul3A_126 : i32 to index
      %get3A_127 = tpu.vector_load %arg9[%get3A] {strides = array<i32>} : memref<10000xi32, #tpu.memory_space<vmem>>, vector<16xi32>,
      %gather3A = tpu.vector_load_idx %arg6[%get3A_127] : memref<10240xf32, #tpu.memory_space<vmem>>[vector<16xi32>], vector<16xf32>,
      %get3A_128 = arith.index_cast %mul3A_126 : i32 to index
      %get3A_129 = tpu.vector_load %arg8[%get3A_128] {strides = array<i32>} : memref<10000xf32, #tpu.memory_space<vmem>>, vector<16xf32>,
      %add3A_130 = arith.constant 1.000000e-16 : f32
      %add3A_131 = vector.broadcast %add3A_130 : f32 to vector<16xf32>
      %add3A_132 = arith.addf %gather3A, %add3A_131 : vector<16xf32>
      %div3A = arith.divf %get3A_129, %add3A_132 : vector<16xf32>
      %swap3A = arith.index_cast %mul3A_126 : i32 to index
      %swap3A_133 = tpu.vector_load %arg8[%swap3A] {strides = array<i32>} : memref<10000xf32, #tpu.memory_space<vmem>>, vector<16xf32>,
      tpu.vector_store %arg8[%swap3A], %div3A {strides = array<i32>} : memref<10000xf32, #tpu.memory_space<vmem>>, vector<16xf32>,
      %scan3A_134 = arith.constant 0 : i32
      scf.yield %scan3A_134 : i32
    }
    %scan3A_122 = arith.constant 625 : i32
    "tpu.region"() ({
      %run_scoped3A = tpu.sem_alloc : memref<!tpu.dma_semaphore, #tpu.memory_space<semaphore_mem>>
      %dma_start3A = tpu.memref_slice %arg5[%mul3A_2] : memref<320000xf32, #tpu.memory_space<hbm>> -> memref<10000xf32, #tpu.memory_space<hbm>>
      %dma_start3A_123 = tpu.memref_slice %arg5[%mul3A_2] : memref<320000xf32, #tpu.memory_space<hbm>> -> memref<10000xf32, #tpu.memory_space<hbm>>
      tpu.enqueue_dma source(%arg8 : memref<10000xf32, #tpu.memory_space<vmem>>) target(%dma_start3A_123 : memref<10000xf32, #tpu.memory_space<hbm>>) target_semaphore(%run_scoped3A : memref<!tpu.dma_semaphore, #tpu.memory_space<semaphore_mem>>)
      %dma_wait3A = tpu.memref_slice %arg5[%mul3A_2] : memref<320000xf32, #tpu.memory_space<hbm>> -> memref<10000xf32, #tpu.memory_space<hbm>>
      %dma_wait3A_124 = tpu.memref_slice %arg5[%mul3A_2] : memref<320000xf32, #tpu.memory_space<hbm>> -> memref<10000xf32, #tpu.memory_space<hbm>>
      tpu.wait_dma2 semaphore(%run_scoped3A : memref<!tpu.dma_semaphore, #tpu.memory_space<semaphore_mem>>) src(%arg8 : memref<10000xf32, #tpu.memory_space<vmem>>) dst(%dma_wait3A_124 : memref<10000xf32, #tpu.memory_space<hbm>>)
      tpu.yield
    }) : () -> ()
    return
  }
}

module attributes {stable_mosaic.version = 14 : i64} {
  func.func @_aedge_body(%arg0: i32, %arg1: memref<16x16000xf32, #tpu.memory_space<vmem>>, %arg2: memref<128x16xf32, #tpu.memory_space<vmem>>, %arg3: memref<1x128xf32, #tpu.memory_space<vmem>>, %arg4: memref<1x1x16000xf32, #tpu.memory_space<vmem>>) attributes {dimension_semantics = [#tpu.dimension_semantics<arbitrary>], iteration_bounds = array<i64: 20>, scalar_prefetch = 0 : i64, scratch_operands = 0 : i64, tpu.core_type = #tpu.core_type<tc>, window_params = [{transform_indices = @transform_0, window_bounds = array<i64: 16, 16000>}, {pipeline_mode = #tpu.pipeline_mode<synchronous>, transform_indices = @transform_1, window_bounds = array<i64: 128, 16>}, {pipeline_mode = #tpu.pipeline_mode<synchronous>, transform_indices = @transform_2, window_bounds = array<i64: 1, 128>}, {transform_indices = @transform_3, window_bounds = array<i64: 1, 1, 16000>}]} {
    %get3A = arith.constant 0 : index
    %get3A_0 = arith.constant 0 : index
    %get3A_1 = vector.load %arg3[%get3A, %get3A_0] : memref<1x128xf32, #tpu.memory_space<vmem>>, vector<1x128xf32>
    %get3A_2 = arith.constant 0 : index
    %get3A_3 = arith.constant 0 : index
    %get3A_4 = vector.load %arg2[%get3A_2, %get3A_3] : memref<128x16xf32, #tpu.memory_space<vmem>>, vector<128x16xf32>
    %dot_general3A = arith.constant dense<0.000000e+00> : vector<1x16xf32>
    %dot_general3A_5 = tpu.matmul %get3A_1, %get3A_4, %dot_general3A {dimension_numbers = #tpu.dot_dimension_numbers<[1], [0], [0], [1], [0, 0, 1, 1], [], []>, transpose_lhs_hint = false} : vector<1x128xf32>, vector<128x16xf32>, vector<1x16xf32> -> vector<1x16xf32>
    %get3A_6 = arith.constant 0 : index
    %get3A_7 = arith.constant 0 : index
    %get3A_8 = vector.load %arg1[%get3A_6, %get3A_7] : memref<16x16000xf32, #tpu.memory_space<vmem>>, vector<16x16000xf32>
    %dot_general3A_9 = arith.constant dense<0.000000e+00> : vector<1x16000xf32>
    %dot_general3A_10 = tpu.matmul %dot_general3A_5, %get3A_8, %dot_general3A_9 {dimension_numbers = #tpu.dot_dimension_numbers<[1], [0], [0], [1], [0, 0, 1, 1], [], []>, transpose_lhs_hint = false} : vector<1x16xf32>, vector<16x16000xf32>, vector<1x16000xf32> -> vector<1x16000xf32>
    %reshape3A = vector.shape_cast %dot_general3A_10 : vector<1x16000xf32> to vector<1x1x16000xf32>
    %swap3A = arith.constant 0 : index
    %swap3A_11 = arith.constant 0 : index
    %swap3A_12 = arith.constant 0 : index
    %swap3A_13 = vector.load %arg4[%swap3A, %swap3A_11, %swap3A_12] : memref<1x1x16000xf32, #tpu.memory_space<vmem>>, vector<1x1x16000xf32>
    tpu.vector_store %arg4[%swap3A, %swap3A_11, %swap3A_12], %reshape3A {strides = array<i32>} : memref<1x1x16000xf32, #tpu.memory_space<vmem>>, vector<1x1x16000xf32>,
    return
  }
  func.func @transform_0(%arg0: i32) -> (i32, i32) {
    %c0_i32 = arith.constant 0 : i32
    %c0_i32_0 = arith.constant 0 : i32
    return %c0_i32, %arg0 : i32, i32
  }
  func.func @transform_1(%arg0: i32) -> (i32, i32) {
    %c0_i32 = arith.constant 0 : i32
    %c0_i32_0 = arith.constant 0 : i32
    %c0_i32_1 = arith.constant 0 : i32
    return %c0_i32, %c0_i32_0 : i32, i32
  }
  func.func @transform_2(%arg0: i32) -> (i32, i32) {
    %c0_i32 = arith.constant 0 : i32
    %c0_i32_0 = arith.constant 0 : i32
    %c0_i32_1 = arith.constant 0 : i32
    return %c0_i32, %c0_i32_0 : i32, i32
  }
  func.func @transform_3(%arg0: i32) -> (i32, i32, i32) {
    %c0_i32 = arith.constant 0 : i32
    %c0_i32_0 = arith.constant 0 : i32
    %c0_i32_1 = arith.constant 0 : i32
    return %arg0, %c0_i32, %c0_i32_0 : i32, i32, i32
  }
}

module attributes {stable_mosaic.version = 14 : i64} {
  func.func @_proj_body(%arg0: memref<10000x128xf32, #tpu.memory_space<vmem>>, %arg1: memref<128x128xf32, #tpu.memory_space<vmem>>, %arg2: memref<1x128xf32, #tpu.memory_space<vmem>>, %arg3: memref<1x128xf32, #tpu.memory_space<vmem>>, %arg4: memref<10000x128xf32, #tpu.memory_space<vmem>>, %arg5: memref<1x10000xf32, #tpu.memory_space<vmem>>, %arg6: memref<1x10000xf32, #tpu.memory_space<vmem>>) attributes {dimension_semantics = [], scalar_prefetch = 0 : i64, scratch_operands = 0 : i64, tpu.core_type = #tpu.core_type<tc>} {
    %get3A = arith.constant 0 : index
    %get3A_0 = arith.constant 0 : index
    %get3A_1 = vector.load %arg0[%get3A, %get3A_0] : memref<10000x128xf32, #tpu.memory_space<vmem>>, vector<10000x128xf32>
    %get3A_2 = arith.constant 0 : index
    %get3A_3 = arith.constant 0 : index
    %get3A_4 = vector.load %arg1[%get3A_2, %get3A_3] : memref<128x128xf32, #tpu.memory_space<vmem>>, vector<128x128xf32>
    %dot_general3A = arith.constant dense<0.000000e+00> : vector<10000x128xf32>
    %dot_general3A_5 = tpu.matmul %get3A_1, %get3A_4, %dot_general3A {dimension_numbers = #tpu.dot_dimension_numbers<[1], [1], [0], [0], [0, 0, 1, 0], [], []>, transpose_lhs_hint = false} : vector<10000x128xf32>, vector<128x128xf32>, vector<10000x128xf32> -> vector<10000x128xf32>
    %swap3A = arith.constant 0 : index
    %swap3A_6 = arith.constant 0 : index
    %swap3A_7 = vector.load %arg4[%swap3A, %swap3A_6] : memref<10000x128xf32, #tpu.memory_space<vmem>>, vector<10000x128xf32>
    tpu.vector_store %arg4[%swap3A, %swap3A_6], %dot_general3A_5 {strides = array<i32>} : memref<10000x128xf32, #tpu.memory_space<vmem>>, vector<10000x128xf32>,
    %get3A_8 = arith.constant 0 : index
    %get3A_9 = arith.constant 0 : index
    %get3A_10 = vector.load %arg2[%get3A_8, %get3A_9] : memref<1x128xf32, #tpu.memory_space<vmem>>, vector<1x128xf32>
    %dot_general3A_11 = arith.constant dense<0.000000e+00> : vector<1x10000xf32>
    %dot_general3A_12 = tpu.matmul %get3A_10, %dot_general3A_5, %dot_general3A_11 {dimension_numbers = #tpu.dot_dimension_numbers<[1], [1], [0], [0], [0, 0, 1, 0], [], []>, transpose_lhs_hint = false} : vector<1x128xf32>, vector<10000x128xf32>, vector<1x10000xf32> -> vector<1x10000xf32>
    %swap3A_13 = arith.constant 0 : index
    %swap3A_14 = arith.constant 0 : index
    %swap3A_15 = vector.load %arg5[%swap3A_13, %swap3A_14] : memref<1x10000xf32, #tpu.memory_space<vmem>>, vector<1x10000xf32>
    tpu.vector_store %arg5[%swap3A_13, %swap3A_14], %dot_general3A_12 {strides = array<i32>} : memref<1x10000xf32, #tpu.memory_space<vmem>>, vector<1x10000xf32>,
    %get3A_16 = arith.constant 0 : index
    %get3A_17 = arith.constant 0 : index
    %get3A_18 = vector.load %arg3[%get3A_16, %get3A_17] : memref<1x128xf32, #tpu.memory_space<vmem>>, vector<1x128xf32>
    %dot_general3A_19 = arith.constant dense<0.000000e+00> : vector<1x10000xf32>
    %dot_general3A_20 = tpu.matmul %get3A_18, %dot_general3A_5, %dot_general3A_19 {dimension_numbers = #tpu.dot_dimension_numbers<[1], [1], [0], [0], [0, 0, 1, 0], [], []>, transpose_lhs_hint = false} : vector<1x128xf32>, vector<10000x128xf32>, vector<1x10000xf32> -> vector<1x10000xf32>
    %swap3A_21 = arith.constant 0 : index
    %swap3A_22 = arith.constant 0 : index
    %swap3A_23 = vector.load %arg6[%swap3A_21, %swap3A_22] : memref<1x10000xf32, #tpu.memory_space<vmem>>, vector<1x10000xf32>
    tpu.vector_store %arg6[%swap3A_21, %swap3A_22], %dot_general3A_20 {strides = array<i32>} : memref<1x10000xf32, #tpu.memory_space<vmem>>, vector<1x10000xf32>,
    return
  }
}

module attributes {stable_mosaic.version = 14 : i64} {
  func.func @_combine_body(%arg0: i32, %arg1: memref<2x1000x128xf32, #tpu.memory_space<vmem>>, %arg2: memref<1x128xf32, #tpu.memory_space<vmem>>, %arg3: memref<1000x128xf32, #tpu.memory_space<vmem>>) attributes {dimension_semantics = [#tpu.dimension_semantics<arbitrary>], iteration_bounds = array<i64: 10>, scalar_prefetch = 0 : i64, scratch_operands = 0 : i64, tpu.core_type = #tpu.core_type<tc>, window_params = [{transform_indices = @transform_0, window_bounds = array<i64: 2, 1000, 128>}, {pipeline_mode = #tpu.pipeline_mode<synchronous>, transform_indices = @transform_1, window_bounds = array<i64: 1, 128>}, {transform_indices = @transform_2, window_bounds = array<i64: 1000, 128>}]} {
    %get3A = arith.constant 0 : index
    %get3A_0 = arith.constant 0 : index
    %get3A_1 = arith.constant 0 : index
    %get3A_2 = vector.load %arg1[%get3A, %get3A_0, %get3A_1] : memref<2x1000x128xf32, #tpu.memory_space<vmem>>, vector<1x1000x128xf32>
    %get3A_3 = vector.shape_cast %get3A_2 : vector<1x1000x128xf32> to vector<1000x128xf32>
    %get3A_4 = arith.constant 1 : index
    %get3A_5 = arith.constant 0 : index
    %get3A_6 = arith.constant 0 : index
    %get3A_7 = vector.load %arg1[%get3A_4, %get3A_5, %get3A_6] : memref<2x1000x128xf32, #tpu.memory_space<vmem>>, vector<1x1000x128xf32>
    %get3A_8 = vector.shape_cast %get3A_7 : vector<1x1000x128xf32> to vector<1000x128xf32>
    %add3A = arith.addf %get3A_3, %get3A_8 : vector<1000x128xf32>
    %get3A_9 = arith.constant 0 : index
    %get3A_10 = arith.constant 0 : index
    %get3A_11 = vector.load %arg2[%get3A_9, %get3A_10] : memref<1x128xf32, #tpu.memory_space<vmem>>, vector<1x128xf32>
    %add3A_12 = vector.broadcast %get3A_11 : vector<1x128xf32> to vector<1000x128xf32>
    %add3A_13 = arith.addf %add3A, %add3A_12 : vector<1000x128xf32>
    %swap3A = arith.constant 0 : index
    %swap3A_14 = arith.constant 0 : index
    %swap3A_15 = vector.load %arg3[%swap3A, %swap3A_14] : memref<1000x128xf32, #tpu.memory_space<vmem>>, vector<1000x128xf32>
    tpu.vector_store %arg3[%swap3A, %swap3A_14], %add3A_13 {strides = array<i32>} : memref<1000x128xf32, #tpu.memory_space<vmem>>, vector<1000x128xf32>,
    return
  }
  func.func @transform_0(%arg0: i32) -> (i32, i32, i32) {
    %c0_i32 = arith.constant 0 : i32
    %c0_i32_0 = arith.constant 0 : i32
    %c0_i32_1 = arith.constant 0 : i32
    return %c0_i32, %arg0, %c0_i32_0 : i32, i32, i32
  }
  func.func @transform_1(%arg0: i32) -> (i32, i32) {
    %c0_i32 = arith.constant 0 : i32
    %c0_i32_0 = arith.constant 0 : i32
    %c0_i32_1 = arith.constant 0 : i32
    return %c0_i32, %c0_i32_0 : i32, i32
  }
  func.func @transform_2(%arg0: i32) -> (i32, i32) {
    %c0_i32 = arith.constant 0 : i32
    %c0_i32_0 = arith.constant 0 : i32
    return %arg0, %c0_i32 : i32, i32
  }
}

</mosaic_0001>

<sc_bundles>
// kernel: kernel.11.cloned.1.call-start
scs
__scs_entry_jumppad:
0x0: {  	(pc) =	sbr.rel $0x88, $3  }
0x1: {  	(tag) =	ssettag $0x0;
	lr =	simm.s32 $0x1  }
0x2: {  	[smem:$0x3F98] =	sst lr;
	_ =	strace $0xD0000000  }
0x3: {  	_ = 	snop  }
0x4: {  	_ = 	snop  }
0x5: {  	_ = 	snop  }
0x6: {  	_ = 	snop  }
0x7: {  	_ = 	snop  }
__scs_overlays_trampoline_lowered:
0x8: {  	[smem:$0x3FA7] =	sst s0  }
0x9: {  	[smem:$0x3FA8] =	sst s1  }
0xa: {  	[smem:$0x3FA9] =	sst s2  }
0xb: {  	[smem:$0x3FAA] =	sst s3  }
0xc: {  	[smem:$0x3FAB] =	sst s4  }
0xd: {  	[smem:$0x3FAC] =	sst s5  }
0xe: {  	[smem:$0x3FAD] =	sst s6  }
0xf: {  	[smem:$0x3FAE] =	sst s7  }
0x10: {  	[smem:$0x3FAF] =	sst s8  }
0x11: {  	[smem:$0x3FB0] =	sst s9;
	s0 =	simm.s32 @!p0 $0x0  }
0x12: {  	s1 =	sld [smem:$0x3F96];
	s0 =	simm.s32 @p0 $0x1  }
0x13: {  	[smem:$0x3FB1] =	sst s0;
	s0 =	simm.s32 @!p1 $0x0  }
0x14: {  	s2 =	sld [smem:$0x3F95];
	s0 =	simm.s32 @p1 $0x1  }
0x15: {  	[smem:$0x3FB2] =	sst s0;
	s0 =	simm.s32 @!p2 $0x0  }
0x16: {  	s3 =	sld [smem:$0x3FDB];
	s0 =	simm.s32 @p2 $0x1  }
0x17: {  	s4 =	simm.s32 $0x1BF5;
	[smem:$0x3FB4] =	sst s0  }
0x18: {  	s0 =	sld [smem:$0x3F97];
	_ =	swait.ge [sflag:s4], $0x0  }
0x19: {  	s7 =	sld [smem:$0x3F98]  }
0x1a: {  	s8 =	sadd.s32 $0xFFFFE003, lr  }
0x1b: {  	s9 =	sadd.s32 $0xFFFFFEF7, lr;
	s5 =	simm.s32 $0xFFFFFFFF;
	p2 =	slt.u32 s8, $0xFFFFF086  }
0x1c: {  	p1 =	slt.u32 s9, $0xF7A;
	s5 =	simm.s32 @!p2 $0x0  }
0x1d: {  	s5 =	simm.s32 @p1 $0x1;
	p0 =	seq.s32 s7, s2  }
0x1e: {  	s7 =	smul.u32 @!p0 $0xF7A, s2;
	p2 =	seq.s32 @!p0 s5, $0x0  }
0x1f: {  	s9 =	smul.u32 $0xF7A, s1;
	s8 =	simm.s32 @!p0 $0x1BF5;
	p2 =	por !p2, p0  }
0x20: {  	[sflag:s8] =	ssyncset.s32 @!p0 $0xFFFFF086;
	s6 =	sadd.s32 @!p0 s3, s7;
	s7 =	simm.s32 @!p0 $0x108  }
0x21: {  	s3 =	sadd.s32 s3, s9;
	s6 =	sadd.s32 @!p0 $0x88, s6;
	s7 =	simm.s32 @p2 $0x1082  }
0x22: {  	[simem:s7], [sflag:s8] =	dma.local @!p0 [hbm:s6], $0xF7A  }
0x23: {  	s9 =	sor.u32 $0xD0000000, s2;
	s6 =	simm.s32 $0x108;
	_ =	swait.ge @!p0 [sflag:s8], $0x0  }
0x24: {  	s3 =	sadd.s32 $0x88, s3;
	s6 =	simm.s32 @!p1 $0x1082;
	[sflag:s4] =	ssyncset.s32 $0xFFFFF086  }
0x25: {  	[simem:s6], [sflag:s4] =	dma.local [hbm:s3], $0xF7A  }
0x26: {  	[smem:$0x3F98] =	sst s1;
	(tag) =	ssettag s2;
	_ =	strace s9  }
0x27: {  	s1 =	sld [smem:$0x3FA8]  }
0x28: {  	s2 =	sld [smem:$0x3FA9]  }
0x29: {  	s4 =	sld [smem:$0x3FAB]  }
0x2a: {  	p0 =	seq.s32 s5, $0x0;
	s5 =	sld [smem:$0x3FAC]  }
0x2b: {  	s6 =	sld [smem:$0x3FAD]  }
0x2c: {  	s7 =	sld [smem:$0x3FAE]  }
0x2d: {  	s3 =	simm.s32 $0x108;
	s8 =	sld [smem:$0x3FAF]  }
0x2e: {  	s3 =	simm.s32 @!p0 $0x1082;
	s9 =	sld [smem:$0x3FB0]  }
0x2f: {  	lr =	sadd.s32 s0, s3;
	s0 =	sld [smem:$0x3FA7]  }
0x30: {  	s3 =	sld [smem:$0x3FAA]  }
0x31: {  	[smem:$0x3FB3] =	sst s10  }
0x32: {  	s10 =	sld [smem:$0x3FB1];
	_ =	sdelay $0x3  }
0x33: {  	p0 =	seq.s32 s10, $0x1;
	s10 =	sld [smem:$0x3FB3];
	_ =	sdelay $0x3  }
0x34: {  	[smem:$0x3FB3] =	sst s10  }
0x35: {  	s10 =	sld [smem:$0x3FB2];
	_ =	sdelay $0x3  }
0x36: {  	p1 =	seq.s32 s10, $0x1;
	s10 =	sld [smem:$0x3FB3];
	_ =	sdelay $0x3  }
0x37: {  	[smem:$0x3FB3] =	sst s10  }
0x38: {  	s10 =	sld [smem:$0x3FB4]  }
0x39: {  	_ = 	snop;
	(pc) =	sbr.ind lr, $3  }
0x3a: {  	_ = 	snop  }
0x3b: {  	_ = 	snop  }
0x3c: {  	p2 =	seq.s32 s10, $0x1;
	s10 =	sld [smem:$0x3FB3]  }
0x3d: {  	_ =	shalt  }
0x3e: {  	_ =	shalt  }
0x3f: {  	_ =	shalt  }
0x40: {  	_ =	shalt  }
0x41: {  	_ =	shalt  }
0x42: {  	_ =	shalt  }
0x43: {  	_ =	shalt  }
0x44: {  	_ =	shalt  }
0x45: {  	_ =	shalt  }
0x46: {  	_ =	shalt  }
0x47: {  	_ =	shalt  }
0x48: {  	_ =	shalt  }
0x49: {  	_ =	shalt  }
0x4a: {  	_ =	shalt  }
0x4b: {  	_ =	shalt  }
0x4c: {  	_ =	shalt  }
0x4d: {  	_ =	shalt  }
0x4e: {  	_ =	shalt  }
0x4f: {  	_ =	shalt  }
0x50: {  	_ =	shalt  }
0x51: {  	_ =	shalt  }
0x52: {  	_ =	shalt  }
0x53: {  	_ =	shalt  }
0x54: {  	_ =	shalt  }
0x55: {  	_ =	shalt  }
0x56: {  	_ =	shalt  }
0x57: {  	_ =	shalt  }
0x58: {  	_ =	shalt  }
0x59: {  	_ =	shalt  }
0x5a: {  	_ =	shalt  }
0x5b: {  	_ =	shalt  }
0x5c: {  	_ =	shalt  }
0x5d: {  	_ =	shalt  }
0x5e: {  	_ =	shalt  }
0x5f: {  	_ =	shalt  }
0x60: {  	_ =	shalt  }
0x61: {  	_ =	shalt  }
0x62: {  	_ =	shalt  }
0x63: {  	_ =	shalt  }
0x64: {  	_ =	shalt  }
0x65: {  	_ =	shalt  }
0x66: {  	_ =	shalt  }
0x67: {  	_ =	shalt  }
0x68: {  	_ =	shalt  }
0x69: {  	_ =	shalt  }
0x6a: {  	_ =	shalt  }
0x6b: {  	_ =	shalt  }
0x6c: {  	_ =	shalt  }
0x6d: {  	_ =	shalt  }
0x6e: {  	_ =	shalt  }
0x6f: {  	_ =	shalt  }
0x70: {  	_ =	shalt  }
0x71: {  	_ =	shalt  }
0x72: {  	_ =	shalt  }
0x73: {  	_ =	shalt  }
0x74: {  	_ =	shalt  }
0x75: {  	_ =	shalt  }
0x76: {  	_ =	shalt  }
0x77: {  	_ =	shalt  }
0x78: {  	_ =	shalt  }
0x79: {  	_ =	shalt  }
0x7a: {  	_ =	shalt  }
0x7b: {  	_ =	shalt  }
0x7c: {  	_ =	shalt  }
0x7d: {  	_ =	shalt  }
0x7e: {  	_ =	shalt  }
0x7f: {  	_ =	shalt  }
0x80: {  	_ =	shalt  }
0x81: {  	_ =	shalt  }
0x82: {  	_ =	shalt  }
0x83: {  	_ =	shalt  }
0x84: {  	_ =	shalt  }
0x85: {  	_ =	shalt  }
0x86: {  	_ =	shalt  }
0x87: {  	_ =	shalt  }
.Lfunc_end0:
.L_simem_size_0:
called_computation.1_lowered:
.L_overlay_start_0:
0x88: {  	s2 =	sld [smem:$0x3FD9]  }
0x89: {  	s3 =	sld [smem:$0x3FFE];
	_ =	sdelay $0x1  }
0x8a: {  	s1 =	srdreg.scid  }
0x8b: {  	s0 =	sand.u32 $0x1, s1  }
0x8c: {  	s16 =	sshll.u32 s0, $0xA;
	s2 =	sadd.s32 s3, s2  }
0x8d: {  	s2 =	sadd.s32 s2, s16  }
0x8e: {  	[smem:$0x3FBF] =	sst s2  }
0x8f: {  	_ = 	snop  }
0x90: {  	(tm) =	ssettm $0x1  }
0x91: {  	s17 =	sld [smem:$0x3FFB];
	_ =	sdelay $0x3  }
0x92: {  	_ =	strace s17  }
0x93: {  	s2 =	sld [smem:$0x3FFC];
	_ =	sdelay $0x3  }
0x94: {  	_ =	strace s2  }
0x95: {  	s2 =	sld [smem:$0x3FFD];
	_ =	sdelay $0x3  }
0x96: {  	_ =	strace s2  }
0x97: {  	_ =	strace $0x8FFFFFFF  }
0x98: {  	s18 =	sld [smem:$0x3FDB];
	_ =	sdelay $0x1  }
0x99: {  	s19 =	simm.s32 $_scs_section_size  }
0x9a: {  	s4 =	simm.s32 $_size__tile_overlayer_lowered;
	s5 =	simm.s32 $_tile_overlayer_lowered  }
0x9b: {  	s22 =	simm.s32 $0x1BFF;
	s21 =	sshll.u32 s5, $0x1;
	s2 =	sadd.s32 s19, s18  }
0x9c: {  	s6 =	simm.s32 $0x0;
	s20 =	sshll.u32 s4, $0x1;
	s4 =	sadd.s32 s21, s2  }
0x9d: {  	[timem:s6], [sflag:s22] =	dma.local [hbm:s4], s20  }
0x9e: {  	_ =	swait.ge [sflag:s22], s20  }
0x9f: {  	s3 =	ssub.s32 $0x0, s20;
	[sflag:s22] =	ssyncset.done $0x0  }
0xa0: {  	[sflag:s22] =	ssyncadd.s32 s3;
	_ =	sdelay $0x1  }
0xa1: {  	s23 =	simm.s32 $0x1B8B  }
0xa2: {  	_ =	swait.ge [sflag:s23], $0x1  }
0xa3: {  	[sflag:s23] =	ssyncset.done $0x0  }
0xa4: {  	s25 =	simm.s32 $0x1B8E;
	s24 =	sld [smem:$0x3FFE];
	[sflag:s23] =	ssyncadd.s32 $0xFFFFFFFF  }
0xa5: {  	s26 =	simm.s32 $execute0_lowered;
	[smem:$0x3FD2] =	sst s25  }
0xa6: {  	s4 =	sshll.u32 s26, $0x1;
	_ =	strace $0x80000049;
	[dreg:$0x1] =	wrdreg $0xFFFFFFFF  }
0xa7: {  	s28 =	simm.s32 $_size_execute0_lowered;
	s2 =	sadd.s32 s2, s4;
	[dreg:$0x0] =	wrdreg $0x0  }
0xa8: {  	s4 =	sshll.u32 s28, $0x1;
	[dreg:$0x2] =	wrdreg s2  }
0xa9: {  	[dreg:$0x3] =	wrdreg s4  }
0xaa: {  	[dreg:$0x4] =	wrdreg $0xC0  }
0xab: {  	_ =	task [dreg:s6], $0x5FFFF  }
0xac: {  	[dreg:$0x1] =	wrdreg $0xFFFFFFFF  }
0xad: {  	[dreg:$0x0] =	wrdreg $0x60  }
0xae: {  	[dreg:$0x2] =	wrdreg s24  }
0xaf: {  	[dreg:$0x3] =	wrdreg $0x9  }
0xb0: {  	_ =	task.clear_ibuf [dreg:s6], $0x4FFFF;
	_ =	strace $0x90000049  }
0xb1: {  	s29 =	simm.s32 $0x9;
	_ =	strace $0x8000004B  }
0xb2: {  	_ =	swait.ge [sflag:s29], $0x1  }
0xb3: {  	[sflag:s29] =	ssyncadd.s32 $0xFFFFFFFF  }
0xb4: {  	_ =	strace $0x9000004B  }
0xb5: {  	_ =	sfence  }
0xb6: {  	s30 =	sld [smem:$0x0];
	_ =	sdelay $0x2  }
0xb7: {  	s31 =	sshll.u32 s1, $0xD;
	s1 =	sshrl.u32 s1, $0x2  }
0xb8: {  	s3 =	sand.u32 $0x4000, s31;
	s1 =	sadd.s32 s1, s30  }
0xb9: {  	s0 =	sor.u32 s3, s0;
	s1 =	sshll.u32 s1, $0x11  }
0xba: {  	s0 =	sor.u32 s1, s0  }
0xbb: {  	s0 =	sadd.s32 $0x8F2B, s0  }
0xbc: {  	[sflag:s0] =	ssyncadd.remote.s32 $0x1  }
0xbd: {  	_ =	sfence.sel $0xFFFF  }
0xbe: {  	[dreg:$0x0] =	wrdreg $0xFFFFFFFF;
	(pc) =	sbr.abs _section_cstart, $3  }
0xbf: {  	[dreg:$0x1] =	wrdreg $0xFFFFFFFF  }
0xc0: {  	_ =	task.clear_ibuf [dreg:s6], $0x2FFFF;
	_ =	strace $0x9FFFFFFF  }
0xc1: {  	(tm) =	ssettm $0x7FFFFFFF  }
tec
execute0_lowered:
.L_overlay_start_1:
0x0: {  	(tag) =	ssettag $0x1  }
0x1: {  	s1 =	srdreg.scid;
	s0 =	stileid.u32  }
0x2: {  	s21 =	rddreg [dreg:$0x0];
	s24 =	simm.s32 $0x1;
	s25 =	simm.s32 $0x2A80  }
0x3: {  	s26 =	simm.s32 $0x5200;
	s28 =	simm.s32 $0x2800;
	s29 =	simm.s32 $0x0  }
0x4: {  	s1 =	sand.u32 $0x1, s1;
	s2 =	sshll.u32 s0, $0x1;
	s6 =	sadd.s32 $0x2A300, s21  }
0x5: {  	s7 =	sadd.s32 $0x2A350, s21;
	s8 =	sadd.s32 $0x2A3A0, s21;
	s9 =	sadd.s32 $0x2A3F0, s21  }
0x6: {  	s10 =	sadd.s32 $0x2A440, s21;
	s11 =	sadd.s32 $0x2A490, s21;
	s12 =	sadd.s32 $0x2A4E0, s21  }
0x7: {  	s13 =	sadd.s32 $0x2A530, s21;
	s14 =	sadd.s32 $0x2A580, s21;
	s15 =	sadd.s32 $0x2A5D0, s21  }
0x8: {  	s16 =	sadd.s32 $0x2A620, s21;
	s17 =	sadd.s32 $0x2A670, s21;
	s18 =	sadd.s32 $0x2A6C0, s21  }
0x9: {  	s19 =	sadd.s32 $0x2A710, s21;
	s2 =	sor.u32 s1, s2;
	s1 =	ssub.s32 $0x2, s1  }
0xa: {  	s3 =	smul.u32 $0x2710, s2;
	s2 =	simm.s32 $0x0;
	s4 =	sshrl.u32 s1, $0x1  }
0xb: {  	s20 =	sadd.s32 $0x2A760, s21;
	[smem:$0x7FF] =	sst s2;
	s1 =	ssub.s32 s1, s4  }
0xc: {  	s3 =	sshrl.u32 s3, $0x3;
	_ =	strace $0x8000004A;
	s23 =	smax.u32 s1, $0x1  }
0xd: {  	s22 =	sadd.s32 s3, s21;
	s3 =	sadd.s32 $0x29E00, s21;
	s21 =	sadd.s32 $0x2A7B0, s21  }
0xe: {  	s4 =	sadd.s32 $0x20000, s22;
	s5 =	sadd.s32 $0x15640, s22;
	s22 =	sadd.s32 $0x1C00, s22  }
.LBB2_1:
0xf: {  	[tilespmem:s2], [sflag:$0x1] =	stream.linear.gather [hbm4b:s3+s2], $0x2800, $0x38;
	[tilespmem:$0x7980] =	vst v63  }
0x10: {  	_ =	swait.ge [sflag:s24], $0x2800  }
0x11: {  	[sflag:s24] =	ssyncset.done $0x0  }
0x12: {  	[sflag:s24] =	ssyncadd.s32 $0xFFFFD800  }
0x13: {  	[tilespmem:s25], [sflag:$0x1] =	stream.linear.gather [hbm4b:s4+s2], $0x2710, $0x38;
	[tilespmem:$0x7980] =	vst v63  }
0x14: {  	_ =	swait.ge [sflag:s24], $0x2710  }
0x15: {  	[sflag:s24] =	ssyncset.done $0x0  }
0x16: {  	[sflag:s24] =	ssyncadd.s32 $0xFFFFD8F0  }
0x17: {  	[tilespmem:s26], [sflag:$0x1] =	stream.linear.gather [hbm4b:s5+s2], $0x2710, $0x38;
	[tilespmem:$0x7980] =	vst v63  }
0x18: {  	_ =	swait.ge [sflag:s24], $0x2710  }
0x19: {  	[sflag:s24] =	ssyncset.done $0x0  }
0x1a: {  	[sflag:s24] =	ssyncadd.s32 $0xFFFFD8F0  }
0x1b: {  	[tilespmem:s28], [sflag:$0x1] =	stream.linear.gather [hbm4b:s6+s2], $0x280, $0x38;
	[tilespmem:$0x7980] =	vst v63  }
0x1c: {  	_ =	swait.ge [sflag:s24], $0x280  }
0x1d: {  	[sflag:s24] =	ssyncset.done $0x0  }
0x1e: {  	s1 =	simm.s32 $0x0;
	[sflag:s24] =	ssyncadd.s32 $0xFFFFFD80  }
0x1f: {  	s30 =	simm.s32 $0x40;
	v0 =	vld [tilespmem:s1+$0x2800]  }
.LBB2_2:
0x20: {  	p0 =	sne.s32 s30, $0x9C0;
	v1 =	vld [tilespmem:s1+$0x0];
	_ =	sdelay $0x2  }
.Ltmp0:
0x21: {  	(pc) =	sbr.rel @p0 .LBB2_2-.Ltmp0, $4  }
0x22: {  	_ = 	snop  }
0x23: {  	v1 =	vadd.f32 v0, v1  }
0x24: {  	s31 =	sshra.s32 s30, $0x2  }
0x25: {  	s30 =	sadd.s32 $0x40, s30;
	v0 =	vld [tilespmem:s31+$0x2800];
	[tilespmem:s1+$0x0] =	vst v1;
	s1 =	smov.u32 s31  }
0x26: {  	v1 =	vld [tilespmem:s1+$0x0];
	_ =	sdelay $0x4  }
0x27: {  	v0 =	vadd.f32 v0, v1;
	_ =	sdelay $0x1  }
0x28: {  	s30 =	simm.s32 $0x0;
	[tilespmem:s1+$0x0] =	vst v0;
	s1 =	simm.s32 $0x2800  }
0x29: {  	[tilespmem:s1], [sflag:$0x1] =	stream.linear.gather [hbm4b:s7+s30], $0x280, $0x38;
	[tilespmem:$0x7980] =	vst v63  }
0x2a: {  	_ =	swait.ge [sflag:s24], $0x280  }
0x2b: {  	[sflag:s24] =	ssyncset.done $0x0  }
0x2c: {  	[sflag:s24] =	ssyncadd.s32 $0xFFFFFD80  }
0x2d: {  	s31 =	simm.s32 $0x10;
	s30 =	sand.u32 $0x3F0, s30;
	v0 =	vld [tilespmem:s1+$0x0]  }
.LBB2_4:
0x2e: {  	p0 =	sne.s32 s31, $0x270;
	v1 =	vld [tilespmem:s30+$0x280];
	_ =	sdelay $0x3  }
.Ltmp1:
0x2f: {  	(pc) =	sbr.rel @p0 .LBB2_4-.Ltmp1, $3  }
0x30: {  	v0 =	vadd.f32 v0, v1;
	_ =	sdelay $0x1  }
0x31: {  	s1 =	sadd.s32 $0x10, s1;
	[tilespmem:s30+$0x280] =	vst v0  }
0x32: {  	s30 =	sand.u32 $0x3F0, s31;
	s31 =	sadd.s32 $0x10, s31;
	v0 =	vld [tilespmem:s1+$0x0]  }
0x33: {  	v1 =	vld [tilespmem:s30+$0x280];
	_ =	sdelay $0x4  }
0x34: {  	v0 =	vadd.f32 v0, v1;
	_ =	sdelay $0x1  }
0x35: {  	s1 =	simm.s32 $0x2800;
	[tilespmem:s30+$0x280] =	vst v0;
	s30 =	simm.s32 $0x0  }
0x36: {  	[tilespmem:s1], [sflag:$0x1] =	stream.linear.gather [hbm4b:s8+s30], $0x280, $0x38;
	[tilespmem:$0x7980] =	vst v63  }
0x37: {  	_ =	swait.ge [sflag:s24], $0x280  }
0x38: {  	[sflag:s24] =	ssyncset.done $0x0  }
0x39: {  	[sflag:s24] =	ssyncadd.s32 $0xFFFFFD80  }
0x3a: {  	s31 =	simm.s32 $0x10;
	s30 =	sand.u32 $0x3F0, s30;
	v0 =	vld [tilespmem:s1+$0x0]  }
.LBB2_6:
0x3b: {  	p0 =	sne.s32 s31, $0x270;
	v1 =	vld [tilespmem:s30+$0x500];
	_ =	sdelay $0x3  }
.Ltmp2:
0x3c: {  	(pc) =	sbr.rel @p0 .LBB2_6-.Ltmp2, $3  }
0x3d: {  	v0 =	vadd.f32 v0, v1;
	_ =	sdelay $0x1  }
0x3e: {  	s1 =	sadd.s32 $0x10, s1;
	[tilespmem:s30+$0x500] =	vst v0  }
0x3f: {  	s30 =	sand.u32 $0x3F0, s31;
	s31 =	sadd.s32 $0x10, s31;
	v0 =	vld [tilespmem:s1+$0x0]  }
0x40: {  	v1 =	vld [tilespmem:s30+$0x500];
	_ =	sdelay $0x4  }
0x41: {  	v0 =	vadd.f32 v0, v1;
	_ =	sdelay $0x1  }
0x42: {  	s1 =	simm.s32 $0x2800;
	[tilespmem:s30+$0x500] =	vst v0;
	s30 =	simm.s32 $0x0  }
0x43: {  	[tilespmem:s1], [sflag:$0x1] =	stream.linear.gather [hbm4b:s9+s30], $0x280, $0x38;
	[tilespmem:$0x7980] =	vst v63  }
0x44: {  	_ =	swait.ge [sflag:s24], $0x280  }
0x45: {  	[sflag:s24] =	ssyncset.done $0x0  }
0x46: {  	[sflag:s24] =	ssyncadd.s32 $0xFFFFFD80  }
0x47: {  	s31 =	simm.s32 $0x10;
	s30 =	sand.u32 $0x3F0, s30;
	v0 =	vld [tilespmem:s1+$0x0]  }
.LBB2_8:
0x48: {  	p0 =	sne.s32 s31, $0x270;
	v1 =	vld [tilespmem:s30+$0x780];
	_ =	sdelay $0x3  }
.Ltmp3:
0x49: {  	(pc) =	sbr.rel @p0 .LBB2_8-.Ltmp3, $3  }
0x4a: {  	v0 =	vadd.f32 v0, v1;
	_ =	sdelay $0x1  }
0x4b: {  	s1 =	sadd.s32 $0x10, s1;
	[tilespmem:s30+$0x780] =	vst v0  }
0x4c: {  	s30 =	sand.u32 $0x3F0, s31;
	s31 =	sadd.s32 $0x10, s31;
	v0 =	vld [tilespmem:s1+$0x0]  }
0x4d: {  	v1 =	vld [tilespmem:s30+$0x780];
	_ =	sdelay $0x4  }
0x4e: {  	v0 =	vadd.f32 v0, v1;
	_ =	sdelay $0x1  }
0x4f: {  	s1 =	simm.s32 $0x2800;
	[tilespmem:s30+$0x780] =	vst v0;
	s30 =	simm.s32 $0x0  }
0x50: {  	[tilespmem:s1], [sflag:$0x1] =	stream.linear.gather [hbm4b:s10+s30], $0x280, $0x38;
	[tilespmem:$0x7980] =	vst v63  }
0x51: {  	_ =	swait.ge [sflag:s24], $0x280  }
0x52: {  	[sflag:s24] =	ssyncset.done $0x0  }
0x53: {  	[sflag:s24] =	ssyncadd.s32 $0xFFFFFD80  }
0x54: {  	s31 =	simm.s32 $0x10;
	s30 =	sand.u32 $0x3F0, s30;
	v0 =	vld [tilespmem:s1+$0x0]  }
.LBB2_10:
0x55: {  	p0 =	sne.s32 s31, $0x270;
	v1 =	vld [tilespmem:s30+$0xA00];
	_ =	sdelay $0x3  }
.Ltmp4:
0x56: {  	(pc) =	sbr.rel @p0 .LBB2_10-.Ltmp4, $3  }
0x57: {  	v0 =	vadd.f32 v0, v1;
	_ =	sdelay $0x1  }
0x58: {  	s1 =	sadd.s32 $0x10, s1;
	[tilespmem:s30+$0xA00] =	vst v0  }
0x59: {  	s30 =	sand.u32 $0x3F0, s31;
	s31 =	sadd.s32 $0x10, s31;
	v0 =	vld [tilespmem:s1+$0x0]  }
0x5a: {  	v1 =	vld [tilespmem:s30+$0xA00];
	_ =	sdelay $0x4  }
0x5b: {  	v0 =	vadd.f32 v0, v1;
	_ =	sdelay $0x1  }
0x5c: {  	s1 =	simm.s32 $0x2800;
	[tilespmem:s30+$0xA00] =	vst v0;
	s30 =	simm.s32 $0x0  }
0x5d: {  	[tilespmem:s1], [sflag:$0x1] =	stream.linear.gather [hbm4b:s11+s30], $0x280, $0x38;
	[tilespmem:$0x7980] =	vst v63  }
0x5e: {  	_ =	swait.ge [sflag:s24], $0x280  }
0x5f: {  	[sflag:s24] =	ssyncset.done $0x0  }
0x60: {  	[sflag:s24] =	ssyncadd.s32 $0xFFFFFD80  }
0x61: {  	s31 =	simm.s32 $0x10;
	s30 =	sand.u32 $0x3F0, s30;
	v0 =	vld [tilespmem:s1+$0x0]  }
.LBB2_12:
0x62: {  	p0 =	sne.s32 s31, $0x270;
	v1 =	vld [tilespmem:s30+$0xC80];
	_ =	sdelay $0x3  }
.Ltmp5:
0x63: {  	(pc) =	sbr.rel @p0 .LBB2_12-.Ltmp5, $3  }
0x64: {  	v0 =	vadd.f32 v0, v1;
	_ =	sdelay $0x1  }
0x65: {  	s1 =	sadd.s32 $0x10, s1;
	[tilespmem:s30+$0xC80] =	vst v0  }
0x66: {  	s30 =	sand.u32 $0x3F0, s31;
	s31 =	sadd.s32 $0x10, s31;
	v0 =	vld [tilespmem:s1+$0x0]  }
0x67: {  	v1 =	vld [tilespmem:s30+$0xC80];
	_ =	sdelay $0x4  }
0x68: {  	v0 =	vadd.f32 v0, v1;
	_ =	sdelay $0x1  }
0x69: {  	s1 =	simm.s32 $0x2800;
	[tilespmem:s30+$0xC80] =	vst v0;
	s30 =	simm.s32 $0x0  }
0x6a: {  	[tilespmem:s1], [sflag:$0x1] =	stream.linear.gather [hbm4b:s12+s30], $0x280, $0x38;
	[tilespmem:$0x7980] =	vst v63  }
0x6b: {  	_ =	swait.ge [sflag:s24], $0x280  }
0x6c: {  	[sflag:s24] =	ssyncset.done $0x0  }
0x6d: {  	[sflag:s24] =	ssyncadd.s32 $0xFFFFFD80  }
0x6e: {  	s31 =	simm.s32 $0x10;
	s30 =	sand.u32 $0x3F0, s30;
	v0 =	vld [tilespmem:s1+$0x0]  }
.LBB2_14:
0x6f: {  	p0 =	sne.s32 s31, $0x270;
	v1 =	vld [tilespmem:s30+$0xF00];
	_ =	sdelay $0x3  }
.Ltmp6:
0x70: {  	(pc) =	sbr.rel @p0 .LBB2_14-.Ltmp6, $3  }
0x71: {  	v0 =	vadd.f32 v0, v1;
	_ =	sdelay $0x1  }
0x72: {  	s1 =	sadd.s32 $0x10, s1;
	[tilespmem:s30+$0xF00] =	vst v0  }
0x73: {  	s30 =	sand.u32 $0x3F0, s31;
	s31 =	sadd.s32 $0x10, s31;
	v0 =	vld [tilespmem:s1+$0x0]  }
0x74: {  	v1 =	vld [tilespmem:s30+$0xF00];
	_ =	sdelay $0x4  }
0x75: {  	v0 =	vadd.f32 v0, v1;
	_ =	sdelay $0x1  }
0x76: {  	s1 =	simm.s32 $0x2800;
	[tilespmem:s30+$0xF00] =	vst v0;
	s30 =	simm.s32 $0x0  }
0x77: {  	[tilespmem:s1], [sflag:$0x1] =	stream.linear.gather [hbm4b:s13+s30], $0x280, $0x38;
	[tilespmem:$0x7980] =	vst v63  }
0x78: {  	_ =	swait.ge [sflag:s24], $0x280  }
0x79: {  	[sflag:s24] =	ssyncset.done $0x0  }
0x7a: {  	[sflag:s24] =	ssyncadd.s32 $0xFFFFFD80  }
0x7b: {  	s31 =	simm.s32 $0x10;
	s30 =	sand.u32 $0x3F0, s30;
	v0 =	vld [tilespmem:s1+$0x0]  }
.LBB2_16:
0x7c: {  	p0 =	sne.s32 s31, $0x270;
	v1 =	vld [tilespmem:s30+$0x1180];
	_ =	sdelay $0x3  }
.Ltmp7:
0x7d: {  	(pc) =	sbr.rel @p0 .LBB2_16-.Ltmp7, $3  }
0x7e: {  	v0 =	vadd.f32 v0, v1;
	_ =	sdelay $0x1  }
0x7f: {  	s1 =	sadd.s32 $0x10, s1;
	[tilespmem:s30+$0x1180] =	vst v0  }
0x80: {  	s30 =	sand.u32 $0x3F0, s31;
	s31 =	sadd.s32 $0x10, s31;
	v0 =	vld [tilespmem:s1+$0x0]  }
0x81: {  	v1 =	vld [tilespmem:s30+$0x1180];
	_ =	sdelay $0x4  }
0x82: {  	v0 =	vadd.f32 v0, v1;
	_ =	sdelay $0x1  }
0x83: {  	s1 =	simm.s32 $0x2800;
	[tilespmem:s30+$0x1180] =	vst v0;
	s30 =	simm.s32 $0x0  }
0x84: {  	[tilespmem:s1], [sflag:$0x1] =	stream.linear.gather [hbm4b:s14+s30], $0x280, $0x38;
	[tilespmem:$0x7980] =	vst v63  }
0x85: {  	_ =	swait.ge [sflag:s24], $0x280  }
0x86: {  	[sflag:s24] =	ssyncset.done $0x0  }
0x87: {  	[sflag:s24] =	ssyncadd.s32 $0xFFFFFD80  }
0x88: {  	s31 =	simm.s32 $0x10;
	s30 =	sand.u32 $0x3F0, s30;
	v0 =	vld [tilespmem:s1+$0x0]  }
.LBB2_18:
0x89: {  	p0 =	sne.s32 s31, $0x270;
	v1 =	vld [tilespmem:s30+$0x1400];
	_ =	sdelay $0x3  }
.Ltmp8:
0x8a: {  	(pc) =	sbr.rel @p0 .LBB2_18-.Ltmp8, $3  }
0x8b: {  	v0 =	vadd.f32 v0, v1;
	_ =	sdelay $0x1  }
0x8c: {  	s1 =	sadd.s32 $0x10, s1;
	[tilespmem:s30+$0x1400] =	vst v0  }
0x8d: {  	s30 =	sand.u32 $0x3F0, s31;
	s31 =	sadd.s32 $0x10, s31;
	v0 =	vld [tilespmem:s1+$0x0]  }
0x8e: {  	v1 =	vld [tilespmem:s30+$0x1400];
	_ =	sdelay $0x4  }
0x8f: {  	v0 =	vadd.f32 v0, v1;
	_ =	sdelay $0x1  }
0x90: {  	s1 =	simm.s32 $0x2800;
	[tilespmem:s30+$0x1400] =	vst v0;
	s30 =	simm.s32 $0x0  }
0x91: {  	[tilespmem:s1], [sflag:$0x1] =	stream.linear.gather [hbm4b:s15+s30], $0x280, $0x38;
	[tilespmem:$0x7980] =	vst v63  }
0x92: {  	_ =	swait.ge [sflag:s24], $0x280  }
0x93: {  	[sflag:s24] =	ssyncset.done $0x0  }
0x94: {  	[sflag:s24] =	ssyncadd.s32 $0xFFFFFD80  }
0x95: {  	s31 =	simm.s32 $0x10;
	s30 =	sand.u32 $0x3F0, s30;
	v0 =	vld [tilespmem:s1+$0x0]  }
.LBB2_20:
0x96: {  	p0 =	sne.s32 s31, $0x270;
	v1 =	vld [tilespmem:s30+$0x1680];
	_ =	sdelay $0x3  }
.Ltmp9:
0x97: {  	(pc) =	sbr.rel @p0 .LBB2_20-.Ltmp9, $3  }
0x98: {  	v0 =	vadd.f32 v0, v1;
	_ =	sdelay $0x1  }
0x99: {  	s1 =	sadd.s32 $0x10, s1;
	[tilespmem:s30+$0x1680] =	vst v0  }
0x9a: {  	s30 =	sand.u32 $0x3F0, s31;
	s31 =	sadd.s32 $0x10, s31;
	v0 =	vld [tilespmem:s1+$0x0]  }
0x9b: {  	v1 =	vld [tilespmem:s30+$0x1680];
	_ =	sdelay $0x4  }
0x9c: {  	v0 =	vadd.f32 v0, v1;
	_ =	sdelay $0x1  }
0x9d: {  	s1 =	simm.s32 $0x2800;
	[tilespmem:s30+$0x1680] =	vst v0;
	s30 =	simm.s32 $0x0  }
0x9e: {  	[tilespmem:s1], [sflag:$0x1] =	stream.linear.gather [hbm4b:s16+s30], $0x280, $0x38;
	[tilespmem:$0x7980] =	vst v63  }
0x9f: {  	_ =	swait.ge [sflag:s24], $0x280  }
0xa0: {  	[sflag:s24] =	ssyncset.done $0x0  }
0xa1: {  	[sflag:s24] =	ssyncadd.s32 $0xFFFFFD80  }
0xa2: {  	s31 =	simm.s32 $0x10;
	s30 =	sand.u32 $0x3F0, s30;
	v0 =	vld [tilespmem:s1+$0x0]  }
.LBB2_22:
0xa3: {  	p0 =	sne.s32 s31, $0x270;
	v1 =	vld [tilespmem:s30+$0x1900];
	_ =	sdelay $0x3  }
.Ltmp10:
0xa4: {  	(pc) =	sbr.rel @p0 .LBB2_22-.Ltmp10, $3  }
0xa5: {  	v0 =	vadd.f32 v0, v1;
	_ =	sdelay $0x1  }
0xa6: {  	s1 =	sadd.s32 $0x10, s1;
	[tilespmem:s30+$0x1900] =	vst v0  }
0xa7: {  	s30 =	sand.u32 $0x3F0, s31;
	s31 =	sadd.s32 $0x10, s31;
	v0 =	vld [tilespmem:s1+$0x0]  }
0xa8: {  	v1 =	vld [tilespmem:s30+$0x1900];
	_ =	sdelay $0x4  }
0xa9: {  	v0 =	vadd.f32 v0, v1;
	_ =	sdelay $0x1  }
0xaa: {  	s1 =	simm.s32 $0x2800;
	[tilespmem:s30+$0x1900] =	vst v0;
	s30 =	simm.s32 $0x0  }
0xab: {  	[tilespmem:s1], [sflag:$0x1] =	stream.linear.gather [hbm4b:s17+s30], $0x280, $0x38;
	[tilespmem:$0x7980] =	vst v63  }
0xac: {  	_ =	swait.ge [sflag:s24], $0x280  }
0xad: {  	[sflag:s24] =	ssyncset.done $0x0  }
0xae: {  	[sflag:s24] =	ssyncadd.s32 $0xFFFFFD80  }
0xaf: {  	s31 =	simm.s32 $0x10;
	s30 =	sand.u32 $0x3F0, s30;
	v0 =	vld [tilespmem:s1+$0x0]  }
.LBB2_24:
0xb0: {  	p0 =	sne.s32 s31, $0x270;
	v1 =	vld [tilespmem:s30+$0x1B80];
	_ =	sdelay $0x3  }
.Ltmp11:
0xb1: {  	(pc) =	sbr.rel @p0 .LBB2_24-.Ltmp11, $3  }
0xb2: {  	v0 =	vadd.f32 v0, v1;
	_ =	sdelay $0x1  }
0xb3: {  	s1 =	sadd.s32 $0x10, s1;
	[tilespmem:s30+$0x1B80] =	vst v0  }
0xb4: {  	s30 =	sand.u32 $0x3F0, s31;
	s31 =	sadd.s32 $0x10, s31;
	v0 =	vld [tilespmem:s1+$0x0]  }
0xb5: {  	v1 =	vld [tilespmem:s30+$0x1B80];
	_ =	sdelay $0x4  }
0xb6: {  	v0 =	vadd.f32 v0, v1;
	_ =	sdelay $0x1  }
0xb7: {  	s1 =	simm.s32 $0x2800;
	[tilespmem:s30+$0x1B80] =	vst v0;
	s30 =	simm.s32 $0x0  }
0xb8: {  	[tilespmem:s1], [sflag:$0x1] =	stream.linear.gather [hbm4b:s18+s30], $0x280, $0x38;
	[tilespmem:$0x7980] =	vst v63  }
0xb9: {  	_ =	swait.ge [sflag:s24], $0x280  }
0xba: {  	[sflag:s24] =	ssyncset.done $0x0  }
0xbb: {  	[sflag:s24] =	ssyncadd.s32 $0xFFFFFD80  }
0xbc: {  	s31 =	simm.s32 $0x10;
	s30 =	sand.u32 $0x3F0, s30;
	v0 =	vld [tilespmem:s1+$0x0]  }
.LBB2_26:
0xbd: {  	p0 =	sne.s32 s31, $0x270;
	v1 =	vld [tilespmem:s30+$0x1E00];
	_ =	sdelay $0x3  }
.Ltmp12:
0xbe: {  	(pc) =	sbr.rel @p0 .LBB2_26-.Ltmp12, $3  }
0xbf: {  	v0 =	vadd.f32 v0, v1;
	_ =	sdelay $0x1  }
0xc0: {  	s1 =	sadd.s32 $0x10, s1;
	[tilespmem:s30+$0x1E00] =	vst v0  }
0xc1: {  	s30 =	sand.u32 $0x3F0, s31;
	s31 =	sadd.s32 $0x10, s31;
	v0 =	vld [tilespmem:s1+$0x0]  }
0xc2: {  	v1 =	vld [tilespmem:s30+$0x1E00];
	_ =	sdelay $0x4  }
0xc3: {  	v0 =	vadd.f32 v0, v1;
	_ =	sdelay $0x1  }
0xc4: {  	s1 =	simm.s32 $0x2800;
	[tilespmem:s30+$0x1E00] =	vst v0;
	s30 =	simm.s32 $0x0  }
0xc5: {  	[tilespmem:s1], [sflag:$0x1] =	stream.linear.gather [hbm4b:s19+s30], $0x280, $0x38;
	[tilespmem:$0x7980] =	vst v63  }
0xc6: {  	_ =	swait.ge [sflag:s24], $0x280  }
0xc7: {  	[sflag:s24] =	ssyncset.done $0x0  }
0xc8: {  	[sflag:s24] =	ssyncadd.s32 $0xFFFFFD80  }
0xc9: {  	s31 =	simm.s32 $0x10;
	s30 =	sand.u32 $0x3F0, s30;
	v0 =	vld [tilespmem:s1+$0x0]  }
.LBB2_28:
0xca: {  	p0 =	sne.s32 s31, $0x270;
	v1 =	vld [tilespmem:s30+$0x2080];
	_ =	sdelay $0x3  }
.Ltmp13:
0xcb: {  	(pc) =	sbr.rel @p0 .LBB2_28-.Ltmp13, $3  }
0xcc: {  	v0 =	vadd.f32 v0, v1;
	_ =	sdelay $0x1  }
0xcd: {  	s1 =	sadd.s32 $0x10, s1;
	[tilespmem:s30+$0x2080] =	vst v0  }
0xce: {  	s30 =	sand.u32 $0x3F0, s31;
	s31 =	sadd.s32 $0x10, s31;
	v0 =	vld [tilespmem:s1+$0x0]  }
0xcf: {  	v1 =	vld [tilespmem:s30+$0x2080];
	_ =	sdelay $0x4  }
0xd0: {  	v0 =	vadd.f32 v0, v1;
	_ =	sdelay $0x1  }
0xd1: {  	s1 =	simm.s32 $0x2800;
	[tilespmem:s30+$0x2080] =	vst v0;
	s30 =	simm.s32 $0x0  }
0xd2: {  	[tilespmem:s1], [sflag:$0x1] =	stream.linear.gather [hbm4b:s20+s30], $0x280, $0x38;
	[tilespmem:$0x7980] =	vst v63  }
0xd3: {  	_ =	swait.ge [sflag:s24], $0x280  }
0xd4: {  	[sflag:s24] =	ssyncset.done $0x0  }
0xd5: {  	[sflag:s24] =	ssyncadd.s32 $0xFFFFFD80  }
0xd6: {  	s31 =	simm.s32 $0x10;
	s30 =	sand.u32 $0x3F0, s30;
	v0 =	vld [tilespmem:s1+$0x0]  }
.LBB2_30:
0xd7: {  	p0 =	sne.s32 s31, $0x270;
	v1 =	vld [tilespmem:s30+$0x2300];
	_ =	sdelay $0x3  }
.Ltmp14:
0xd8: {  	(pc) =	sbr.rel @p0 .LBB2_30-.Ltmp14, $3  }
0xd9: {  	v0 =	vadd.f32 v0, v1;
	_ =	sdelay $0x1  }
0xda: {  	s1 =	sadd.s32 $0x10, s1;
	[tilespmem:s30+$0x2300] =	vst v0  }
0xdb: {  	s30 =	sand.u32 $0x3F0, s31;
	s31 =	sadd.s32 $0x10, s31;
	v0 =	vld [tilespmem:s1+$0x0]  }
0xdc: {  	v1 =	vld [tilespmem:s30+$0x2300];
	_ =	sdelay $0x4  }
0xdd: {  	v0 =	vadd.f32 v0, v1;
	_ =	sdelay $0x1  }
0xde: {  	s1 =	simm.s32 $0x2800;
	[tilespmem:s30+$0x2300] =	vst v0;
	s30 =	simm.s32 $0x0  }
0xdf: {  	[tilespmem:s1], [sflag:$0x1] =	stream.linear.gather [hbm4b:s21+s30], $0x280, $0x38;
	[tilespmem:$0x7980] =	vst v63  }
0xe0: {  	_ =	swait.ge [sflag:s24], $0x280  }
0xe1: {  	[sflag:s24] =	ssyncset.done $0x0  }
0xe2: {  	[sflag:s24] =	ssyncadd.s32 $0xFFFFFD80  }
0xe3: {  	s31 =	simm.s32 $0x10;
	s30 =	sand.u32 $0x3F0, s30;
	v0 =	vld [tilespmem:s1+$0x0]  }
.LBB2_32:
0xe4: {  	p0 =	sne.s32 s31, $0x270;
	v1 =	vld [tilespmem:s30+$0x2580];
	_ =	sdelay $0x3  }
.Ltmp15:
0xe5: {  	(pc) =	sbr.rel @p0 .LBB2_32-.Ltmp15, $3  }
0xe6: {  	v0 =	vadd.f32 v0, v1;
	_ =	sdelay $0x1  }
0xe7: {  	s1 =	sadd.s32 $0x10, s1;
	[tilespmem:s30+$0x2580] =	vst v0  }
0xe8: {  	s30 =	sand.u32 $0x3F0, s31;
	s31 =	sadd.s32 $0x10, s31;
	v0 =	vld [tilespmem:s1+$0x0]  }
0xe9: {  	v1 =	vld [tilespmem:s30+$0x2580];
	_ =	sdelay $0x4  }
0xea: {  	v0 =	vadd.f32 v0, v1;
	_ =	sdelay $0x1  }
0xeb: {  	[tilespmem:s30+$0x2580] =	vst v0;
	s30 =	simm.s32 $0x0  }
0xec: {  	v0 =	vld [tilespmem:s30+$0x5200];
	_ =	sdelay $0x7  }
0xed: {  	v0 =	vld.idx.msk [tilespmem:v0+s2+$0x0], $0xffff;
	_ =	sdelay $0x4  }
0xee: {  	v0 =	vadd.f32 $1.000000020e-16, v0;
	_ =	sdelay $0x1  }
0xef: {  	(erf) = vrcp.f32 v0;
	_ =	sdelay $0x2  }
0xf0: {  	s1 =	simm.s32 $0x10  }
0xf1: {  	s31 =	simm.s32 $0x80;
	v0 =	vld [tilespmem:s1+$0x5200]  }
.LBB2_34:
0xf2: {  	p0 =	sne.s32 s31, $0x9C00;
	v1 =	vld [tilespmem:s30+$0x2A80];
	_ =	sdelay $0x3  }
0xf3: {  	v2 =	vpop (erf)  }
0xf4: {  	v1 =	vmul.f32 v2, v1;
	_ =	sdelay $0x1  }
0xf5: {  	[tilespmem:s30+$0x2A80] =	vst v1;
	s30 =	smov.u32 s1  }
0xf6: {  	v0 =	vld.idx.msk [tilespmem:v0+s2+$0x0], $0xffff;
	_ =	sdelay $0x5  }
0xf7: {  	v0 =	vadd.f32 $1.000000020e-16, v0;
	_ =	sdelay $0x1  }
.Ltmp16:
0xf8: {  	(erf) = vrcp.f32 v0;
	(pc) =	sbr.rel @p0 .LBB2_34-.Ltmp16, $3  }
0xf9: {  	_ =	sdelay $0x1  }
0xfa: {  	s1 =	sshra.s32 s31, $0x2  }
0xfb: {  	s31 =	sadd.s32 $0x40, s31;
	v0 =	vld [tilespmem:s1+$0x5200]  }
0xfc: {  	v1 =	vld [tilespmem:s30+$0x2A80];
	_ =	sdelay $0x3  }
0xfd: {  	v2 =	vpop (erf)  }
0xfe: {  	v1 =	vmul.f32 v2, v1;
	_ =	sdelay $0x1  }
0xff: {  	[tilespmem:s30+$0x2A80] =	vst v1  }
0x100: {  	v0 =	vld.idx.msk [tilespmem:v0+s2+$0x0], $0xffff;
	_ =	sdelay $0x4  }
0x101: {  	v0 =	vadd.f32 $1.000000020e-16, v0;
	_ =	sdelay $0x1  }
0x102: {  	(erf) = vrcp.f32 v0;
	_ =	sdelay $0x4  }
0x103: {  	v62 =	vld [tilespmem:s1+$0x2A80];
	_ =	sdelay $0x3  }
0x104: {  	v63 =	vpop (erf)  }
0x105: {  	s29 =	sadd.s32 $0x1, s29;
	v0 =	vmul.f32 v63, v62  }
0x106: {  	p0 =	sne.s32 s29, s23  }
.Ltmp17:
0x107: {  	[tilespmem:s1+$0x2A80] =	vst v0;
	(pc) =	sbr.rel @p0 .LBB2_1-.Ltmp17, $4  }
0x108: {  	[hbm4b:s22+s2] =	stream.linear.scatter [tilespmem:s25], [sflag:$0x1], $0x2710, $0x38;
	[tilespmem:$0x7980] =	vst v63  }
0x109: {  	_ =	swait.ge [sflag:s24], $0x2710  }
0x10a: {  	[sflag:s24] =	ssyncset.done $0x0  }
0x10b: {  	[sflag:s24] =	ssyncadd.s32 $0xFFFFD8F0  }
0x10c: {  	_ =	sfence.sel $0x180000  }
0x10d: {  	[bflag:$0x0] =	sbarrier.arrive $0xFFFF  }
0x10e: {  	_ =	strace $0x9000004A  }
0x10f: {  	[bflag:$0x2] =	sbarrier.arrive $0xFFFF  }
0x110: {  	p0 =	sne.s32 s0, $0x0;
	s0 =	rddreg [dreg:$0x1]  }
0x111: {  	s0 =	sadd.s32 @!p0 $0x100000, s0  }
0x112: {  	[sflag:s0] =	ssyncadd.tile.s32 @!p0 $0x1;
	_ =	shalt  }
.Lfunc_end2:
_tile_overlayer_lowered:
.L_overlay_start_2:
0x113: {  	(tag) =	ssettag $0x2  }
0x114: {  	s0 =	rddreg [dreg:$0x0];
	s2 =	stileid.u32  }
0x115: {  	s1 =	rddreg [dreg:$0x1];
	p0 =	sne.s32 s2, $0x0  }
0x116: {  	s3 =	rddreg [dreg:$0x2];
	[bflag:$0x3] =	sbarrier.arrive $0xFFFF;
	s2 =	simm.s32 @!p0 $0x1C01  }
0x117: {  	[timem:s3], [sflag:s2] =	dma.local @!p0 [hbm:s0], s1  }
0x118: {  	s0 =	simm.s32 @!p0 $0x1  }
0x119: {  	_ =	swait.ge @!p0 [sflag:s0], s1  }
0x11a: {  	s1 =	ssub.s32 @!p0 $0x0, s1;
	[sflag:s0] =	ssyncset.done @!p0 $0x0  }
0x11b: {  	[sflag:s0] =	ssyncadd.s32 @!p0 s1  }
0x11c: {  	[bflag:$0x3] =	sbarrier.arrive $0xFFFF  }
0x11d: {  	_ =	shalt  }

// kernel: kernel.14.cloned.1.call-start
scs
__scs_entry_jumppad:
0x0: {  	(pc) =	sbr.rel $0x88, $3  }
0x1: {  	(tag) =	ssettag $0x0;
	lr =	simm.s32 $0x1  }
0x2: {  	[smem:$0x3F98] =	sst lr;
	_ =	strace $0xD0000000  }
0x3: {  	_ = 	snop  }
0x4: {  	_ = 	snop  }
0x5: {  	_ = 	snop  }
0x6: {  	_ = 	snop  }
0x7: {  	_ = 	snop  }
__scs_overlays_trampoline_lowered:
0x8: {  	[smem:$0x3FA7] =	sst s0  }
0x9: {  	[smem:$0x3FA8] =	sst s1  }
0xa: {  	[smem:$0x3FA9] =	sst s2  }
0xb: {  	[smem:$0x3FAA] =	sst s3  }
0xc: {  	[smem:$0x3FAB] =	sst s4  }
0xd: {  	[smem:$0x3FAC] =	sst s5  }
0xe: {  	[smem:$0x3FAD] =	sst s6  }
0xf: {  	[smem:$0x3FAE] =	sst s7  }
0x10: {  	[smem:$0x3FAF] =	sst s8  }
0x11: {  	[smem:$0x3FB0] =	sst s9;
	s0 =	simm.s32 @!p0 $0x0  }
0x12: {  	s1 =	sld [smem:$0x3F96];
	s0 =	simm.s32 @p0 $0x1  }
0x13: {  	[smem:$0x3FB1] =	sst s0;
	s0 =	simm.s32 @!p1 $0x0  }
0x14: {  	s2 =	sld [smem:$0x3F95];
	s0 =	simm.s32 @p1 $0x1  }
0x15: {  	[smem:$0x3FB2] =	sst s0;
	s0 =	simm.s32 @!p2 $0x0  }
0x16: {  	s3 =	sld [smem:$0x3FDB];
	s0 =	simm.s32 @p2 $0x1  }
0x17: {  	s4 =	simm.s32 $0x1BF5;
	[smem:$0x3FB4] =	sst s0  }
0x18: {  	s0 =	sld [smem:$0x3F97];
	_ =	swait.ge [sflag:s4], $0x0  }
0x19: {  	s7 =	sld [smem:$0x3F98]  }
0x1a: {  	s8 =	sadd.s32 $0xFFFFE003, lr  }
0x1b: {  	s9 =	sadd.s32 $0xFFFFFEF7, lr;
	s5 =	simm.s32 $0xFFFFFFFF;
	p2 =	slt.u32 s8, $0xFFFFF086  }
0x1c: {  	p1 =	slt.u32 s9, $0xF7A;
	s5 =	simm.s32 @!p2 $0x0  }
0x1d: {  	s5 =	simm.s32 @p1 $0x1;
	p0 =	seq.s32 s7, s2  }
0x1e: {  	s7 =	smul.u32 @!p0 $0xF7A, s2;
	p2 =	seq.s32 @!p0 s5, $0x0  }
0x1f: {  	s9 =	smul.u32 $0xF7A, s1;
	s8 =	simm.s32 @!p0 $0x1BF5;
	p2 =	por !p2, p0  }
0x20: {  	[sflag:s8] =	ssyncset.s32 @!p0 $0xFFFFF086;
	s6 =	sadd.s32 @!p0 s3, s7;
	s7 =	simm.s32 @!p0 $0x108  }
0x21: {  	s3 =	sadd.s32 s3, s9;
	s6 =	sadd.s32 @!p0 $0x88, s6;
	s7 =	simm.s32 @p2 $0x1082  }
0x22: {  	[simem:s7], [sflag:s8] =	dma.local @!p0 [hbm:s6], $0xF7A  }
0x23: {  	s9 =	sor.u32 $0xD0000000, s2;
	s6 =	simm.s32 $0x108;
	_ =	swait.ge @!p0 [sflag:s8], $0x0  }
0x24: {  	s3 =	sadd.s32 $0x88, s3;
	s6 =	simm.s32 @!p1 $0x1082;
	[sflag:s4] =	ssyncset.s32 $0xFFFFF086  }
0x25: {  	[simem:s6], [sflag:s4] =	dma.local [hbm:s3], $0xF7A  }
0x26: {  	[smem:$0x3F98] =	sst s1;
	(tag) =	ssettag s2;
	_ =	strace s9  }
0x27: {  	s1 =	sld [smem:$0x3FA8]  }
0x28: {  	s2 =	sld [smem:$0x3FA9]  }
0x29: {  	s4 =	sld [smem:$0x3FAB]  }
0x2a: {  	p0 =	seq.s32 s5, $0x0;
	s5 =	sld [smem:$0x3FAC]  }
0x2b: {  	s6 =	sld [smem:$0x3FAD]  }
0x2c: {  	s7 =	sld [smem:$0x3FAE]  }
0x2d: {  	s3 =	simm.s32 $0x108;
	s8 =	sld [smem:$0x3FAF]  }
0x2e: {  	s3 =	simm.s32 @!p0 $0x1082;
	s9 =	sld [smem:$0x3FB0]  }
0x2f: {  	lr =	sadd.s32 s0, s3;
	s0 =	sld [smem:$0x3FA7]  }
0x30: {  	s3 =	sld [smem:$0x3FAA]  }
0x31: {  	[smem:$0x3FB3] =	sst s10  }
0x32: {  	s10 =	sld [smem:$0x3FB1];
	_ =	sdelay $0x3  }
0x33: {  	p0 =	seq.s32 s10, $0x1;
	s10 =	sld [smem:$0x3FB3];
	_ =	sdelay $0x3  }
0x34: {  	[smem:$0x3FB3] =	sst s10  }
0x35: {  	s10 =	sld [smem:$0x3FB2];
	_ =	sdelay $0x3  }
0x36: {  	p1 =	seq.s32 s10, $0x1;
	s10 =	sld [smem:$0x3FB3];
	_ =	sdelay $0x3  }
0x37: {  	[smem:$0x3FB3] =	sst s10  }
0x38: {  	s10 =	sld [smem:$0x3FB4]  }
0x39: {  	_ = 	snop;
	(pc) =	sbr.ind lr, $3  }
0x3a: {  	_ = 	snop  }
0x3b: {  	_ = 	snop  }
0x3c: {  	p2 =	seq.s32 s10, $0x1;
	s10 =	sld [smem:$0x3FB3]  }
0x3d: {  	_ =	shalt  }
0x3e: {  	_ =	shalt  }
0x3f: {  	_ =	shalt  }
0x40: {  	_ =	shalt  }
0x41: {  	_ =	shalt  }
0x42: {  	_ =	shalt  }
0x43: {  	_ =	shalt  }
0x44: {  	_ =	shalt  }
0x45: {  	_ =	shalt  }
0x46: {  	_ =	shalt  }
0x47: {  	_ =	shalt  }
0x48: {  	_ =	shalt  }
0x49: {  	_ =	shalt  }
0x4a: {  	_ =	shalt  }
0x4b: {  	_ =	shalt  }
0x4c: {  	_ =	shalt  }
0x4d: {  	_ =	shalt  }
0x4e: {  	_ =	shalt  }
0x4f: {  	_ =	shalt  }
0x50: {  	_ =	shalt  }
0x51: {  	_ =	shalt  }
0x52: {  	_ =	shalt  }
0x53: {  	_ =	shalt  }
0x54: {  	_ =	shalt  }
0x55: {  	_ =	shalt  }
0x56: {  	_ =	shalt  }
0x57: {  	_ =	shalt  }
0x58: {  	_ =	shalt  }
0x59: {  	_ =	shalt  }
0x5a: {  	_ =	shalt  }
0x5b: {  	_ =	shalt  }
0x5c: {  	_ =	shalt  }
0x5d: {  	_ =	shalt  }
0x5e: {  	_ =	shalt  }
0x5f: {  	_ =	shalt  }
0x60: {  	_ =	shalt  }
0x61: {  	_ =	shalt  }
0x62: {  	_ =	shalt  }
0x63: {  	_ =	shalt  }
0x64: {  	_ =	shalt  }
0x65: {  	_ =	shalt  }
0x66: {  	_ =	shalt  }
0x67: {  	_ =	shalt  }
0x68: {  	_ =	shalt  }
0x69: {  	_ =	shalt  }
0x6a: {  	_ =	shalt  }
0x6b: {  	_ =	shalt  }
0x6c: {  	_ =	shalt  }
0x6d: {  	_ =	shalt  }
0x6e: {  	_ =	shalt  }
0x6f: {  	_ =	shalt  }
0x70: {  	_ =	shalt  }
0x71: {  	_ =	shalt  }
0x72: {  	_ =	shalt  }
0x73: {  	_ =	shalt  }
0x74: {  	_ =	shalt  }
0x75: {  	_ =	shalt  }
0x76: {  	_ =	shalt  }
0x77: {  	_ =	shalt  }
0x78: {  	_ =	shalt  }
0x79: {  	_ =	shalt  }
0x7a: {  	_ =	shalt  }
0x7b: {  	_ =	shalt  }
0x7c: {  	_ =	shalt  }
0x7d: {  	_ =	shalt  }
0x7e: {  	_ =	shalt  }
0x7f: {  	_ =	shalt  }
0x80: {  	_ =	shalt  }
0x81: {  	_ =	shalt  }
0x82: {  	_ =	shalt  }
0x83: {  	_ =	shalt  }
0x84: {  	_ =	shalt  }
0x85: {  	_ =	shalt  }
0x86: {  	_ =	shalt  }
0x87: {  	_ =	shalt  }
.Lfunc_end0:
.L_simem_size_0:
called_computation.2_lowered:
.L_overlay_start_0:
0x88: {  	s2 =	sld [smem:$0x3FD9]  }
0x89: {  	s3 =	sld [smem:$0x3FFE];
	_ =	sdelay $0x1  }
0x8a: {  	s1 =	srdreg.scid  }
0x8b: {  	s0 =	sand.u32 $0x1, s1  }
0x8c: {  	s17 =	sshll.u32 s0, $0xA;
	s2 =	sadd.s32 s3, s2  }
0x8d: {  	s2 =	sadd.s32 s2, s17  }
0x8e: {  	[smem:$0x3FBF] =	sst s2  }
0x8f: {  	_ = 	snop  }
0x90: {  	s2 =	sld [smem:$0x3FD0];
	(tm) =	ssettm $0x1  }
0x91: {  	s18 =	sld [smem:$0x3FFB];
	_ =	sdelay $0x3  }
0x92: {  	_ =	strace s18  }
0x93: {  	s3 =	sld [smem:$0x3FFC];
	_ =	sdelay $0x3  }
0x94: {  	_ =	strace s3  }
0x95: {  	s3 =	sld [smem:$0x3FFD];
	_ =	sdelay $0x3  }
0x96: {  	_ =	strace s3  }
0x97: {  	_ =	strace $0x8FFFFFFF  }
0x98: {  	s19 =	sld [smem:$0x3FDB];
	_ =	sdelay $0x1  }
0x99: {  	s4 =	simm.s32 $_scs_section_size  }
0x9a: {  	s5 =	simm.s32 $_size__tile_overlayer_lowered;
	s6 =	simm.s32 $_tile_overlayer_lowered  }
0x9b: {  	s22 =	simm.s32 $0x1BFF;
	s21 =	sshll.u32 s6, $0x1;
	s3 =	sadd.s32 s4, s19  }
0x9c: {  	s7 =	simm.s32 $0x0;
	s20 =	sshll.u32 s5, $0x1;
	s5 =	sadd.s32 s21, s3  }
0x9d: {  	[timem:s7], [sflag:s22] =	dma.local [hbm:s5], s20  }
0x9e: {  	_ =	swait.ge [sflag:s22], s20  }
0x9f: {  	s4 =	ssub.s32 $0x0, s20;
	[sflag:s22] =	ssyncset.done $0x0  }
0xa0: {  	[sflag:s22] =	ssyncadd.s32 s4;
	_ =	sdelay $0x1  }
0xa1: {  	s23 =	simm.s32 $0x1B8B  }
0xa2: {  	_ =	swait.ge [sflag:s23], $0x1  }
0xa3: {  	[sflag:s23] =	ssyncset.done $0x0  }
0xa4: {  	s25 =	simm.s32 $0x1B8E;
	s24 =	sld [smem:$0x3FFE];
	[sflag:s23] =	ssyncadd.s32 $0xFFFFFFFF  }
0xa5: {  	s26 =	simm.s32 $execute0_lowered;
	[smem:$0x3FD2] =	sst s25  }
0xa6: {  	s5 =	sshll.u32 s26, $0x1;
	_ =	strace $0x8000004C;
	[dreg:$0x1] =	wrdreg $0xFFFFFFFF  }
0xa7: {  	s28 =	simm.s32 $_size_execute0_lowered;
	s3 =	sadd.s32 s3, s5;
	[dreg:$0x0] =	wrdreg $0x0  }
0xa8: {  	s5 =	sshll.u32 s28, $0x1;
	[dreg:$0x2] =	wrdreg s3  }
0xa9: {  	[dreg:$0x3] =	wrdreg s5  }
0xaa: {  	[dreg:$0x4] =	wrdreg $0xC0  }
0xab: {  	_ =	task [dreg:s7], $0x5FFFF  }
0xac: {  	[dreg:$0x1] =	wrdreg $0xFFFFFFFF  }
0xad: {  	[dreg:$0x0] =	wrdreg $0x60  }
0xae: {  	[dreg:$0x2] =	wrdreg s24  }
0xaf: {  	[dreg:$0x3] =	wrdreg s2  }
0xb0: {  	[dreg:$0x4] =	wrdreg $0x9E800  }
0xb1: {  	[dreg:$0x5] =	wrdreg $0x9  }
0xb2: {  	_ =	task.clear_ibuf [dreg:s7], $0x6FFFF;
	_ =	strace $0x9000004C  }
0xb3: {  	s29 =	simm.s32 $0x9;
	_ =	strace $0x8000004E  }
0xb4: {  	_ =	swait.ge [sflag:s29], $0x1  }
0xb5: {  	[sflag:s29] =	ssyncadd.s32 $0xFFFFFFFF  }
0xb6: {  	_ =	strace $0x9000004E  }
0xb7: {  	_ =	sfence  }
0xb8: {  	s30 =	sld [smem:$0x0];
	_ =	sdelay $0x2  }
0xb9: {  	s31 =	sshll.u32 s1, $0xD;
	s1 =	sshrl.u32 s1, $0x2  }
0xba: {  	s3 =	sand.u32 $0x4000, s31;
	s1 =	sadd.s32 s1, s30  }
0xbb: {  	s0 =	sor.u32 s3, s0;
	s1 =	sshll.u32 s1, $0x11  }
0xbc: {  	s0 =	sor.u32 s1, s0  }
0xbd: {  	s0 =	sadd.s32 $0x8F2B, s0  }
0xbe: {  	[sflag:s0] =	ssyncadd.remote.s32 $0x1  }
0xbf: {  	_ =	sfence.sel $0xFFFF  }
0xc0: {  	[dreg:$0x0] =	wrdreg $0xFFFFFFFF;
	(pc) =	sbr.abs _section_cstart, $3  }
0xc1: {  	[dreg:$0x1] =	wrdreg $0xFFFFFFFF  }
0xc2: {  	_ =	task.clear_ibuf [dreg:s7], $0x2FFFF;
	_ =	strace $0x9FFFFFFF  }
0xc3: {  	(tm) =	ssettm $0x7FFFFFFF  }
tec
execute0_lowered:
.L_overlay_start_1:
0x0: {  	(tag) =	ssettag $0x1  }
0x1: {  	s0 =	srdreg.scid  }
0x2: {  	s8 =	stileid.u32;
	s1 =	rddreg [dreg:$0x0]  }
0x3: {  	s2 =	rddreg [dreg:$0x1];
	s7 =	smul.u32 $0x14000, s8  }
0x4: {  	s0 =	sand.u32 $0x1, s0;
	s3 =	sshll.u32 s8, $0x1;
	s8 =	smul.u32 $0x50000, s8  }
0x5: {  	s4 =	sor.u32 s0, s3;
	s3 =	rddreg [dreg:$0x2];
	s6 =	smul.u32 $0x140000, s0  }
0x6: {  	s0 =	ssub.s32 $0x2, s0;
	s5 =	smul.u32 $0x2710, s4;
	s4 =	simm.s32 $0x0  }
0x7: {  	s9 =	sshrl.u32 s0, $0x1;
	[smem:$0x7FF] =	sst s4;
	s6 =	sadd.s32 s7, s6  }
0x8: {  	s7 =	sshrl.u32 s8, $0x2;
	s0 =	ssub.s32 s0, s9;
	s5 =	sshrl.u32 s5, $0x3  }
0x9: {  	_ =	strace $0x8000004D;
	s0 =	smax.u32 s0, $0x1;
	s5 =	sadd.s32 s5, s1  }
0xa: {  	s6 =	sshrl.u32 s6, $0x3;
	[dreg:$0x17] =	wrdreg s0;
	s10 =	sadd.s32 $0x1C00, s5  }
0xb: {  	s1 =	sadd.s32 s6, s1;
	s11 =	sadd.s32 $0xBA00, s5;
	[dreg:$0x4] =	wrdreg s10  }
0xc: {  	s6 =	sadd.s32 s7, s3;
	s5 =	sadd.s32 $0x15640, s5;
	[dreg:$0x5] =	wrdreg s11  }
0xd: {  	s12 =	sadd.s32 $0x800, s6;
	[dreg:$0x6] =	wrdreg s5  }
0xe: {  	s13 =	sadd.s32 $0x1000, s6;
	[dreg:$0x7] =	wrdreg s12  }
0xf: {  	s14 =	sadd.s32 $0x1800, s6;
	[dreg:$0x8] =	wrdreg s13  }
0x10: {  	s15 =	sadd.s32 $0x2000, s6;
	[dreg:$0x9] =	wrdreg s14  }
0x11: {  	s16 =	sadd.s32 $0x2800, s6;
	[dreg:$0xa] =	wrdreg s15  }
0x12: {  	s17 =	sadd.s32 $0x3000, s6;
	[dreg:$0xb] =	wrdreg s16  }
0x13: {  	s18 =	sadd.s32 $0x3800, s6;
	[dreg:$0xc] =	wrdreg s17  }
0x14: {  	s19 =	sadd.s32 $0x4000, s6;
	[dreg:$0xd] =	wrdreg s18  }
0x15: {  	s20 =	sadd.s32 $0x4800, s6;
	[dreg:$0xe] =	wrdreg s19  }
0x16: {  	s21 =	sadd.s32 $0x5000, s6;
	[dreg:$0xf] =	wrdreg s20  }
0x17: {  	s22 =	sadd.s32 $0x5800, s6;
	[dreg:$0x10] =	wrdreg s21  }
0x18: {  	s23 =	sadd.s32 $0x6000, s6;
	[dreg:$0x11] =	wrdreg s22  }
0x19: {  	s24 =	sadd.s32 $0x6800, s6;
	[dreg:$0x12] =	wrdreg s23  }
0x1a: {  	s25 =	sadd.s32 $0x7000, s6;
	[dreg:$0x13] =	wrdreg s24  }
0x1b: {  	s26 =	sadd.s32 $0x7800, s6;
	[dreg:$0x14] =	wrdreg s25  }
0x1c: {  	s1 =	sadd.s32 $0x1F400, s1;
	[dreg:$0x15] =	wrdreg s26  }
0x1d: {  	s7 =	sadd.s32 $0x9000, s6;
	[dreg:$0x16] =	wrdreg s1  }
0x1e: {  	s8 =	sadd.s32 $0x9800, s6;
	[dreg:$0x1a] =	wrdreg s7  }
0x1f: {  	s9 =	sadd.s32 $0xA000, s6;
	[dreg:$0x1b] =	wrdreg s8  }
0x20: {  	s1 =	sadd.s32 $0x8000, s6;
	[dreg:$0x1c] =	wrdreg s9  }
0x21: {  	s5 =	sadd.s32 $0x8800, s6;
	[dreg:$0x18] =	wrdreg s1  }
0x22: {  	s10 =	sadd.s32 $0xA800, s6;
	[dreg:$0x19] =	wrdreg s5  }
0x23: {  	s11 =	sadd.s32 $0xB000, s6;
	[dreg:$0x1d] =	wrdreg s10  }
0x24: {  	s12 =	sadd.s32 $0xB800, s6;
	[dreg:$0x1e] =	wrdreg s11  }
0x25: {  	s13 =	sadd.s32 $0xC000, s6;
	[dreg:$0x1f] =	wrdreg s12  }
0x26: {  	s14 =	sadd.s32 $0xC800, s6;
	[smem:$0x7F0] =	sst s13  }
0x27: {  	s15 =	sadd.s32 $0xD000, s6;
	[smem:$0x7F1] =	sst s14  }
0x28: {  	s16 =	sadd.s32 $0xD800, s6;
	[smem:$0x7F2] =	sst s15  }
0x29: {  	s17 =	sadd.s32 $0xE000, s6;
	[smem:$0x7F3] =	sst s16  }
0x2a: {  	s18 =	sadd.s32 $0xE800, s6;
	[smem:$0x7F4] =	sst s17  }
0x2b: {  	s19 =	sadd.s32 $0xF000, s6;
	[smem:$0x7F5] =	sst s18  }
0x2c: {  	s28 =	simm.s32 $0x8E80;
	s20 =	sadd.s32 $0xF800, s6;
	[smem:$0x7F6] =	sst s19  }
0x2d: {  	s29 =	simm.s32 $0x9680;
	s21 =	sadd.s32 $0x10000, s6;
	[smem:$0x7F7] =	sst s20  }
0x2e: {  	s30 =	simm.s32 $0x1;
	s22 =	sadd.s32 $0x10800, s6;
	[smem:$0x7F8] =	sst s21  }
0x2f: {  	s31 =	simm.s32 $0x2;
	s23 =	sadd.s32 $0x11000, s6;
	[smem:$0x7F9] =	sst s22  }
0x30: {  	s0 =	simm.s32 $0x4;
	s24 =	sadd.s32 $0x11800, s6;
	[smem:$0x7FA] =	sst s23  }
.Ltmp0:
0x31: {  	s25 =	sadd.s32 $0x12000, s6;
	[smem:$0x7FB] =	sst s24;
	(pc) =	sbr.rel .LBB2_1-.Ltmp0, $4  }
0x32: {  	s26 =	sadd.s32 $0x12800, s6;
	s7 =	simm.s32 $0x0;
	[smem:$0x7FC] =	sst s25  }
0x33: {  	[smem:$0x7FD] =	sst s26;
	s21 =	sadd.s32 $0x13000, s6;
	s22 =	sadd.s32 $0x13800, s6  }
0x34: {  	s23 =	simm.s32 $0x6;
	s24 =	simm.s32 $0x7680;
	s25 =	simm.s32 $0x7E80  }
0x35: {  	v0 =	vimm.f32 $0.0e+00;
	vm0 =	vmmov $0xffff;
	s26 =	simm.s32 $0x8680;
	s1 =	simm.s32 $0x3;
	s5 =	simm.s32 $0x5  }
.LBB2_16:
0x36: {  	s8 =	stileid.u32  }
0x37: {  	[bflag:$0x0] =	sbarrier.arrive $0xFFFF;
	s8 =	sshll.u32 s8, $0x6  }
0x38: {  	s9 =	sshrl.u32 s6, $0x3;
	s10 =	rddreg [dreg:$0x16];
	s8 =	sor.u32 $0x1C06, s8  }
0x39: {  	[hbm:s10], [sflag:s8] =	dma.local [spmem:s9], $0x2800  }
0x3a: {  	_ =	swait.ge [sflag:s23], $0x2800  }
0x3b: {  	s7 =	sadd.s32 $0x1, s7;
	s20 =	rddreg [dreg:$0x17]  }
0x3c: {  	p0 =	sne.s32 s7, s20  }
.Ltmp1:
0x3d: {  	_ = 	snop;
	(pc) =	sbr.rel @!p0 .LBB2_17-.Ltmp1, $3  }
0x3e: {  	_ =	sdelay $0x1  }
0x3f: {  	[sflag:s23] =	ssyncset.done $0x0  }
0x40: {  	[sflag:s23] =	ssyncadd.s32 $0xFFFFD800  }
.LBB2_1:
0x41: {  	s8 =	rddreg [dreg:$0x4]  }
0x42: {  	[tilespmem:s4], [sflag:$0x6] =	stream.linear.gather [hbm4b:s8+s4], $0x2710, $0x38;
	[tilespmem:$0x1DE80] =	vst v63  }
0x43: {  	_ =	swait.ge [sflag:s23], $0x2710  }
0x44: {  	[sflag:s23] =	ssyncset.done $0x0  }
0x45: {  	s9 =	simm.s32 $0x2780;
	s16 =	rddreg [dreg:$0x5];
	[sflag:s23] =	ssyncadd.s32 $0xFFFFD8F0  }
0x46: {  	[tilespmem:s9], [sflag:$0x6] =	stream.linear.gather [hbm4b:s16+s4], $0x2710, $0x38;
	[tilespmem:$0x1DE80] =	vst v63  }
0x47: {  	_ =	swait.ge [sflag:s23], $0x2710  }
0x48: {  	[sflag:s23] =	ssyncset.done $0x0  }
0x49: {  	s18 =	simm.s32 $0x4F00;
	s17 =	rddreg [dreg:$0x6];
	[sflag:s23] =	ssyncadd.s32 $0xFFFFD8F0  }
0x4a: {  	[tilespmem:s18], [sflag:$0x6] =	stream.linear.gather [hbm4b:s17+s4], $0x2710, $0x38;
	[tilespmem:$0x1DE80] =	vst v63  }
0x4b: {  	s19 =	sand.u32 $0x1E00, s4;
	s20 =	sand.u32 $0x70, s4;
	_ =	swait.ge [sflag:s23], $0x2710  }
0x4c: {  	s10 =	sshrl.u32 s19, $0x2;
	s8 =	simm.s32 $0x40;
	[sflag:s23] =	ssyncset.done $0x0  }
0x4d: {  	s10 =	sor.u32 s20, s10;
	s9 =	simm.s32 $0x0;
	[sflag:s23] =	ssyncadd.s32 $0xFFFFD8F0  }
.LBB2_2:
0x4e: {  	p0 =	sne.s32 s8, $0x1FC0  }
0x4f: {  	[tilespmem:s10+$0x7680] =	vst v0;
	s9 =	sadd.s32 $0x10, s9;
	s10 =	smov.u32 s8;
	s8 =	sadd.s32 $0x40, s8  }
.Ltmp2:
0x50: {  	(pc) =	sbr.rel @p0 .LBB2_2-.Ltmp2, $4  }
0x51: {  	_ = 	snop  }
0x52: {  	s10 =	sand.u32 $0x1E00, s10  }
0x53: {  	s11 =	sand.u32 $0x70, s9;
	s10 =	sshrl.u32 s10, $0x2  }
0x54: {  	s10 =	sor.u32 s11, s10  }
0x55: {  	[tilespmem:s10+$0x7680] =	vst v0  }
0x56: {  	[spmem:s6] =	stream.linear.scatter [tilespmem:s24], [sflag:$0x6], $0x800, $0x38;
	[tilespmem:$0x1DE80] =	vst v63  }
0x57: {  	_ =	swait.ge [sflag:s23], $0x800  }
0x58: {  	[sflag:s23] =	ssyncset.done $0x0  }
0x59: {  	s8 =	rddreg [dreg:$0x7];
	[sflag:s23] =	ssyncadd.s32 $0xFFFFF800  }
0x5a: {  	[spmem:s8] =	stream.linear.scatter [tilespmem:s24], [sflag:$0x6], $0x800, $0x38;
	[tilespmem:$0x1DE80] =	vst v63  }
0x5b: {  	_ =	swait.ge [sflag:s23], $0x800  }
0x5c: {  	[sflag:s23] =	ssyncset.done $0x0  }
0x5d: {  	s9 =	rddreg [dreg:$0x8];
	[sflag:s23] =	ssyncadd.s32 $0xFFFFF800  }
0x5e: {  	[spmem:s9] =	stream.linear.scatter [tilespmem:s24], [sflag:$0x6], $0x800, $0x38;
	[tilespmem:$0x1DE80] =	vst v63  }
0x5f: {  	_ =	swait.ge [sflag:s23], $0x800  }
0x60: {  	[sflag:s23] =	ssyncset.done $0x0  }
0x61: {  	s10 =	rddreg [dreg:$0x9];
	[sflag:s23] =	ssyncadd.s32 $0xFFFFF800  }
0x62: {  	[spmem:s10] =	stream.linear.scatter [tilespmem:s24], [sflag:$0x6], $0x800, $0x38;
	[tilespmem:$0x1DE80] =	vst v63  }
0x63: {  	_ =	swait.ge [sflag:s23], $0x800  }
0x64: {  	[sflag:s23] =	ssyncset.done $0x0  }
0x65: {  	s11 =	rddreg [dreg:$0xa];
	[sflag:s23] =	ssyncadd.s32 $0xFFFFF800  }
0x66: {  	[spmem:s11] =	stream.linear.scatter [tilespmem:s24], [sflag:$0x6], $0x800, $0x38;
	[tilespmem:$0x1DE80] =	vst v63  }
0x67: {  	_ =	swait.ge [sflag:s23], $0x800  }
0x68: {  	[sflag:s23] =	ssyncset.done $0x0  }
0x69: {  	s12 =	rddreg [dreg:$0xb];
	[sflag:s23] =	ssyncadd.s32 $0xFFFFF800  }
0x6a: {  	[spmem:s12] =	stream.linear.scatter [tilespmem:s24], [sflag:$0x6], $0x800, $0x38;
	[tilespmem:$0x1DE80] =	vst v63  }
0x6b: {  	_ =	swait.ge [sflag:s23], $0x800  }
0x6c: {  	[sflag:s23] =	ssyncset.done $0x0  }
0x6d: {  	s13 =	rddreg [dreg:$0xc];
	[sflag:s23] =	ssyncadd.s32 $0xFFFFF800  }
0x6e: {  	[spmem:s13] =	stream.linear.scatter [tilespmem:s24], [sflag:$0x6], $0x800, $0x38;
	[tilespmem:$0x1DE80] =	vst v63  }
0x6f: {  	_ =	swait.ge [sflag:s23], $0x800  }
0x70: {  	[sflag:s23] =	ssyncset.done $0x0  }
0x71: {  	s14 =	rddreg [dreg:$0xd];
	[sflag:s23] =	ssyncadd.s32 $0xFFFFF800  }
0x72: {  	[spmem:s14] =	stream.linear.scatter [tilespmem:s24], [sflag:$0x6], $0x800, $0x38;
	[tilespmem:$0x1DE80] =	vst v63  }
0x73: {  	_ =	swait.ge [sflag:s23], $0x800  }
0x74: {  	[sflag:s23] =	ssyncset.done $0x0  }
0x75: {  	s15 =	rddreg [dreg:$0xe];
	[sflag:s23] =	ssyncadd.s32 $0xFFFFF800  }
0x76: {  	[spmem:s15] =	stream.linear.scatter [tilespmem:s24], [sflag:$0x6], $0x800, $0x38;
	[tilespmem:$0x1DE80] =	vst v63  }
0x77: {  	_ =	swait.ge [sflag:s23], $0x800  }
0x78: {  	[sflag:s23] =	ssyncset.done $0x0  }
0x79: {  	s16 =	rddreg [dreg:$0xf];
	[sflag:s23] =	ssyncadd.s32 $0xFFFFF800  }
0x7a: {  	[spmem:s16] =	stream.linear.scatter [tilespmem:s24], [sflag:$0x6], $0x800, $0x38;
	[tilespmem:$0x1DE80] =	vst v63  }
0x7b: {  	_ =	swait.ge [sflag:s23], $0x800  }
0x7c: {  	[sflag:s23] =	ssyncset.done $0x0  }
0x7d: {  	s17 =	rddreg [dreg:$0x10];
	[sflag:s23] =	ssyncadd.s32 $0xFFFFF800  }
0x7e: {  	[spmem:s17] =	stream.linear.scatter [tilespmem:s24], [sflag:$0x6], $0x800, $0x38;
	[tilespmem:$0x1DE80] =	vst v63  }
0x7f: {  	_ =	swait.ge [sflag:s23], $0x800  }
0x80: {  	[sflag:s23] =	ssyncset.done $0x0  }
0x81: {  	s18 =	rddreg [dreg:$0x11];
	[sflag:s23] =	ssyncadd.s32 $0xFFFFF800  }
0x82: {  	[spmem:s18] =	stream.linear.scatter [tilespmem:s24], [sflag:$0x6], $0x800, $0x38;
	[tilespmem:$0x1DE80] =	vst v63  }
0x83: {  	_ =	swait.ge [sflag:s23], $0x800  }
0x84: {  	[sflag:s23] =	ssyncset.done $0x0  }
0x85: {  	s19 =	rddreg [dreg:$0x12];
	[sflag:s23] =	ssyncadd.s32 $0xFFFFF800  }
0x86: {  	[spmem:s19] =	stream.linear.scatter [tilespmem:s24], [sflag:$0x6], $0x800, $0x38;
	[tilespmem:$0x1DE80] =	vst v63  }
0x87: {  	_ =	swait.ge [sflag:s23], $0x800  }
0x88: {  	[sflag:s23] =	ssyncset.done $0x0  }
0x89: {  	s20 =	rddreg [dreg:$0x13];
	[sflag:s23] =	ssyncadd.s32 $0xFFFFF800  }
0x8a: {  	[spmem:s20] =	stream.linear.scatter [tilespmem:s24], [sflag:$0x6], $0x800, $0x38;
	[tilespmem:$0x1DE80] =	vst v63  }
0x8b: {  	_ =	swait.ge [sflag:s23], $0x800  }
0x8c: {  	[sflag:s23] =	ssyncset.done $0x0  }
0x8d: {  	s9 =	rddreg [dreg:$0x14];
	[sflag:s23] =	ssyncadd.s32 $0xFFFFF800  }
0x8e: {  	[spmem:s9] =	stream.linear.scatter [tilespmem:s24], [sflag:$0x6], $0x800, $0x38;
	[tilespmem:$0x1DE80] =	vst v63  }
0x8f: {  	_ =	swait.ge [sflag:s23], $0x800  }
0x90: {  	[sflag:s23] =	ssyncset.done $0x0  }
0x91: {  	s10 =	rddreg [dreg:$0x15];
	[sflag:s23] =	ssyncadd.s32 $0xFFFFF800  }
0x92: {  	[spmem:s10] =	stream.linear.scatter [tilespmem:s24], [sflag:$0x6], $0x800, $0x38;
	[tilespmem:$0x1DE80] =	vst v63  }
0x93: {  	_ =	swait.ge [sflag:s23], $0x800  }
0x94: {  	[sflag:s23] =	ssyncset.done $0x0  }
0x95: {  	s11 =	rddreg [dreg:$0x18];
	[sflag:s23] =	ssyncadd.s32 $0xFFFFF800  }
0x96: {  	[spmem:s11] =	stream.linear.scatter [tilespmem:s24], [sflag:$0x6], $0x800, $0x38;
	[tilespmem:$0x1DE80] =	vst v63  }
0x97: {  	_ =	swait.ge [sflag:s23], $0x800  }
0x98: {  	[sflag:s23] =	ssyncset.done $0x0  }
0x99: {  	s12 =	rddreg [dreg:$0x19];
	[sflag:s23] =	ssyncadd.s32 $0xFFFFF800  }
0x9a: {  	[spmem:s12] =	stream.linear.scatter [tilespmem:s24], [sflag:$0x6], $0x800, $0x38;
	[tilespmem:$0x1DE80] =	vst v63  }
0x9b: {  	_ =	swait.ge [sflag:s23], $0x800  }
0x9c: {  	[sflag:s23] =	ssyncset.done $0x0  }
0x9d: {  	s13 =	rddreg [dreg:$0x1a];
	[sflag:s23] =	ssyncadd.s32 $0xFFFFF800  }
0x9e: {  	[spmem:s13] =	stream.linear.scatter [tilespmem:s24], [sflag:$0x6], $0x800, $0x38;
	[tilespmem:$0x1DE80] =	vst v63  }
0x9f: {  	_ =	swait.ge [sflag:s23], $0x800  }
0xa0: {  	[sflag:s23] =	ssyncset.done $0x0  }
0xa1: {  	s14 =	rddreg [dreg:$0x1b];
	[sflag:s23] =	ssyncadd.s32 $0xFFFFF800  }
0xa2: {  	[spmem:s14] =	stream.linear.scatter [tilespmem:s24], [sflag:$0x6], $0x800, $0x38;
	[tilespmem:$0x1DE80] =	vst v63  }
0xa3: {  	_ =	swait.ge [sflag:s23], $0x800  }
0xa4: {  	[sflag:s23] =	ssyncset.done $0x0  }
0xa5: {  	s15 =	rddreg [dreg:$0x1c];
	[sflag:s23] =	ssyncadd.s32 $0xFFFFF800  }
0xa6: {  	[spmem:s15] =	stream.linear.scatter [tilespmem:s24], [sflag:$0x6], $0x800, $0x38;
	[tilespmem:$0x1DE80] =	vst v63  }
0xa7: {  	_ =	swait.ge [sflag:s23], $0x800  }
0xa8: {  	[sflag:s23] =	ssyncset.done $0x0  }
0xa9: {  	s16 =	rddreg [dreg:$0x1d];
	[sflag:s23] =	ssyncadd.s32 $0xFFFFF800  }
0xaa: {  	[spmem:s16] =	stream.linear.scatter [tilespmem:s24], [sflag:$0x6], $0x800, $0x38;
	[tilespmem:$0x1DE80] =	vst v63  }
0xab: {  	_ =	swait.ge [sflag:s23], $0x800  }
0xac: {  	[sflag:s23] =	ssyncset.done $0x0  }
0xad: {  	s17 =	rddreg [dreg:$0x1e];
	[sflag:s23] =	ssyncadd.s32 $0xFFFFF800  }
0xae: {  	[spmem:s17] =	stream.linear.scatter [tilespmem:s24], [sflag:$0x6], $0x800, $0x38;
	[tilespmem:$0x1DE80] =	vst v63  }
0xaf: {  	_ =	swait.ge [sflag:s23], $0x800  }
0xb0: {  	[sflag:s23] =	ssyncset.done $0x0  }
0xb1: {  	s18 =	rddreg [dreg:$0x1f];
	[sflag:s23] =	ssyncadd.s32 $0xFFFFF800  }
0xb2: {  	[spmem:s18] =	stream.linear.scatter [tilespmem:s24], [sflag:$0x6], $0x800, $0x38;
	[tilespmem:$0x1DE80] =	vst v63  }
0xb3: {  	_ =	swait.ge [sflag:s23], $0x800  }
0xb4: {  	s19 =	sld [smem:$0x7F0]  }
0xb5: {  	[sflag:s23] =	ssyncset.done $0x0  }
0xb6: {  	[sflag:s23] =	ssyncadd.s32 $0xFFFFF800  }
0xb7: {  	[spmem:s19] =	stream.linear.scatter [tilespmem:s24], [sflag:$0x6], $0x800, $0x38;
	[tilespmem:$0x1DE80] =	vst v63  }
0xb8: {  	_ =	swait.ge [sflag:s23], $0x800  }
0xb9: {  	s20 =	sld [smem:$0x7F1]  }
0xba: {  	[sflag:s23] =	ssyncset.done $0x0  }
0xbb: {  	[sflag:s23] =	ssyncadd.s32 $0xFFFFF800  }
0xbc: {  	[spmem:s20] =	stream.linear.scatter [tilespmem:s24], [sflag:$0x6], $0x800, $0x38;
	[tilespmem:$0x1DE80] =	vst v63  }
0xbd: {  	_ =	swait.ge [sflag:s23], $0x800  }
0xbe: {  	s9 =	sld [smem:$0x7F2]  }
0xbf: {  	[sflag:s23] =	ssyncset.done $0x0  }
0xc0: {  	[sflag:s23] =	ssyncadd.s32 $0xFFFFF800  }
0xc1: {  	[spmem:s9] =	stream.linear.scatter [tilespmem:s24], [sflag:$0x6], $0x800, $0x38;
	[tilespmem:$0x1DE80] =	vst v63  }
0xc2: {  	_ =	swait.ge [sflag:s23], $0x800  }
0xc3: {  	s10 =	sld [smem:$0x7F3]  }
0xc4: {  	[sflag:s23] =	ssyncset.done $0x0  }
0xc5: {  	[sflag:s23] =	ssyncadd.s32 $0xFFFFF800  }
0xc6: {  	[spmem:s10] =	stream.linear.scatter [tilespmem:s24], [sflag:$0x6], $0x800, $0x38;
	[tilespmem:$0x1DE80] =	vst v63  }
0xc7: {  	_ =	swait.ge [sflag:s23], $0x800  }
0xc8: {  	s11 =	sld [smem:$0x7F4]  }
0xc9: {  	[sflag:s23] =	ssyncset.done $0x0  }
0xca: {  	[sflag:s23] =	ssyncadd.s32 $0xFFFFF800  }
0xcb: {  	[spmem:s11] =	stream.linear.scatter [tilespmem:s24], [sflag:$0x6], $0x800, $0x38;
	[tilespmem:$0x1DE80] =	vst v63  }
0xcc: {  	_ =	swait.ge [sflag:s23], $0x800  }
0xcd: {  	s12 =	sld [smem:$0x7F5]  }
0xce: {  	[sflag:s23] =	ssyncset.done $0x0  }
0xcf: {  	[sflag:s23] =	ssyncadd.s32 $0xFFFFF800  }
0xd0: {  	[spmem:s12] =	stream.linear.scatter [tilespmem:s24], [sflag:$0x6], $0x800, $0x38;
	[tilespmem:$0x1DE80] =	vst v63  }
0xd1: {  	_ =	swait.ge [sflag:s23], $0x800  }
0xd2: {  	s13 =	sld [smem:$0x7F6]  }
0xd3: {  	[sflag:s23] =	ssyncset.done $0x0  }
0xd4: {  	[sflag:s23] =	ssyncadd.s32 $0xFFFFF800  }
0xd5: {  	[spmem:s13] =	stream.linear.scatter [tilespmem:s24], [sflag:$0x6], $0x800, $0x38;
	[tilespmem:$0x1DE80] =	vst v63  }
0xd6: {  	_ =	swait.ge [sflag:s23], $0x800  }
0xd7: {  	s14 =	sld [smem:$0x7F7]  }
0xd8: {  	[sflag:s23] =	ssyncset.done $0x0  }
0xd9: {  	[sflag:s23] =	ssyncadd.s32 $0xFFFFF800  }
0xda: {  	[spmem:s14] =	stream.linear.scatter [tilespmem:s24], [sflag:$0x6], $0x800, $0x38;
	[tilespmem:$0x1DE80] =	vst v63  }
0xdb: {  	_ =	swait.ge [sflag:s23], $0x800  }
0xdc: {  	s15 =	sld [smem:$0x7F8]  }
0xdd: {  	[sflag:s23] =	ssyncset.done $0x0  }
0xde: {  	[sflag:s23] =	ssyncadd.s32 $0xFFFFF800  }
0xdf: {  	[spmem:s15] =	stream.linear.scatter [tilespmem:s24], [sflag:$0x6], $0x800, $0x38;
	[tilespmem:$0x1DE80] =	vst v63  }
0xe0: {  	_ =	swait.ge [sflag:s23], $0x800  }
0xe1: {  	s16 =	sld [smem:$0x7F9]  }
0xe2: {  	[sflag:s23] =	ssyncset.done $0x0  }
0xe3: {  	[sflag:s23] =	ssyncadd.s32 $0xFFFFF800  }
0xe4: {  	[spmem:s16] =	stream.linear.scatter [tilespmem:s24], [sflag:$0x6], $0x800, $0x38;
	[tilespmem:$0x1DE80] =	vst v63  }
0xe5: {  	_ =	swait.ge [sflag:s23], $0x800  }
0xe6: {  	s17 =	sld [smem:$0x7FA]  }
0xe7: {  	[sflag:s23] =	ssyncset.done $0x0  }
0xe8: {  	[sflag:s23] =	ssyncadd.s32 $0xFFFFF800  }
0xe9: {  	[spmem:s17] =	stream.linear.scatter [tilespmem:s24], [sflag:$0x6], $0x800, $0x38;
	[tilespmem:$0x1DE80] =	vst v63  }
0xea: {  	_ =	swait.ge [sflag:s23], $0x800  }
0xeb: {  	s18 =	sld [smem:$0x7FB]  }
0xec: {  	[sflag:s23] =	ssyncset.done $0x0  }
0xed: {  	[sflag:s23] =	ssyncadd.s32 $0xFFFFF800  }
0xee: {  	[spmem:s18] =	stream.linear.scatter [tilespmem:s24], [sflag:$0x6], $0x800, $0x38;
	[tilespmem:$0x1DE80] =	vst v63  }
0xef: {  	_ =	swait.ge [sflag:s23], $0x800  }
0xf0: {  	s19 =	sld [smem:$0x7FC]  }
0xf1: {  	[sflag:s23] =	ssyncset.done $0x0  }
0xf2: {  	[sflag:s23] =	ssyncadd.s32 $0xFFFFF800  }
0xf3: {  	[spmem:s19] =	stream.linear.scatter [tilespmem:s24], [sflag:$0x6], $0x800, $0x38;
	[tilespmem:$0x1DE80] =	vst v63  }
0xf4: {  	_ =	swait.ge [sflag:s23], $0x800  }
0xf5: {  	s20 =	sld [smem:$0x7FD]  }
0xf6: {  	[sflag:s23] =	ssyncset.done $0x0  }
0xf7: {  	[sflag:s23] =	ssyncadd.s32 $0xFFFFF800  }
0xf8: {  	[spmem:s20] =	stream.linear.scatter [tilespmem:s24], [sflag:$0x6], $0x800, $0x38;
	[tilespmem:$0x1DE80] =	vst v63  }
0xf9: {  	_ =	swait.ge [sflag:s23], $0x800  }
0xfa: {  	[sflag:s23] =	ssyncset.done $0x0  }
0xfb: {  	[sflag:s23] =	ssyncadd.s32 $0xFFFFF800  }
0xfc: {  	[spmem:s21] =	stream.linear.scatter [tilespmem:s24], [sflag:$0x6], $0x800, $0x38;
	[tilespmem:$0x1DE80] =	vst v63  }
0xfd: {  	_ =	swait.ge [sflag:s23], $0x800  }
0xfe: {  	[sflag:s23] =	ssyncset.done $0x0  }
0xff: {  	[sflag:s23] =	ssyncadd.s32 $0xFFFFF800  }
0x100: {  	[spmem:s22] =	stream.linear.scatter [tilespmem:s24], [sflag:$0x6], $0x800, $0x38;
	[tilespmem:$0x1DE80] =	vst v63  }
0x101: {  	_ =	swait.ge [sflag:s23], $0x800  }
0x102: {  	[sflag:s23] =	ssyncset.done $0x0  }
0x103: {  	[sflag:s23] =	ssyncadd.s32 $0xFFFFF800  }
0x104: {  	[bflag:$0x0] =	sbarrier.arrive $0xFFFF  }
0x105: {  	v1 =	vld [tilespmem:$0x2780];
	_ =	sdelay $0x6  }
0x106: {  	s8 =	simm.s32 $0x0  }
0x107: {  	[tilespmem:s24], [sflag:$0x1] =	stream.indirect_vreg.gather [hbm4b:s2+s8], $0x80, v1, vm0, $0xb8;
	[tilespmem:$0x1DE80] =	vst v63  }
0x108: {  	v1 =	vld [tilespmem:$0x2790];
	_ =	sdelay $0x7  }
0x109: {  	[tilespmem:s25], [sflag:$0x2] =	stream.indirect_vreg.gather [hbm4b:s2+s8], $0x80, v1, vm0, $0xb8;
	[tilespmem:$0x1DE80] =	vst v63  }
0x10a: {  	v1 =	vld [tilespmem:$0x27A0];
	_ =	sdelay $0x7  }
0x10b: {  	[tilespmem:s26], [sflag:$0x3] =	stream.indirect_vreg.gather [hbm4b:s2+s8], $0x80, v1, vm0, $0xb8;
	[tilespmem:$0x1DE80] =	vst v63  }
0x10c: {  	v1 =	vld [tilespmem:$0x27B0];
	_ =	sdelay $0x7  }
0x10d: {  	[tilespmem:s28], [sflag:$0x4] =	stream.indirect_vreg.gather [hbm4b:s2+s8], $0x80, v1, vm0, $0xb8;
	[tilespmem:$0x1DE80] =	vst v63  }
0x10e: {  	v1 =	vld [tilespmem:$0x27C0];
	_ =	sdelay $0x5  }
0x10f: {  	s9 =	simm.s32 $0x10;
	s10 =	simm.s32 $0x20  }
0x110: {  	s11 =	simm.s32 $0x30;
	s12 =	simm.s32 $0x40;
	s13 =	simm.s32 $0x0  }
0x111: {  	[tilespmem:s29], [sflag:$0x5] =	stream.indirect_vreg.gather [hbm4b:s2+s8], $0x80, v1, vm0, $0xb8;
	[tilespmem:$0x1DE80] =	vst v63  }
.LBB2_4:
0x112: {  	_ =	swait.ge [sflag:s30], $0x800;
	s14 =	sadd.s32 $0x0, s8  }
0x113: {  	[sflag:s30] =	ssyncset.done $0x0;
	v1 =	vmov s14  }
0x114: {  	s15 =	simm.s32 $0x76C0;
	[sflag:s30] =	ssyncadd.s32 $0xFFFFF800  }
0x115: {  	v5 =	vld [tilespmem:s15+$0x30]  }
0x116: {  	v8 =	vld [tilespmem:s15+$0x10]  }
0x117: {  	v6 =	vld [tilespmem:s15+$0xFFFFFFC0]  }
0x118: {  	v2 =	vld.idx.msk [tilespmem:v1+s4+$0x0], $0xffff  }
0x119: {  	v10 =	vld [tilespmem:s15+$0xFFFFFFE0]  }
0x11a: {  	v3 =	vld [tilespmem:s15+$0x20]  }
0x11b: {  	v4 =	vld [tilespmem:s15+$0xFFFFFFD0]  }
0x11c: {  	v1 =	vld [tilespmem:s15+$0xFFFFFFF0]  }
0x11d: {  	v9 =	vmul.f32 v5, v2;
	v5 =	vld [tilespmem:s15+$0x0]  }
0x11e: {  	v7 =	vmul.f32 v6, v2  }
0x11f: {  	s16 =	simm.s32 $0x1;
	s17 =	simm.s32 $0x76C0;
	s14 =	smul.u32 $0x50, s13;
	v6 =	vmul.f32 v10, v2;
	v8 =	vmul.f32 v8, v2  }
.LBB2_5:
0x120: {  	p0 =	sne.s32 s16, $0xF  }
0x121: {  	v4 =	vmul.f32 v4, v2;
	v3 =	vmul.f32 v3, v2;
	[tilespmem:s15+$0x30] =	vst v9;
	s17 =	sadd.s32 $0x80, s17;
	s18 =	smov.u32 s16;
	s16 =	sadd.s32 $0x1, s16  }
0x122: {  	[tilespmem:s15+$0xFFFFFFC0] =	vst v7;
	v7 =	vmul.f32 v1, v2;
	v2 =	vmul.f32 v5, v2  }
0x123: {  	s18 =	sadd.s32 s18, s8;
	[tilespmem:s15+$0x10] =	vst v8  }
0x124: {  	v5 =	vmov s18;
	[tilespmem:s15+$0xFFFFFFE0] =	vst v6  }
0x125: {  	v1 =	vld [tilespmem:s17+$0xFFFFFFF0];
	[tilespmem:s15+$0xFFFFFFF0] =	vst v7  }
0x126: {  	v6 =	vld [tilespmem:s17+$0x30];
	[tilespmem:s15+$0x0] =	vst v2  }
0x127: {  	v8 =	vld [tilespmem:s17+$0x10];
	[tilespmem:s15+$0x20] =	vst v3  }
0x128: {  	v7 =	vld [tilespmem:s17+$0xFFFFFFC0];
	[tilespmem:s15+$0xFFFFFFD0] =	vst v4;
	s15 =	smov.u32 s17  }
0x129: {  	v2 =	vld.idx.msk [tilespmem:v5+s4+$0x0], $0xffff  }
0x12a: {  	v10 =	vld [tilespmem:s17+$0xFFFFFFE0]  }
0x12b: {  	v3 =	vld [tilespmem:s17+$0x20]  }
.Ltmp3:
0x12c: {  	v4 =	vld [tilespmem:s17+$0xFFFFFFD0];
	(pc) =	sbr.rel @p0 .LBB2_5-.Ltmp3, $3  }
0x12d: {  	v5 =	vld [tilespmem:s17+$0x0];
	_ =	sdelay $0x1  }
0x12e: {  	v7 =	vmul.f32 v7, v2;
	v9 =	vmul.f32 v6, v2  }
0x12f: {  	v8 =	vmul.f32 v8, v2;
	v6 =	vmul.f32 v10, v2  }
0x130: {  	[tilespmem:s15+$0x30] =	vst v9  }
0x131: {  	[tilespmem:s15+$0xFFFFFFC0] =	vst v7  }
0x132: {  	v1 =	vmul.f32 v1, v2;
	[tilespmem:s15+$0x10] =	vst v8  }
0x133: {  	v3 =	vmul.f32 v3, v2;
	[tilespmem:s15+$0xFFFFFFE0] =	vst v6  }
0x134: {  	v5 =	vmul.f32 v5, v2;
	[tilespmem:s15+$0xFFFFFFF0] =	vst v1  }
0x135: {  	v1 =	vmul.f32 v4, v2;
	[tilespmem:s15+$0x20] =	vst v3  }
0x136: {  	[tilespmem:s15+$0x0] =	vst v5  }
0x137: {  	[tilespmem:s15+$0xFFFFFFD0] =	vst v1  }
0x138: {  	v1 =	vld [tilespmem:s14+$0x4F00];
	_ =	sdelay $0x6  }
0x139: {  	p0 =	seq.s32 s13, $0x7C  }
0x13a: {  	[spmem:s3] =	stream.indirect_vreg.scatter.add.f32 [tilespmem:s24], [sflag:$0x6], $0x80, v1, vm0, $0xb8;
	[tilespmem:$0x1DE80] =	vst v63  }
0x13b: {  	s15 =	smul.u32 @!p0 $0x140, s13;
	_ =	swait.ge [sflag:s23], $0x800  }
0x13c: {  	[sflag:s23] =	ssyncset.done $0x0  }
0x13d: {  	s15 =	sshra.s32 @!p0 s15, $0x2;
	[sflag:s23] =	ssyncadd.s32 $0xFFFFF800  }
0x13e: {  	v1 =	vld @!p0 [tilespmem:s15+$0x27D0];
	_ =	sdelay $0x6  }
0x13f: {  	vm1 =	vmmov @!p0 $0xffff;
	s16 =	simm.s32 @!p0 $0x0;
	s17 =	simm.s32 @!p0 $0x7680  }
0x140: {  	[tilespmem:s17], [sflag:$0x1] =	stream.indirect_vreg.gather @!p0 [hbm4b:s2+s16], $0x80, v1, vm1, $0xb8;
	[tilespmem:$0x1DE80] =	vst v63  }
0x141: {  	s20 =	sadd.s32 $0x0, s9;
	_ =	swait.ge [sflag:s31], $0x800  }
0x142: {  	v1 =	vmov s20;
	[sflag:s31] =	ssyncset.done $0x0  }
0x143: {  	s16 =	simm.s32 $0x7EC0;
	[sflag:s31] =	ssyncadd.s32 $0xFFFFF800  }
0x144: {  	v5 =	vld [tilespmem:s16+$0x30]  }
0x145: {  	v8 =	vld [tilespmem:s16+$0x10]  }
0x146: {  	v6 =	vld [tilespmem:s16+$0xFFFFFFC0]  }
0x147: {  	v2 =	vld.idx.msk [tilespmem:v1+s4+$0x0], $0xffff  }
0x148: {  	v10 =	vld [tilespmem:s16+$0xFFFFFFE0]  }
0x149: {  	v3 =	vld [tilespmem:s16+$0x20]  }
0x14a: {  	v4 =	vld [tilespmem:s16+$0xFFFFFFD0]  }
0x14b: {  	v1 =	vld [tilespmem:s16+$0xFFFFFFF0]  }
0x14c: {  	v9 =	vmul.f32 v5, v2;
	v5 =	vld [tilespmem:s16+$0x0]  }
0x14d: {  	v7 =	vmul.f32 v6, v2  }
0x14e: {  	s18 =	simm.s32 $0x1;
	s19 =	simm.s32 $0x7EC0;
	s17 =	sadd.s32 $0x10, s14;
	v6 =	vmul.f32 v10, v2;
	v8 =	vmul.f32 v8, v2  }
.LBB2_7:
0x14f: {  	p1 =	sne.s32 s18, $0xF  }
0x150: {  	v4 =	vmul.f32 v4, v2;
	v3 =	vmul.f32 v3, v2;
	[tilespmem:s16+$0x30] =	vst v9;
	s19 =	sadd.s32 $0x80, s19;
	s20 =	smov.u32 s18;
	s18 =	sadd.s32 $0x1, s18  }
0x151: {  	[tilespmem:s16+$0xFFFFFFC0] =	vst v7;
	v7 =	vmul.f32 v1, v2;
	v2 =	vmul.f32 v5, v2  }
0x152: {  	s20 =	sadd.s32 s20, s9;
	[tilespmem:s16+$0x10] =	vst v8  }
0x153: {  	v5 =	vmov s20;
	[tilespmem:s16+$0xFFFFFFE0] =	vst v6  }
0x154: {  	v1 =	vld [tilespmem:s19+$0xFFFFFFF0];
	[tilespmem:s16+$0xFFFFFFF0] =	vst v7  }
0x155: {  	v6 =	vld [tilespmem:s19+$0x30];
	[tilespmem:s16+$0x0] =	vst v2  }
0x156: {  	v8 =	vld [tilespmem:s19+$0x10];
	[tilespmem:s16+$0x20] =	vst v3  }
0x157: {  	v7 =	vld [tilespmem:s19+$0xFFFFFFC0];
	[tilespmem:s16+$0xFFFFFFD0] =	vst v4;
	s16 =	smov.u32 s19  }
0x158: {  	v2 =	vld.idx.msk [tilespmem:v5+s4+$0x0], $0xffff  }
0x159: {  	v10 =	vld [tilespmem:s19+$0xFFFFFFE0]  }
0x15a: {  	v3 =	vld [tilespmem:s19+$0x20]  }
.Ltmp4:
0x15b: {  	v4 =	vld [tilespmem:s19+$0xFFFFFFD0];
	(pc) =	sbr.rel @p1 .LBB2_7-.Ltmp4, $3  }
0x15c: {  	v5 =	vld [tilespmem:s19+$0x0];
	_ =	sdelay $0x1  }
0x15d: {  	v7 =	vmul.f32 v7, v2;
	v9 =	vmul.f32 v6, v2  }
0x15e: {  	v8 =	vmul.f32 v8, v2;
	v6 =	vmul.f32 v10, v2  }
0x15f: {  	[tilespmem:s16+$0x30] =	vst v9  }
0x160: {  	[tilespmem:s16+$0xFFFFFFC0] =	vst v7  }
0x161: {  	v1 =	vmul.f32 v1, v2;
	[tilespmem:s16+$0x10] =	vst v8  }
0x162: {  	v3 =	vmul.f32 v3, v2;
	[tilespmem:s16+$0xFFFFFFE0] =	vst v6  }
0x163: {  	v5 =	vmul.f32 v5, v2;
	[tilespmem:s16+$0xFFFFFFF0] =	vst v1  }
0x164: {  	v1 =	vmul.f32 v4, v2;
	[tilespmem:s16+$0x20] =	vst v3  }
0x165: {  	[tilespmem:s16+$0x0] =	vst v5  }
0x166: {  	[tilespmem:s16+$0xFFFFFFD0] =	vst v1  }
0x167: {  	v1 =	vld [tilespmem:s17+$0x4F00];
	_ =	sdelay $0x7  }
0x168: {  	[spmem:s3] =	stream.indirect_vreg.scatter.add.f32 [tilespmem:s25], [sflag:$0x6], $0x80, v1, vm0, $0xb8;
	[tilespmem:$0x1DE80] =	vst v63  }
0x169: {  	_ =	swait.ge [sflag:s23], $0x800  }
0x16a: {  	[sflag:s23] =	ssyncset.done $0x0  }
0x16b: {  	[sflag:s23] =	ssyncadd.s32 $0xFFFFF800  }
0x16c: {  	v1 =	vld @!p0 [tilespmem:s15+$0x27E0];
	_ =	sdelay $0x6  }
0x16d: {  	s16 =	simm.s32 @!p0 $0x0;
	s17 =	simm.s32 @!p0 $0x7E80  }
0x16e: {  	[tilespmem:s17], [sflag:$0x2] =	stream.indirect_vreg.gather @!p0 [hbm4b:s2+s16], $0x80, v1, vm1, $0xb8;
	[tilespmem:$0x1DE80] =	vst v63  }
0x16f: {  	s20 =	sadd.s32 $0x0, s10;
	_ =	swait.ge [sflag:s1], $0x800  }
0x170: {  	v1 =	vmov s20;
	[sflag:s1] =	ssyncset.done $0x0  }
0x171: {  	s16 =	simm.s32 $0x86C0;
	[sflag:s1] =	ssyncadd.s32 $0xFFFFF800  }
0x172: {  	v5 =	vld [tilespmem:s16+$0x30]  }
0x173: {  	v8 =	vld [tilespmem:s16+$0x10]  }
0x174: {  	v6 =	vld [tilespmem:s16+$0xFFFFFFC0]  }
0x175: {  	v2 =	vld.idx.msk [tilespmem:v1+s4+$0x0], $0xffff  }
0x176: {  	v10 =	vld [tilespmem:s16+$0xFFFFFFE0]  }
0x177: {  	v3 =	vld [tilespmem:s16+$0x20]  }
0x178: {  	v4 =	vld [tilespmem:s16+$0xFFFFFFD0]  }
0x179: {  	v1 =	vld [tilespmem:s16+$0xFFFFFFF0]  }
0x17a: {  	v9 =	vmul.f32 v5, v2;
	v5 =	vld [tilespmem:s16+$0x0]  }
0x17b: {  	v7 =	vmul.f32 v6, v2  }
0x17c: {  	s18 =	simm.s32 $0x1;
	s19 =	simm.s32 $0x86C0;
	s17 =	sadd.s32 $0x20, s14;
	v6 =	vmul.f32 v10, v2;
	v8 =	vmul.f32 v8, v2  }
.LBB2_9:
0x17d: {  	p1 =	sne.s32 s18, $0xF  }
0x17e: {  	v4 =	vmul.f32 v4, v2;
	v3 =	vmul.f32 v3, v2;
	[tilespmem:s16+$0x30] =	vst v9;
	s19 =	sadd.s32 $0x80, s19;
	s20 =	smov.u32 s18;
	s18 =	sadd.s32 $0x1, s18  }
0x17f: {  	[tilespmem:s16+$0xFFFFFFC0] =	vst v7;
	v7 =	vmul.f32 v1, v2;
	v2 =	vmul.f32 v5, v2  }
0x180: {  	s20 =	sadd.s32 s20, s10;
	[tilespmem:s16+$0x10] =	vst v8  }
0x181: {  	v5 =	vmov s20;
	[tilespmem:s16+$0xFFFFFFE0] =	vst v6  }
0x182: {  	v1 =	vld [tilespmem:s19+$0xFFFFFFF0];
	[tilespmem:s16+$0xFFFFFFF0] =	vst v7  }
0x183: {  	v6 =	vld [tilespmem:s19+$0x30];
	[tilespmem:s16+$0x0] =	vst v2  }
0x184: {  	v8 =	vld [tilespmem:s19+$0x10];
	[tilespmem:s16+$0x20] =	vst v3  }
0x185: {  	v7 =	vld [tilespmem:s19+$0xFFFFFFC0];
	[tilespmem:s16+$0xFFFFFFD0] =	vst v4;
	s16 =	smov.u32 s19  }
0x186: {  	v2 =	vld.idx.msk [tilespmem:v5+s4+$0x0], $0xffff  }
0x187: {  	v10 =	vld [tilespmem:s19+$0xFFFFFFE0]  }
0x188: {  	v3 =	vld [tilespmem:s19+$0x20]  }
.Ltmp5:
0x189: {  	v4 =	vld [tilespmem:s19+$0xFFFFFFD0];
	(pc) =	sbr.rel @p1 .LBB2_9-.Ltmp5, $3  }
0x18a: {  	v5 =	vld [tilespmem:s19+$0x0];
	_ =	sdelay $0x1  }
0x18b: {  	v7 =	vmul.f32 v7, v2;
	v9 =	vmul.f32 v6, v2  }
0x18c: {  	v8 =	vmul.f32 v8, v2;
	v6 =	vmul.f32 v10, v2  }
0x18d: {  	[tilespmem:s16+$0x30] =	vst v9  }
0x18e: {  	[tilespmem:s16+$0xFFFFFFC0] =	vst v7  }
0x18f: {  	v1 =	vmul.f32 v1, v2;
	[tilespmem:s16+$0x10] =	vst v8  }
0x190: {  	v3 =	vmul.f32 v3, v2;
	[tilespmem:s16+$0xFFFFFFE0] =	vst v6  }
0x191: {  	v5 =	vmul.f32 v5, v2;
	[tilespmem:s16+$0xFFFFFFF0] =	vst v1  }
0x192: {  	v1 =	vmul.f32 v4, v2;
	[tilespmem:s16+$0x20] =	vst v3  }
0x193: {  	[tilespmem:s16+$0x0] =	vst v5  }
0x194: {  	[tilespmem:s16+$0xFFFFFFD0] =	vst v1  }
0x195: {  	v1 =	vld [tilespmem:s17+$0x4F00];
	_ =	sdelay $0x7  }
0x196: {  	[spmem:s3] =	stream.indirect_vreg.scatter.add.f32 [tilespmem:s26], [sflag:$0x6], $0x80, v1, vm0, $0xb8;
	[tilespmem:$0x1DE80] =	vst v63  }
0x197: {  	_ =	swait.ge [sflag:s23], $0x800  }
0x198: {  	[sflag:s23] =	ssyncset.done $0x0  }
0x199: {  	[sflag:s23] =	ssyncadd.s32 $0xFFFFF800  }
0x19a: {  	v1 =	vld @!p0 [tilespmem:s15+$0x27F0];
	_ =	sdelay $0x6  }
0x19b: {  	s16 =	simm.s32 @!p0 $0x0;
	s17 =	simm.s32 @!p0 $0x8680  }
0x19c: {  	[tilespmem:s17], [sflag:$0x3] =	stream.indirect_vreg.gather @!p0 [hbm4b:s2+s16], $0x80, v1, vm1, $0xb8;
	[tilespmem:$0x1DE80] =	vst v63  }
0x19d: {  	s20 =	sadd.s32 $0x0, s11;
	_ =	swait.ge [sflag:s0], $0x800  }
0x19e: {  	v1 =	vmov s20;
	[sflag:s0] =	ssyncset.done $0x0  }
0x19f: {  	s16 =	simm.s32 $0x8EC0;
	[sflag:s0] =	ssyncadd.s32 $0xFFFFF800  }
0x1a0: {  	v5 =	vld [tilespmem:s16+$0x30]  }
0x1a1: {  	v8 =	vld [tilespmem:s16+$0x10]  }
0x1a2: {  	v6 =	vld [tilespmem:s16+$0xFFFFFFC0]  }
0x1a3: {  	v2 =	vld.idx.msk [tilespmem:v1+s4+$0x0], $0xffff  }
0x1a4: {  	v10 =	vld [tilespmem:s16+$0xFFFFFFE0]  }
0x1a5: {  	v3 =	vld [tilespmem:s16+$0x20]  }
0x1a6: {  	v4 =	vld [tilespmem:s16+$0xFFFFFFD0]  }
0x1a7: {  	v1 =	vld [tilespmem:s16+$0xFFFFFFF0]  }
0x1a8: {  	v9 =	vmul.f32 v5, v2;
	v5 =	vld [tilespmem:s16+$0x0]  }
0x1a9: {  	v7 =	vmul.f32 v6, v2  }
0x1aa: {  	s18 =	simm.s32 $0x1;
	s19 =	simm.s32 $0x8EC0;
	s17 =	sadd.s32 $0x30, s14;
	v6 =	vmul.f32 v10, v2;
	v8 =	vmul.f32 v8, v2  }
.LBB2_11:
0x1ab: {  	p1 =	sne.s32 s18, $0xF  }
0x1ac: {  	v4 =	vmul.f32 v4, v2;
	v3 =	vmul.f32 v3, v2;
	[tilespmem:s16+$0x30] =	vst v9;
	s19 =	sadd.s32 $0x80, s19;
	s20 =	smov.u32 s18;
	s18 =	sadd.s32 $0x1, s18  }
0x1ad: {  	[tilespmem:s16+$0xFFFFFFC0] =	vst v7;
	v7 =	vmul.f32 v1, v2;
	v2 =	vmul.f32 v5, v2  }
0x1ae: {  	s20 =	sadd.s32 s20, s11;
	[tilespmem:s16+$0x10] =	vst v8  }
0x1af: {  	v5 =	vmov s20;
	[tilespmem:s16+$0xFFFFFFE0] =	vst v6  }
0x1b0: {  	v1 =	vld [tilespmem:s19+$0xFFFFFFF0];
	[tilespmem:s16+$0xFFFFFFF0] =	vst v7  }
0x1b1: {  	v6 =	vld [tilespmem:s19+$0x30];
	[tilespmem:s16+$0x0] =	vst v2  }
0x1b2: {  	v8 =	vld [tilespmem:s19+$0x10];
	[tilespmem:s16+$0x20] =	vst v3  }
0x1b3: {  	v7 =	vld [tilespmem:s19+$0xFFFFFFC0];
	[tilespmem:s16+$0xFFFFFFD0] =	vst v4;
	s16 =	smov.u32 s19  }
0x1b4: {  	v2 =	vld.idx.msk [tilespmem:v5+s4+$0x0], $0xffff  }
0x1b5: {  	v10 =	vld [tilespmem:s19+$0xFFFFFFE0]  }
0x1b6: {  	v3 =	vld [tilespmem:s19+$0x20]  }
.Ltmp6:
0x1b7: {  	v4 =	vld [tilespmem:s19+$0xFFFFFFD0];
	(pc) =	sbr.rel @p1 .LBB2_11-.Ltmp6, $3  }
0x1b8: {  	v5 =	vld [tilespmem:s19+$0x0];
	_ =	sdelay $0x1  }
0x1b9: {  	v7 =	vmul.f32 v7, v2;
	v9 =	vmul.f32 v6, v2  }
0x1ba: {  	v8 =	vmul.f32 v8, v2;
	v6 =	vmul.f32 v10, v2  }
0x1bb: {  	[tilespmem:s16+$0x30] =	vst v9  }
0x1bc: {  	[tilespmem:s16+$0xFFFFFFC0] =	vst v7  }
0x1bd: {  	v1 =	vmul.f32 v1, v2;
	[tilespmem:s16+$0x10] =	vst v8  }
0x1be: {  	v3 =	vmul.f32 v3, v2;
	[tilespmem:s16+$0xFFFFFFE0] =	vst v6  }
0x1bf: {  	v5 =	vmul.f32 v5, v2;
	[tilespmem:s16+$0xFFFFFFF0] =	vst v1  }
0x1c0: {  	v1 =	vmul.f32 v4, v2;
	[tilespmem:s16+$0x20] =	vst v3  }
0x1c1: {  	[tilespmem:s16+$0x0] =	vst v5  }
0x1c2: {  	[tilespmem:s16+$0xFFFFFFD0] =	vst v1  }
0x1c3: {  	v1 =	vld [tilespmem:s17+$0x4F00];
	_ =	sdelay $0x7  }
0x1c4: {  	[spmem:s3] =	stream.indirect_vreg.scatter.add.f32 [tilespmem:s28], [sflag:$0x6], $0x80, v1, vm0, $0xb8;
	[tilespmem:$0x1DE80] =	vst v63  }
0x1c5: {  	_ =	swait.ge [sflag:s23], $0x800  }
0x1c6: {  	[sflag:s23] =	ssyncset.done $0x0  }
0x1c7: {  	[sflag:s23] =	ssyncadd.s32 $0xFFFFF800  }
0x1c8: {  	v1 =	vld @!p0 [tilespmem:s15+$0x2800];
	_ =	sdelay $0x6  }
0x1c9: {  	s16 =	simm.s32 @!p0 $0x8E80;
	s15 =	simm.s32 @!p0 $0x0  }
0x1ca: {  	[tilespmem:s16], [sflag:$0x4] =	stream.indirect_vreg.gather @!p0 [hbm4b:s2+s15], $0x80, v1, vm1, $0xb8;
	[tilespmem:$0x1DE80] =	vst v63  }
0x1cb: {  	s20 =	sadd.s32 $0x0, s12;
	_ =	swait.ge [sflag:s5], $0x800  }
0x1cc: {  	v1 =	vmov s20;
	[sflag:s5] =	ssyncset.done $0x0  }
0x1cd: {  	s15 =	simm.s32 $0x96C0;
	[sflag:s5] =	ssyncadd.s32 $0xFFFFF800  }
0x1ce: {  	v5 =	vld [tilespmem:s15+$0x30]  }
0x1cf: {  	v8 =	vld [tilespmem:s15+$0x10]  }
0x1d0: {  	v6 =	vld [tilespmem:s15+$0xFFFFFFC0]  }
0x1d1: {  	v2 =	vld.idx.msk [tilespmem:v1+s4+$0x0], $0xffff  }
0x1d2: {  	v10 =	vld [tilespmem:s15+$0xFFFFFFE0]  }
0x1d3: {  	v3 =	vld [tilespmem:s15+$0x20]  }
0x1d4: {  	v4 =	vld [tilespmem:s15+$0xFFFFFFD0]  }
0x1d5: {  	v1 =	vld [tilespmem:s15+$0xFFFFFFF0]  }
0x1d6: {  	v9 =	vmul.f32 v5, v2;
	v5 =	vld [tilespmem:s15+$0x0]  }
0x1d7: {  	v7 =	vmul.f32 v6, v2  }
0x1d8: {  	s14 =	sadd.s32 $0x40, s14;
	s17 =	simm.s32 $0x96C0;
	s16 =	simm.s32 $0x1;
	v6 =	vmul.f32 v10, v2;
	v8 =	vmul.f32 v8, v2  }
.LBB2_13:
0x1d9: {  	p1 =	sne.s32 s16, $0xF  }
0x1da: {  	v4 =	vmul.f32 v4, v2;
	v3 =	vmul.f32 v3, v2;
	[tilespmem:s15+$0x30] =	vst v9;
	s17 =	sadd.s32 $0x80, s17;
	s18 =	smov.u32 s16;
	s16 =	sadd.s32 $0x1, s16  }
0x1db: {  	[tilespmem:s15+$0xFFFFFFC0] =	vst v7;
	v7 =	vmul.f32 v1, v2;
	v2 =	vmul.f32 v5, v2  }
0x1dc: {  	s18 =	sadd.s32 s18, s12;
	[tilespmem:s15+$0x10] =	vst v8  }
0x1dd: {  	v5 =	vmov s18;
	[tilespmem:s15+$0xFFFFFFE0] =	vst v6  }
0x1de: {  	v1 =	vld [tilespmem:s17+$0xFFFFFFF0];
	[tilespmem:s15+$0xFFFFFFF0] =	vst v7  }
0x1df: {  	v6 =	vld [tilespmem:s17+$0x30];
	[tilespmem:s15+$0x0] =	vst v2  }
0x1e0: {  	v8 =	vld [tilespmem:s17+$0x10];
	[tilespmem:s15+$0x20] =	vst v3  }
0x1e1: {  	v7 =	vld [tilespmem:s17+$0xFFFFFFC0];
	[tilespmem:s15+$0xFFFFFFD0] =	vst v4;
	s15 =	smov.u32 s17  }
0x1e2: {  	v2 =	vld.idx.msk [tilespmem:v5+s4+$0x0], $0xffff  }
0x1e3: {  	v10 =	vld [tilespmem:s17+$0xFFFFFFE0]  }
0x1e4: {  	v3 =	vld [tilespmem:s17+$0x20]  }
.Ltmp7:
0x1e5: {  	v4 =	vld [tilespmem:s17+$0xFFFFFFD0];
	(pc) =	sbr.rel @p1 .LBB2_13-.Ltmp7, $3  }
0x1e6: {  	v5 =	vld [tilespmem:s17+$0x0];
	_ =	sdelay $0x1  }
0x1e7: {  	v7 =	vmul.f32 v7, v2;
	v9 =	vmul.f32 v6, v2  }
0x1e8: {  	v8 =	vmul.f32 v8, v2;
	v6 =	vmul.f32 v10, v2  }
0x1e9: {  	[tilespmem:s15+$0x30] =	vst v9  }
0x1ea: {  	[tilespmem:s15+$0xFFFFFFC0] =	vst v7  }
0x1eb: {  	v1 =	vmul.f32 v1, v2;
	[tilespmem:s15+$0x10] =	vst v8  }
0x1ec: {  	v3 =	vmul.f32 v3, v2;
	[tilespmem:s15+$0xFFFFFFE0] =	vst v6  }
0x1ed: {  	v5 =	vmul.f32 v5, v2;
	[tilespmem:s15+$0xFFFFFFF0] =	vst v1  }
0x1ee: {  	v1 =	vmul.f32 v4, v2;
	[tilespmem:s15+$0x20] =	vst v3  }
0x1ef: {  	[tilespmem:s15+$0x0] =	vst v5  }
0x1f0: {  	[tilespmem:s15+$0xFFFFFFD0] =	vst v1  }
0x1f1: {  	v1 =	vld [tilespmem:s14+$0x4F00];
	_ =	sdelay $0x6  }
.Ltmp8:
0x1f2: {  	_ = 	snop;
	(pc) =	sbr.rel @p0 .LBB2_16-.Ltmp8, $4  }
0x1f3: {  	[spmem:s3] =	stream.indirect_vreg.scatter.add.f32 [tilespmem:s29], [sflag:$0x6], $0x80, v1, vm0, $0xb8;
	[tilespmem:$0x1DE80] =	vst v63  }
0x1f4: {  	_ =	swait.ge [sflag:s23], $0x800  }
0x1f5: {  	[sflag:s23] =	ssyncset.done $0x0  }
0x1f6: {  	[sflag:s23] =	ssyncadd.s32 $0xFFFFF800  }
0x1f7: {  	s14 =	smul.u32 $0x140, s13;
	_ =	sdelay $0x1  }
0x1f8: {  	s14 =	sshra.s32 s14, $0x2  }
0x1f9: {  	v1 =	vld [tilespmem:s14+$0x2810];
	_ =	sdelay $0x3  }
.Ltmp9:
0x1fa: {  	_ = 	snop;
	(pc) =	sbr.rel .LBB2_4-.Ltmp9, $4  }
0x1fb: {  	_ = 	snop  }
0x1fc: {  	s13 =	sadd.s32 $0x1, s13;
	s8 =	sadd.s32 $0x50, s8;
	s9 =	sadd.s32 $0x50, s9  }
0x1fd: {  	s10 =	sadd.s32 $0x50, s10;
	s11 =	sadd.s32 $0x50, s11;
	s12 =	sadd.s32 $0x50, s12  }
0x1fe: {  	[tilespmem:s29], [sflag:$0x5] =	stream.indirect_vreg.gather [hbm4b:s2+s4], $0x80, v1, vm0, $0xb8;
	[tilespmem:$0x1DE80] =	vst v63  }
.LBB2_17:
0x1ff: {  	_ =	sfence.sel $0x180000  }
0x200: {  	[bflag:$0x0] =	sbarrier.arrive $0xFFFF  }
0x201: {  	_ =	strace $0x9000004D  }
0x202: {  	s0 =	stileid.u32;
	[bflag:$0x2] =	sbarrier.arrive $0xFFFF  }
0x203: {  	p0 =	sne.s32 s0, $0x0;
	s0 =	rddreg [dreg:$0x3]  }
0x204: {  	s0 =	sadd.s32 @!p0 $0x100000, s0  }
0x205: {  	[sflag:s0] =	ssyncadd.tile.s32 @!p0 $0x1;
	_ =	shalt  }
.Lfunc_end2:
_tile_overlayer_lowered:
.L_overlay_start_2:
0x206: {  	(tag) =	ssettag $0x2  }
0x207: {  	s0 =	rddreg [dreg:$0x0];
	s2 =	stileid.u32  }
0x208: {  	s1 =	rddreg [dreg:$0x1];
	p0 =	sne.s32 s2, $0x0  }
0x209: {  	s3 =	rddreg [dreg:$0x2];
	[bflag:$0x3] =	sbarrier.arrive $0xFFFF;
	s2 =	simm.s32 @!p0 $0x1C06  }
0x20a: {  	[timem:s3], [sflag:s2] =	dma.local @!p0 [hbm:s0], s1  }
0x20b: {  	s0 =	simm.s32 @!p0 $0x6  }
0x20c: {  	_ =	swait.ge @!p0 [sflag:s0], s1  }
0x20d: {  	s1 =	ssub.s32 @!p0 $0x0, s1;
	[sflag:s0] =	ssyncset.done @!p0 $0x0  }
0x20e: {  	[sflag:s0] =	ssyncadd.s32 @!p0 s1  }
0x20f: {  	[bflag:$0x3] =	sbarrier.arrive $0xFFFF  }
0x210: {  	_ =	shalt  }

// kernel: kernel.8.cloned.1.call-start
scs
__scs_entry_jumppad:
0x0: {  	(pc) =	sbr.rel $0x88, $3  }
0x1: {  	(tag) =	ssettag $0x0;
	lr =	simm.s32 $0x1  }
0x2: {  	[smem:$0x3F98] =	sst lr;
	_ =	strace $0xD0000000  }
0x3: {  	_ = 	snop  }
0x4: {  	_ = 	snop  }
0x5: {  	_ = 	snop  }
0x6: {  	_ = 	snop  }
0x7: {  	_ = 	snop  }
__scs_overlays_trampoline_lowered:
0x8: {  	[smem:$0x3FA7] =	sst s0  }
0x9: {  	[smem:$0x3FA8] =	sst s1  }
0xa: {  	[smem:$0x3FA9] =	sst s2  }
0xb: {  	[smem:$0x3FAA] =	sst s3  }
0xc: {  	[smem:$0x3FAB] =	sst s4  }
0xd: {  	[smem:$0x3FAC] =	sst s5  }
0xe: {  	[smem:$0x3FAD] =	sst s6  }
0xf: {  	[smem:$0x3FAE] =	sst s7  }
0x10: {  	[smem:$0x3FAF] =	sst s8  }
0x11: {  	[smem:$0x3FB0] =	sst s9;
	s0 =	simm.s32 @!p0 $0x0  }
0x12: {  	s1 =	sld [smem:$0x3F96];
	s0 =	simm.s32 @p0 $0x1  }
0x13: {  	[smem:$0x3FB1] =	sst s0;
	s0 =	simm.s32 @!p1 $0x0  }
0x14: {  	s2 =	sld [smem:$0x3F95];
	s0 =	simm.s32 @p1 $0x1  }
0x15: {  	[smem:$0x3FB2] =	sst s0;
	s0 =	simm.s32 @!p2 $0x0  }
0x16: {  	s3 =	sld [smem:$0x3FDB];
	s0 =	simm.s32 @p2 $0x1  }
0x17: {  	s4 =	simm.s32 $0x1BF5;
	[smem:$0x3FB4] =	sst s0  }
0x18: {  	s0 =	sld [smem:$0x3F97];
	_ =	swait.ge [sflag:s4], $0x0  }
0x19: {  	s7 =	sld [smem:$0x3F98]  }
0x1a: {  	s8 =	sadd.s32 $0xFFFFE003, lr  }
0x1b: {  	s9 =	sadd.s32 $0xFFFFFEF7, lr;
	s5 =	simm.s32 $0xFFFFFFFF;
	p2 =	slt.u32 s8, $0xFFFFF086  }
0x1c: {  	p1 =	slt.u32 s9, $0xF7A;
	s5 =	simm.s32 @!p2 $0x0  }
0x1d: {  	s5 =	simm.s32 @p1 $0x1;
	p0 =	seq.s32 s7, s2  }
0x1e: {  	s7 =	smul.u32 @!p0 $0xF7A, s2;
	p2 =	seq.s32 @!p0 s5, $0x0  }
0x1f: {  	s9 =	smul.u32 $0xF7A, s1;
	s8 =	simm.s32 @!p0 $0x1BF5;
	p2 =	por !p2, p0  }
0x20: {  	[sflag:s8] =	ssyncset.s32 @!p0 $0xFFFFF086;
	s6 =	sadd.s32 @!p0 s3, s7;
	s7 =	simm.s32 @!p0 $0x108  }
0x21: {  	s3 =	sadd.s32 s3, s9;
	s6 =	sadd.s32 @!p0 $0x88, s6;
	s7 =	simm.s32 @p2 $0x1082  }
0x22: {  	[simem:s7], [sflag:s8] =	dma.local @!p0 [hbm:s6], $0xF7A  }
0x23: {  	s9 =	sor.u32 $0xD0000000, s2;
	s6 =	simm.s32 $0x108;
	_ =	swait.ge @!p0 [sflag:s8], $0x0  }
0x24: {  	s3 =	sadd.s32 $0x88, s3;
	s6 =	simm.s32 @!p1 $0x1082;
	[sflag:s4] =	ssyncset.s32 $0xFFFFF086  }
0x25: {  	[simem:s6], [sflag:s4] =	dma.local [hbm:s3], $0xF7A  }
0x26: {  	[smem:$0x3F98] =	sst s1;
	(tag) =	ssettag s2;
	_ =	strace s9  }
0x27: {  	s1 =	sld [smem:$0x3FA8]  }
0x28: {  	s2 =	sld [smem:$0x3FA9]  }
0x29: {  	s4 =	sld [smem:$0x3FAB]  }
0x2a: {  	p0 =	seq.s32 s5, $0x0;
	s5 =	sld [smem:$0x3FAC]  }
0x2b: {  	s6 =	sld [smem:$0x3FAD]  }
0x2c: {  	s7 =	sld [smem:$0x3FAE]  }
0x2d: {  	s3 =	simm.s32 $0x108;
	s8 =	sld [smem:$0x3FAF]  }
0x2e: {  	s3 =	simm.s32 @!p0 $0x1082;
	s9 =	sld [smem:$0x3FB0]  }
0x2f: {  	lr =	sadd.s32 s0, s3;
	s0 =	sld [smem:$0x3FA7]  }
0x30: {  	s3 =	sld [smem:$0x3FAA]  }
0x31: {  	[smem:$0x3FB3] =	sst s10  }
0x32: {  	s10 =	sld [smem:$0x3FB1];
	_ =	sdelay $0x3  }
0x33: {  	p0 =	seq.s32 s10, $0x1;
	s10 =	sld [smem:$0x3FB3];
	_ =	sdelay $0x3  }
0x34: {  	[smem:$0x3FB3] =	sst s10  }
0x35: {  	s10 =	sld [smem:$0x3FB2];
	_ =	sdelay $0x3  }
0x36: {  	p1 =	seq.s32 s10, $0x1;
	s10 =	sld [smem:$0x3FB3];
	_ =	sdelay $0x3  }
0x37: {  	[smem:$0x3FB3] =	sst s10  }
0x38: {  	s10 =	sld [smem:$0x3FB4]  }
0x39: {  	_ = 	snop;
	(pc) =	sbr.ind lr, $3  }
0x3a: {  	_ = 	snop  }
0x3b: {  	_ = 	snop  }
0x3c: {  	p2 =	seq.s32 s10, $0x1;
	s10 =	sld [smem:$0x3FB3]  }
0x3d: {  	_ =	shalt  }
0x3e: {  	_ =	shalt  }
0x3f: {  	_ =	shalt  }
0x40: {  	_ =	shalt  }
0x41: {  	_ =	shalt  }
0x42: {  	_ =	shalt  }
0x43: {  	_ =	shalt  }
0x44: {  	_ =	shalt  }
0x45: {  	_ =	shalt  }
0x46: {  	_ =	shalt  }
0x47: {  	_ =	shalt  }
0x48: {  	_ =	shalt  }
0x49: {  	_ =	shalt  }
0x4a: {  	_ =	shalt  }
0x4b: {  	_ =	shalt  }
0x4c: {  	_ =	shalt  }
0x4d: {  	_ =	shalt  }
0x4e: {  	_ =	shalt  }
0x4f: {  	_ =	shalt  }
0x50: {  	_ =	shalt  }
0x51: {  	_ =	shalt  }
0x52: {  	_ =	shalt  }
0x53: {  	_ =	shalt  }
0x54: {  	_ =	shalt  }
0x55: {  	_ =	shalt  }
0x56: {  	_ =	shalt  }
0x57: {  	_ =	shalt  }
0x58: {  	_ =	shalt  }
0x59: {  	_ =	shalt  }
0x5a: {  	_ =	shalt  }
0x5b: {  	_ =	shalt  }
0x5c: {  	_ =	shalt  }
0x5d: {  	_ =	shalt  }
0x5e: {  	_ =	shalt  }
0x5f: {  	_ =	shalt  }
0x60: {  	_ =	shalt  }
0x61: {  	_ =	shalt  }
0x62: {  	_ =	shalt  }
0x63: {  	_ =	shalt  }
0x64: {  	_ =	shalt  }
0x65: {  	_ =	shalt  }
0x66: {  	_ =	shalt  }
0x67: {  	_ =	shalt  }
0x68: {  	_ =	shalt  }
0x69: {  	_ =	shalt  }
0x6a: {  	_ =	shalt  }
0x6b: {  	_ =	shalt  }
0x6c: {  	_ =	shalt  }
0x6d: {  	_ =	shalt  }
0x6e: {  	_ =	shalt  }
0x6f: {  	_ =	shalt  }
0x70: {  	_ =	shalt  }
0x71: {  	_ =	shalt  }
0x72: {  	_ =	shalt  }
0x73: {  	_ =	shalt  }
0x74: {  	_ =	shalt  }
0x75: {  	_ =	shalt  }
0x76: {  	_ =	shalt  }
0x77: {  	_ =	shalt  }
0x78: {  	_ =	shalt  }
0x79: {  	_ =	shalt  }
0x7a: {  	_ =	shalt  }
0x7b: {  	_ =	shalt  }
0x7c: {  	_ =	shalt  }
0x7d: {  	_ =	shalt  }
0x7e: {  	_ =	shalt  }
0x7f: {  	_ =	shalt  }
0x80: {  	_ =	shalt  }
0x81: {  	_ =	shalt  }
0x82: {  	_ =	shalt  }
0x83: {  	_ =	shalt  }
0x84: {  	_ =	shalt  }
0x85: {  	_ =	shalt  }
0x86: {  	_ =	shalt  }
0x87: {  	_ =	shalt  }
.Lfunc_end0:
.L_simem_size_0:
called_computation_lowered:
.L_overlay_start_0:
0x88: {  	s2 =	sld [smem:$0x3FD9]  }
0x89: {  	s3 =	sld [smem:$0x3FFE];
	_ =	sdelay $0x1  }
0x8a: {  	s1 =	srdreg.scid  }
0x8b: {  	s0 =	sand.u32 $0x1, s1  }
0x8c: {  	s16 =	sshll.u32 s0, $0xA;
	s2 =	sadd.s32 s3, s2  }
0x8d: {  	s2 =	sadd.s32 s2, s16  }
0x8e: {  	[smem:$0x3FBF] =	sst s2  }
0x8f: {  	_ = 	snop  }
0x90: {  	(tm) =	ssettm $0x1  }
0x91: {  	s17 =	sld [smem:$0x3FFB];
	_ =	sdelay $0x3  }
0x92: {  	_ =	strace s17  }
0x93: {  	s2 =	sld [smem:$0x3FFC];
	_ =	sdelay $0x3  }
0x94: {  	_ =	strace s2  }
0x95: {  	s2 =	sld [smem:$0x3FFD];
	_ =	sdelay $0x3  }
0x96: {  	_ =	strace s2  }
0x97: {  	_ =	strace $0x8FFFFFFF  }
0x98: {  	s18 =	sld [smem:$0x3FDB];
	_ =	sdelay $0x1  }
0x99: {  	s19 =	simm.s32 $_scs_section_size  }
0x9a: {  	s4 =	simm.s32 $_size__tile_overlayer_lowered;
	s5 =	simm.s32 $_tile_overlayer_lowered  }
0x9b: {  	s22 =	simm.s32 $0x1BFF;
	s21 =	sshll.u32 s5, $0x1;
	s2 =	sadd.s32 s19, s18  }
0x9c: {  	s6 =	simm.s32 $0x0;
	s20 =	sshll.u32 s4, $0x1;
	s4 =	sadd.s32 s21, s2  }
0x9d: {  	[timem:s6], [sflag:s22] =	dma.local [hbm:s4], s20  }
0x9e: {  	_ =	swait.ge [sflag:s22], s20  }
0x9f: {  	s3 =	ssub.s32 $0x0, s20;
	[sflag:s22] =	ssyncset.done $0x0  }
0xa0: {  	[sflag:s22] =	ssyncadd.s32 s3;
	_ =	sdelay $0x1  }
0xa1: {  	s23 =	simm.s32 $0x1B8B  }
0xa2: {  	_ =	swait.ge [sflag:s23], $0x1  }
0xa3: {  	[sflag:s23] =	ssyncset.done $0x0  }
0xa4: {  	s25 =	simm.s32 $0x1B8E;
	s24 =	sld [smem:$0x3FFE];
	[sflag:s23] =	ssyncadd.s32 $0xFFFFFFFF  }
0xa5: {  	s26 =	simm.s32 $execute0_lowered;
	[smem:$0x3FD2] =	sst s25  }
0xa6: {  	s4 =	sshll.u32 s26, $0x1;
	_ =	strace $0x80000046;
	[dreg:$0x1] =	wrdreg $0xFFFFFFFF  }
0xa7: {  	s28 =	simm.s32 $_size_execute0_lowered;
	s2 =	sadd.s32 s2, s4;
	[dreg:$0x0] =	wrdreg $0x0  }
0xa8: {  	s4 =	sshll.u32 s28, $0x1;
	[dreg:$0x2] =	wrdreg s2  }
0xa9: {  	[dreg:$0x3] =	wrdreg s4  }
0xaa: {  	[dreg:$0x4] =	wrdreg $0xC0  }
0xab: {  	_ =	task [dreg:s6], $0x5FFFF  }
0xac: {  	[dreg:$0x1] =	wrdreg $0xFFFFFFFF  }
0xad: {  	[dreg:$0x0] =	wrdreg $0x60  }
0xae: {  	[dreg:$0x2] =	wrdreg s24  }
0xaf: {  	[dreg:$0x3] =	wrdreg $0x13F800  }
0xb0: {  	[dreg:$0x4] =	wrdreg $0x9  }
0xb1: {  	_ =	task.clear_ibuf [dreg:s6], $0x5FFFF;
	_ =	strace $0x90000046  }
0xb2: {  	s29 =	simm.s32 $0x9;
	_ =	strace $0x80000048  }
0xb3: {  	_ =	swait.ge [sflag:s29], $0x1  }
0xb4: {  	[sflag:s29] =	ssyncadd.s32 $0xFFFFFFFF  }
0xb5: {  	_ =	strace $0x90000048  }
0xb6: {  	_ =	sfence  }
0xb7: {  	s30 =	sld [smem:$0x0];
	_ =	sdelay $0x2  }
0xb8: {  	s31 =	sshll.u32 s1, $0xD;
	s1 =	sshrl.u32 s1, $0x2  }
0xb9: {  	s3 =	sand.u32 $0x4000, s31;
	s1 =	sadd.s32 s1, s30  }
0xba: {  	s0 =	sor.u32 s3, s0;
	s1 =	sshll.u32 s1, $0x11  }
0xbb: {  	s0 =	sor.u32 s1, s0  }
0xbc: {  	s0 =	sadd.s32 $0x8F2B, s0  }
0xbd: {  	[sflag:s0] =	ssyncadd.remote.s32 $0x1  }
0xbe: {  	_ =	sfence.sel $0xFFFF  }
0xbf: {  	[dreg:$0x0] =	wrdreg $0xFFFFFFFF;
	(pc) =	sbr.abs _section_cstart, $3  }
0xc0: {  	[dreg:$0x1] =	wrdreg $0xFFFFFFFF  }
0xc1: {  	_ =	task.clear_ibuf [dreg:s6], $0x2FFFF;
	_ =	strace $0x9FFFFFFF  }
0xc2: {  	(tm) =	ssettm $0x7FFFFFFF  }
0xc3: {  	_ =	shalt  }
tec
execute0_lowered:
.L_overlay_start_1:
0x0: {  	(tag) =	ssettag $0x1  }
0x1: {  	s1 =	srdreg.scid;
	s6 =	rddreg [dreg:$0x0]  }
0x2: {  	s0 =	stileid.u32;
	s10 =	rddreg [dreg:$0x1];
	s2 =	simm.s32 $0x0  }
0x3: {  	s15 =	simm.s32 $0x4F00;
	s16 =	simm.s32 $0x9E00;
	s17 =	simm.s32 $0xC580  }
0x4: {  	s18 =	simm.s32 $0xED00;
	s19 =	simm.s32 $0x7680;
	s20 =	simm.s32 $0x80  }
0x5: {  	s21 =	simm.s32 $0x400;
	s22 =	simm.s32 $0x1400;
	s23 =	simm.s32 $0x14000  }
0x6: {  	s24 =	simm.s32 $0x11500;
	s5 =	sand.u32 $0x1, s1;
	s25 =	sshll.u32 s0, $0x1  }
0x7: {  	s8 =	smul.u32 $0x280, s0;
	[smem:$0x7FF] =	sst s2;
	s3 =	sadd.s32 $0x1F400, s6  }
0x8: {  	s4 =	sadd.s32 $0x1FA00, s6;
	s30 =	sshrl.u32 s0, $0x3;
	s14 =	smul.u32 $0x5000, s0  }
0x9: {  	s31 =	sshll.u32 s0, $0x7;
	s1 =	sor.u32 s5, s25;
	s9 =	smul.u32 $0x2800, s5  }
0xa: {  	_ =	strace $0x80000047;
	s5 =	ssub.s32 $0x2, s5;
	s13 =	smul.u32 $0x50000, s30  }
0xb: {  	s25 =	simm.s32 $0x13D00;
	s7 =	smul.u32 $0x2710, s1;
	s29 =	sshrl.u32 s5, $0x1  }
0xc: {  	s14 =	sshrl.u32 s14, $0x2;
	s8 =	sadd.s32 s8, s9;
	s12 =	ssub.s32 s5, s29  }
0xd: {  	s13 =	sshrl.u32 s13, $0x2;
	s9 =	sand.u32 $0x380, s31;
	s7 =	sshrl.u32 s7, $0x3  }
0xe: {  	s28 =	sshrl.u32 s8, $0x3;
	s13 =	sadd.s32 s13, s10;
	s10 =	sadd.s32 s14, s10  }
0xf: {  	s12 =	smax.u32 s12, $0x1;
	s14 =	simm.s32 $0x2780;
	s26 =	sadd.s32 s7, s6  }
0x10: {  	s11 =	sadd.s32 s28, s6;
	s9 =	sadd.s32 s9, s13;
	s13 =	simm.s32 $0x1  }
0x11: {  	s5 =	sadd.s32 $0xBA00, s26;
	s6 =	sadd.s32 $0x15640, s26;
	s7 =	sadd.s32 $0x1C00, s26  }
0x12: {  	v0 =	vimm.f32 $0.0e+00;
	s8 =	sadd.s32 $0x20000, s26;
	s11 =	sadd.s32 $0x29E00, s11;
	s26 =	simm.s32 $0x0  }
.LBB2_1:
0x13: {  	[tilespmem:s2], [sflag:$0x1] =	stream.linear.gather [hbm4b:s5+s2], $0x2710, $0x38;
	[tilespmem:$0x16780] =	vst v63  }
0x14: {  	_ =	swait.ge [sflag:s13], $0x2710  }
0x15: {  	[sflag:s13] =	ssyncset.done $0x0  }
0x16: {  	[sflag:s13] =	ssyncadd.s32 $0xFFFFD8F0  }
0x17: {  	[tilespmem:s14], [sflag:$0x1] =	stream.linear.gather [hbm4b:s6+s2], $0x2710, $0x38;
	[tilespmem:$0x16780] =	vst v63  }
0x18: {  	_ =	swait.ge [sflag:s13], $0x2710  }
0x19: {  	[sflag:s13] =	ssyncset.done $0x0  }
0x1a: {  	[sflag:s13] =	ssyncadd.s32 $0xFFFFD8F0  }
0x1b: {  	[tilespmem:s15], [sflag:$0x1] =	stream.linear.gather [hbm4b:s7+s2], $0x2710, $0x38;
	[tilespmem:$0x16780] =	vst v63  }
0x1c: {  	_ =	swait.ge [sflag:s13], $0x2710  }
0x1d: {  	[sflag:s13] =	ssyncset.done $0x0  }
0x1e: {  	[sflag:s13] =	ssyncadd.s32 $0xFFFFD8F0  }
0x1f: {  	[tilespmem:s16], [sflag:$0x1] =	stream.linear.gather [hbm4b:s3+s2], $0x2780, $0x38;
	[tilespmem:$0x16780] =	vst v63  }
0x20: {  	_ =	swait.ge [sflag:s13], $0x2780  }
0x21: {  	[sflag:s13] =	ssyncset.done $0x0  }
0x22: {  	[sflag:s13] =	ssyncadd.s32 $0xFFFFD880  }
0x23: {  	[tilespmem:s17], [sflag:$0x1] =	stream.linear.gather [hbm4b:s4+s2], $0x2780, $0x38;
	[tilespmem:$0x16780] =	vst v63  }
0x24: {  	_ =	swait.ge [sflag:s13], $0x2780  }
0x25: {  	[sflag:s13] =	ssyncset.done $0x0  }
0x26: {  	s28 =	simm.s32 $0x0;
	[sflag:s13] =	ssyncadd.s32 $0xFFFFD880  }
.LBB2_2:
0x27: {  	p0 =	sne.s32 s28, $0x9FC0  }
.Ltmp0:
0x28: {  	_ = 	snop;
	(pc) =	sbr.rel @p0 .LBB2_2-.Ltmp0, $3  }
0x29: {  	_ =	sdelay $0x1  }
0x2a: {  	s29 =	sshra.s32 s28, $0x2  }
0x2b: {  	s28 =	sadd.s32 $0x40, s28;
	[tilespmem:s29+$0xED00] =	vst v0  }
0x2c: {  	s28 =	simm.s32 $0x0  }
0x2d: {  	v1 =	vld [tilespmem:s28+$0x2780]  }
0x2e: {  	s29 =	simm.s32 $0x40;
	v2 =	vld [tilespmem:s28+$0x0]  }
.LBB2_4:
0x2f: {  	p0 =	sne.s32 s29, $0x9C00;
	_ =	sdelay $0x5  }
0x30: {  	v3 =	vld.idx.msk [tilespmem:v1+s17+$0x0], $0xffff  }
0x31: {  	v2 =	vld.idx.msk [tilespmem:v2+s16+$0x0], $0xffff;
	_ =	sdelay $0x2  }
0x32: {  	v4 =	vld [tilespmem:s28+$0x4F00];
	_ =	sdelay $0x2  }
0x33: {  	v2 =	vadd.f32 v3, v2;
	_ =	sdelay $0x1  }
0x34: {  	v2 =	vadd.f32 v4, v2;
	_ =	sdelay $0x1  }
0x35: {  	v3 =	vmul.f32 $2.000000030e-01, v2  }
0x36: {  	vm0 =	vge.f32 v2, $0.0e+00  }
0x37: {  	v2 =	vsel vm0, v2, v3  }
0x38: {  	v2 =	vmul.f32 $1.442695020e+00, v2;
	_ =	sdelay $0x1  }
0x39: {  	(erf) = vpow2.f32 v2;
	_ =	sdelay $0x8  }
.Ltmp1:
0x3a: {  	v2 =	vpop (erf);
	(pc) =	sbr.rel @p0 .LBB2_4-.Ltmp1, $4  }
0x3b: {  	[tilespmem:s28+$0x7680] =	vst v2  }
0x3c: {  	s28 =	sshra.s32 s29, $0x2;
	[tilespmem:v1+s18+$0x0] =	vst.idx.add.f32.msk $0xffff, v2  }
0x3d: {  	v1 =	vld [tilespmem:s28+$0x2780]  }
0x3e: {  	s29 =	sadd.s32 $0x40, s29;
	v2 =	vld [tilespmem:s28+$0x0]  }
0x3f: {  	_ =	sdelay $0x6  }
0x40: {  	v3 =	vld.idx.msk [tilespmem:v1+s17+$0x0], $0xffff  }
0x41: {  	v2 =	vld.idx.msk [tilespmem:v2+s16+$0x0], $0xffff;
	_ =	sdelay $0x1  }
0x42: {  	v4 =	vld [tilespmem:s28+$0x4F00];
	_ =	sdelay $0x2  }
0x43: {  	v2 =	vadd.f32 v3, v2;
	_ =	sdelay $0x1  }
0x44: {  	v2 =	vadd.f32 v4, v2;
	_ =	sdelay $0x1  }
0x45: {  	v3 =	vmul.f32 $2.000000030e-01, v2  }
0x46: {  	vm0 =	vge.f32 v2, $0.0e+00  }
0x47: {  	v2 =	vsel vm0, v2, v3  }
0x48: {  	v2 =	vmul.f32 $1.442695020e+00, v2;
	_ =	sdelay $0x1  }
0x49: {  	(erf) = vpow2.f32 v2;
	_ =	sdelay $0x8  }
0x4a: {  	v2 =	vpop (erf)  }
0x4b: {  	[tilespmem:s28+$0x7680] =	vst v2  }
0x4c: {  	s28 =	simm.s32 $0x0;
	[tilespmem:v1+s18+$0x0] =	vst.idx.add.f32.msk $0xffff, v2  }
0x4d: {  	[hbm4b:s8+s28] =	stream.linear.scatter [tilespmem:s19], [sflag:$0x1], $0x2710, $0x38;
	[tilespmem:$0x16780] =	vst v63  }
0x4e: {  	_ =	swait.ge [sflag:s13], $0x2710  }
0x4f: {  	[sflag:s13] =	ssyncset.done $0x0  }
0x50: {  	[sflag:s13] =	ssyncadd.s32 $0xFFFFD8F0  }
0x51: {  	[spmem:s9] =	stream.strided.scatter [tilespmem:s18], [sflag:$0x1], $0x2800, s21, s20, $0x38;
	[tilespmem:$0x16780] =	vst v63  }
0x52: {  	_ =	swait.ge [sflag:s13], $0x2800  }
0x53: {  	[sflag:s13] =	ssyncset.done $0x0  }
0x54: {  	[sflag:s13] =	ssyncadd.s32 $0xFFFFD800  }
0x55: {  	[bflag:$0x0] =	sbarrier.arrive $0xFFFF  }
0x56: {  	[tilespmem:s24], [sflag:$0x1] =	stream.strided.gather [spmem:s10], $0x2800, s23, s22, $0x38;
	[tilespmem:$0x16780] =	vst v63  }
0x57: {  	s29 =	sand.u32 $0x70, s28;
	s28 =	sand.u32 $0x1C00, s28;
	_ =	swait.ge [sflag:s13], $0x2800  }
0x58: {  	s28 =	sor.u32 s29, s28;
	[sflag:s13] =	ssyncset.done $0x0  }
0x59: {  	s29 =	sadd.s32 $0x11500, s28;
	[sflag:s13] =	ssyncadd.s32 $0xFFFFD800  }
0x5a: {  	v1 =	vld [tilespmem:s29+$0x80]  }
0x5b: {  	v2 =	vld [tilespmem:s28+$0x11500];
	_ =	sdelay $0x1  }
0x5c: {  	v3 =	vld [tilespmem:s29+$0x100];
	_ =	sdelay $0x1  }
0x5d: {  	v59 =	vld [tilespmem:s29+$0x180]  }
0x5e: {  	v1 =	vadd.f32 v1, v2  }
0x5f: {  	v2 =	vld [tilespmem:s29+$0x200]  }
0x60: {  	v1 =	vadd.f32 v3, v1  }
0x61: {  	v3 =	vld [tilespmem:s29+$0x280]  }
0x62: {  	v1 =	vadd.f32 v59, v1  }
0x63: {  	v60 =	vld [tilespmem:s29+$0x300]  }
0x64: {  	v1 =	vadd.f32 v2, v1  }
0x65: {  	v2 =	vld [tilespmem:s29+$0x380]  }
0x66: {  	v1 =	vadd.f32 v3, v1  }
0x67: {  	v3 =	vld [tilespmem:s28+$0x12900]  }
0x68: {  	v1 =	vadd.f32 v60, v1  }
0x69: {  	v61 =	vld [tilespmem:s28+$0x12980]  }
0x6a: {  	v1 =	vadd.f32 v2, v1  }
0x6b: {  	v2 =	vld [tilespmem:s28+$0x12A00]  }
0x6c: {  	v1 =	vadd.f32 v3, v1  }
0x6d: {  	v3 =	vld [tilespmem:s28+$0x12A80]  }
0x6e: {  	v1 =	vadd.f32 v61, v1  }
0x6f: {  	v62 =	vld [tilespmem:s28+$0x12B00]  }
0x70: {  	v1 =	vadd.f32 v2, v1  }
0x71: {  	v2 =	vld [tilespmem:s28+$0x12B80]  }
0x72: {  	v1 =	vadd.f32 v3, v1  }
0x73: {  	v3 =	vld [tilespmem:s28+$0x12C00]  }
0x74: {  	v1 =	vadd.f32 v62, v1  }
0x75: {  	v63 =	vld [tilespmem:s28+$0x12C80]  }
0x76: {  	v1 =	vadd.f32 v2, v1;
	_ =	sdelay $0x1  }
0x77: {  	v1 =	vadd.f32 v3, v1  }
0x78: {  	s30 =	simm.s32 $0x80;
	s28 =	simm.s32 $0x10  }
0x79: {  	s31 =	sand.u32 $0x1C00, s30;
	s29 =	sand.u32 $0x70, s28;
	v1 =	vadd.f32 v63, v1  }
0x7a: {  	s28 =	simm.s32 $0x13D00;
	s29 =	sor.u32 s29, s31;
	s31 =	simm.s32 $0x20  }
.LBB2_6:
0x7b: {  	p0 =	sne.s32 s31, $0x270;
	s1 =	sadd.s32 $0x11500, s29;
	[tilespmem:s28+$0x0] =	vst v1  }
0x7c: {  	v1 =	vld [tilespmem:s1+$0x80]  }
0x7d: {  	v2 =	vld [tilespmem:s29+$0x11500];
	_ =	sdelay $0x1  }
0x7e: {  	v3 =	vld [tilespmem:s1+$0x100];
	_ =	sdelay $0x1  }
0x7f: {  	v4 =	vld [tilespmem:s1+$0x180]  }
0x80: {  	v1 =	vadd.f32 v1, v2  }
0x81: {  	v2 =	vld [tilespmem:s1+$0x200]  }
0x82: {  	v1 =	vadd.f32 v3, v1  }
0x83: {  	v3 =	vld [tilespmem:s1+$0x280]  }
0x84: {  	v1 =	vadd.f32 v4, v1  }
0x85: {  	v4 =	vld [tilespmem:s1+$0x300]  }
0x86: {  	v1 =	vadd.f32 v2, v1  }
0x87: {  	v2 =	vld [tilespmem:s1+$0x380]  }
0x88: {  	v1 =	vadd.f32 v3, v1  }
0x89: {  	v3 =	vld [tilespmem:s29+$0x12900]  }
0x8a: {  	v1 =	vadd.f32 v4, v1  }
0x8b: {  	v4 =	vld [tilespmem:s29+$0x12980]  }
0x8c: {  	v1 =	vadd.f32 v2, v1  }
0x8d: {  	v2 =	vld [tilespmem:s29+$0x12A00]  }
0x8e: {  	v1 =	vadd.f32 v3, v1  }
0x8f: {  	v3 =	vld [tilespmem:s29+$0x12A80]  }
0x90: {  	v1 =	vadd.f32 v4, v1  }
0x91: {  	v4 =	vld [tilespmem:s29+$0x12B00]  }
0x92: {  	v1 =	vadd.f32 v2, v1  }
0x93: {  	v2 =	vld [tilespmem:s29+$0x12B80]  }
0x94: {  	v1 =	vadd.f32 v3, v1  }
0x95: {  	v3 =	vld [tilespmem:s29+$0x12C00]  }
0x96: {  	v1 =	vadd.f32 v4, v1  }
0x97: {  	v4 =	vld [tilespmem:s29+$0x12C80]  }
0x98: {  	v1 =	vadd.f32 v2, v1  }
.Ltmp2:
0x99: {  	(pc) =	sbr.rel @p0 .LBB2_6-.Ltmp2, $4  }
0x9a: {  	v1 =	vadd.f32 v3, v1  }
0x9b: {  	s30 =	sadd.s32 $0x80, s30  }
0x9c: {  	s1 =	sand.u32 $0x70, s31;
	s29 =	sand.u32 $0x1C00, s30;
	v1 =	vadd.f32 v4, v1  }
0x9d: {  	s28 =	sadd.s32 $0x10, s28;
	s31 =	sadd.s32 $0x10, s31;
	s29 =	sor.u32 s1, s29  }
0x9e: {  	s1 =	sadd.s32 $0x11500, s29;
	[tilespmem:s28+$0x0] =	vst v1  }
0x9f: {  	v1 =	vld [tilespmem:s1+$0x80]  }
0xa0: {  	v2 =	vld [tilespmem:s29+$0x11500];
	_ =	sdelay $0x1  }
0xa1: {  	v3 =	vld [tilespmem:s1+$0x100];
	_ =	sdelay $0x1  }
0xa2: {  	v4 =	vld [tilespmem:s1+$0x180]  }
0xa3: {  	v1 =	vadd.f32 v1, v2  }
0xa4: {  	v2 =	vld [tilespmem:s1+$0x200]  }
0xa5: {  	v1 =	vadd.f32 v3, v1  }
0xa6: {  	v3 =	vld [tilespmem:s1+$0x280]  }
0xa7: {  	v1 =	vadd.f32 v4, v1  }
0xa8: {  	v60 =	vld [tilespmem:s1+$0x300]  }
0xa9: {  	v1 =	vadd.f32 v2, v1  }
0xaa: {  	v2 =	vld [tilespmem:s1+$0x380]  }
0xab: {  	v1 =	vadd.f32 v3, v1  }
0xac: {  	v3 =	vld [tilespmem:s29+$0x12900]  }
0xad: {  	v1 =	vadd.f32 v60, v1  }
0xae: {  	v61 =	vld [tilespmem:s29+$0x12980]  }
0xaf: {  	v1 =	vadd.f32 v2, v1  }
0xb0: {  	v2 =	vld [tilespmem:s29+$0x12A00]  }
0xb1: {  	v1 =	vadd.f32 v3, v1  }
0xb2: {  	v3 =	vld [tilespmem:s29+$0x12A80]  }
0xb3: {  	v1 =	vadd.f32 v61, v1  }
0xb4: {  	v62 =	vld [tilespmem:s29+$0x12B00]  }
0xb5: {  	v1 =	vadd.f32 v2, v1  }
0xb6: {  	v2 =	vld [tilespmem:s29+$0x12B80]  }
0xb7: {  	v1 =	vadd.f32 v3, v1  }
0xb8: {  	v3 =	vld [tilespmem:s29+$0x12C00]  }
0xb9: {  	v1 =	vadd.f32 v62, v1  }
0xba: {  	v63 =	vld [tilespmem:s29+$0x12C80]  }
0xbb: {  	v1 =	vadd.f32 v2, v1;
	_ =	sdelay $0x1  }
0xbc: {  	v1 =	vadd.f32 v3, v1;
	_ =	sdelay $0x1  }
0xbd: {  	s26 =	sadd.s32 $0x1, s26;
	v1 =	vadd.f32 v63, v1  }
0xbe: {  	s31 =	sadd.s32 $0x10, s28;
	p0 =	sne.s32 s26, s12  }
.Ltmp3:
0xbf: {  	[tilespmem:s31+$0x0] =	vst v1;
	(pc) =	sbr.rel @p0 .LBB2_1-.Ltmp3, $4  }
0xc0: {  	[hbm4b:s11+s2] =	stream.linear.scatter [tilespmem:s25], [sflag:$0x1], $0x280, $0x38;
	[tilespmem:$0x16780] =	vst v63  }
0xc1: {  	_ =	swait.ge [sflag:s13], $0x280  }
0xc2: {  	[sflag:s13] =	ssyncset.done $0x0  }
0xc3: {  	[sflag:s13] =	ssyncadd.s32 $0xFFFFFD80  }
0xc4: {  	_ =	sfence.sel $0x180000  }
0xc5: {  	[bflag:$0x0] =	sbarrier.arrive $0xFFFF  }
0xc6: {  	_ =	strace $0x90000047  }
0xc7: {  	[bflag:$0x2] =	sbarrier.arrive $0xFFFF  }
0xc8: {  	p0 =	sne.s32 s0, $0x0;
	s0 =	rddreg [dreg:$0x2]  }
0xc9: {  	s0 =	sadd.s32 @!p0 $0x100000, s0  }
0xca: {  	[sflag:s0] =	ssyncadd.tile.s32 @!p0 $0x1;
	_ =	shalt  }
.Lfunc_end2:
_tile_overlayer_lowered:
.L_overlay_start_2:
0xcb: {  	(tag) =	ssettag $0x2  }
0xcc: {  	s0 =	rddreg [dreg:$0x0];
	s2 =	stileid.u32  }
0xcd: {  	s1 =	rddreg [dreg:$0x1];
	p0 =	sne.s32 s2, $0x0  }
0xce: {  	s3 =	rddreg [dreg:$0x2];
	[bflag:$0x3] =	sbarrier.arrive $0xFFFF;
	s2 =	simm.s32 @!p0 $0x1C01  }
0xcf: {  	[timem:s3], [sflag:s2] =	dma.local @!p0 [hbm:s0], s1  }
0xd0: {  	s0 =	simm.s32 @!p0 $0x1  }
0xd1: {  	_ =	swait.ge @!p0 [sflag:s0], s1  }
0xd2: {  	s1 =	ssub.s32 @!p0 $0x0, s1;
	[sflag:s0] =	ssyncset.done @!p0 $0x0  }
0xd3: {  	[sflag:s0] =	ssyncadd.s32 @!p0 s1  }
0xd4: {  	[bflag:$0x3] =	sbarrier.arrive $0xFFFF  }
0xd5: {  	_ =	shalt  }

</sc_bundles>
